<compile_context>
chip_gen: v7x
topology: tpu7x:2x2x1
jax: 0.10.2.dev20260603
libtpu: 0.0.44.dev20260713+nightly
codegen_flags: <defaults>
</compile_context>

<pallas_src>
import functools

import jax
import jax.numpy as jnp
from jax import lax
from jax.experimental import pallas as pl
from jax.experimental.pallas import tpu as pltpu
from jax.experimental.pallas import tpu_sc as plsc

NC = 2
NS = 16
K = 128
PH = 4
BN = 2000
FAST_SHARE = 0.28


def _mesh():
    return plsc.VectorSubcoreMesh(core_axis_name="c", subcore_axis_name="s")


def _make_deg_kernel(NP, NC0, NC1, CHM, RPT):
    @functools.partial(
        pl.kernel,
        out_type=jax.ShapeDtypeStruct((NC, NP), jnp.float32),
        mesh=_mesh(),
        scratch_types=[
            pltpu.VMEM((CHM, K), jnp.int32),
            pltpu.VMEM((K,), jnp.int32),
            pltpu.VMEM((K,), jnp.float32),
            pltpu.VMEM((RPT,), jnp.float32),
            pltpu.VMEM_SHARED((NP,), jnp.float32),
        ],
    )
    def deg_kernel(pidx_hbm, ones_hbm, out_hbm, pidx, didx, ones_v, vbuf,
                   acc_sh):
        c = lax.axis_index("c")
        s = lax.axis_index("s")
        w = s * NC + c
        row0 = s * RPT
        pltpu.sync_copy(pidx_hbm.at[w], pidx)
        pltpu.sync_copy(ones_hbm, ones_v)
        zsrc = jnp.zeros((16,), jnp.float32)

        def zfill(i, _):
            vbuf[pl.ds(i * 16, 16)] = zsrc
            return 0

        lax.fori_loop(0, RPT // 16, zfill, 0)
        pltpu.sync_copy(vbuf, acc_sh.at[pl.ds(row0, RPT)])
        plsc.subcore_barrier()

        def body(j, _):
            for i in range(K // 16):
                p = pidx[j, pl.ds(i * 16, 16)]
                didx[pl.ds(i * 16, 16)] = lax.shift_right_logical(p, 14)
            pltpu.sync_copy(ones_v, acc_sh.at[didx], add=True)
            return 0

        ch_dyn = jnp.where(c == 0, NC0, NC1)
        lax.fori_loop(0, ch_dyn, body, 0)
        plsc.subcore_barrier()
        pltpu.sync_copy(acc_sh.at[pl.ds(row0, RPT)], vbuf)
        pltpu.sync_copy(vbuf, out_hbm.at[c, pl.ds(row0, RPT)])

    return deg_kernel


def _make_scatter_kernel(D, NP, NC0, NC1, CHM, RPT, untiled=False):
    @functools.partial(
        pl.kernel,
        out_type=jax.ShapeDtypeStruct((NC, NP, D), jnp.float32),
        mesh=_mesh(),
        compiler_params=pltpu.CompilerParams(use_tc_tiling_on_sc=False)
        if untiled else None,
        scratch_types=[
            pltpu.VMEM((CHM, K), jnp.int32),
            pltpu.VMEM((K,), jnp.int32),
            pltpu.VMEM((K,), jnp.int32),
            pltpu.VMEM((K,), jnp.int32),
            pltpu.VMEM((K,), jnp.int32),
            pltpu.VMEM((K, D), jnp.float32),
            pltpu.VMEM((K, D), jnp.float32),
            pltpu.VMEM_SHARED((NP, D), jnp.float32),
            pltpu.SemaphoreType.DMA,
            pltpu.SemaphoreType.DMA,
        ],
    )
    def scatter_kernel(g_hbm, pidx_hbm, zero_hbm, out_hbm,
                       pidx, sidx0, sidx1, didx0, didx1,
                       rows0, rows1, acc_sh, sem0, sem1):
        c = lax.axis_index("c")
        s = lax.axis_index("s")
        w = s * NC + c
        row0 = s * RPT

        sbufs = (sidx0, sidx1)
        dbufs = (didx0, didx1)
        bufs = (rows0, rows1)
        sems = (sem0, sem1)

        pltpu.sync_copy(pidx_hbm.at[w], pidx)
        pltpu.sync_copy(zero_hbm, rows0)
        for t in range(RPT // K):
            pltpu.sync_copy(rows0, acc_sh.at[pl.ds(row0 + t * K, K), :])
        plsc.subcore_barrier()

        def unpack_src(j, b):
            for i in range(K // 16):
                q = pidx[j, pl.ds(i * 16, 16)]
                sbufs[b][pl.ds(i * 16, 16)] = lax.bitwise_and(q, 16383)

        def unpack_dst(j, b):
            for i in range(K // 16):
                q = pidx[j, pl.ds(i * 16, 16)]
                dbufs[b][pl.ds(i * 16, 16)] = lax.shift_right_logical(q, 14)

        def fire(j, b):
            pltpu.async_copy(g_hbm.at[sbufs[b]], bufs[b], sems[b])

        def drain(b):
            pltpu.make_async_copy(zero_hbm, bufs[b], sems[b]).wait()

        def scat(b):
            pltpu.sync_copy(bufs[b], acc_sh.at[dbufs[b]], add=True)

        ch_dyn = jnp.where(c == 0, NC0, NC1)
        unpack_src(0, 0)
        fire(0, 0)
        unpack_src(1, 1)
        fire(1, 1)
        unpack_dst(0, 0)
        unpack_dst(1, 1)

        def body(jj, _):
            j = 2 * jj
            drain(0)

            @pl.when(j + 2 < ch_dyn)
            def _():
                unpack_src(j + 2, 0)
                fire(j + 2, 0)

            scat(0)

            @pl.when(j + 2 < ch_dyn)
            def _():
                unpack_dst(j + 2, 0)

            drain(1)

            @pl.when(j + 3 < ch_dyn)
            def _():
                unpack_src(j + 3, 1)
                fire(j + 3, 1)

            scat(1)

            @pl.when(j + 3 < ch_dyn)
            def _():
                unpack_dst(j + 3, 1)

            return 0

        lax.fori_loop(0, ch_dyn // 2, body, 0)
        plsc.subcore_barrier()
        for t in range(RPT // K):
            pltpu.sync_copy(acc_sh.at[pl.ds(row0 + t * K, K), :], rows0)
            pltpu.sync_copy(rows0, out_hbm.at[c, pl.ds(row0 + t * K, K), :])

    return scatter_kernel


def _stage1_body(deg_ref, x_ref, w1_ref, g1_ref, dis_ref):
    dis = lax.rsqrt(deg_ref[:, 0:1] + deg_ref[:, 1:2] + 1.0)
    h = jnp.dot(x_ref[...], w1_ref[...], preferred_element_type=jnp.float32)
    g1_ref[...] = dis * h
    dis_ref[...] = dis


def _stage2_body(part_ref, g1_ref, dis_ref, b1_ref, w2_ref, g2_ref):
    dis = dis_ref[...]
    p = part_ref[0] + part_ref[1] + g1_ref[...]
    h = jnp.maximum(dis * p + b1_ref[...], 0.0)
    g2_ref[...] = dis * jnp.dot(h, w2_ref[...],
                                preferred_element_type=jnp.float32)


def _stage3_body(D_out, part_ref, g2_ref, dis_ref, b2_ref, out_ref):
    p = part_ref[0] + part_ref[1] + g2_ref[...]
    t = dis_ref[...] * p + b2_ref[...]
    m = jnp.max(t, axis=1, keepdims=True)
    e = t - m
    out_ref[...] = e - jnp.log(jnp.sum(jnp.exp(e), axis=1, keepdims=True))


def kernel(x, edge_index, W1, b1, W2, b2):
    N, D_in = x.shape
    E = edge_index.shape[1]
    D_hid = W1.shape[1]
    D_out = W2.shape[1]

    NW = NC * NS
    CHT = -(-E // (NS * K * 2)) * 2
    EP = NS * CHT * K
    NC0 = max(2, int(round(CHT * FAST_SHARE / 2)) * 2)
    NC1 = CHT - NC0
    CHM = max(NC0, NC1)
    RPT = -(-(N + 1) // (NS * 128)) * 128
    NP = NS * RPT

    src = edge_index[0].astype(jnp.int32)
    dst = edge_index[1].astype(jnp.int32)
    pad = EP - E
    src_p = jnp.concatenate([src, jnp.zeros((pad,), jnp.int32)])
    dst_p = jnp.concatenate([dst, jnp.full((pad,), N, jnp.int32)])
    pidx_flat = dst_p * 16384 + src_p
    dummy = jnp.int32(N * 16384)
    n0 = NS * NC0 * K
    p0 = pidx_flat[:n0].reshape(NS, NC0, K)
    p1 = pidx_flat[n0:].reshape(NS, NC1, K)
    p0 = jnp.concatenate(
        [p0, jnp.full((NS, CHM - NC0, K), dummy, jnp.int32)], axis=1)
    p1 = jnp.concatenate(
        [p1, jnp.full((NS, CHM - NC1, K), dummy, jnp.int32)], axis=1)
    pidx3 = jnp.stack([p0, p1], axis=1).reshape(NW, CHM, K)

    ones_k = jnp.ones((K,), jnp.float32)
    zeros_hid = jnp.zeros((K, D_hid), jnp.float32)
    zeros_out = jnp.zeros((K, D_out), jnp.float32)
    D2 = D_out

    deg_part = _make_deg_kernel(NP, NC0, NC1, CHM, RPT)(pidx3, ones_k)
    deg_t = deg_part.T

    nb = N // BN
    assert N % BN == 0

    g1, dis = pl.pallas_call(
        _stage1_body,
        grid=(nb,),
        in_specs=[
            pl.BlockSpec((BN, NC), lambda i: (i, 0)),
            pl.BlockSpec((BN, D_in), lambda i: (i, 0)),
            pl.BlockSpec((D_in, D_hid), lambda i: (0, 0)),
        ],
        out_specs=[
            pl.BlockSpec((BN, D_hid), lambda i: (i, 0)),
            pl.BlockSpec((BN, 1), lambda i: (i, 0)),
        ],
        out_shape=[
            jax.ShapeDtypeStruct((N, D_hid), jnp.float32),
            jax.ShapeDtypeStruct((N, 1), jnp.float32),
        ],
    )(deg_t, x, W1)

    part1 = _make_scatter_kernel(D_hid, NP, NC0, NC1, CHM, RPT,
                                 untiled=True)(g1, pidx3, zeros_hid)

    g2 = pl.pallas_call(
        _stage2_body,
        grid=(nb,),
        in_specs=[
            pl.BlockSpec((NC, BN, D_hid), lambda i: (0, i, 0)),
            pl.BlockSpec((BN, D_hid), lambda i: (i, 0)),
            pl.BlockSpec((BN, 1), lambda i: (i, 0)),
            pl.BlockSpec((1, D_hid), lambda i: (0, 0)),
            pl.BlockSpec((D_hid, D2), lambda i: (0, 0)),
        ],
        out_specs=pl.BlockSpec((BN, D2), lambda i: (i, 0)),
        out_shape=jax.ShapeDtypeStruct((N, D2), jnp.float32),
    )(part1, g1, dis, b1.reshape(1, D_hid), W2)

    part2 = _make_scatter_kernel(D2, NP, NC0, NC1, CHM, RPT,
                                  untiled=True)(g2, pidx3, zeros_out)

    out = pl.pallas_call(
        functools.partial(_stage3_body, D_out),
        grid=(nb,),
        in_specs=[
            pl.BlockSpec((NC, BN, D2), lambda i: (0, i, 0)),
            pl.BlockSpec((BN, D2), lambda i: (i, 0)),
            pl.BlockSpec((BN, 1), lambda i: (i, 0)),
            pl.BlockSpec((1, D_out), lambda i: (0, 0)),
        ],
        out_specs=pl.BlockSpec((BN, D_out), lambda i: (i, 0)),
        out_shape=jax.ShapeDtypeStruct((N, D_out), jnp.float32),
    )(part2, g2, dis, b2.reshape(1, D_out))

    return out

# --- scband reference (transcript-rebuilt; emitter-appended) ---
"""Pipeline reference for scband-ssp-6828998001545 (READ-ONLY COPY).

The authoritative reference and input builder live on the scoring server;
editing this copy changes nothing except your own understanding.
"""

import jax, jax.numpy as jnp
import numpy as np

N_NODES = 10000
N_EDGES = 320000
D_IN = 128
D_HID = 128
D_OUT = 64

def setup_inputs(seed: int = 0) -> dict:
    key = jax.random.key(seed)
    k1, k2, k3, k4, k5, k6 = jax.random.split(key, 6)
    x = jax.random.normal(k1, (N_NODES, D_IN), dtype=jnp.float32)
    edge_index = jax.random.randint(k2, (2, N_EDGES), 0, N_NODES, dtype=jnp.int64)
    # Glorot init for GCNConv weights, zeros for bias (matches PyG defaults)
    s1 = float(np.sqrt(6.0 / (D_IN + D_HID)))
    W1 = jax.random.uniform(k3, (D_IN, D_HID), dtype=jnp.float32, minval=-s1, maxval=s1)
    b1 = jnp.zeros((D_HID,), dtype=jnp.float32)
    s2 = float(np.sqrt(6.0 / (D_HID + D_OUT)))
    W2 = jax.random.uniform(k4, (D_HID, D_OUT), dtype=jnp.float32, minval=-s2, maxval=s2)
    b2 = jnp.zeros((D_OUT,), dtype=jnp.float32)
    return {"x": x, "edge_index": edge_index, "W1": W1, "b1": b1, "W2": W2, "b2": b2}

def _gcn_conv(x, edge_index, W, b):
    N = x.shape[0]
    # add self loops
    loop = jnp.arange(N, dtype=edge_index.dtype)
    src = jnp.concatenate([edge_index[0], loop])
    dst = jnp.concatenate([edge_index[1], loop])
    # linear transform
    h = x @ W
    # symmetric normalization: deg computed on dst with edge weight 1
    deg = jnp.zeros((N,), dtype=h.dtype).at[dst].add(1.0)
    deg_inv_sqrt = jnp.where(deg > 0, jax.lax.rsqrt(jnp.maximum(deg, 1e-12)), 0.0)
    norm = deg_inv_sqrt[src] * deg_inv_sqrt[dst]
    # gather messages from src, scale, scatter-add into dst
    msgs = norm[:, None] * jnp.take(h, src, axis=0)
    out = jnp.zeros((N, h.shape[1]), dtype=h.dtype).at[dst].add(msgs)
    return out + b

def reference(x, edge_index, W1, b1, W2, b2):
    # CRD: GCNConv -> ReLU -> dropout (identity in eval mode)
    h = _gcn_conv(x, edge_index, W1, b1)
    h = jax.nn.relu(h)
    # CLS: GCNConv -> log_softmax over classes
    out = _gcn_conv(h, edge_index, W2, b2)
    return jax.nn.log_softmax(out, axis=1)

if __name__ == "__main__":
    import jax
    _d = setup_inputs()
    print(jax.jit(kernel)(*tuple(_d.values())))

</pallas_src>

<mosaic_0001>
#map = affine_map<(d0, d1) -> (0, 0)>
#map1 = affine_map<(d0, d1) -> (0, 0, 0)>
module attributes {stable_mosaic.version = 14 : i64} {
  func.func @scatter_kernel(%arg0: i32, %arg1: i32, %arg2: memref<10000x64xf32, #tpu.memory_space<hbm>>, %arg3: memref<32x114x128xi32, #tpu.memory_space<hbm>>, %arg4: memref<128x64xf32, #tpu.memory_space<hbm>>, %arg5: memref<2x10240x64xf32, #tpu.memory_space<hbm>>, %arg6: memref<114x128xi32, #tpu.memory_space<vmem>>, %arg7: memref<128xi32, #tpu.memory_space<vmem>>, %arg8: memref<128xi32, #tpu.memory_space<vmem>>, %arg9: memref<128xi32, #tpu.memory_space<vmem>>, %arg10: memref<128xi32, #tpu.memory_space<vmem>>, %arg11: memref<128x64xf32, #tpu.memory_space<vmem>>, %arg12: memref<128x64xf32, #tpu.memory_space<vmem>>, %arg13: memref<10240x64xf32, #tpu.memory_space<vmem_shared>>, %arg14: memref<!tpu.dma_semaphore, #tpu.memory_space<semaphore_mem>>, %arg15: memref<!tpu.dma_semaphore, #tpu.memory_space<semaphore_mem>>) attributes {dimension_semantics = [#tpu.dimension_semantics<core_parallel>, #tpu.dimension_semantics<subcore_parallel>], iteration_bounds = array<i64: 2, 16>, scalar_prefetch = 0 : i64, scratch_operands = 10 : i64, tpu.core_type = #tpu.core_type<sc_vector_subcore>, window_params = [{transform_indices = #map}, {transform_indices = #map1}, {transform_indices = #map}, {transform_indices = #map1}]} {
    %mul3A = arith.constant 2 : i32
    %mul3A_0 = arith.muli %arg1, %mul3A : i32
    %add3A = arith.addi %mul3A_0, %arg0 : i32
    %mul3A_1 = arith.constant 640 : i32
    %mul3A_2 = arith.muli %arg1, %mul3A_1 : i32
    "tpu.region"() ({
      %run_scoped3A = tpu.sem_alloc : memref<!tpu.dma_semaphore, #tpu.memory_space<semaphore_mem>>
      %dma_start3A_451 = arith.constant 0 : i32
      %dma_start3A_452 = arith.constant 0 : i32
      %dma_start3A_453 = tpu.memref_slice %arg3[%add3A, %dma_start3A_451, %dma_start3A_452] : memref<32x114x128xi32, #tpu.memory_space<hbm>> -> memref<1x114x128xi32, #tpu.memory_space<hbm>>
      %dma_start3A_454 = tpu.memref_squeeze %dma_start3A_453 : memref<1x114x128xi32, #tpu.memory_space<hbm>> -> memref<114x128xi32, #tpu.memory_space<hbm>>
      %dma_start3A_455 = arith.constant 0 : i32
      %dma_start3A_456 = arith.constant 0 : i32
      %dma_start3A_457 = tpu.memref_slice %arg3[%add3A, %dma_start3A_455, %dma_start3A_456] : memref<32x114x128xi32, #tpu.memory_space<hbm>> -> memref<1x114x128xi32, #tpu.memory_space<hbm>>
      %dma_start3A_458 = tpu.memref_squeeze %dma_start3A_457 : memref<1x114x128xi32, #tpu.memory_space<hbm>> -> memref<114x128xi32, #tpu.memory_space<hbm>>
      tpu.enqueue_dma source(%dma_start3A_458 : memref<114x128xi32, #tpu.memory_space<hbm>>) target(%arg6 : memref<114x128xi32, #tpu.memory_space<vmem>>) target_semaphore(%run_scoped3A : memref<!tpu.dma_semaphore, #tpu.memory_space<semaphore_mem>>)
      %dma_wait3A = arith.constant 0 : i32
      %dma_wait3A_459 = arith.constant 0 : i32
      %dma_wait3A_460 = tpu.memref_slice %arg3[%add3A, %dma_wait3A, %dma_wait3A_459] : memref<32x114x128xi32, #tpu.memory_space<hbm>> -> memref<1x114x128xi32, #tpu.memory_space<hbm>>
      %dma_wait3A_461 = tpu.memref_squeeze %dma_wait3A_460 : memref<1x114x128xi32, #tpu.memory_space<hbm>> -> memref<114x128xi32, #tpu.memory_space<hbm>>
      %dma_wait3A_462 = arith.constant 0 : i32
      %dma_wait3A_463 = arith.constant 0 : i32
      %dma_wait3A_464 = tpu.memref_slice %arg3[%add3A, %dma_wait3A_462, %dma_wait3A_463] : memref<32x114x128xi32, #tpu.memory_space<hbm>> -> memref<1x114x128xi32, #tpu.memory_space<hbm>>
      %dma_wait3A_465 = tpu.memref_squeeze %dma_wait3A_464 : memref<1x114x128xi32, #tpu.memory_space<hbm>> -> memref<114x128xi32, #tpu.memory_space<hbm>>
      tpu.wait_dma2 semaphore(%run_scoped3A : memref<!tpu.dma_semaphore, #tpu.memory_space<semaphore_mem>>) src(%dma_wait3A_465 : memref<114x128xi32, #tpu.memory_space<hbm>>) dst(%arg6 : memref<114x128xi32, #tpu.memory_space<vmem>>)
      tpu.yield
    }) : () -> ()
    "tpu.region"() ({
      %run_scoped3A = tpu.sem_alloc : memref<!tpu.dma_semaphore, #tpu.memory_space<semaphore_mem>>
      tpu.enqueue_dma source(%arg4 : memref<128x64xf32, #tpu.memory_space<hbm>>) target(%arg11 : memref<128x64xf32, #tpu.memory_space<vmem>>) target_semaphore(%run_scoped3A : memref<!tpu.dma_semaphore, #tpu.memory_space<semaphore_mem>>)
      tpu.wait_dma2 semaphore(%run_scoped3A : memref<!tpu.dma_semaphore, #tpu.memory_space<semaphore_mem>>) src(%arg4 : memref<128x64xf32, #tpu.memory_space<hbm>>) dst(%arg11 : memref<128x64xf32, #tpu.memory_space<vmem>>)
      tpu.yield
    }) : () -> ()
    %add3A_3 = arith.constant 0 : i32
    %add3A_4 = arith.addi %mul3A_2, %add3A_3 : i32
    "tpu.region"() ({
      %run_scoped3A = tpu.sem_alloc : memref<!tpu.dma_semaphore, #tpu.memory_space<semaphore_mem>>
      %dma_start3A_451 = arith.constant 0 : i32
      %dma_start3A_452 = tpu.memref_slice %arg13[%add3A_4, %dma_start3A_451] : memref<10240x64xf32, #tpu.memory_space<vmem_shared>> -> memref<128x64xf32, #tpu.memory_space<vmem_shared>>
      %dma_start3A_453 = arith.constant 0 : i32
      %dma_start3A_454 = tpu.memref_slice %arg13[%add3A_4, %dma_start3A_453] : memref<10240x64xf32, #tpu.memory_space<vmem_shared>> -> memref<128x64xf32, #tpu.memory_space<vmem_shared>>
      tpu.enqueue_dma source(%arg11 : memref<128x64xf32, #tpu.memory_space<vmem>>) target(%dma_start3A_454 : memref<128x64xf32, #tpu.memory_space<vmem_shared>>) target_semaphore(%run_scoped3A : memref<!tpu.dma_semaphore, #tpu.memory_space<semaphore_mem>>)
      %dma_wait3A = arith.constant 0 : i32
      %dma_wait3A_455 = tpu.memref_slice %arg13[%add3A_4, %dma_wait3A] : memref<10240x64xf32, #tpu.memory_space<vmem_shared>> -> memref<128x64xf32, #tpu.memory_space<vmem_shared>>
      %dma_wait3A_456 = arith.constant 0 : i32
      %dma_wait3A_457 = tpu.memref_slice %arg13[%add3A_4, %dma_wait3A_456] : memref<10240x64xf32, #tpu.memory_space<vmem_shared>> -> memref<128x64xf32, #tpu.memory_space<vmem_shared>>
      tpu.wait_dma2 semaphore(%run_scoped3A : memref<!tpu.dma_semaphore, #tpu.memory_space<semaphore_mem>>) src(%arg11 : memref<128x64xf32, #tpu.memory_space<vmem>>) dst(%dma_wait3A_457 : memref<128x64xf32, #tpu.memory_space<vmem_shared>>)
      tpu.yield
    }) : () -> ()
    %add3A_5 = arith.constant 128 : i32
    %add3A_6 = arith.addi %mul3A_2, %add3A_5 : i32
    "tpu.region"() ({
      %run_scoped3A = tpu.sem_alloc : memref<!tpu.dma_semaphore, #tpu.memory_space<semaphore_mem>>
      %dma_start3A_451 = arith.constant 0 : i32
      %dma_start3A_452 = tpu.memref_slice %arg13[%add3A_6, %dma_start3A_451] : memref<10240x64xf32, #tpu.memory_space<vmem_shared>> -> memref<128x64xf32, #tpu.memory_space<vmem_shared>>
      %dma_start3A_453 = arith.constant 0 : i32
      %dma_start3A_454 = tpu.memref_slice %arg13[%add3A_6, %dma_start3A_453] : memref<10240x64xf32, #tpu.memory_space<vmem_shared>> -> memref<128x64xf32, #tpu.memory_space<vmem_shared>>
      tpu.enqueue_dma source(%arg11 : memref<128x64xf32, #tpu.memory_space<vmem>>) target(%dma_start3A_454 : memref<128x64xf32, #tpu.memory_space<vmem_shared>>) target_semaphore(%run_scoped3A : memref<!tpu.dma_semaphore, #tpu.memory_space<semaphore_mem>>)
      %dma_wait3A = arith.constant 0 : i32
      %dma_wait3A_455 = tpu.memref_slice %arg13[%add3A_6, %dma_wait3A] : memref<10240x64xf32, #tpu.memory_space<vmem_shared>> -> memref<128x64xf32, #tpu.memory_space<vmem_shared>>
      %dma_wait3A_456 = arith.constant 0 : i32
      %dma_wait3A_457 = tpu.memref_slice %arg13[%add3A_6, %dma_wait3A_456] : memref<10240x64xf32, #tpu.memory_space<vmem_shared>> -> memref<128x64xf32, #tpu.memory_space<vmem_shared>>
      tpu.wait_dma2 semaphore(%run_scoped3A : memref<!tpu.dma_semaphore, #tpu.memory_space<semaphore_mem>>) src(%arg11 : memref<128x64xf32, #tpu.memory_space<vmem>>) dst(%dma_wait3A_457 : memref<128x64xf32, #tpu.memory_space<vmem_shared>>)
      tpu.yield
    }) : () -> ()
    %add3A_7 = arith.constant 256 : i32
    %add3A_8 = arith.addi %mul3A_2, %add3A_7 : i32
    "tpu.region"() ({
      %run_scoped3A = tpu.sem_alloc : memref<!tpu.dma_semaphore, #tpu.memory_space<semaphore_mem>>
      %dma_start3A_451 = arith.constant 0 : i32
      %dma_start3A_452 = tpu.memref_slice %arg13[%add3A_8, %dma_start3A_451] : memref<10240x64xf32, #tpu.memory_space<vmem_shared>> -> memref<128x64xf32, #tpu.memory_space<vmem_shared>>
      %dma_start3A_453 = arith.constant 0 : i32
      %dma_start3A_454 = tpu.memref_slice %arg13[%add3A_8, %dma_start3A_453] : memref<10240x64xf32, #tpu.memory_space<vmem_shared>> -> memref<128x64xf32, #tpu.memory_space<vmem_shared>>
      tpu.enqueue_dma source(%arg11 : memref<128x64xf32, #tpu.memory_space<vmem>>) target(%dma_start3A_454 : memref<128x64xf32, #tpu.memory_space<vmem_shared>>) target_semaphore(%run_scoped3A : memref<!tpu.dma_semaphore, #tpu.memory_space<semaphore_mem>>)
      %dma_wait3A = arith.constant 0 : i32
      %dma_wait3A_455 = tpu.memref_slice %arg13[%add3A_8, %dma_wait3A] : memref<10240x64xf32, #tpu.memory_space<vmem_shared>> -> memref<128x64xf32, #tpu.memory_space<vmem_shared>>
      %dma_wait3A_456 = arith.constant 0 : i32
      %dma_wait3A_457 = tpu.memref_slice %arg13[%add3A_8, %dma_wait3A_456] : memref<10240x64xf32, #tpu.memory_space<vmem_shared>> -> memref<128x64xf32, #tpu.memory_space<vmem_shared>>
      tpu.wait_dma2 semaphore(%run_scoped3A : memref<!tpu.dma_semaphore, #tpu.memory_space<semaphore_mem>>) src(%arg11 : memref<128x64xf32, #tpu.memory_space<vmem>>) dst(%dma_wait3A_457 : memref<128x64xf32, #tpu.memory_space<vmem_shared>>)
      tpu.yield
    }) : () -> ()
    %add3A_9 = arith.constant 384 : i32
    %add3A_10 = arith.addi %mul3A_2, %add3A_9 : i32
    "tpu.region"() ({
      %run_scoped3A = tpu.sem_alloc : memref<!tpu.dma_semaphore, #tpu.memory_space<semaphore_mem>>
      %dma_start3A_451 = arith.constant 0 : i32
      %dma_start3A_452 = tpu.memref_slice %arg13[%add3A_10, %dma_start3A_451] : memref<10240x64xf32, #tpu.memory_space<vmem_shared>> -> memref<128x64xf32, #tpu.memory_space<vmem_shared>>
      %dma_start3A_453 = arith.constant 0 : i32
      %dma_start3A_454 = tpu.memref_slice %arg13[%add3A_10, %dma_start3A_453] : memref<10240x64xf32, #tpu.memory_space<vmem_shared>> -> memref<128x64xf32, #tpu.memory_space<vmem_shared>>
      tpu.enqueue_dma source(%arg11 : memref<128x64xf32, #tpu.memory_space<vmem>>) target(%dma_start3A_454 : memref<128x64xf32, #tpu.memory_space<vmem_shared>>) target_semaphore(%run_scoped3A : memref<!tpu.dma_semaphore, #tpu.memory_space<semaphore_mem>>)
      %dma_wait3A = arith.constant 0 : i32
      %dma_wait3A_455 = tpu.memref_slice %arg13[%add3A_10, %dma_wait3A] : memref<10240x64xf32, #tpu.memory_space<vmem_shared>> -> memref<128x64xf32, #tpu.memory_space<vmem_shared>>
      %dma_wait3A_456 = arith.constant 0 : i32
      %dma_wait3A_457 = tpu.memref_slice %arg13[%add3A_10, %dma_wait3A_456] : memref<10240x64xf32, #tpu.memory_space<vmem_shared>> -> memref<128x64xf32, #tpu.memory_space<vmem_shared>>
      tpu.wait_dma2 semaphore(%run_scoped3A : memref<!tpu.dma_semaphore, #tpu.memory_space<semaphore_mem>>) src(%arg11 : memref<128x64xf32, #tpu.memory_space<vmem>>) dst(%dma_wait3A_457 : memref<128x64xf32, #tpu.memory_space<vmem_shared>>)
      tpu.yield
    }) : () -> ()
    %add3A_11 = arith.constant 512 : i32
    %add3A_12 = arith.addi %mul3A_2, %add3A_11 : i32
    "tpu.region"() ({
      %run_scoped3A = tpu.sem_alloc : memref<!tpu.dma_semaphore, #tpu.memory_space<semaphore_mem>>
      %dma_start3A_451 = arith.constant 0 : i32
      %dma_start3A_452 = tpu.memref_slice %arg13[%add3A_12, %dma_start3A_451] : memref<10240x64xf32, #tpu.memory_space<vmem_shared>> -> memref<128x64xf32, #tpu.memory_space<vmem_shared>>
      %dma_start3A_453 = arith.constant 0 : i32
      %dma_start3A_454 = tpu.memref_slice %arg13[%add3A_12, %dma_start3A_453] : memref<10240x64xf32, #tpu.memory_space<vmem_shared>> -> memref<128x64xf32, #tpu.memory_space<vmem_shared>>
      tpu.enqueue_dma source(%arg11 : memref<128x64xf32, #tpu.memory_space<vmem>>) target(%dma_start3A_454 : memref<128x64xf32, #tpu.memory_space<vmem_shared>>) target_semaphore(%run_scoped3A : memref<!tpu.dma_semaphore, #tpu.memory_space<semaphore_mem>>)
      %dma_wait3A = arith.constant 0 : i32
      %dma_wait3A_455 = tpu.memref_slice %arg13[%add3A_12, %dma_wait3A] : memref<10240x64xf32, #tpu.memory_space<vmem_shared>> -> memref<128x64xf32, #tpu.memory_space<vmem_shared>>
      %dma_wait3A_456 = arith.constant 0 : i32
      %dma_wait3A_457 = tpu.memref_slice %arg13[%add3A_12, %dma_wait3A_456] : memref<10240x64xf32, #tpu.memory_space<vmem_shared>> -> memref<128x64xf32, #tpu.memory_space<vmem_shared>>
      tpu.wait_dma2 semaphore(%run_scoped3A : memref<!tpu.dma_semaphore, #tpu.memory_space<semaphore_mem>>) src(%arg11 : memref<128x64xf32, #tpu.memory_space<vmem>>) dst(%dma_wait3A_457 : memref<128x64xf32, #tpu.memory_space<vmem_shared>>)
      tpu.yield
    }) : () -> ()
    %barrier3A = arith.constant 0 : index
    tpu.barrier barrier_id(%barrier3A)
    %eq3A = arith.constant 0 : i32
    %eq3A_13 = arith.cmpi eq, %arg0, %eq3A : i32
    %jit3A = arith.constant 44 : i32
    %jit3A_14 = arith.constant 114 : i32
    %select_n3A = arith.select %eq3A_13, %jit3A, %jit3A_14 : i32
    %get3A = arith.constant 0 : i32
    %get3A_15 = arith.index_cast %get3A : i32 to index
    %get3A_16 = arith.constant 0 : index
    %get3A_17 = tpu.vector_load %arg6[%get3A_15, %get3A_16] {strides = array<i32>} : memref<114x128xi32, #tpu.memory_space<vmem>>, vector<1x16xi32>,
    %get3A_18 = vector.shape_cast %get3A_17 : vector<1x16xi32> to vector<16xi32>
    %and3A = arith.constant 16383 : i32
    %and3A_19 = vector.broadcast %and3A : i32 to vector<16xi32>
    %and3A_20 = arith.andi %get3A_18, %and3A_19 : vector<16xi32>
    %swap3A = arith.constant 0 : index
    %swap3A_21 = tpu.vector_load %arg7[%swap3A] {strides = array<i32>} : memref<128xi32, #tpu.memory_space<vmem>>, vector<16xi32>,
    %swap3A_22 = vector.shape_cast %swap3A_21 : vector<16xi32> to vector<16xi32>
    %swap3A_23 = vector.shape_cast %and3A_20 : vector<16xi32> to vector<16xi32>
    tpu.vector_store %arg7[%swap3A], %swap3A_23 {strides = array<i32>} : memref<128xi32, #tpu.memory_space<vmem>>, vector<16xi32>,
    %get3A_24 = arith.constant 0 : i32
    %get3A_25 = arith.index_cast %get3A_24 : i32 to index
    %get3A_26 = arith.constant 16 : index
    %get3A_27 = tpu.vector_load %arg6[%get3A_25, %get3A_26] {strides = array<i32>} : memref<114x128xi32, #tpu.memory_space<vmem>>, vector<1x16xi32>,
    %get3A_28 = vector.shape_cast %get3A_27 : vector<1x16xi32> to vector<16xi32>
    %and3A_29 = arith.constant 16383 : i32
    %and3A_30 = vector.broadcast %and3A_29 : i32 to vector<16xi32>
    %and3A_31 = arith.andi %get3A_28, %and3A_30 : vector<16xi32>
    %swap3A_32 = arith.constant 16 : index
    %swap3A_33 = tpu.vector_load %arg7[%swap3A_32] {strides = array<i32>} : memref<128xi32, #tpu.memory_space<vmem>>, vector<16xi32>,
    %swap3A_34 = vector.shape_cast %swap3A_33 : vector<16xi32> to vector<16xi32>
    %swap3A_35 = vector.shape_cast %and3A_31 : vector<16xi32> to vector<16xi32>
    tpu.vector_store %arg7[%swap3A_32], %swap3A_35 {strides = array<i32>} : memref<128xi32, #tpu.memory_space<vmem>>, vector<16xi32>,
    %get3A_36 = arith.constant 0 : i32
    %get3A_37 = arith.index_cast %get3A_36 : i32 to index
    %get3A_38 = arith.constant 32 : index
    %get3A_39 = tpu.vector_load %arg6[%get3A_37, %get3A_38] {strides = array<i32>} : memref<114x128xi32, #tpu.memory_space<vmem>>, vector<1x16xi32>,
    %get3A_40 = vector.shape_cast %get3A_39 : vector<1x16xi32> to vector<16xi32>
    %and3A_41 = arith.constant 16383 : i32
    %and3A_42 = vector.broadcast %and3A_41 : i32 to vector<16xi32>
    %and3A_43 = arith.andi %get3A_40, %and3A_42 : vector<16xi32>
    %swap3A_44 = arith.constant 32 : index
    %swap3A_45 = tpu.vector_load %arg7[%swap3A_44] {strides = array<i32>} : memref<128xi32, #tpu.memory_space<vmem>>, vector<16xi32>,
    %swap3A_46 = vector.shape_cast %swap3A_45 : vector<16xi32> to vector<16xi32>
    %swap3A_47 = vector.shape_cast %and3A_43 : vector<16xi32> to vector<16xi32>
    tpu.vector_store %arg7[%swap3A_44], %swap3A_47 {strides = array<i32>} : memref<128xi32, #tpu.memory_space<vmem>>, vector<16xi32>,
    %get3A_48 = arith.constant 0 : i32
    %get3A_49 = arith.index_cast %get3A_48 : i32 to index
    %get3A_50 = arith.constant 48 : index
    %get3A_51 = tpu.vector_load %arg6[%get3A_49, %get3A_50] {strides = array<i32>} : memref<114x128xi32, #tpu.memory_space<vmem>>, vector<1x16xi32>,
    %get3A_52 = vector.shape_cast %get3A_51 : vector<1x16xi32> to vector<16xi32>
    %and3A_53 = arith.constant 16383 : i32
    %and3A_54 = vector.broadcast %and3A_53 : i32 to vector<16xi32>
    %and3A_55 = arith.andi %get3A_52, %and3A_54 : vector<16xi32>
    %swap3A_56 = arith.constant 48 : index
    %swap3A_57 = tpu.vector_load %arg7[%swap3A_56] {strides = array<i32>} : memref<128xi32, #tpu.memory_space<vmem>>, vector<16xi32>,
    %swap3A_58 = vector.shape_cast %swap3A_57 : vector<16xi32> to vector<16xi32>
    %swap3A_59 = vector.shape_cast %and3A_55 : vector<16xi32> to vector<16xi32>
    tpu.vector_store %arg7[%swap3A_56], %swap3A_59 {strides = array<i32>} : memref<128xi32, #tpu.memory_space<vmem>>, vector<16xi32>,
    %get3A_60 = arith.constant 0 : i32
    %get3A_61 = arith.index_cast %get3A_60 : i32 to index
    %get3A_62 = arith.constant 64 : index
    %get3A_63 = tpu.vector_load %arg6[%get3A_61, %get3A_62] {strides = array<i32>} : memref<114x128xi32, #tpu.memory_space<vmem>>, vector<1x16xi32>,
    %get3A_64 = vector.shape_cast %get3A_63 : vector<1x16xi32> to vector<16xi32>
    %and3A_65 = arith.constant 16383 : i32
    %and3A_66 = vector.broadcast %and3A_65 : i32 to vector<16xi32>
    %and3A_67 = arith.andi %get3A_64, %and3A_66 : vector<16xi32>
    %swap3A_68 = arith.constant 64 : index
    %swap3A_69 = tpu.vector_load %arg7[%swap3A_68] {strides = array<i32>} : memref<128xi32, #tpu.memory_space<vmem>>, vector<16xi32>,
    %swap3A_70 = vector.shape_cast %swap3A_69 : vector<16xi32> to vector<16xi32>
    %swap3A_71 = vector.shape_cast %and3A_67 : vector<16xi32> to vector<16xi32>
    tpu.vector_store %arg7[%swap3A_68], %swap3A_71 {strides = array<i32>} : memref<128xi32, #tpu.memory_space<vmem>>, vector<16xi32>,
    %get3A_72 = arith.constant 0 : i32
    %get3A_73 = arith.index_cast %get3A_72 : i32 to index
    %get3A_74 = arith.constant 80 : index
    %get3A_75 = tpu.vector_load %arg6[%get3A_73, %get3A_74] {strides = array<i32>} : memref<114x128xi32, #tpu.memory_space<vmem>>, vector<1x16xi32>,
    %get3A_76 = vector.shape_cast %get3A_75 : vector<1x16xi32> to vector<16xi32>
    %and3A_77 = arith.constant 16383 : i32
    %and3A_78 = vector.broadcast %and3A_77 : i32 to vector<16xi32>
    %and3A_79 = arith.andi %get3A_76, %and3A_78 : vector<16xi32>
    %swap3A_80 = arith.constant 80 : index
    %swap3A_81 = tpu.vector_load %arg7[%swap3A_80] {strides = array<i32>} : memref<128xi32, #tpu.memory_space<vmem>>, vector<16xi32>,
    %swap3A_82 = vector.shape_cast %swap3A_81 : vector<16xi32> to vector<16xi32>
    %swap3A_83 = vector.shape_cast %and3A_79 : vector<16xi32> to vector<16xi32>
    tpu.vector_store %arg7[%swap3A_80], %swap3A_83 {strides = array<i32>} : memref<128xi32, #tpu.memory_space<vmem>>, vector<16xi32>,
    %get3A_84 = arith.constant 0 : i32
    %get3A_85 = arith.index_cast %get3A_84 : i32 to index
    %get3A_86 = arith.constant 96 : index
    %get3A_87 = tpu.vector_load %arg6[%get3A_85, %get3A_86] {strides = array<i32>} : memref<114x128xi32, #tpu.memory_space<vmem>>, vector<1x16xi32>,
    %get3A_88 = vector.shape_cast %get3A_87 : vector<1x16xi32> to vector<16xi32>
    %and3A_89 = arith.constant 16383 : i32
    %and3A_90 = vector.broadcast %and3A_89 : i32 to vector<16xi32>
    %and3A_91 = arith.andi %get3A_88, %and3A_90 : vector<16xi32>
    %swap3A_92 = arith.constant 96 : index
    %swap3A_93 = tpu.vector_load %arg7[%swap3A_92] {strides = array<i32>} : memref<128xi32, #tpu.memory_space<vmem>>, vector<16xi32>,
    %swap3A_94 = vector.shape_cast %swap3A_93 : vector<16xi32> to vector<16xi32>
    %swap3A_95 = vector.shape_cast %and3A_91 : vector<16xi32> to vector<16xi32>
    tpu.vector_store %arg7[%swap3A_92], %swap3A_95 {strides = array<i32>} : memref<128xi32, #tpu.memory_space<vmem>>, vector<16xi32>,
    %get3A_96 = arith.constant 0 : i32
    %get3A_97 = arith.index_cast %get3A_96 : i32 to index
    %get3A_98 = arith.constant 112 : index
    %get3A_99 = tpu.vector_load %arg6[%get3A_97, %get3A_98] {strides = array<i32>} : memref<114x128xi32, #tpu.memory_space<vmem>>, vector<1x16xi32>,
    %get3A_100 = vector.shape_cast %get3A_99 : vector<1x16xi32> to vector<16xi32>
    %and3A_101 = arith.constant 16383 : i32
    %and3A_102 = vector.broadcast %and3A_101 : i32 to vector<16xi32>
    %and3A_103 = arith.andi %get3A_100, %and3A_102 : vector<16xi32>
    %swap3A_104 = arith.constant 112 : index
    %swap3A_105 = tpu.vector_load %arg7[%swap3A_104] {strides = array<i32>} : memref<128xi32, #tpu.memory_space<vmem>>, vector<16xi32>,
    %swap3A_106 = vector.shape_cast %swap3A_105 : vector<16xi32> to vector<16xi32>
    %swap3A_107 = vector.shape_cast %and3A_103 : vector<16xi32> to vector<16xi32>
    tpu.vector_store %arg7[%swap3A_104], %swap3A_107 {strides = array<i32>} : memref<128xi32, #tpu.memory_space<vmem>>, vector<16xi32>,
    %dma_start3A = arith.constant 0 : i32
    %dma_start3A_108 = arith.constant 0 : i32
    %dma_start3A_109 = tpu.memref_slice %arg2[%dma_start3A, %dma_start3A_108] : memref<10000x64xf32, #tpu.memory_space<hbm>> -> memref<10000x64xf32, #tpu.memory_space<hbm>>
    tpu.enqueue_indirect_dma source(%dma_start3A_109 : memref<10000x64xf32, #tpu.memory_space<hbm>>) target(%arg11 : memref<128x64xf32, #tpu.memory_space<vmem>>) offsets(%arg7 : memref<128xi32, #tpu.memory_space<vmem>>) semaphore(%arg14 : memref<!tpu.dma_semaphore, #tpu.memory_space<semaphore_mem>>)
    %get3A_110 = arith.constant 1 : i32
    %get3A_111 = arith.index_cast %get3A_110 : i32 to index
    %get3A_112 = arith.constant 0 : index
    %get3A_113 = tpu.vector_load %arg6[%get3A_111, %get3A_112] {strides = array<i32>} : memref<114x128xi32, #tpu.memory_space<vmem>>, vector<1x16xi32>,
    %get3A_114 = vector.shape_cast %get3A_113 : vector<1x16xi32> to vector<16xi32>
    %and3A_115 = arith.constant 16383 : i32
    %and3A_116 = vector.broadcast %and3A_115 : i32 to vector<16xi32>
    %and3A_117 = arith.andi %get3A_114, %and3A_116 : vector<16xi32>
    %swap3A_118 = arith.constant 0 : index
    %swap3A_119 = tpu.vector_load %arg8[%swap3A_118] {strides = array<i32>} : memref<128xi32, #tpu.memory_space<vmem>>, vector<16xi32>,
    %swap3A_120 = vector.shape_cast %swap3A_119 : vector<16xi32> to vector<16xi32>
    %swap3A_121 = vector.shape_cast %and3A_117 : vector<16xi32> to vector<16xi32>
    tpu.vector_store %arg8[%swap3A_118], %swap3A_121 {strides = array<i32>} : memref<128xi32, #tpu.memory_space<vmem>>, vector<16xi32>,
    %get3A_122 = arith.constant 1 : i32
    %get3A_123 = arith.index_cast %get3A_122 : i32 to index
    %get3A_124 = arith.constant 16 : index
    %get3A_125 = tpu.vector_load %arg6[%get3A_123, %get3A_124] {strides = array<i32>} : memref<114x128xi32, #tpu.memory_space<vmem>>, vector<1x16xi32>,
    %get3A_126 = vector.shape_cast %get3A_125 : vector<1x16xi32> to vector<16xi32>
    %and3A_127 = arith.constant 16383 : i32
    %and3A_128 = vector.broadcast %and3A_127 : i32 to vector<16xi32>
    %and3A_129 = arith.andi %get3A_126, %and3A_128 : vector<16xi32>
    %swap3A_130 = arith.constant 16 : index
    %swap3A_131 = tpu.vector_load %arg8[%swap3A_130] {strides = array<i32>} : memref<128xi32, #tpu.memory_space<vmem>>, vector<16xi32>,
    %swap3A_132 = vector.shape_cast %swap3A_131 : vector<16xi32> to vector<16xi32>
    %swap3A_133 = vector.shape_cast %and3A_129 : vector<16xi32> to vector<16xi32>
    tpu.vector_store %arg8[%swap3A_130], %swap3A_133 {strides = array<i32>} : memref<128xi32, #tpu.memory_space<vmem>>, vector<16xi32>,
    %get3A_134 = arith.constant 1 : i32
    %get3A_135 = arith.index_cast %get3A_134 : i32 to index
    %get3A_136 = arith.constant 32 : index
    %get3A_137 = tpu.vector_load %arg6[%get3A_135, %get3A_136] {strides = array<i32>} : memref<114x128xi32, #tpu.memory_space<vmem>>, vector<1x16xi32>,
    %get3A_138 = vector.shape_cast %get3A_137 : vector<1x16xi32> to vector<16xi32>
    %and3A_139 = arith.constant 16383 : i32
    %and3A_140 = vector.broadcast %and3A_139 : i32 to vector<16xi32>
    %and3A_141 = arith.andi %get3A_138, %and3A_140 : vector<16xi32>
    %swap3A_142 = arith.constant 32 : index
    %swap3A_143 = tpu.vector_load %arg8[%swap3A_142] {strides = array<i32>} : memref<128xi32, #tpu.memory_space<vmem>>, vector<16xi32>,
    %swap3A_144 = vector.shape_cast %swap3A_143 : vector<16xi32> to vector<16xi32>
    %swap3A_145 = vector.shape_cast %and3A_141 : vector<16xi32> to vector<16xi32>
    tpu.vector_store %arg8[%swap3A_142], %swap3A_145 {strides = array<i32>} : memref<128xi32, #tpu.memory_space<vmem>>, vector<16xi32>,
    %get3A_146 = arith.constant 1 : i32
    %get3A_147 = arith.index_cast %get3A_146 : i32 to index
    %get3A_148 = arith.constant 48 : index
    %get3A_149 = tpu.vector_load %arg6[%get3A_147, %get3A_148] {strides = array<i32>} : memref<114x128xi32, #tpu.memory_space<vmem>>, vector<1x16xi32>,
    %get3A_150 = vector.shape_cast %get3A_149 : vector<1x16xi32> to vector<16xi32>
    %and3A_151 = arith.constant 16383 : i32
    %and3A_152 = vector.broadcast %and3A_151 : i32 to vector<16xi32>
    %and3A_153 = arith.andi %get3A_150, %and3A_152 : vector<16xi32>
    %swap3A_154 = arith.constant 48 : index
    %swap3A_155 = tpu.vector_load %arg8[%swap3A_154] {strides = array<i32>} : memref<128xi32, #tpu.memory_space<vmem>>, vector<16xi32>,
    %swap3A_156 = vector.shape_cast %swap3A_155 : vector<16xi32> to vector<16xi32>
    %swap3A_157 = vector.shape_cast %and3A_153 : vector<16xi32> to vector<16xi32>
    tpu.vector_store %arg8[%swap3A_154], %swap3A_157 {strides = array<i32>} : memref<128xi32, #tpu.memory_space<vmem>>, vector<16xi32>,
    %get3A_158 = arith.constant 1 : i32
    %get3A_159 = arith.index_cast %get3A_158 : i32 to index
    %get3A_160 = arith.constant 64 : index
    %get3A_161 = tpu.vector_load %arg6[%get3A_159, %get3A_160] {strides = array<i32>} : memref<114x128xi32, #tpu.memory_space<vmem>>, vector<1x16xi32>,
    %get3A_162 = vector.shape_cast %get3A_161 : vector<1x16xi32> to vector<16xi32>
    %and3A_163 = arith.constant 16383 : i32
    %and3A_164 = vector.broadcast %and3A_163 : i32 to vector<16xi32>
    %and3A_165 = arith.andi %get3A_162, %and3A_164 : vector<16xi32>
    %swap3A_166 = arith.constant 64 : index
    %swap3A_167 = tpu.vector_load %arg8[%swap3A_166] {strides = array<i32>} : memref<128xi32, #tpu.memory_space<vmem>>, vector<16xi32>,
    %swap3A_168 = vector.shape_cast %swap3A_167 : vector<16xi32> to vector<16xi32>
    %swap3A_169 = vector.shape_cast %and3A_165 : vector<16xi32> to vector<16xi32>
    tpu.vector_store %arg8[%swap3A_166], %swap3A_169 {strides = array<i32>} : memref<128xi32, #tpu.memory_space<vmem>>, vector<16xi32>,
    %get3A_170 = arith.constant 1 : i32
    %get3A_171 = arith.index_cast %get3A_170 : i32 to index
    %get3A_172 = arith.constant 80 : index
    %get3A_173 = tpu.vector_load %arg6[%get3A_171, %get3A_172] {strides = array<i32>} : memref<114x128xi32, #tpu.memory_space<vmem>>, vector<1x16xi32>,
    %get3A_174 = vector.shape_cast %get3A_173 : vector<1x16xi32> to vector<16xi32>
    %and3A_175 = arith.constant 16383 : i32
    %and3A_176 = vector.broadcast %and3A_175 : i32 to vector<16xi32>
    %and3A_177 = arith.andi %get3A_174, %and3A_176 : vector<16xi32>
    %swap3A_178 = arith.constant 80 : index
    %swap3A_179 = tpu.vector_load %arg8[%swap3A_178] {strides = array<i32>} : memref<128xi32, #tpu.memory_space<vmem>>, vector<16xi32>,
    %swap3A_180 = vector.shape_cast %swap3A_179 : vector<16xi32> to vector<16xi32>
    %swap3A_181 = vector.shape_cast %and3A_177 : vector<16xi32> to vector<16xi32>
    tpu.vector_store %arg8[%swap3A_178], %swap3A_181 {strides = array<i32>} : memref<128xi32, #tpu.memory_space<vmem>>, vector<16xi32>,
    %get3A_182 = arith.constant 1 : i32
    %get3A_183 = arith.index_cast %get3A_182 : i32 to index
    %get3A_184 = arith.constant 96 : index
    %get3A_185 = tpu.vector_load %arg6[%get3A_183, %get3A_184] {strides = array<i32>} : memref<114x128xi32, #tpu.memory_space<vmem>>, vector<1x16xi32>,
    %get3A_186 = vector.shape_cast %get3A_185 : vector<1x16xi32> to vector<16xi32>
    %and3A_187 = arith.constant 16383 : i32
    %and3A_188 = vector.broadcast %and3A_187 : i32 to vector<16xi32>
    %and3A_189 = arith.andi %get3A_186, %and3A_188 : vector<16xi32>
    %swap3A_190 = arith.constant 96 : index
    %swap3A_191 = tpu.vector_load %arg8[%swap3A_190] {strides = array<i32>} : memref<128xi32, #tpu.memory_space<vmem>>, vector<16xi32>,
    %swap3A_192 = vector.shape_cast %swap3A_191 : vector<16xi32> to vector<16xi32>
    %swap3A_193 = vector.shape_cast %and3A_189 : vector<16xi32> to vector<16xi32>
    tpu.vector_store %arg8[%swap3A_190], %swap3A_193 {strides = array<i32>} : memref<128xi32, #tpu.memory_space<vmem>>, vector<16xi32>,
    %get3A_194 = arith.constant 1 : i32
    %get3A_195 = arith.index_cast %get3A_194 : i32 to index
    %get3A_196 = arith.constant 112 : index
    %get3A_197 = tpu.vector_load %arg6[%get3A_195, %get3A_196] {strides = array<i32>} : memref<114x128xi32, #tpu.memory_space<vmem>>, vector<1x16xi32>,
    %get3A_198 = vector.shape_cast %get3A_197 : vector<1x16xi32> to vector<16xi32>
    %and3A_199 = arith.constant 16383 : i32
    %and3A_200 = vector.broadcast %and3A_199 : i32 to vector<16xi32>
    %and3A_201 = arith.andi %get3A_198, %and3A_200 : vector<16xi32>
    %swap3A_202 = arith.constant 112 : index
    %swap3A_203 = tpu.vector_load %arg8[%swap3A_202] {strides = array<i32>} : memref<128xi32, #tpu.memory_space<vmem>>, vector<16xi32>,
    %swap3A_204 = vector.shape_cast %swap3A_203 : vector<16xi32> to vector<16xi32>
    %swap3A_205 = vector.shape_cast %and3A_201 : vector<16xi32> to vector<16xi32>
    tpu.vector_store %arg8[%swap3A_202], %swap3A_205 {strides = array<i32>} : memref<128xi32, #tpu.memory_space<vmem>>, vector<16xi32>,
    %dma_start3A_206 = arith.constant 0 : i32
    %dma_start3A_207 = arith.constant 0 : i32
    %dma_start3A_208 = tpu.memref_slice %arg2[%dma_start3A_206, %dma_start3A_207] : memref<10000x64xf32, #tpu.memory_space<hbm>> -> memref<10000x64xf32, #tpu.memory_space<hbm>>
    tpu.enqueue_indirect_dma source(%dma_start3A_208 : memref<10000x64xf32, #tpu.memory_space<hbm>>) target(%arg12 : memref<128x64xf32, #tpu.memory_space<vmem>>) offsets(%arg8 : memref<128xi32, #tpu.memory_space<vmem>>) semaphore(%arg15 : memref<!tpu.dma_semaphore, #tpu.memory_space<semaphore_mem>>)
    %get3A_209 = arith.constant 0 : i32
    %get3A_210 = arith.index_cast %get3A_209 : i32 to index
    %get3A_211 = arith.constant 0 : index
    %get3A_212 = tpu.vector_load %arg6[%get3A_210, %get3A_211] {strides = array<i32>} : memref<114x128xi32, #tpu.memory_space<vmem>>, vector<1x16xi32>,
    %get3A_213 = vector.shape_cast %get3A_212 : vector<1x16xi32> to vector<16xi32>
    %shift_right_logical3A = arith.constant 14 : i32
    %shift_right_logical3A_214 = vector.broadcast %shift_right_logical3A : i32 to vector<16xi32>
    %shift_right_logical3A_215 = arith.shrui %get3A_213, %shift_right_logical3A_214 : vector<16xi32>
    %swap3A_216 = arith.constant 0 : index
    %swap3A_217 = tpu.vector_load %arg9[%swap3A_216] {strides = array<i32>} : memref<128xi32, #tpu.memory_space<vmem>>, vector<16xi32>,
    %swap3A_218 = vector.shape_cast %swap3A_217 : vector<16xi32> to vector<16xi32>
    %swap3A_219 = vector.shape_cast %shift_right_logical3A_215 : vector<16xi32> to vector<16xi32>
    tpu.vector_store %arg9[%swap3A_216], %swap3A_219 {strides = array<i32>} : memref<128xi32, #tpu.memory_space<vmem>>, vector<16xi32>,
    %get3A_220 = arith.constant 0 : i32
    %get3A_221 = arith.index_cast %get3A_220 : i32 to index
    %get3A_222 = arith.constant 16 : index
    %get3A_223 = tpu.vector_load %arg6[%get3A_221, %get3A_222] {strides = array<i32>} : memref<114x128xi32, #tpu.memory_space<vmem>>, vector<1x16xi32>,
    %get3A_224 = vector.shape_cast %get3A_223 : vector<1x16xi32> to vector<16xi32>
    %shift_right_logical3A_225 = arith.constant 14 : i32
    %shift_right_logical3A_226 = vector.broadcast %shift_right_logical3A_225 : i32 to vector<16xi32>
    %shift_right_logical3A_227 = arith.shrui %get3A_224, %shift_right_logical3A_226 : vector<16xi32>
    %swap3A_228 = arith.constant 16 : index
    %swap3A_229 = tpu.vector_load %arg9[%swap3A_228] {strides = array<i32>} : memref<128xi32, #tpu.memory_space<vmem>>, vector<16xi32>,
    %swap3A_230 = vector.shape_cast %swap3A_229 : vector<16xi32> to vector<16xi32>
    %swap3A_231 = vector.shape_cast %shift_right_logical3A_227 : vector<16xi32> to vector<16xi32>
    tpu.vector_store %arg9[%swap3A_228], %swap3A_231 {strides = array<i32>} : memref<128xi32, #tpu.memory_space<vmem>>, vector<16xi32>,
    %get3A_232 = arith.constant 0 : i32
    %get3A_233 = arith.index_cast %get3A_232 : i32 to index
    %get3A_234 = arith.constant 32 : index
    %get3A_235 = tpu.vector_load %arg6[%get3A_233, %get3A_234] {strides = array<i32>} : memref<114x128xi32, #tpu.memory_space<vmem>>, vector<1x16xi32>,
    %get3A_236 = vector.shape_cast %get3A_235 : vector<1x16xi32> to vector<16xi32>
    %shift_right_logical3A_237 = arith.constant 14 : i32
    %shift_right_logical3A_238 = vector.broadcast %shift_right_logical3A_237 : i32 to vector<16xi32>
    %shift_right_logical3A_239 = arith.shrui %get3A_236, %shift_right_logical3A_238 : vector<16xi32>
    %swap3A_240 = arith.constant 32 : index
    %swap3A_241 = tpu.vector_load %arg9[%swap3A_240] {strides = array<i32>} : memref<128xi32, #tpu.memory_space<vmem>>, vector<16xi32>,
    %swap3A_242 = vector.shape_cast %swap3A_241 : vector<16xi32> to vector<16xi32>
    %swap3A_243 = vector.shape_cast %shift_right_logical3A_239 : vector<16xi32> to vector<16xi32>
    tpu.vector_store %arg9[%swap3A_240], %swap3A_243 {strides = array<i32>} : memref<128xi32, #tpu.memory_space<vmem>>, vector<16xi32>,
    %get3A_244 = arith.constant 0 : i32
    %get3A_245 = arith.index_cast %get3A_244 : i32 to index
    %get3A_246 = arith.constant 48 : index
    %get3A_247 = tpu.vector_load %arg6[%get3A_245, %get3A_246] {strides = array<i32>} : memref<114x128xi32, #tpu.memory_space<vmem>>, vector<1x16xi32>,
    %get3A_248 = vector.shape_cast %get3A_247 : vector<1x16xi32> to vector<16xi32>
    %shift_right_logical3A_249 = arith.constant 14 : i32
    %shift_right_logical3A_250 = vector.broadcast %shift_right_logical3A_249 : i32 to vector<16xi32>
    %shift_right_logical3A_251 = arith.shrui %get3A_248, %shift_right_logical3A_250 : vector<16xi32>
    %swap3A_252 = arith.constant 48 : index
    %swap3A_253 = tpu.vector_load %arg9[%swap3A_252] {strides = array<i32>} : memref<128xi32, #tpu.memory_space<vmem>>, vector<16xi32>,
    %swap3A_254 = vector.shape_cast %swap3A_253 : vector<16xi32> to vector<16xi32>
    %swap3A_255 = vector.shape_cast %shift_right_logical3A_251 : vector<16xi32> to vector<16xi32>
    tpu.vector_store %arg9[%swap3A_252], %swap3A_255 {strides = array<i32>} : memref<128xi32, #tpu.memory_space<vmem>>, vector<16xi32>,
    %get3A_256 = arith.constant 0 : i32
    %get3A_257 = arith.index_cast %get3A_256 : i32 to index
    %get3A_258 = arith.constant 64 : index
    %get3A_259 = tpu.vector_load %arg6[%get3A_257, %get3A_258] {strides = array<i32>} : memref<114x128xi32, #tpu.memory_space<vmem>>, vector<1x16xi32>,
    %get3A_260 = vector.shape_cast %get3A_259 : vector<1x16xi32> to vector<16xi32>
    %shift_right_logical3A_261 = arith.constant 14 : i32
    %shift_right_logical3A_262 = vector.broadcast %shift_right_logical3A_261 : i32 to vector<16xi32>
    %shift_right_logical3A_263 = arith.shrui %get3A_260, %shift_right_logical3A_262 : vector<16xi32>
    %swap3A_264 = arith.constant 64 : index
    %swap3A_265 = tpu.vector_load %arg9[%swap3A_264] {strides = array<i32>} : memref<128xi32, #tpu.memory_space<vmem>>, vector<16xi32>,
    %swap3A_266 = vector.shape_cast %swap3A_265 : vector<16xi32> to vector<16xi32>
    %swap3A_267 = vector.shape_cast %shift_right_logical3A_263 : vector<16xi32> to vector<16xi32>
    tpu.vector_store %arg9[%swap3A_264], %swap3A_267 {strides = array<i32>} : memref<128xi32, #tpu.memory_space<vmem>>, vector<16xi32>,
    %get3A_268 = arith.constant 0 : i32
    %get3A_269 = arith.index_cast %get3A_268 : i32 to index
    %get3A_270 = arith.constant 80 : index
    %get3A_271 = tpu.vector_load %arg6[%get3A_269, %get3A_270] {strides = array<i32>} : memref<114x128xi32, #tpu.memory_space<vmem>>, vector<1x16xi32>,
    %get3A_272 = vector.shape_cast %get3A_271 : vector<1x16xi32> to vector<16xi32>
    %shift_right_logical3A_273 = arith.constant 14 : i32
    %shift_right_logical3A_274 = vector.broadcast %shift_right_logical3A_273 : i32 to vector<16xi32>
    %shift_right_logical3A_275 = arith.shrui %get3A_272, %shift_right_logical3A_274 : vector<16xi32>
    %swap3A_276 = arith.constant 80 : index
    %swap3A_277 = tpu.vector_load %arg9[%swap3A_276] {strides = array<i32>} : memref<128xi32, #tpu.memory_space<vmem>>, vector<16xi32>,
    %swap3A_278 = vector.shape_cast %swap3A_277 : vector<16xi32> to vector<16xi32>
    %swap3A_279 = vector.shape_cast %shift_right_logical3A_275 : vector<16xi32> to vector<16xi32>
    tpu.vector_store %arg9[%swap3A_276], %swap3A_279 {strides = array<i32>} : memref<128xi32, #tpu.memory_space<vmem>>, vector<16xi32>,
    %get3A_280 = arith.constant 0 : i32
    %get3A_281 = arith.index_cast %get3A_280 : i32 to index
    %get3A_282 = arith.constant 96 : index
    %get3A_283 = tpu.vector_load %arg6[%get3A_281, %get3A_282] {strides = array<i32>} : memref<114x128xi32, #tpu.memory_space<vmem>>, vector<1x16xi32>,
    %get3A_284 = vector.shape_cast %get3A_283 : vector<1x16xi32> to vector<16xi32>
    %shift_right_logical3A_285 = arith.constant 14 : i32
    %shift_right_logical3A_286 = vector.broadcast %shift_right_logical3A_285 : i32 to vector<16xi32>
    %shift_right_logical3A_287 = arith.shrui %get3A_284, %shift_right_logical3A_286 : vector<16xi32>
    %swap3A_288 = arith.constant 96 : index
    %swap3A_289 = tpu.vector_load %arg9[%swap3A_288] {strides = array<i32>} : memref<128xi32, #tpu.memory_space<vmem>>, vector<16xi32>,
    %swap3A_290 = vector.shape_cast %swap3A_289 : vector<16xi32> to vector<16xi32>
    %swap3A_291 = vector.shape_cast %shift_right_logical3A_287 : vector<16xi32> to vector<16xi32>
    tpu.vector_store %arg9[%swap3A_288], %swap3A_291 {strides = array<i32>} : memref<128xi32, #tpu.memory_space<vmem>>, vector<16xi32>,
    %get3A_292 = arith.constant 0 : i32
    %get3A_293 = arith.index_cast %get3A_292 : i32 to index
    %get3A_294 = arith.constant 112 : index
    %get3A_295 = tpu.vector_load %arg6[%get3A_293, %get3A_294] {strides = array<i32>} : memref<114x128xi32, #tpu.memory_space<vmem>>, vector<1x16xi32>,
    %get3A_296 = vector.shape_cast %get3A_295 : vector<1x16xi32> to vector<16xi32>
    %shift_right_logical3A_297 = arith.constant 14 : i32
    %shift_right_logical3A_298 = vector.broadcast %shift_right_logical3A_297 : i32 to vector<16xi32>
    %shift_right_logical3A_299 = arith.shrui %get3A_296, %shift_right_logical3A_298 : vector<16xi32>
    %swap3A_300 = arith.constant 112 : index
    %swap3A_301 = tpu.vector_load %arg9[%swap3A_300] {strides = array<i32>} : memref<128xi32, #tpu.memory_space<vmem>>, vector<16xi32>,
    %swap3A_302 = vector.shape_cast %swap3A_301 : vector<16xi32> to vector<16xi32>
    %swap3A_303 = vector.shape_cast %shift_right_logical3A_299 : vector<16xi32> to vector<16xi32>
    tpu.vector_store %arg9[%swap3A_300], %swap3A_303 {strides = array<i32>} : memref<128xi32, #tpu.memory_space<vmem>>, vector<16xi32>,
    %get3A_304 = arith.constant 1 : i32
    %get3A_305 = arith.index_cast %get3A_304 : i32 to index
    %get3A_306 = arith.constant 0 : index
    %get3A_307 = tpu.vector_load %arg6[%get3A_305, %get3A_306] {strides = array<i32>} : memref<114x128xi32, #tpu.memory_space<vmem>>, vector<1x16xi32>,
    %get3A_308 = vector.shape_cast %get3A_307 : vector<1x16xi32> to vector<16xi32>
    %shift_right_logical3A_309 = arith.constant 14 : i32
    %shift_right_logical3A_310 = vector.broadcast %shift_right_logical3A_309 : i32 to vector<16xi32>
    %shift_right_logical3A_311 = arith.shrui %get3A_308, %shift_right_logical3A_310 : vector<16xi32>
    %swap3A_312 = arith.constant 0 : index
    %swap3A_313 = tpu.vector_load %arg10[%swap3A_312] {strides = array<i32>} : memref<128xi32, #tpu.memory_space<vmem>>, vector<16xi32>,
    %swap3A_314 = vector.shape_cast %swap3A_313 : vector<16xi32> to vector<16xi32>
    %swap3A_315 = vector.shape_cast %shift_right_logical3A_311 : vector<16xi32> to vector<16xi32>
    tpu.vector_store %arg10[%swap3A_312], %swap3A_315 {strides = array<i32>} : memref<128xi32, #tpu.memory_space<vmem>>, vector<16xi32>,
    %get3A_316 = arith.constant 1 : i32
    %get3A_317 = arith.index_cast %get3A_316 : i32 to index
    %get3A_318 = arith.constant 16 : index
    %get3A_319 = tpu.vector_load %arg6[%get3A_317, %get3A_318] {strides = array<i32>} : memref<114x128xi32, #tpu.memory_space<vmem>>, vector<1x16xi32>,
    %get3A_320 = vector.shape_cast %get3A_319 : vector<1x16xi32> to vector<16xi32>
    %shift_right_logical3A_321 = arith.constant 14 : i32
    %shift_right_logical3A_322 = vector.broadcast %shift_right_logical3A_321 : i32 to vector<16xi32>
    %shift_right_logical3A_323 = arith.shrui %get3A_320, %shift_right_logical3A_322 : vector<16xi32>
    %swap3A_324 = arith.constant 16 : index
    %swap3A_325 = tpu.vector_load %arg10[%swap3A_324] {strides = array<i32>} : memref<128xi32, #tpu.memory_space<vmem>>, vector<16xi32>,
    %swap3A_326 = vector.shape_cast %swap3A_325 : vector<16xi32> to vector<16xi32>
    %swap3A_327 = vector.shape_cast %shift_right_logical3A_323 : vector<16xi32> to vector<16xi32>
    tpu.vector_store %arg10[%swap3A_324], %swap3A_327 {strides = array<i32>} : memref<128xi32, #tpu.memory_space<vmem>>, vector<16xi32>,
    %get3A_328 = arith.constant 1 : i32
    %get3A_329 = arith.index_cast %get3A_328 : i32 to index
    %get3A_330 = arith.constant 32 : index
    %get3A_331 = tpu.vector_load %arg6[%get3A_329, %get3A_330] {strides = array<i32>} : memref<114x128xi32, #tpu.memory_space<vmem>>, vector<1x16xi32>,
    %get3A_332 = vector.shape_cast %get3A_331 : vector<1x16xi32> to vector<16xi32>
    %shift_right_logical3A_333 = arith.constant 14 : i32
    %shift_right_logical3A_334 = vector.broadcast %shift_right_logical3A_333 : i32 to vector<16xi32>
    %shift_right_logical3A_335 = arith.shrui %get3A_332, %shift_right_logical3A_334 : vector<16xi32>
    %swap3A_336 = arith.constant 32 : index
    %swap3A_337 = tpu.vector_load %arg10[%swap3A_336] {strides = array<i32>} : memref<128xi32, #tpu.memory_space<vmem>>, vector<16xi32>,
    %swap3A_338 = vector.shape_cast %swap3A_337 : vector<16xi32> to vector<16xi32>
    %swap3A_339 = vector.shape_cast %shift_right_logical3A_335 : vector<16xi32> to vector<16xi32>
    tpu.vector_store %arg10[%swap3A_336], %swap3A_339 {strides = array<i32>} : memref<128xi32, #tpu.memory_space<vmem>>, vector<16xi32>,
    %get3A_340 = arith.constant 1 : i32
    %get3A_341 = arith.index_cast %get3A_340 : i32 to index
    %get3A_342 = arith.constant 48 : index
    %get3A_343 = tpu.vector_load %arg6[%get3A_341, %get3A_342] {strides = array<i32>} : memref<114x128xi32, #tpu.memory_space<vmem>>, vector<1x16xi32>,
    %get3A_344 = vector.shape_cast %get3A_343 : vector<1x16xi32> to vector<16xi32>
    %shift_right_logical3A_345 = arith.constant 14 : i32
    %shift_right_logical3A_346 = vector.broadcast %shift_right_logical3A_345 : i32 to vector<16xi32>
    %shift_right_logical3A_347 = arith.shrui %get3A_344, %shift_right_logical3A_346 : vector<16xi32>
    %swap3A_348 = arith.constant 48 : index
    %swap3A_349 = tpu.vector_load %arg10[%swap3A_348] {strides = array<i32>} : memref<128xi32, #tpu.memory_space<vmem>>, vector<16xi32>,
    %swap3A_350 = vector.shape_cast %swap3A_349 : vector<16xi32> to vector<16xi32>
    %swap3A_351 = vector.shape_cast %shift_right_logical3A_347 : vector<16xi32> to vector<16xi32>
    tpu.vector_store %arg10[%swap3A_348], %swap3A_351 {strides = array<i32>} : memref<128xi32, #tpu.memory_space<vmem>>, vector<16xi32>,
    %get3A_352 = arith.constant 1 : i32
    %get3A_353 = arith.index_cast %get3A_352 : i32 to index
    %get3A_354 = arith.constant 64 : index
    %get3A_355 = tpu.vector_load %arg6[%get3A_353, %get3A_354] {strides = array<i32>} : memref<114x128xi32, #tpu.memory_space<vmem>>, vector<1x16xi32>,
    %get3A_356 = vector.shape_cast %get3A_355 : vector<1x16xi32> to vector<16xi32>
    %shift_right_logical3A_357 = arith.constant 14 : i32
    %shift_right_logical3A_358 = vector.broadcast %shift_right_logical3A_357 : i32 to vector<16xi32>
    %shift_right_logical3A_359 = arith.shrui %get3A_356, %shift_right_logical3A_358 : vector<16xi32>
    %swap3A_360 = arith.constant 64 : index
    %swap3A_361 = tpu.vector_load %arg10[%swap3A_360] {strides = array<i32>} : memref<128xi32, #tpu.memory_space<vmem>>, vector<16xi32>,
    %swap3A_362 = vector.shape_cast %swap3A_361 : vector<16xi32> to vector<16xi32>
    %swap3A_363 = vector.shape_cast %shift_right_logical3A_359 : vector<16xi32> to vector<16xi32>
    tpu.vector_store %arg10[%swap3A_360], %swap3A_363 {strides = array<i32>} : memref<128xi32, #tpu.memory_space<vmem>>, vector<16xi32>,
    %get3A_364 = arith.constant 1 : i32
    %get3A_365 = arith.index_cast %get3A_364 : i32 to index
    %get3A_366 = arith.constant 80 : index
    %get3A_367 = tpu.vector_load %arg6[%get3A_365, %get3A_366] {strides = array<i32>} : memref<114x128xi32, #tpu.memory_space<vmem>>, vector<1x16xi32>,
    %get3A_368 = vector.shape_cast %get3A_367 : vector<1x16xi32> to vector<16xi32>
    %shift_right_logical3A_369 = arith.constant 14 : i32
    %shift_right_logical3A_370 = vector.broadcast %shift_right_logical3A_369 : i32 to vector<16xi32>
    %shift_right_logical3A_371 = arith.shrui %get3A_368, %shift_right_logical3A_370 : vector<16xi32>
    %swap3A_372 = arith.constant 80 : index
    %swap3A_373 = tpu.vector_load %arg10[%swap3A_372] {strides = array<i32>} : memref<128xi32, #tpu.memory_space<vmem>>, vector<16xi32>,
    %swap3A_374 = vector.shape_cast %swap3A_373 : vector<16xi32> to vector<16xi32>
    %swap3A_375 = vector.shape_cast %shift_right_logical3A_371 : vector<16xi32> to vector<16xi32>
    tpu.vector_store %arg10[%swap3A_372], %swap3A_375 {strides = array<i32>} : memref<128xi32, #tpu.memory_space<vmem>>, vector<16xi32>,
    %get3A_376 = arith.constant 1 : i32
    %get3A_377 = arith.index_cast %get3A_376 : i32 to index
    %get3A_378 = arith.constant 96 : index
    %get3A_379 = tpu.vector_load %arg6[%get3A_377, %get3A_378] {strides = array<i32>} : memref<114x128xi32, #tpu.memory_space<vmem>>, vector<1x16xi32>,
    %get3A_380 = vector.shape_cast %get3A_379 : vector<1x16xi32> to vector<16xi32>
    %shift_right_logical3A_381 = arith.constant 14 : i32
    %shift_right_logical3A_382 = vector.broadcast %shift_right_logical3A_381 : i32 to vector<16xi32>
    %shift_right_logical3A_383 = arith.shrui %get3A_380, %shift_right_logical3A_382 : vector<16xi32>
    %swap3A_384 = arith.constant 96 : index
    %swap3A_385 = tpu.vector_load %arg10[%swap3A_384] {strides = array<i32>} : memref<128xi32, #tpu.memory_space<vmem>>, vector<16xi32>,
    %swap3A_386 = vector.shape_cast %swap3A_385 : vector<16xi32> to vector<16xi32>
    %swap3A_387 = vector.shape_cast %shift_right_logical3A_383 : vector<16xi32> to vector<16xi32>
    tpu.vector_store %arg10[%swap3A_384], %swap3A_387 {strides = array<i32>} : memref<128xi32, #tpu.memory_space<vmem>>, vector<16xi32>,
    %get3A_388 = arith.constant 1 : i32
    %get3A_389 = arith.index_cast %get3A_388 : i32 to index
    %get3A_390 = arith.constant 112 : index
    %get3A_391 = tpu.vector_load %arg6[%get3A_389, %get3A_390] {strides = array<i32>} : memref<114x128xi32, #tpu.memory_space<vmem>>, vector<1x16xi32>,
    %get3A_392 = vector.shape_cast %get3A_391 : vector<1x16xi32> to vector<16xi32>
    %shift_right_logical3A_393 = arith.constant 14 : i32
    %shift_right_logical3A_394 = vector.broadcast %shift_right_logical3A_393 : i32 to vector<16xi32>
    %shift_right_logical3A_395 = arith.shrui %get3A_392, %shift_right_logical3A_394 : vector<16xi32>
    %swap3A_396 = arith.constant 112 : index
    %swap3A_397 = tpu.vector_load %arg10[%swap3A_396] {strides = array<i32>} : memref<128xi32, #tpu.memory_space<vmem>>, vector<16xi32>,
    %swap3A_398 = vector.shape_cast %swap3A_397 : vector<16xi32> to vector<16xi32>
    %swap3A_399 = vector.shape_cast %shift_right_logical3A_395 : vector<16xi32> to vector<16xi32>
    tpu.vector_store %arg10[%swap3A_396], %swap3A_399 {strides = array<i32>} : memref<128xi32, #tpu.memory_space<vmem>>, vector<16xi32>,
    %jit3A_400 = arith.constant 2 : i32
    %div3A = arith.divsi %select_n3A, %jit3A_400 : i32
    %sign3A = arith.constant 0 : i32
    %sign3A_401 = arith.cmpi sgt, %select_n3A, %sign3A : i32
    %sign3A_402 = arith.extui %sign3A_401 : i1 to i32
    %sign3A_403 = arith.constant 0 : i32
    %sign3A_404 = arith.cmpi slt, %select_n3A, %sign3A_403 : i32
    %sign3A_405 = arith.extui %sign3A_404 : i1 to i32
    %sign3A_406 = arith.subi %sign3A_402, %sign3A_405 : i32
    %sign3A_407 = arith.constant 0 : i32
    %sign3A_408 = arith.cmpi sgt, %jit3A_400, %sign3A_407 : i32
    %sign3A_409 = arith.extui %sign3A_408 : i1 to i32
    %sign3A_410 = arith.constant 0 : i32
    %sign3A_411 = arith.cmpi slt, %jit3A_400, %sign3A_410 : i32
    %sign3A_412 = arith.extui %sign3A_411 : i1 to i32
    %sign3A_413 = arith.subi %sign3A_409, %sign3A_412 : i32
    %ne3A = arith.cmpi ne, %sign3A_406, %sign3A_413 : i32
    %rem3A = arith.remsi %select_n3A, %jit3A_400 : i32
    %ne3A_414 = arith.constant 0 : i32
    %ne3A_415 = arith.cmpi ne, %rem3A, %ne3A_414 : i32
    %and3A_416 = arith.andi %ne3A, %ne3A_415 : i1
    %sub3A = arith.constant 1 : i32
    %sub3A_417 = arith.subi %div3A, %sub3A : i32
    %select_n3A_418 = arith.select %and3A_416, %sub3A_417, %div3A : i32
    %while3A = arith.constant 0 : i32
    %while3A_419 = arith.constant 0 : i32
    %while3A_420 = arith.subi %select_n3A_418, %while3A : i32
    %while3A_421 = arith.addi %while3A, %while3A_420 : i32
    %while3A_422 = arith.constant 1 : i32
    %while3A_423 = arith.divsi %while3A_420, %while3A_422 : i32
    %while3A_424 = arith.muli %while3A_423, %while3A_422 : i32
    %while3A_425 = arith.addi %while3A, %while3A_424 : i32
    %while3A_426 = arith.constant 1 : i32
    %while3A_427 = scf.for %while3A_451 = %while3A to %while3A_425 step %while3A_426 iter_args(%while3A_452 = %while3A_419) -> (i32)  : i32 {
      %mul3A_453 = arith.constant 2 : i32
      %mul3A_454 = arith.muli %mul3A_453, %while3A_451 : i32
      tpu.wait_dma2 semaphore(%arg14 : memref<!tpu.dma_semaphore, #tpu.memory_space<semaphore_mem>>) src(%arg4 : memref<128x64xf32, #tpu.memory_space<hbm>>) dst(%arg11 : memref<128x64xf32, #tpu.memory_space<vmem>>)
      %add3A_455 = arith.constant 2 : i32
      %add3A_456 = arith.addi %mul3A_454, %add3A_455 : i32
      %lt3A = arith.cmpi slt, %add3A_456, %select_n3A : i32
      %convert_element_type3A = arith.extui %lt3A : i1 to i32
      %cond3A = arith.constant 0 : i32
      %cond3A_457 = arith.cmpi ne, %convert_element_type3A, %cond3A : i32
      scf.if %cond3A_457 {
        %add3A_477 = arith.constant 2 : i32
        %add3A_478 = arith.addi %mul3A_454, %add3A_477 : i32
        %get3A_479 = arith.index_cast %add3A_478 : i32 to index
        %get3A_480 = arith.constant 0 : index
        %get3A_481 = tpu.vector_load %arg6[%get3A_479, %get3A_480] {strides = array<i32>} : memref<114x128xi32, #tpu.memory_space<vmem>>, vector<1x16xi32>,
        %get3A_482 = vector.shape_cast %get3A_481 : vector<1x16xi32> to vector<16xi32>
        %and3A_483 = arith.constant 16383 : i32
        %and3A_484 = vector.broadcast %and3A_483 : i32 to vector<16xi32>
        %and3A_485 = arith.andi %get3A_482, %and3A_484 : vector<16xi32>
        %swap3A_486 = arith.constant 0 : index
        %swap3A_487 = tpu.vector_load %arg7[%swap3A_486] {strides = array<i32>} : memref<128xi32, #tpu.memory_space<vmem>>, vector<16xi32>,
        %swap3A_488 = vector.shape_cast %swap3A_487 : vector<16xi32> to vector<16xi32>
        %swap3A_489 = vector.shape_cast %and3A_485 : vector<16xi32> to vector<16xi32>
        tpu.vector_store %arg7[%swap3A_486], %swap3A_489 {strides = array<i32>} : memref<128xi32, #tpu.memory_space<vmem>>, vector<16xi32>,
        %get3A_490 = arith.index_cast %add3A_478 : i32 to index
        %get3A_491 = arith.constant 16 : index
        %get3A_492 = tpu.vector_load %arg6[%get3A_490, %get3A_491] {strides = array<i32>} : memref<114x128xi32, #tpu.memory_space<vmem>>, vector<1x16xi32>,
        %get3A_493 = vector.shape_cast %get3A_492 : vector<1x16xi32> to vector<16xi32>
        %and3A_494 = arith.constant 16383 : i32
        %and3A_495 = vector.broadcast %and3A_494 : i32 to vector<16xi32>
        %and3A_496 = arith.andi %get3A_493, %and3A_495 : vector<16xi32>
        %swap3A_497 = arith.constant 16 : index
        %swap3A_498 = tpu.vector_load %arg7[%swap3A_497] {strides = array<i32>} : memref<128xi32, #tpu.memory_space<vmem>>, vector<16xi32>,
        %swap3A_499 = vector.shape_cast %swap3A_498 : vector<16xi32> to vector<16xi32>
        %swap3A_500 = vector.shape_cast %and3A_496 : vector<16xi32> to vector<16xi32>
        tpu.vector_store %arg7[%swap3A_497], %swap3A_500 {strides = array<i32>} : memref<128xi32, #tpu.memory_space<vmem>>, vector<16xi32>,
        %get3A_501 = arith.index_cast %add3A_478 : i32 to index
        %get3A_502 = arith.constant 32 : index
        %get3A_503 = tpu.vector_load %arg6[%get3A_501, %get3A_502] {strides = array<i32>} : memref<114x128xi32, #tpu.memory_space<vmem>>, vector<1x16xi32>,
        %get3A_504 = vector.shape_cast %get3A_503 : vector<1x16xi32> to vector<16xi32>
        %and3A_505 = arith.constant 16383 : i32
        %and3A_506 = vector.broadcast %and3A_505 : i32 to vector<16xi32>
        %and3A_507 = arith.andi %get3A_504, %and3A_506 : vector<16xi32>
        %swap3A_508 = arith.constant 32 : index
        %swap3A_509 = tpu.vector_load %arg7[%swap3A_508] {strides = array<i32>} : memref<128xi32, #tpu.memory_space<vmem>>, vector<16xi32>,
        %swap3A_510 = vector.shape_cast %swap3A_509 : vector<16xi32> to vector<16xi32>
        %swap3A_511 = vector.shape_cast %and3A_507 : vector<16xi32> to vector<16xi32>
        tpu.vector_store %arg7[%swap3A_508], %swap3A_511 {strides = array<i32>} : memref<128xi32, #tpu.memory_space<vmem>>, vector<16xi32>,
        %get3A_512 = arith.index_cast %add3A_478 : i32 to index
        %get3A_513 = arith.constant 48 : index
        %get3A_514 = tpu.vector_load %arg6[%get3A_512, %get3A_513] {strides = array<i32>} : memref<114x128xi32, #tpu.memory_space<vmem>>, vector<1x16xi32>,
        %get3A_515 = vector.shape_cast %get3A_514 : vector<1x16xi32> to vector<16xi32>
        %and3A_516 = arith.constant 16383 : i32
        %and3A_517 = vector.broadcast %and3A_516 : i32 to vector<16xi32>
        %and3A_518 = arith.andi %get3A_515, %and3A_517 : vector<16xi32>
        %swap3A_519 = arith.constant 48 : index
        %swap3A_520 = tpu.vector_load %arg7[%swap3A_519] {strides = array<i32>} : memref<128xi32, #tpu.memory_space<vmem>>, vector<16xi32>,
        %swap3A_521 = vector.shape_cast %swap3A_520 : vector<16xi32> to vector<16xi32>
        %swap3A_522 = vector.shape_cast %and3A_518 : vector<16xi32> to vector<16xi32>
        tpu.vector_store %arg7[%swap3A_519], %swap3A_522 {strides = array<i32>} : memref<128xi32, #tpu.memory_space<vmem>>, vector<16xi32>,
        %get3A_523 = arith.index_cast %add3A_478 : i32 to index
        %get3A_524 = arith.constant 64 : index
        %get3A_525 = tpu.vector_load %arg6[%get3A_523, %get3A_524] {strides = array<i32>} : memref<114x128xi32, #tpu.memory_space<vmem>>, vector<1x16xi32>,
        %get3A_526 = vector.shape_cast %get3A_525 : vector<1x16xi32> to vector<16xi32>
        %and3A_527 = arith.constant 16383 : i32
        %and3A_528 = vector.broadcast %and3A_527 : i32 to vector<16xi32>
        %and3A_529 = arith.andi %get3A_526, %and3A_528 : vector<16xi32>
        %swap3A_530 = arith.constant 64 : index
        %swap3A_531 = tpu.vector_load %arg7[%swap3A_530] {strides = array<i32>} : memref<128xi32, #tpu.memory_space<vmem>>, vector<16xi32>,
        %swap3A_532 = vector.shape_cast %swap3A_531 : vector<16xi32> to vector<16xi32>
        %swap3A_533 = vector.shape_cast %and3A_529 : vector<16xi32> to vector<16xi32>
        tpu.vector_store %arg7[%swap3A_530], %swap3A_533 {strides = array<i32>} : memref<128xi32, #tpu.memory_space<vmem>>, vector<16xi32>,
        %get3A_534 = arith.index_cast %add3A_478 : i32 to index
        %get3A_535 = arith.constant 80 : index
        %get3A_536 = tpu.vector_load %arg6[%get3A_534, %get3A_535] {strides = array<i32>} : memref<114x128xi32, #tpu.memory_space<vmem>>, vector<1x16xi32>,
        %get3A_537 = vector.shape_cast %get3A_536 : vector<1x16xi32> to vector<16xi32>
        %and3A_538 = arith.constant 16383 : i32
        %and3A_539 = vector.broadcast %and3A_538 : i32 to vector<16xi32>
        %and3A_540 = arith.andi %get3A_537, %and3A_539 : vector<16xi32>
        %swap3A_541 = arith.constant 80 : index
        %swap3A_542 = tpu.vector_load %arg7[%swap3A_541] {strides = array<i32>} : memref<128xi32, #tpu.memory_space<vmem>>, vector<16xi32>,
        %swap3A_543 = vector.shape_cast %swap3A_542 : vector<16xi32> to vector<16xi32>
        %swap3A_544 = vector.shape_cast %and3A_540 : vector<16xi32> to vector<16xi32>
        tpu.vector_store %arg7[%swap3A_541], %swap3A_544 {strides = array<i32>} : memref<128xi32, #tpu.memory_space<vmem>>, vector<16xi32>,
        %get3A_545 = arith.index_cast %add3A_478 : i32 to index
        %get3A_546 = arith.constant 96 : index
        %get3A_547 = tpu.vector_load %arg6[%get3A_545, %get3A_546] {strides = array<i32>} : memref<114x128xi32, #tpu.memory_space<vmem>>, vector<1x16xi32>,
        %get3A_548 = vector.shape_cast %get3A_547 : vector<1x16xi32> to vector<16xi32>
        %and3A_549 = arith.constant 16383 : i32
        %and3A_550 = vector.broadcast %and3A_549 : i32 to vector<16xi32>
        %and3A_551 = arith.andi %get3A_548, %and3A_550 : vector<16xi32>
        %swap3A_552 = arith.constant 96 : index
        %swap3A_553 = tpu.vector_load %arg7[%swap3A_552] {strides = array<i32>} : memref<128xi32, #tpu.memory_space<vmem>>, vector<16xi32>,
        %swap3A_554 = vector.shape_cast %swap3A_553 : vector<16xi32> to vector<16xi32>
        %swap3A_555 = vector.shape_cast %and3A_551 : vector<16xi32> to vector<16xi32>
        tpu.vector_store %arg7[%swap3A_552], %swap3A_555 {strides = array<i32>} : memref<128xi32, #tpu.memory_space<vmem>>, vector<16xi32>,
        %get3A_556 = arith.index_cast %add3A_478 : i32 to index
        %get3A_557 = arith.constant 112 : index
        %get3A_558 = tpu.vector_load %arg6[%get3A_556, %get3A_557] {strides = array<i32>} : memref<114x128xi32, #tpu.memory_space<vmem>>, vector<1x16xi32>,
        %get3A_559 = vector.shape_cast %get3A_558 : vector<1x16xi32> to vector<16xi32>
        %and3A_560 = arith.constant 16383 : i32
        %and3A_561 = vector.broadcast %and3A_560 : i32 to vector<16xi32>
        %and3A_562 = arith.andi %get3A_559, %and3A_561 : vector<16xi32>
        %swap3A_563 = arith.constant 112 : index
        %swap3A_564 = tpu.vector_load %arg7[%swap3A_563] {strides = array<i32>} : memref<128xi32, #tpu.memory_space<vmem>>, vector<16xi32>,
        %swap3A_565 = vector.shape_cast %swap3A_564 : vector<16xi32> to vector<16xi32>
        %swap3A_566 = vector.shape_cast %and3A_562 : vector<16xi32> to vector<16xi32>
        tpu.vector_store %arg7[%swap3A_563], %swap3A_566 {strides = array<i32>} : memref<128xi32, #tpu.memory_space<vmem>>, vector<16xi32>,
        %add3A_567 = arith.constant 2 : i32
        %add3A_568 = arith.addi %mul3A_454, %add3A_567 : i32
        %dma_start3A_569 = arith.constant 0 : i32
        %dma_start3A_570 = arith.constant 0 : i32
        %dma_start3A_571 = tpu.memref_slice %arg2[%dma_start3A_569, %dma_start3A_570] : memref<10000x64xf32, #tpu.memory_space<hbm>> -> memref<10000x64xf32, #tpu.memory_space<hbm>>
        tpu.enqueue_indirect_dma source(%dma_start3A_571 : memref<10000x64xf32, #tpu.memory_space<hbm>>) target(%arg11 : memref<128x64xf32, #tpu.memory_space<vmem>>) offsets(%arg7 : memref<128xi32, #tpu.memory_space<vmem>>) semaphore(%arg14 : memref<!tpu.dma_semaphore, #tpu.memory_space<semaphore_mem>>)
      } else {
      }
      "tpu.region"() ({
        %run_scoped3A = tpu.sem_alloc : memref<!tpu.dma_semaphore, #tpu.memory_space<semaphore_mem>>
        %dma_start3A_477 = arith.constant 0 : i32
        %dma_start3A_478 = arith.constant 0 : i32
        %dma_start3A_479 = tpu.memref_slice %arg13[%dma_start3A_477, %dma_start3A_478] : memref<10240x64xf32, #tpu.memory_space<vmem_shared>> -> memref<10240x64xf32, #tpu.memory_space<vmem_shared>>
        tpu.enqueue_indirect_dma source(%arg11 : memref<128x64xf32, #tpu.memory_space<vmem>>) target(%dma_start3A_479 : memref<10240x64xf32, #tpu.memory_space<vmem_shared>>) offsets(%arg9 : memref<128xi32, #tpu.memory_space<vmem>>) semaphore(%run_scoped3A : memref<!tpu.dma_semaphore, #tpu.memory_space<semaphore_mem>>) {add = true}
        %dma_wait3A = arith.constant 0 : i32
        %dma_wait3A_480 = arith.constant 0 : i32
        %dma_wait3A_481 = tpu.memref_slice %arg13[%dma_wait3A, %dma_wait3A_480] : memref<10240x64xf32, #tpu.memory_space<vmem_shared>> -> memref<10240x64xf32, #tpu.memory_space<vmem_shared>>
        tpu.wait_indirect_dma semaphore(%run_scoped3A : memref<!tpu.dma_semaphore, #tpu.memory_space<semaphore_mem>>) src(%arg11 : memref<128x64xf32, #tpu.memory_space<vmem>>) dst(%dma_wait3A_481 : memref<10240x64xf32, #tpu.memory_space<vmem_shared>>)
        tpu.yield
      }) : () -> ()
      %add3A_458 = arith.constant 2 : i32
      %add3A_459 = arith.addi %mul3A_454, %add3A_458 : i32
      %lt3A_460 = arith.cmpi slt, %add3A_459, %select_n3A : i32
      %convert_element_type3A_461 = arith.extui %lt3A_460 : i1 to i32
      %cond3A_462 = arith.constant 0 : i32
      %cond3A_463 = arith.cmpi ne, %convert_element_type3A_461, %cond3A_462 : i32
      scf.if %cond3A_463 {
        %add3A_477 = arith.constant 2 : i32
        %add3A_478 = arith.addi %mul3A_454, %add3A_477 : i32
        %get3A_479 = arith.index_cast %add3A_478 : i32 to index
        %get3A_480 = arith.constant 0 : index
        %get3A_481 = tpu.vector_load %arg6[%get3A_479, %get3A_480] {strides = array<i32>} : memref<114x128xi32, #tpu.memory_space<vmem>>, vector<1x16xi32>,
        %get3A_482 = vector.shape_cast %get3A_481 : vector<1x16xi32> to vector<16xi32>
        %shift_right_logical3A_483 = arith.constant 14 : i32
        %shift_right_logical3A_484 = vector.broadcast %shift_right_logical3A_483 : i32 to vector<16xi32>
        %shift_right_logical3A_485 = arith.shrui %get3A_482, %shift_right_logical3A_484 : vector<16xi32>
        %swap3A_486 = arith.constant 0 : index
        %swap3A_487 = tpu.vector_load %arg9[%swap3A_486] {strides = array<i32>} : memref<128xi32, #tpu.memory_space<vmem>>, vector<16xi32>,
        %swap3A_488 = vector.shape_cast %swap3A_487 : vector<16xi32> to vector<16xi32>
        %swap3A_489 = vector.shape_cast %shift_right_logical3A_485 : vector<16xi32> to vector<16xi32>
        tpu.vector_store %arg9[%swap3A_486], %swap3A_489 {strides = array<i32>} : memref<128xi32, #tpu.memory_space<vmem>>, vector<16xi32>,
        %get3A_490 = arith.index_cast %add3A_478 : i32 to index
        %get3A_491 = arith.constant 16 : index
        %get3A_492 = tpu.vector_load %arg6[%get3A_490, %get3A_491] {strides = array<i32>} : memref<114x128xi32, #tpu.memory_space<vmem>>, vector<1x16xi32>,
        %get3A_493 = vector.shape_cast %get3A_492 : vector<1x16xi32> to vector<16xi32>
        %shift_right_logical3A_494 = arith.constant 14 : i32
        %shift_right_logical3A_495 = vector.broadcast %shift_right_logical3A_494 : i32 to vector<16xi32>
        %shift_right_logical3A_496 = arith.shrui %get3A_493, %shift_right_logical3A_495 : vector<16xi32>
        %swap3A_497 = arith.constant 16 : index
        %swap3A_498 = tpu.vector_load %arg9[%swap3A_497] {strides = array<i32>} : memref<128xi32, #tpu.memory_space<vmem>>, vector<16xi32>,
        %swap3A_499 = vector.shape_cast %swap3A_498 : vector<16xi32> to vector<16xi32>
        %swap3A_500 = vector.shape_cast %shift_right_logical3A_496 : vector<16xi32> to vector<16xi32>
        tpu.vector_store %arg9[%swap3A_497], %swap3A_500 {strides = array<i32>} : memref<128xi32, #tpu.memory_space<vmem>>, vector<16xi32>,
        %get3A_501 = arith.index_cast %add3A_478 : i32 to index
        %get3A_502 = arith.constant 32 : index
        %get3A_503 = tpu.vector_load %arg6[%get3A_501, %get3A_502] {strides = array<i32>} : memref<114x128xi32, #tpu.memory_space<vmem>>, vector<1x16xi32>,
        %get3A_504 = vector.shape_cast %get3A_503 : vector<1x16xi32> to vector<16xi32>
        %shift_right_logical3A_505 = arith.constant 14 : i32
        %shift_right_logical3A_506 = vector.broadcast %shift_right_logical3A_505 : i32 to vector<16xi32>
        %shift_right_logical3A_507 = arith.shrui %get3A_504, %shift_right_logical3A_506 : vector<16xi32>
        %swap3A_508 = arith.constant 32 : index
        %swap3A_509 = tpu.vector_load %arg9[%swap3A_508] {strides = array<i32>} : memref<128xi32, #tpu.memory_space<vmem>>, vector<16xi32>,
        %swap3A_510 = vector.shape_cast %swap3A_509 : vector<16xi32> to vector<16xi32>
        %swap3A_511 = vector.shape_cast %shift_right_logical3A_507 : vector<16xi32> to vector<16xi32>
        tpu.vector_store %arg9[%swap3A_508], %swap3A_511 {strides = array<i32>} : memref<128xi32, #tpu.memory_space<vmem>>, vector<16xi32>,
        %get3A_512 = arith.index_cast %add3A_478 : i32 to index
        %get3A_513 = arith.constant 48 : index
        %get3A_514 = tpu.vector_load %arg6[%get3A_512, %get3A_513] {strides = array<i32>} : memref<114x128xi32, #tpu.memory_space<vmem>>, vector<1x16xi32>,
        %get3A_515 = vector.shape_cast %get3A_514 : vector<1x16xi32> to vector<16xi32>
        %shift_right_logical3A_516 = arith.constant 14 : i32
        %shift_right_logical3A_517 = vector.broadcast %shift_right_logical3A_516 : i32 to vector<16xi32>
        %shift_right_logical3A_518 = arith.shrui %get3A_515, %shift_right_logical3A_517 : vector<16xi32>
        %swap3A_519 = arith.constant 48 : index
        %swap3A_520 = tpu.vector_load %arg9[%swap3A_519] {strides = array<i32>} : memref<128xi32, #tpu.memory_space<vmem>>, vector<16xi32>,
        %swap3A_521 = vector.shape_cast %swap3A_520 : vector<16xi32> to vector<16xi32>
        %swap3A_522 = vector.shape_cast %shift_right_logical3A_518 : vector<16xi32> to vector<16xi32>
        tpu.vector_store %arg9[%swap3A_519], %swap3A_522 {strides = array<i32>} : memref<128xi32, #tpu.memory_space<vmem>>, vector<16xi32>,
        %get3A_523 = arith.index_cast %add3A_478 : i32 to index
        %get3A_524 = arith.constant 64 : index
        %get3A_525 = tpu.vector_load %arg6[%get3A_523, %get3A_524] {strides = array<i32>} : memref<114x128xi32, #tpu.memory_space<vmem>>, vector<1x16xi32>,
        %get3A_526 = vector.shape_cast %get3A_525 : vector<1x16xi32> to vector<16xi32>
        %shift_right_logical3A_527 = arith.constant 14 : i32
        %shift_right_logical3A_528 = vector.broadcast %shift_right_logical3A_527 : i32 to vector<16xi32>
        %shift_right_logical3A_529 = arith.shrui %get3A_526, %shift_right_logical3A_528 : vector<16xi32>
        %swap3A_530 = arith.constant 64 : index
        %swap3A_531 = tpu.vector_load %arg9[%swap3A_530] {strides = array<i32>} : memref<128xi32, #tpu.memory_space<vmem>>, vector<16xi32>,
        %swap3A_532 = vector.shape_cast %swap3A_531 : vector<16xi32> to vector<16xi32>
        %swap3A_533 = vector.shape_cast %shift_right_logical3A_529 : vector<16xi32> to vector<16xi32>
        tpu.vector_store %arg9[%swap3A_530], %swap3A_533 {strides = array<i32>} : memref<128xi32, #tpu.memory_space<vmem>>, vector<16xi32>,
        %get3A_534 = arith.index_cast %add3A_478 : i32 to index
        %get3A_535 = arith.constant 80 : index
        %get3A_536 = tpu.vector_load %arg6[%get3A_534, %get3A_535] {strides = array<i32>} : memref<114x128xi32, #tpu.memory_space<vmem>>, vector<1x16xi32>,
        %get3A_537 = vector.shape_cast %get3A_536 : vector<1x16xi32> to vector<16xi32>
        %shift_right_logical3A_538 = arith.constant 14 : i32
        %shift_right_logical3A_539 = vector.broadcast %shift_right_logical3A_538 : i32 to vector<16xi32>
        %shift_right_logical3A_540 = arith.shrui %get3A_537, %shift_right_logical3A_539 : vector<16xi32>
        %swap3A_541 = arith.constant 80 : index
        %swap3A_542 = tpu.vector_load %arg9[%swap3A_541] {strides = array<i32>} : memref<128xi32, #tpu.memory_space<vmem>>, vector<16xi32>,
        %swap3A_543 = vector.shape_cast %swap3A_542 : vector<16xi32> to vector<16xi32>
        %swap3A_544 = vector.shape_cast %shift_right_logical3A_540 : vector<16xi32> to vector<16xi32>
        tpu.vector_store %arg9[%swap3A_541], %swap3A_544 {strides = array<i32>} : memref<128xi32, #tpu.memory_space<vmem>>, vector<16xi32>,
        %get3A_545 = arith.index_cast %add3A_478 : i32 to index
        %get3A_546 = arith.constant 96 : index
        %get3A_547 = tpu.vector_load %arg6[%get3A_545, %get3A_546] {strides = array<i32>} : memref<114x128xi32, #tpu.memory_space<vmem>>, vector<1x16xi32>,
        %get3A_548 = vector.shape_cast %get3A_547 : vector<1x16xi32> to vector<16xi32>
        %shift_right_logical3A_549 = arith.constant 14 : i32
        %shift_right_logical3A_550 = vector.broadcast %shift_right_logical3A_549 : i32 to vector<16xi32>
        %shift_right_logical3A_551 = arith.shrui %get3A_548, %shift_right_logical3A_550 : vector<16xi32>
        %swap3A_552 = arith.constant 96 : index
        %swap3A_553 = tpu.vector_load %arg9[%swap3A_552] {strides = array<i32>} : memref<128xi32, #tpu.memory_space<vmem>>, vector<16xi32>,
        %swap3A_554 = vector.shape_cast %swap3A_553 : vector<16xi32> to vector<16xi32>
        %swap3A_555 = vector.shape_cast %shift_right_logical3A_551 : vector<16xi32> to vector<16xi32>
        tpu.vector_store %arg9[%swap3A_552], %swap3A_555 {strides = array<i32>} : memref<128xi32, #tpu.memory_space<vmem>>, vector<16xi32>,
        %get3A_556 = arith.index_cast %add3A_478 : i32 to index
        %get3A_557 = arith.constant 112 : index
        %get3A_558 = tpu.vector_load %arg6[%get3A_556, %get3A_557] {strides = array<i32>} : memref<114x128xi32, #tpu.memory_space<vmem>>, vector<1x16xi32>,
        %get3A_559 = vector.shape_cast %get3A_558 : vector<1x16xi32> to vector<16xi32>
        %shift_right_logical3A_560 = arith.constant 14 : i32
        %shift_right_logical3A_561 = vector.broadcast %shift_right_logical3A_560 : i32 to vector<16xi32>
        %shift_right_logical3A_562 = arith.shrui %get3A_559, %shift_right_logical3A_561 : vector<16xi32>
        %swap3A_563 = arith.constant 112 : index
        %swap3A_564 = tpu.vector_load %arg9[%swap3A_563] {strides = array<i32>} : memref<128xi32, #tpu.memory_space<vmem>>, vector<16xi32>,
        %swap3A_565 = vector.shape_cast %swap3A_564 : vector<16xi32> to vector<16xi32>
        %swap3A_566 = vector.shape_cast %shift_right_logical3A_562 : vector<16xi32> to vector<16xi32>
        tpu.vector_store %arg9[%swap3A_563], %swap3A_566 {strides = array<i32>} : memref<128xi32, #tpu.memory_space<vmem>>, vector<16xi32>,
      } else {
      }
      tpu.wait_dma2 semaphore(%arg15 : memref<!tpu.dma_semaphore, #tpu.memory_space<semaphore_mem>>) src(%arg4 : memref<128x64xf32, #tpu.memory_space<hbm>>) dst(%arg12 : memref<128x64xf32, #tpu.memory_space<vmem>>)
      %add3A_464 = arith.constant 3 : i32
      %add3A_465 = arith.addi %mul3A_454, %add3A_464 : i32
      %lt3A_466 = arith.cmpi slt, %add3A_465, %select_n3A : i32
      %convert_element_type3A_467 = arith.extui %lt3A_466 : i1 to i32
      %cond3A_468 = arith.constant 0 : i32
      %cond3A_469 = arith.cmpi ne, %convert_element_type3A_467, %cond3A_468 : i32
      scf.if %cond3A_469 {
        %add3A_477 = arith.constant 3 : i32
        %add3A_478 = arith.addi %mul3A_454, %add3A_477 : i32
        %get3A_479 = arith.index_cast %add3A_478 : i32 to index
        %get3A_480 = arith.constant 0 : index
        %get3A_481 = tpu.vector_load %arg6[%get3A_479, %get3A_480] {strides = array<i32>} : memref<114x128xi32, #tpu.memory_space<vmem>>, vector<1x16xi32>,
        %get3A_482 = vector.shape_cast %get3A_481 : vector<1x16xi32> to vector<16xi32>
        %and3A_483 = arith.constant 16383 : i32
        %and3A_484 = vector.broadcast %and3A_483 : i32 to vector<16xi32>
        %and3A_485 = arith.andi %get3A_482, %and3A_484 : vector<16xi32>
        %swap3A_486 = arith.constant 0 : index
        %swap3A_487 = tpu.vector_load %arg8[%swap3A_486] {strides = array<i32>} : memref<128xi32, #tpu.memory_space<vmem>>, vector<16xi32>,
        %swap3A_488 = vector.shape_cast %swap3A_487 : vector<16xi32> to vector<16xi32>
        %swap3A_489 = vector.shape_cast %and3A_485 : vector<16xi32> to vector<16xi32>
        tpu.vector_store %arg8[%swap3A_486], %swap3A_489 {strides = array<i32>} : memref<128xi32, #tpu.memory_space<vmem>>, vector<16xi32>,
        %get3A_490 = arith.index_cast %add3A_478 : i32 to index
        %get3A_491 = arith.constant 16 : index
        %get3A_492 = tpu.vector_load %arg6[%get3A_490, %get3A_491] {strides = array<i32>} : memref<114x128xi32, #tpu.memory_space<vmem>>, vector<1x16xi32>,
        %get3A_493 = vector.shape_cast %get3A_492 : vector<1x16xi32> to vector<16xi32>
        %and3A_494 = arith.constant 16383 : i32
        %and3A_495 = vector.broadcast %and3A_494 : i32 to vector<16xi32>
        %and3A_496 = arith.andi %get3A_493, %and3A_495 : vector<16xi32>
        %swap3A_497 = arith.constant 16 : index
        %swap3A_498 = tpu.vector_load %arg8[%swap3A_497] {strides = array<i32>} : memref<128xi32, #tpu.memory_space<vmem>>, vector<16xi32>,
        %swap3A_499 = vector.shape_cast %swap3A_498 : vector<16xi32> to vector<16xi32>
        %swap3A_500 = vector.shape_cast %and3A_496 : vector<16xi32> to vector<16xi32>
        tpu.vector_store %arg8[%swap3A_497], %swap3A_500 {strides = array<i32>} : memref<128xi32, #tpu.memory_space<vmem>>, vector<16xi32>,
        %get3A_501 = arith.index_cast %add3A_478 : i32 to index
        %get3A_502 = arith.constant 32 : index
        %get3A_503 = tpu.vector_load %arg6[%get3A_501, %get3A_502] {strides = array<i32>} : memref<114x128xi32, #tpu.memory_space<vmem>>, vector<1x16xi32>,
        %get3A_504 = vector.shape_cast %get3A_503 : vector<1x16xi32> to vector<16xi32>
        %and3A_505 = arith.constant 16383 : i32
        %and3A_506 = vector.broadcast %and3A_505 : i32 to vector<16xi32>
        %and3A_507 = arith.andi %get3A_504, %and3A_506 : vector<16xi32>
        %swap3A_508 = arith.constant 32 : index
        %swap3A_509 = tpu.vector_load %arg8[%swap3A_508] {strides = array<i32>} : memref<128xi32, #tpu.memory_space<vmem>>, vector<16xi32>,
        %swap3A_510 = vector.shape_cast %swap3A_509 : vector<16xi32> to vector<16xi32>
        %swap3A_511 = vector.shape_cast %and3A_507 : vector<16xi32> to vector<16xi32>
        tpu.vector_store %arg8[%swap3A_508], %swap3A_511 {strides = array<i32>} : memref<128xi32, #tpu.memory_space<vmem>>, vector<16xi32>,
        %get3A_512 = arith.index_cast %add3A_478 : i32 to index
        %get3A_513 = arith.constant 48 : index
        %get3A_514 = tpu.vector_load %arg6[%get3A_512, %get3A_513] {strides = array<i32>} : memref<114x128xi32, #tpu.memory_space<vmem>>, vector<1x16xi32>,
        %get3A_515 = vector.shape_cast %get3A_514 : vector<1x16xi32> to vector<16xi32>
        %and3A_516 = arith.constant 16383 : i32
        %and3A_517 = vector.broadcast %and3A_516 : i32 to vector<16xi32>
        %and3A_518 = arith.andi %get3A_515, %and3A_517 : vector<16xi32>
        %swap3A_519 = arith.constant 48 : index
        %swap3A_520 = tpu.vector_load %arg8[%swap3A_519] {strides = array<i32>} : memref<128xi32, #tpu.memory_space<vmem>>, vector<16xi32>,
        %swap3A_521 = vector.shape_cast %swap3A_520 : vector<16xi32> to vector<16xi32>
        %swap3A_522 = vector.shape_cast %and3A_518 : vector<16xi32> to vector<16xi32>
        tpu.vector_store %arg8[%swap3A_519], %swap3A_522 {strides = array<i32>} : memref<128xi32, #tpu.memory_space<vmem>>, vector<16xi32>,
        %get3A_523 = arith.index_cast %add3A_478 : i32 to index
        %get3A_524 = arith.constant 64 : index
        %get3A_525 = tpu.vector_load %arg6[%get3A_523, %get3A_524] {strides = array<i32>} : memref<114x128xi32, #tpu.memory_space<vmem>>, vector<1x16xi32>,
        %get3A_526 = vector.shape_cast %get3A_525 : vector<1x16xi32> to vector<16xi32>
        %and3A_527 = arith.constant 16383 : i32
        %and3A_528 = vector.broadcast %and3A_527 : i32 to vector<16xi32>
        %and3A_529 = arith.andi %get3A_526, %and3A_528 : vector<16xi32>
        %swap3A_530 = arith.constant 64 : index
        %swap3A_531 = tpu.vector_load %arg8[%swap3A_530] {strides = array<i32>} : memref<128xi32, #tpu.memory_space<vmem>>, vector<16xi32>,
        %swap3A_532 = vector.shape_cast %swap3A_531 : vector<16xi32> to vector<16xi32>
        %swap3A_533 = vector.shape_cast %and3A_529 : vector<16xi32> to vector<16xi32>
        tpu.vector_store %arg8[%swap3A_530], %swap3A_533 {strides = array<i32>} : memref<128xi32, #tpu.memory_space<vmem>>, vector<16xi32>,
        %get3A_534 = arith.index_cast %add3A_478 : i32 to index
        %get3A_535 = arith.constant 80 : index
        %get3A_536 = tpu.vector_load %arg6[%get3A_534, %get3A_535] {strides = array<i32>} : memref<114x128xi32, #tpu.memory_space<vmem>>, vector<1x16xi32>,
        %get3A_537 = vector.shape_cast %get3A_536 : vector<1x16xi32> to vector<16xi32>
        %and3A_538 = arith.constant 16383 : i32
        %and3A_539 = vector.broadcast %and3A_538 : i32 to vector<16xi32>
        %and3A_540 = arith.andi %get3A_537, %and3A_539 : vector<16xi32>
        %swap3A_541 = arith.constant 80 : index
        %swap3A_542 = tpu.vector_load %arg8[%swap3A_541] {strides = array<i32>} : memref<128xi32, #tpu.memory_space<vmem>>, vector<16xi32>,
        %swap3A_543 = vector.shape_cast %swap3A_542 : vector<16xi32> to vector<16xi32>
        %swap3A_544 = vector.shape_cast %and3A_540 : vector<16xi32> to vector<16xi32>
        tpu.vector_store %arg8[%swap3A_541], %swap3A_544 {strides = array<i32>} : memref<128xi32, #tpu.memory_space<vmem>>, vector<16xi32>,
        %get3A_545 = arith.index_cast %add3A_478 : i32 to index
        %get3A_546 = arith.constant 96 : index
        %get3A_547 = tpu.vector_load %arg6[%get3A_545, %get3A_546] {strides = array<i32>} : memref<114x128xi32, #tpu.memory_space<vmem>>, vector<1x16xi32>,
        %get3A_548 = vector.shape_cast %get3A_547 : vector<1x16xi32> to vector<16xi32>
        %and3A_549 = arith.constant 16383 : i32
        %and3A_550 = vector.broadcast %and3A_549 : i32 to vector<16xi32>
        %and3A_551 = arith.andi %get3A_548, %and3A_550 : vector<16xi32>
        %swap3A_552 = arith.constant 96 : index
        %swap3A_553 = tpu.vector_load %arg8[%swap3A_552] {strides = array<i32>} : memref<128xi32, #tpu.memory_space<vmem>>, vector<16xi32>,
        %swap3A_554 = vector.shape_cast %swap3A_553 : vector<16xi32> to vector<16xi32>
        %swap3A_555 = vector.shape_cast %and3A_551 : vector<16xi32> to vector<16xi32>
        tpu.vector_store %arg8[%swap3A_552], %swap3A_555 {strides = array<i32>} : memref<128xi32, #tpu.memory_space<vmem>>, vector<16xi32>,
        %get3A_556 = arith.index_cast %add3A_478 : i32 to index
        %get3A_557 = arith.constant 112 : index
        %get3A_558 = tpu.vector_load %arg6[%get3A_556, %get3A_557] {strides = array<i32>} : memref<114x128xi32, #tpu.memory_space<vmem>>, vector<1x16xi32>,
        %get3A_559 = vector.shape_cast %get3A_558 : vector<1x16xi32> to vector<16xi32>
        %and3A_560 = arith.constant 16383 : i32
        %and3A_561 = vector.broadcast %and3A_560 : i32 to vector<16xi32>
        %and3A_562 = arith.andi %get3A_559, %and3A_561 : vector<16xi32>
        %swap3A_563 = arith.constant 112 : index
        %swap3A_564 = tpu.vector_load %arg8[%swap3A_563] {strides = array<i32>} : memref<128xi32, #tpu.memory_space<vmem>>, vector<16xi32>,
        %swap3A_565 = vector.shape_cast %swap3A_564 : vector<16xi32> to vector<16xi32>
        %swap3A_566 = vector.shape_cast %and3A_562 : vector<16xi32> to vector<16xi32>
        tpu.vector_store %arg8[%swap3A_563], %swap3A_566 {strides = array<i32>} : memref<128xi32, #tpu.memory_space<vmem>>, vector<16xi32>,
        %add3A_567 = arith.constant 3 : i32
        %add3A_568 = arith.addi %mul3A_454, %add3A_567 : i32
        %dma_start3A_569 = arith.constant 0 : i32
        %dma_start3A_570 = arith.constant 0 : i32
        %dma_start3A_571 = tpu.memref_slice %arg2[%dma_start3A_569, %dma_start3A_570] : memref<10000x64xf32, #tpu.memory_space<hbm>> -> memref<10000x64xf32, #tpu.memory_space<hbm>>
        tpu.enqueue_indirect_dma source(%dma_start3A_571 : memref<10000x64xf32, #tpu.memory_space<hbm>>) target(%arg12 : memref<128x64xf32, #tpu.memory_space<vmem>>) offsets(%arg8 : memref<128xi32, #tpu.memory_space<vmem>>) semaphore(%arg15 : memref<!tpu.dma_semaphore, #tpu.memory_space<semaphore_mem>>)
      } else {
      }
      "tpu.region"() ({
        %run_scoped3A = tpu.sem_alloc : memref<!tpu.dma_semaphore, #tpu.memory_space<semaphore_mem>>
        %dma_start3A_477 = arith.constant 0 : i32
        %dma_start3A_478 = arith.constant 0 : i32
        %dma_start3A_479 = tpu.memref_slice %arg13[%dma_start3A_477, %dma_start3A_478] : memref<10240x64xf32, #tpu.memory_space<vmem_shared>> -> memref<10240x64xf32, #tpu.memory_space<vmem_shared>>
        tpu.enqueue_indirect_dma source(%arg12 : memref<128x64xf32, #tpu.memory_space<vmem>>) target(%dma_start3A_479 : memref<10240x64xf32, #tpu.memory_space<vmem_shared>>) offsets(%arg10 : memref<128xi32, #tpu.memory_space<vmem>>) semaphore(%run_scoped3A : memref<!tpu.dma_semaphore, #tpu.memory_space<semaphore_mem>>) {add = true}
        %dma_wait3A = arith.constant 0 : i32
        %dma_wait3A_480 = arith.constant 0 : i32
        %dma_wait3A_481 = tpu.memref_slice %arg13[%dma_wait3A, %dma_wait3A_480] : memref<10240x64xf32, #tpu.memory_space<vmem_shared>> -> memref<10240x64xf32, #tpu.memory_space<vmem_shared>>
        tpu.wait_indirect_dma semaphore(%run_scoped3A : memref<!tpu.dma_semaphore, #tpu.memory_space<semaphore_mem>>) src(%arg12 : memref<128x64xf32, #tpu.memory_space<vmem>>) dst(%dma_wait3A_481 : memref<10240x64xf32, #tpu.memory_space<vmem_shared>>)
        tpu.yield
      }) : () -> ()
      %add3A_470 = arith.constant 3 : i32
      %add3A_471 = arith.addi %mul3A_454, %add3A_470 : i32
      %lt3A_472 = arith.cmpi slt, %add3A_471, %select_n3A : i32
      %convert_element_type3A_473 = arith.extui %lt3A_472 : i1 to i32
      %cond3A_474 = arith.constant 0 : i32
      %cond3A_475 = arith.cmpi ne, %convert_element_type3A_473, %cond3A_474 : i32
      scf.if %cond3A_475 {
        %add3A_477 = arith.constant 3 : i32
        %add3A_478 = arith.addi %mul3A_454, %add3A_477 : i32
        %get3A_479 = arith.index_cast %add3A_478 : i32 to index
        %get3A_480 = arith.constant 0 : index
        %get3A_481 = tpu.vector_load %arg6[%get3A_479, %get3A_480] {strides = array<i32>} : memref<114x128xi32, #tpu.memory_space<vmem>>, vector<1x16xi32>,
        %get3A_482 = vector.shape_cast %get3A_481 : vector<1x16xi32> to vector<16xi32>
        %shift_right_logical3A_483 = arith.constant 14 : i32
        %shift_right_logical3A_484 = vector.broadcast %shift_right_logical3A_483 : i32 to vector<16xi32>
        %shift_right_logical3A_485 = arith.shrui %get3A_482, %shift_right_logical3A_484 : vector<16xi32>
        %swap3A_486 = arith.constant 0 : index
        %swap3A_487 = tpu.vector_load %arg10[%swap3A_486] {strides = array<i32>} : memref<128xi32, #tpu.memory_space<vmem>>, vector<16xi32>,
        %swap3A_488 = vector.shape_cast %swap3A_487 : vector<16xi32> to vector<16xi32>
        %swap3A_489 = vector.shape_cast %shift_right_logical3A_485 : vector<16xi32> to vector<16xi32>
        tpu.vector_store %arg10[%swap3A_486], %swap3A_489 {strides = array<i32>} : memref<128xi32, #tpu.memory_space<vmem>>, vector<16xi32>,
        %get3A_490 = arith.index_cast %add3A_478 : i32 to index
        %get3A_491 = arith.constant 16 : index
        %get3A_492 = tpu.vector_load %arg6[%get3A_490, %get3A_491] {strides = array<i32>} : memref<114x128xi32, #tpu.memory_space<vmem>>, vector<1x16xi32>,
        %get3A_493 = vector.shape_cast %get3A_492 : vector<1x16xi32> to vector<16xi32>
        %shift_right_logical3A_494 = arith.constant 14 : i32
        %shift_right_logical3A_495 = vector.broadcast %shift_right_logical3A_494 : i32 to vector<16xi32>
        %shift_right_logical3A_496 = arith.shrui %get3A_493, %shift_right_logical3A_495 : vector<16xi32>
        %swap3A_497 = arith.constant 16 : index
        %swap3A_498 = tpu.vector_load %arg10[%swap3A_497] {strides = array<i32>} : memref<128xi32, #tpu.memory_space<vmem>>, vector<16xi32>,
        %swap3A_499 = vector.shape_cast %swap3A_498 : vector<16xi32> to vector<16xi32>
        %swap3A_500 = vector.shape_cast %shift_right_logical3A_496 : vector<16xi32> to vector<16xi32>
        tpu.vector_store %arg10[%swap3A_497], %swap3A_500 {strides = array<i32>} : memref<128xi32, #tpu.memory_space<vmem>>, vector<16xi32>,
        %get3A_501 = arith.index_cast %add3A_478 : i32 to index
        %get3A_502 = arith.constant 32 : index
        %get3A_503 = tpu.vector_load %arg6[%get3A_501, %get3A_502] {strides = array<i32>} : memref<114x128xi32, #tpu.memory_space<vmem>>, vector<1x16xi32>,
        %get3A_504 = vector.shape_cast %get3A_503 : vector<1x16xi32> to vector<16xi32>
        %shift_right_logical3A_505 = arith.constant 14 : i32
        %shift_right_logical3A_506 = vector.broadcast %shift_right_logical3A_505 : i32 to vector<16xi32>
        %shift_right_logical3A_507 = arith.shrui %get3A_504, %shift_right_logical3A_506 : vector<16xi32>
        %swap3A_508 = arith.constant 32 : index
        %swap3A_509 = tpu.vector_load %arg10[%swap3A_508] {strides = array<i32>} : memref<128xi32, #tpu.memory_space<vmem>>, vector<16xi32>,
        %swap3A_510 = vector.shape_cast %swap3A_509 : vector<16xi32> to vector<16xi32>
        %swap3A_511 = vector.shape_cast %shift_right_logical3A_507 : vector<16xi32> to vector<16xi32>
        tpu.vector_store %arg10[%swap3A_508], %swap3A_511 {strides = array<i32>} : memref<128xi32, #tpu.memory_space<vmem>>, vector<16xi32>,
        %get3A_512 = arith.index_cast %add3A_478 : i32 to index
        %get3A_513 = arith.constant 48 : index
        %get3A_514 = tpu.vector_load %arg6[%get3A_512, %get3A_513] {strides = array<i32>} : memref<114x128xi32, #tpu.memory_space<vmem>>, vector<1x16xi32>,
        %get3A_515 = vector.shape_cast %get3A_514 : vector<1x16xi32> to vector<16xi32>
        %shift_right_logical3A_516 = arith.constant 14 : i32
        %shift_right_logical3A_517 = vector.broadcast %shift_right_logical3A_516 : i32 to vector<16xi32>
        %shift_right_logical3A_518 = arith.shrui %get3A_515, %shift_right_logical3A_517 : vector<16xi32>
        %swap3A_519 = arith.constant 48 : index
        %swap3A_520 = tpu.vector_load %arg10[%swap3A_519] {strides = array<i32>} : memref<128xi32, #tpu.memory_space<vmem>>, vector<16xi32>,
        %swap3A_521 = vector.shape_cast %swap3A_520 : vector<16xi32> to vector<16xi32>
        %swap3A_522 = vector.shape_cast %shift_right_logical3A_518 : vector<16xi32> to vector<16xi32>
        tpu.vector_store %arg10[%swap3A_519], %swap3A_522 {strides = array<i32>} : memref<128xi32, #tpu.memory_space<vmem>>, vector<16xi32>,
        %get3A_523 = arith.index_cast %add3A_478 : i32 to index
        %get3A_524 = arith.constant 64 : index
        %get3A_525 = tpu.vector_load %arg6[%get3A_523, %get3A_524] {strides = array<i32>} : memref<114x128xi32, #tpu.memory_space<vmem>>, vector<1x16xi32>,
        %get3A_526 = vector.shape_cast %get3A_525 : vector<1x16xi32> to vector<16xi32>
        %shift_right_logical3A_527 = arith.constant 14 : i32
        %shift_right_logical3A_528 = vector.broadcast %shift_right_logical3A_527 : i32 to vector<16xi32>
        %shift_right_logical3A_529 = arith.shrui %get3A_526, %shift_right_logical3A_528 : vector<16xi32>
        %swap3A_530 = arith.constant 64 : index
        %swap3A_531 = tpu.vector_load %arg10[%swap3A_530] {strides = array<i32>} : memref<128xi32, #tpu.memory_space<vmem>>, vector<16xi32>,
        %swap3A_532 = vector.shape_cast %swap3A_531 : vector<16xi32> to vector<16xi32>
        %swap3A_533 = vector.shape_cast %shift_right_logical3A_529 : vector<16xi32> to vector<16xi32>
        tpu.vector_store %arg10[%swap3A_530], %swap3A_533 {strides = array<i32>} : memref<128xi32, #tpu.memory_space<vmem>>, vector<16xi32>,
        %get3A_534 = arith.index_cast %add3A_478 : i32 to index
        %get3A_535 = arith.constant 80 : index
        %get3A_536 = tpu.vector_load %arg6[%get3A_534, %get3A_535] {strides = array<i32>} : memref<114x128xi32, #tpu.memory_space<vmem>>, vector<1x16xi32>,
        %get3A_537 = vector.shape_cast %get3A_536 : vector<1x16xi32> to vector<16xi32>
        %shift_right_logical3A_538 = arith.constant 14 : i32
        %shift_right_logical3A_539 = vector.broadcast %shift_right_logical3A_538 : i32 to vector<16xi32>
        %shift_right_logical3A_540 = arith.shrui %get3A_537, %shift_right_logical3A_539 : vector<16xi32>
        %swap3A_541 = arith.constant 80 : index
        %swap3A_542 = tpu.vector_load %arg10[%swap3A_541] {strides = array<i32>} : memref<128xi32, #tpu.memory_space<vmem>>, vector<16xi32>,
        %swap3A_543 = vector.shape_cast %swap3A_542 : vector<16xi32> to vector<16xi32>
        %swap3A_544 = vector.shape_cast %shift_right_logical3A_540 : vector<16xi32> to vector<16xi32>
        tpu.vector_store %arg10[%swap3A_541], %swap3A_544 {strides = array<i32>} : memref<128xi32, #tpu.memory_space<vmem>>, vector<16xi32>,
        %get3A_545 = arith.index_cast %add3A_478 : i32 to index
        %get3A_546 = arith.constant 96 : index
        %get3A_547 = tpu.vector_load %arg6[%get3A_545, %get3A_546] {strides = array<i32>} : memref<114x128xi32, #tpu.memory_space<vmem>>, vector<1x16xi32>,
        %get3A_548 = vector.shape_cast %get3A_547 : vector<1x16xi32> to vector<16xi32>
        %shift_right_logical3A_549 = arith.constant 14 : i32
        %shift_right_logical3A_550 = vector.broadcast %shift_right_logical3A_549 : i32 to vector<16xi32>
        %shift_right_logical3A_551 = arith.shrui %get3A_548, %shift_right_logical3A_550 : vector<16xi32>
        %swap3A_552 = arith.constant 96 : index
        %swap3A_553 = tpu.vector_load %arg10[%swap3A_552] {strides = array<i32>} : memref<128xi32, #tpu.memory_space<vmem>>, vector<16xi32>,
        %swap3A_554 = vector.shape_cast %swap3A_553 : vector<16xi32> to vector<16xi32>
        %swap3A_555 = vector.shape_cast %shift_right_logical3A_551 : vector<16xi32> to vector<16xi32>
        tpu.vector_store %arg10[%swap3A_552], %swap3A_555 {strides = array<i32>} : memref<128xi32, #tpu.memory_space<vmem>>, vector<16xi32>,
        %get3A_556 = arith.index_cast %add3A_478 : i32 to index
        %get3A_557 = arith.constant 112 : index
        %get3A_558 = tpu.vector_load %arg6[%get3A_556, %get3A_557] {strides = array<i32>} : memref<114x128xi32, #tpu.memory_space<vmem>>, vector<1x16xi32>,
        %get3A_559 = vector.shape_cast %get3A_558 : vector<1x16xi32> to vector<16xi32>
        %shift_right_logical3A_560 = arith.constant 14 : i32
        %shift_right_logical3A_561 = vector.broadcast %shift_right_logical3A_560 : i32 to vector<16xi32>
        %shift_right_logical3A_562 = arith.shrui %get3A_559, %shift_right_logical3A_561 : vector<16xi32>
        %swap3A_563 = arith.constant 112 : index
        %swap3A_564 = tpu.vector_load %arg10[%swap3A_563] {strides = array<i32>} : memref<128xi32, #tpu.memory_space<vmem>>, vector<16xi32>,
        %swap3A_565 = vector.shape_cast %swap3A_564 : vector<16xi32> to vector<16xi32>
        %swap3A_566 = vector.shape_cast %shift_right_logical3A_562 : vector<16xi32> to vector<16xi32>
        tpu.vector_store %arg10[%swap3A_563], %swap3A_566 {strides = array<i32>} : memref<128xi32, #tpu.memory_space<vmem>>, vector<16xi32>,
      } else {
      }
      %while3A_476 = arith.constant 0 : i32
      scf.yield %while3A_476 : i32
    }
    %while3A_428 = arith.constant 1 : i32
    %while3A_429 = scf.for %while3A_451 = %while3A_425 to %while3A_421 step %while3A_428 iter_args(%while3A_452 = %while3A_427) -> (i32)  : i32 {
      %mul3A_453 = arith.constant 2 : i32
      %mul3A_454 = arith.muli %mul3A_453, %while3A_451 : i32
      tpu.wait_dma2 semaphore(%arg14 : memref<!tpu.dma_semaphore, #tpu.memory_space<semaphore_mem>>) src(%arg4 : memref<128x64xf32, #tpu.memory_space<hbm>>) dst(%arg11 : memref<128x64xf32, #tpu.memory_space<vmem>>)
      %add3A_455 = arith.constant 2 : i32
      %add3A_456 = arith.addi %mul3A_454, %add3A_455 : i32
      %lt3A = arith.cmpi slt, %add3A_456, %select_n3A : i32
      %convert_element_type3A = arith.extui %lt3A : i1 to i32
      %cond3A = arith.constant 0 : i32
      %cond3A_457 = arith.cmpi ne, %convert_element_type3A, %cond3A : i32
      scf.if %cond3A_457 {
        %add3A_477 = arith.constant 2 : i32
        %add3A_478 = arith.addi %mul3A_454, %add3A_477 : i32
        %get3A_479 = arith.index_cast %add3A_478 : i32 to index
        %get3A_480 = arith.constant 0 : index
        %get3A_481 = tpu.vector_load %arg6[%get3A_479, %get3A_480] {strides = array<i32>} : memref<114x128xi32, #tpu.memory_space<vmem>>, vector<1x16xi32>,
        %get3A_482 = vector.shape_cast %get3A_481 : vector<1x16xi32> to vector<16xi32>
        %and3A_483 = arith.constant 16383 : i32
        %and3A_484 = vector.broadcast %and3A_483 : i32 to vector<16xi32>
        %and3A_485 = arith.andi %get3A_482, %and3A_484 : vector<16xi32>
        %swap3A_486 = arith.constant 0 : index
        %swap3A_487 = tpu.vector_load %arg7[%swap3A_486] {strides = array<i32>} : memref<128xi32, #tpu.memory_space<vmem>>, vector<16xi32>,
        %swap3A_488 = vector.shape_cast %swap3A_487 : vector<16xi32> to vector<16xi32>
        %swap3A_489 = vector.shape_cast %and3A_485 : vector<16xi32> to vector<16xi32>
        tpu.vector_store %arg7[%swap3A_486], %swap3A_489 {strides = array<i32>} : memref<128xi32, #tpu.memory_space<vmem>>, vector<16xi32>,
        %get3A_490 = arith.index_cast %add3A_478 : i32 to index
        %get3A_491 = arith.constant 16 : index
        %get3A_492 = tpu.vector_load %arg6[%get3A_490, %get3A_491] {strides = array<i32>} : memref<114x128xi32, #tpu.memory_space<vmem>>, vector<1x16xi32>,
        %get3A_493 = vector.shape_cast %get3A_492 : vector<1x16xi32> to vector<16xi32>
        %and3A_494 = arith.constant 16383 : i32
        %and3A_495 = vector.broadcast %and3A_494 : i32 to vector<16xi32>
        %and3A_496 = arith.andi %get3A_493, %and3A_495 : vector<16xi32>
        %swap3A_497 = arith.constant 16 : index
        %swap3A_498 = tpu.vector_load %arg7[%swap3A_497] {strides = array<i32>} : memref<128xi32, #tpu.memory_space<vmem>>, vector<16xi32>,
        %swap3A_499 = vector.shape_cast %swap3A_498 : vector<16xi32> to vector<16xi32>
        %swap3A_500 = vector.shape_cast %and3A_496 : vector<16xi32> to vector<16xi32>
        tpu.vector_store %arg7[%swap3A_497], %swap3A_500 {strides = array<i32>} : memref<128xi32, #tpu.memory_space<vmem>>, vector<16xi32>,
        %get3A_501 = arith.index_cast %add3A_478 : i32 to index
        %get3A_502 = arith.constant 32 : index
        %get3A_503 = tpu.vector_load %arg6[%get3A_501, %get3A_502] {strides = array<i32>} : memref<114x128xi32, #tpu.memory_space<vmem>>, vector<1x16xi32>,
        %get3A_504 = vector.shape_cast %get3A_503 : vector<1x16xi32> to vector<16xi32>
        %and3A_505 = arith.constant 16383 : i32
        %and3A_506 = vector.broadcast %and3A_505 : i32 to vector<16xi32>
        %and3A_507 = arith.andi %get3A_504, %and3A_506 : vector<16xi32>
        %swap3A_508 = arith.constant 32 : index
        %swap3A_509 = tpu.vector_load %arg7[%swap3A_508] {strides = array<i32>} : memref<128xi32, #tpu.memory_space<vmem>>, vector<16xi32>,
        %swap3A_510 = vector.shape_cast %swap3A_509 : vector<16xi32> to vector<16xi32>
        %swap3A_511 = vector.shape_cast %and3A_507 : vector<16xi32> to vector<16xi32>
        tpu.vector_store %arg7[%swap3A_508], %swap3A_511 {strides = array<i32>} : memref<128xi32, #tpu.memory_space<vmem>>, vector<16xi32>,
        %get3A_512 = arith.index_cast %add3A_478 : i32 to index
        %get3A_513 = arith.constant 48 : index
        %get3A_514 = tpu.vector_load %arg6[%get3A_512, %get3A_513] {strides = array<i32>} : memref<114x128xi32, #tpu.memory_space<vmem>>, vector<1x16xi32>,
        %get3A_515 = vector.shape_cast %get3A_514 : vector<1x16xi32> to vector<16xi32>
        %and3A_516 = arith.constant 16383 : i32
        %and3A_517 = vector.broadcast %and3A_516 : i32 to vector<16xi32>
        %and3A_518 = arith.andi %get3A_515, %and3A_517 : vector<16xi32>
        %swap3A_519 = arith.constant 48 : index
        %swap3A_520 = tpu.vector_load %arg7[%swap3A_519] {strides = array<i32>} : memref<128xi32, #tpu.memory_space<vmem>>, vector<16xi32>,
        %swap3A_521 = vector.shape_cast %swap3A_520 : vector<16xi32> to vector<16xi32>
        %swap3A_522 = vector.shape_cast %and3A_518 : vector<16xi32> to vector<16xi32>
        tpu.vector_store %arg7[%swap3A_519], %swap3A_522 {strides = array<i32>} : memref<128xi32, #tpu.memory_space<vmem>>, vector<16xi32>,
        %get3A_523 = arith.index_cast %add3A_478 : i32 to index
        %get3A_524 = arith.constant 64 : index
        %get3A_525 = tpu.vector_load %arg6[%get3A_523, %get3A_524] {strides = array<i32>} : memref<114x128xi32, #tpu.memory_space<vmem>>, vector<1x16xi32>,
        %get3A_526 = vector.shape_cast %get3A_525 : vector<1x16xi32> to vector<16xi32>
        %and3A_527 = arith.constant 16383 : i32
        %and3A_528 = vector.broadcast %and3A_527 : i32 to vector<16xi32>
        %and3A_529 = arith.andi %get3A_526, %and3A_528 : vector<16xi32>
        %swap3A_530 = arith.constant 64 : index
        %swap3A_531 = tpu.vector_load %arg7[%swap3A_530] {strides = array<i32>} : memref<128xi32, #tpu.memory_space<vmem>>, vector<16xi32>,
        %swap3A_532 = vector.shape_cast %swap3A_531 : vector<16xi32> to vector<16xi32>
        %swap3A_533 = vector.shape_cast %and3A_529 : vector<16xi32> to vector<16xi32>
        tpu.vector_store %arg7[%swap3A_530], %swap3A_533 {strides = array<i32>} : memref<128xi32, #tpu.memory_space<vmem>>, vector<16xi32>,
        %get3A_534 = arith.index_cast %add3A_478 : i32 to index
        %get3A_535 = arith.constant 80 : index
        %get3A_536 = tpu.vector_load %arg6[%get3A_534, %get3A_535] {strides = array<i32>} : memref<114x128xi32, #tpu.memory_space<vmem>>, vector<1x16xi32>,
        %get3A_537 = vector.shape_cast %get3A_536 : vector<1x16xi32> to vector<16xi32>
        %and3A_538 = arith.constant 16383 : i32
        %and3A_539 = vector.broadcast %and3A_538 : i32 to vector<16xi32>
        %and3A_540 = arith.andi %get3A_537, %and3A_539 : vector<16xi32>
        %swap3A_541 = arith.constant 80 : index
        %swap3A_542 = tpu.vector_load %arg7[%swap3A_541] {strides = array<i32>} : memref<128xi32, #tpu.memory_space<vmem>>, vector<16xi32>,
        %swap3A_543 = vector.shape_cast %swap3A_542 : vector<16xi32> to vector<16xi32>
        %swap3A_544 = vector.shape_cast %and3A_540 : vector<16xi32> to vector<16xi32>
        tpu.vector_store %arg7[%swap3A_541], %swap3A_544 {strides = array<i32>} : memref<128xi32, #tpu.memory_space<vmem>>, vector<16xi32>,
        %get3A_545 = arith.index_cast %add3A_478 : i32 to index
        %get3A_546 = arith.constant 96 : index
        %get3A_547 = tpu.vector_load %arg6[%get3A_545, %get3A_546] {strides = array<i32>} : memref<114x128xi32, #tpu.memory_space<vmem>>, vector<1x16xi32>,
        %get3A_548 = vector.shape_cast %get3A_547 : vector<1x16xi32> to vector<16xi32>
        %and3A_549 = arith.constant 16383 : i32
        %and3A_550 = vector.broadcast %and3A_549 : i32 to vector<16xi32>
        %and3A_551 = arith.andi %get3A_548, %and3A_550 : vector<16xi32>
        %swap3A_552 = arith.constant 96 : index
        %swap3A_553 = tpu.vector_load %arg7[%swap3A_552] {strides = array<i32>} : memref<128xi32, #tpu.memory_space<vmem>>, vector<16xi32>,
        %swap3A_554 = vector.shape_cast %swap3A_553 : vector<16xi32> to vector<16xi32>
        %swap3A_555 = vector.shape_cast %and3A_551 : vector<16xi32> to vector<16xi32>
        tpu.vector_store %arg7[%swap3A_552], %swap3A_555 {strides = array<i32>} : memref<128xi32, #tpu.memory_space<vmem>>, vector<16xi32>,
        %get3A_556 = arith.index_cast %add3A_478 : i32 to index
        %get3A_557 = arith.constant 112 : index
        %get3A_558 = tpu.vector_load %arg6[%get3A_556, %get3A_557] {strides = array<i32>} : memref<114x128xi32, #tpu.memory_space<vmem>>, vector<1x16xi32>,
        %get3A_559 = vector.shape_cast %get3A_558 : vector<1x16xi32> to vector<16xi32>
        %and3A_560 = arith.constant 16383 : i32
        %and3A_561 = vector.broadcast %and3A_560 : i32 to vector<16xi32>
        %and3A_562 = arith.andi %get3A_559, %and3A_561 : vector<16xi32>
        %swap3A_563 = arith.constant 112 : index
        %swap3A_564 = tpu.vector_load %arg7[%swap3A_563] {strides = array<i32>} : memref<128xi32, #tpu.memory_space<vmem>>, vector<16xi32>,
        %swap3A_565 = vector.shape_cast %swap3A_564 : vector<16xi32> to vector<16xi32>
        %swap3A_566 = vector.shape_cast %and3A_562 : vector<16xi32> to vector<16xi32>
        tpu.vector_store %arg7[%swap3A_563], %swap3A_566 {strides = array<i32>} : memref<128xi32, #tpu.memory_space<vmem>>, vector<16xi32>,
        %add3A_567 = arith.constant 2 : i32
        %add3A_568 = arith.addi %mul3A_454, %add3A_567 : i32
        %dma_start3A_569 = arith.constant 0 : i32
        %dma_start3A_570 = arith.constant 0 : i32
        %dma_start3A_571 = tpu.memref_slice %arg2[%dma_start3A_569, %dma_start3A_570] : memref<10000x64xf32, #tpu.memory_space<hbm>> -> memref<10000x64xf32, #tpu.memory_space<hbm>>
        tpu.enqueue_indirect_dma source(%dma_start3A_571 : memref<10000x64xf32, #tpu.memory_space<hbm>>) target(%arg11 : memref<128x64xf32, #tpu.memory_space<vmem>>) offsets(%arg7 : memref<128xi32, #tpu.memory_space<vmem>>) semaphore(%arg14 : memref<!tpu.dma_semaphore, #tpu.memory_space<semaphore_mem>>)
      } else {
      }
      "tpu.region"() ({
        %run_scoped3A = tpu.sem_alloc : memref<!tpu.dma_semaphore, #tpu.memory_space<semaphore_mem>>
        %dma_start3A_477 = arith.constant 0 : i32
        %dma_start3A_478 = arith.constant 0 : i32
        %dma_start3A_479 = tpu.memref_slice %arg13[%dma_start3A_477, %dma_start3A_478] : memref<10240x64xf32, #tpu.memory_space<vmem_shared>> -> memref<10240x64xf32, #tpu.memory_space<vmem_shared>>
        tpu.enqueue_indirect_dma source(%arg11 : memref<128x64xf32, #tpu.memory_space<vmem>>) target(%dma_start3A_479 : memref<10240x64xf32, #tpu.memory_space<vmem_shared>>) offsets(%arg9 : memref<128xi32, #tpu.memory_space<vmem>>) semaphore(%run_scoped3A : memref<!tpu.dma_semaphore, #tpu.memory_space<semaphore_mem>>) {add = true}
        %dma_wait3A = arith.constant 0 : i32
        %dma_wait3A_480 = arith.constant 0 : i32
        %dma_wait3A_481 = tpu.memref_slice %arg13[%dma_wait3A, %dma_wait3A_480] : memref<10240x64xf32, #tpu.memory_space<vmem_shared>> -> memref<10240x64xf32, #tpu.memory_space<vmem_shared>>
        tpu.wait_indirect_dma semaphore(%run_scoped3A : memref<!tpu.dma_semaphore, #tpu.memory_space<semaphore_mem>>) src(%arg11 : memref<128x64xf32, #tpu.memory_space<vmem>>) dst(%dma_wait3A_481 : memref<10240x64xf32, #tpu.memory_space<vmem_shared>>)
        tpu.yield
      }) : () -> ()
      %add3A_458 = arith.constant 2 : i32
      %add3A_459 = arith.addi %mul3A_454, %add3A_458 : i32
      %lt3A_460 = arith.cmpi slt, %add3A_459, %select_n3A : i32
      %convert_element_type3A_461 = arith.extui %lt3A_460 : i1 to i32
      %cond3A_462 = arith.constant 0 : i32
      %cond3A_463 = arith.cmpi ne, %convert_element_type3A_461, %cond3A_462 : i32
      scf.if %cond3A_463 {
        %add3A_477 = arith.constant 2 : i32
        %add3A_478 = arith.addi %mul3A_454, %add3A_477 : i32
        %get3A_479 = arith.index_cast %add3A_478 : i32 to index
        %get3A_480 = arith.constant 0 : index
        %get3A_481 = tpu.vector_load %arg6[%get3A_479, %get3A_480] {strides = array<i32>} : memref<114x128xi32, #tpu.memory_space<vmem>>, vector<1x16xi32>,
        %get3A_482 = vector.shape_cast %get3A_481 : vector<1x16xi32> to vector<16xi32>
        %shift_right_logical3A_483 = arith.constant 14 : i32
        %shift_right_logical3A_484 = vector.broadcast %shift_right_logical3A_483 : i32 to vector<16xi32>
        %shift_right_logical3A_485 = arith.shrui %get3A_482, %shift_right_logical3A_484 : vector<16xi32>
        %swap3A_486 = arith.constant 0 : index
        %swap3A_487 = tpu.vector_load %arg9[%swap3A_486] {strides = array<i32>} : memref<128xi32, #tpu.memory_space<vmem>>, vector<16xi32>,
        %swap3A_488 = vector.shape_cast %swap3A_487 : vector<16xi32> to vector<16xi32>
        %swap3A_489 = vector.shape_cast %shift_right_logical3A_485 : vector<16xi32> to vector<16xi32>
        tpu.vector_store %arg9[%swap3A_486], %swap3A_489 {strides = array<i32>} : memref<128xi32, #tpu.memory_space<vmem>>, vector<16xi32>,
        %get3A_490 = arith.index_cast %add3A_478 : i32 to index
        %get3A_491 = arith.constant 16 : index
        %get3A_492 = tpu.vector_load %arg6[%get3A_490, %get3A_491] {strides = array<i32>} : memref<114x128xi32, #tpu.memory_space<vmem>>, vector<1x16xi32>,
        %get3A_493 = vector.shape_cast %get3A_492 : vector<1x16xi32> to vector<16xi32>
        %shift_right_logical3A_494 = arith.constant 14 : i32
        %shift_right_logical3A_495 = vector.broadcast %shift_right_logical3A_494 : i32 to vector<16xi32>
        %shift_right_logical3A_496 = arith.shrui %get3A_493, %shift_right_logical3A_495 : vector<16xi32>
        %swap3A_497 = arith.constant 16 : index
        %swap3A_498 = tpu.vector_load %arg9[%swap3A_497] {strides = array<i32>} : memref<128xi32, #tpu.memory_space<vmem>>, vector<16xi32>,
        %swap3A_499 = vector.shape_cast %swap3A_498 : vector<16xi32> to vector<16xi32>
        %swap3A_500 = vector.shape_cast %shift_right_logical3A_496 : vector<16xi32> to vector<16xi32>
        tpu.vector_store %arg9[%swap3A_497], %swap3A_500 {strides = array<i32>} : memref<128xi32, #tpu.memory_space<vmem>>, vector<16xi32>,
        %get3A_501 = arith.index_cast %add3A_478 : i32 to index
        %get3A_502 = arith.constant 32 : index
        %get3A_503 = tpu.vector_load %arg6[%get3A_501, %get3A_502] {strides = array<i32>} : memref<114x128xi32, #tpu.memory_space<vmem>>, vector<1x16xi32>,
        %get3A_504 = vector.shape_cast %get3A_503 : vector<1x16xi32> to vector<16xi32>
        %shift_right_logical3A_505 = arith.constant 14 : i32
        %shift_right_logical3A_506 = vector.broadcast %shift_right_logical3A_505 : i32 to vector<16xi32>
        %shift_right_logical3A_507 = arith.shrui %get3A_504, %shift_right_logical3A_506 : vector<16xi32>
        %swap3A_508 = arith.constant 32 : index
        %swap3A_509 = tpu.vector_load %arg9[%swap3A_508] {strides = array<i32>} : memref<128xi32, #tpu.memory_space<vmem>>, vector<16xi32>,
        %swap3A_510 = vector.shape_cast %swap3A_509 : vector<16xi32> to vector<16xi32>
        %swap3A_511 = vector.shape_cast %shift_right_logical3A_507 : vector<16xi32> to vector<16xi32>
        tpu.vector_store %arg9[%swap3A_508], %swap3A_511 {strides = array<i32>} : memref<128xi32, #tpu.memory_space<vmem>>, vector<16xi32>,
        %get3A_512 = arith.index_cast %add3A_478 : i32 to index
        %get3A_513 = arith.constant 48 : index
        %get3A_514 = tpu.vector_load %arg6[%get3A_512, %get3A_513] {strides = array<i32>} : memref<114x128xi32, #tpu.memory_space<vmem>>, vector<1x16xi32>,
        %get3A_515 = vector.shape_cast %get3A_514 : vector<1x16xi32> to vector<16xi32>
        %shift_right_logical3A_516 = arith.constant 14 : i32
        %shift_right_logical3A_517 = vector.broadcast %shift_right_logical3A_516 : i32 to vector<16xi32>
        %shift_right_logical3A_518 = arith.shrui %get3A_515, %shift_right_logical3A_517 : vector<16xi32>
        %swap3A_519 = arith.constant 48 : index
        %swap3A_520 = tpu.vector_load %arg9[%swap3A_519] {strides = array<i32>} : memref<128xi32, #tpu.memory_space<vmem>>, vector<16xi32>,
        %swap3A_521 = vector.shape_cast %swap3A_520 : vector<16xi32> to vector<16xi32>
        %swap3A_522 = vector.shape_cast %shift_right_logical3A_518 : vector<16xi32> to vector<16xi32>
        tpu.vector_store %arg9[%swap3A_519], %swap3A_522 {strides = array<i32>} : memref<128xi32, #tpu.memory_space<vmem>>, vector<16xi32>,
        %get3A_523 = arith.index_cast %add3A_478 : i32 to index
        %get3A_524 = arith.constant 64 : index
        %get3A_525 = tpu.vector_load %arg6[%get3A_523, %get3A_524] {strides = array<i32>} : memref<114x128xi32, #tpu.memory_space<vmem>>, vector<1x16xi32>,
        %get3A_526 = vector.shape_cast %get3A_525 : vector<1x16xi32> to vector<16xi32>
        %shift_right_logical3A_527 = arith.constant 14 : i32
        %shift_right_logical3A_528 = vector.broadcast %shift_right_logical3A_527 : i32 to vector<16xi32>
        %shift_right_logical3A_529 = arith.shrui %get3A_526, %shift_right_logical3A_528 : vector<16xi32>
        %swap3A_530 = arith.constant 64 : index
        %swap3A_531 = tpu.vector_load %arg9[%swap3A_530] {strides = array<i32>} : memref<128xi32, #tpu.memory_space<vmem>>, vector<16xi32>,
        %swap3A_532 = vector.shape_cast %swap3A_531 : vector<16xi32> to vector<16xi32>
        %swap3A_533 = vector.shape_cast %shift_right_logical3A_529 : vector<16xi32> to vector<16xi32>
        tpu.vector_store %arg9[%swap3A_530], %swap3A_533 {strides = array<i32>} : memref<128xi32, #tpu.memory_space<vmem>>, vector<16xi32>,
        %get3A_534 = arith.index_cast %add3A_478 : i32 to index
        %get3A_535 = arith.constant 80 : index
        %get3A_536 = tpu.vector_load %arg6[%get3A_534, %get3A_535] {strides = array<i32>} : memref<114x128xi32, #tpu.memory_space<vmem>>, vector<1x16xi32>,
        %get3A_537 = vector.shape_cast %get3A_536 : vector<1x16xi32> to vector<16xi32>
        %shift_right_logical3A_538 = arith.constant 14 : i32
        %shift_right_logical3A_539 = vector.broadcast %shift_right_logical3A_538 : i32 to vector<16xi32>
        %shift_right_logical3A_540 = arith.shrui %get3A_537, %shift_right_logical3A_539 : vector<16xi32>
        %swap3A_541 = arith.constant 80 : index
        %swap3A_542 = tpu.vector_load %arg9[%swap3A_541] {strides = array<i32>} : memref<128xi32, #tpu.memory_space<vmem>>, vector<16xi32>,
        %swap3A_543 = vector.shape_cast %swap3A_542 : vector<16xi32> to vector<16xi32>
        %swap3A_544 = vector.shape_cast %shift_right_logical3A_540 : vector<16xi32> to vector<16xi32>
        tpu.vector_store %arg9[%swap3A_541], %swap3A_544 {strides = array<i32>} : memref<128xi32, #tpu.memory_space<vmem>>, vector<16xi32>,
        %get3A_545 = arith.index_cast %add3A_478 : i32 to index
        %get3A_546 = arith.constant 96 : index
        %get3A_547 = tpu.vector_load %arg6[%get3A_545, %get3A_546] {strides = array<i32>} : memref<114x128xi32, #tpu.memory_space<vmem>>, vector<1x16xi32>,
        %get3A_548 = vector.shape_cast %get3A_547 : vector<1x16xi32> to vector<16xi32>
        %shift_right_logical3A_549 = arith.constant 14 : i32
        %shift_right_logical3A_550 = vector.broadcast %shift_right_logical3A_549 : i32 to vector<16xi32>
        %shift_right_logical3A_551 = arith.shrui %get3A_548, %shift_right_logical3A_550 : vector<16xi32>
        %swap3A_552 = arith.constant 96 : index
        %swap3A_553 = tpu.vector_load %arg9[%swap3A_552] {strides = array<i32>} : memref<128xi32, #tpu.memory_space<vmem>>, vector<16xi32>,
        %swap3A_554 = vector.shape_cast %swap3A_553 : vector<16xi32> to vector<16xi32>
        %swap3A_555 = vector.shape_cast %shift_right_logical3A_551 : vector<16xi32> to vector<16xi32>
        tpu.vector_store %arg9[%swap3A_552], %swap3A_555 {strides = array<i32>} : memref<128xi32, #tpu.memory_space<vmem>>, vector<16xi32>,
        %get3A_556 = arith.index_cast %add3A_478 : i32 to index
        %get3A_557 = arith.constant 112 : index
        %get3A_558 = tpu.vector_load %arg6[%get3A_556, %get3A_557] {strides = array<i32>} : memref<114x128xi32, #tpu.memory_space<vmem>>, vector<1x16xi32>,
        %get3A_559 = vector.shape_cast %get3A_558 : vector<1x16xi32> to vector<16xi32>
        %shift_right_logical3A_560 = arith.constant 14 : i32
        %shift_right_logical3A_561 = vector.broadcast %shift_right_logical3A_560 : i32 to vector<16xi32>
        %shift_right_logical3A_562 = arith.shrui %get3A_559, %shift_right_logical3A_561 : vector<16xi32>
        %swap3A_563 = arith.constant 112 : index
        %swap3A_564 = tpu.vector_load %arg9[%swap3A_563] {strides = array<i32>} : memref<128xi32, #tpu.memory_space<vmem>>, vector<16xi32>,
        %swap3A_565 = vector.shape_cast %swap3A_564 : vector<16xi32> to vector<16xi32>
        %swap3A_566 = vector.shape_cast %shift_right_logical3A_562 : vector<16xi32> to vector<16xi32>
        tpu.vector_store %arg9[%swap3A_563], %swap3A_566 {strides = array<i32>} : memref<128xi32, #tpu.memory_space<vmem>>, vector<16xi32>,
      } else {
      }
      tpu.wait_dma2 semaphore(%arg15 : memref<!tpu.dma_semaphore, #tpu.memory_space<semaphore_mem>>) src(%arg4 : memref<128x64xf32, #tpu.memory_space<hbm>>) dst(%arg12 : memref<128x64xf32, #tpu.memory_space<vmem>>)
      %add3A_464 = arith.constant 3 : i32
      %add3A_465 = arith.addi %mul3A_454, %add3A_464 : i32
      %lt3A_466 = arith.cmpi slt, %add3A_465, %select_n3A : i32
      %convert_element_type3A_467 = arith.extui %lt3A_466 : i1 to i32
      %cond3A_468 = arith.constant 0 : i32
      %cond3A_469 = arith.cmpi ne, %convert_element_type3A_467, %cond3A_468 : i32
      scf.if %cond3A_469 {
        %add3A_477 = arith.constant 3 : i32
        %add3A_478 = arith.addi %mul3A_454, %add3A_477 : i32
        %get3A_479 = arith.index_cast %add3A_478 : i32 to index
        %get3A_480 = arith.constant 0 : index
        %get3A_481 = tpu.vector_load %arg6[%get3A_479, %get3A_480] {strides = array<i32>} : memref<114x128xi32, #tpu.memory_space<vmem>>, vector<1x16xi32>,
        %get3A_482 = vector.shape_cast %get3A_481 : vector<1x16xi32> to vector<16xi32>
        %and3A_483 = arith.constant 16383 : i32
        %and3A_484 = vector.broadcast %and3A_483 : i32 to vector<16xi32>
        %and3A_485 = arith.andi %get3A_482, %and3A_484 : vector<16xi32>
        %swap3A_486 = arith.constant 0 : index
        %swap3A_487 = tpu.vector_load %arg8[%swap3A_486] {strides = array<i32>} : memref<128xi32, #tpu.memory_space<vmem>>, vector<16xi32>,
        %swap3A_488 = vector.shape_cast %swap3A_487 : vector<16xi32> to vector<16xi32>
        %swap3A_489 = vector.shape_cast %and3A_485 : vector<16xi32> to vector<16xi32>
        tpu.vector_store %arg8[%swap3A_486], %swap3A_489 {strides = array<i32>} : memref<128xi32, #tpu.memory_space<vmem>>, vector<16xi32>,
        %get3A_490 = arith.index_cast %add3A_478 : i32 to index
        %get3A_491 = arith.constant 16 : index
        %get3A_492 = tpu.vector_load %arg6[%get3A_490, %get3A_491] {strides = array<i32>} : memref<114x128xi32, #tpu.memory_space<vmem>>, vector<1x16xi32>,
        %get3A_493 = vector.shape_cast %get3A_492 : vector<1x16xi32> to vector<16xi32>
        %and3A_494 = arith.constant 16383 : i32
        %and3A_495 = vector.broadcast %and3A_494 : i32 to vector<16xi32>
        %and3A_496 = arith.andi %get3A_493, %and3A_495 : vector<16xi32>
        %swap3A_497 = arith.constant 16 : index
        %swap3A_498 = tpu.vector_load %arg8[%swap3A_497] {strides = array<i32>} : memref<128xi32, #tpu.memory_space<vmem>>, vector<16xi32>,
        %swap3A_499 = vector.shape_cast %swap3A_498 : vector<16xi32> to vector<16xi32>
        %swap3A_500 = vector.shape_cast %and3A_496 : vector<16xi32> to vector<16xi32>
        tpu.vector_store %arg8[%swap3A_497], %swap3A_500 {strides = array<i32>} : memref<128xi32, #tpu.memory_space<vmem>>, vector<16xi32>,
        %get3A_501 = arith.index_cast %add3A_478 : i32 to index
        %get3A_502 = arith.constant 32 : index
        %get3A_503 = tpu.vector_load %arg6[%get3A_501, %get3A_502] {strides = array<i32>} : memref<114x128xi32, #tpu.memory_space<vmem>>, vector<1x16xi32>,
        %get3A_504 = vector.shape_cast %get3A_503 : vector<1x16xi32> to vector<16xi32>
        %and3A_505 = arith.constant 16383 : i32
        %and3A_506 = vector.broadcast %and3A_505 : i32 to vector<16xi32>
        %and3A_507 = arith.andi %get3A_504, %and3A_506 : vector<16xi32>
        %swap3A_508 = arith.constant 32 : index
        %swap3A_509 = tpu.vector_load %arg8[%swap3A_508] {strides = array<i32>} : memref<128xi32, #tpu.memory_space<vmem>>, vector<16xi32>,
        %swap3A_510 = vector.shape_cast %swap3A_509 : vector<16xi32> to vector<16xi32>
        %swap3A_511 = vector.shape_cast %and3A_507 : vector<16xi32> to vector<16xi32>
        tpu.vector_store %arg8[%swap3A_508], %swap3A_511 {strides = array<i32>} : memref<128xi32, #tpu.memory_space<vmem>>, vector<16xi32>,
        %get3A_512 = arith.index_cast %add3A_478 : i32 to index
        %get3A_513 = arith.constant 48 : index
        %get3A_514 = tpu.vector_load %arg6[%get3A_512, %get3A_513] {strides = array<i32>} : memref<114x128xi32, #tpu.memory_space<vmem>>, vector<1x16xi32>,
        %get3A_515 = vector.shape_cast %get3A_514 : vector<1x16xi32> to vector<16xi32>
        %and3A_516 = arith.constant 16383 : i32
        %and3A_517 = vector.broadcast %and3A_516 : i32 to vector<16xi32>
        %and3A_518 = arith.andi %get3A_515, %and3A_517 : vector<16xi32>
        %swap3A_519 = arith.constant 48 : index
        %swap3A_520 = tpu.vector_load %arg8[%swap3A_519] {strides = array<i32>} : memref<128xi32, #tpu.memory_space<vmem>>, vector<16xi32>,
        %swap3A_521 = vector.shape_cast %swap3A_520 : vector<16xi32> to vector<16xi32>
        %swap3A_522 = vector.shape_cast %and3A_518 : vector<16xi32> to vector<16xi32>
        tpu.vector_store %arg8[%swap3A_519], %swap3A_522 {strides = array<i32>} : memref<128xi32, #tpu.memory_space<vmem>>, vector<16xi32>,
        %get3A_523 = arith.index_cast %add3A_478 : i32 to index
        %get3A_524 = arith.constant 64 : index
        %get3A_525 = tpu.vector_load %arg6[%get3A_523, %get3A_524] {strides = array<i32>} : memref<114x128xi32, #tpu.memory_space<vmem>>, vector<1x16xi32>,
        %get3A_526 = vector.shape_cast %get3A_525 : vector<1x16xi32> to vector<16xi32>
        %and3A_527 = arith.constant 16383 : i32
        %and3A_528 = vector.broadcast %and3A_527 : i32 to vector<16xi32>
        %and3A_529 = arith.andi %get3A_526, %and3A_528 : vector<16xi32>
        %swap3A_530 = arith.constant 64 : index
        %swap3A_531 = tpu.vector_load %arg8[%swap3A_530] {strides = array<i32>} : memref<128xi32, #tpu.memory_space<vmem>>, vector<16xi32>,
        %swap3A_532 = vector.shape_cast %swap3A_531 : vector<16xi32> to vector<16xi32>
        %swap3A_533 = vector.shape_cast %and3A_529 : vector<16xi32> to vector<16xi32>
        tpu.vector_store %arg8[%swap3A_530], %swap3A_533 {strides = array<i32>} : memref<128xi32, #tpu.memory_space<vmem>>, vector<16xi32>,
        %get3A_534 = arith.index_cast %add3A_478 : i32 to index
        %get3A_535 = arith.constant 80 : index
        %get3A_536 = tpu.vector_load %arg6[%get3A_534, %get3A_535] {strides = array<i32>} : memref<114x128xi32, #tpu.memory_space<vmem>>, vector<1x16xi32>,
        %get3A_537 = vector.shape_cast %get3A_536 : vector<1x16xi32> to vector<16xi32>
        %and3A_538 = arith.constant 16383 : i32
        %and3A_539 = vector.broadcast %and3A_538 : i32 to vector<16xi32>
        %and3A_540 = arith.andi %get3A_537, %and3A_539 : vector<16xi32>
        %swap3A_541 = arith.constant 80 : index
        %swap3A_542 = tpu.vector_load %arg8[%swap3A_541] {strides = array<i32>} : memref<128xi32, #tpu.memory_space<vmem>>, vector<16xi32>,
        %swap3A_543 = vector.shape_cast %swap3A_542 : vector<16xi32> to vector<16xi32>
        %swap3A_544 = vector.shape_cast %and3A_540 : vector<16xi32> to vector<16xi32>
        tpu.vector_store %arg8[%swap3A_541], %swap3A_544 {strides = array<i32>} : memref<128xi32, #tpu.memory_space<vmem>>, vector<16xi32>,
        %get3A_545 = arith.index_cast %add3A_478 : i32 to index
        %get3A_546 = arith.constant 96 : index
        %get3A_547 = tpu.vector_load %arg6[%get3A_545, %get3A_546] {strides = array<i32>} : memref<114x128xi32, #tpu.memory_space<vmem>>, vector<1x16xi32>,
        %get3A_548 = vector.shape_cast %get3A_547 : vector<1x16xi32> to vector<16xi32>
        %and3A_549 = arith.constant 16383 : i32
        %and3A_550 = vector.broadcast %and3A_549 : i32 to vector<16xi32>
        %and3A_551 = arith.andi %get3A_548, %and3A_550 : vector<16xi32>
        %swap3A_552 = arith.constant 96 : index
        %swap3A_553 = tpu.vector_load %arg8[%swap3A_552] {strides = array<i32>} : memref<128xi32, #tpu.memory_space<vmem>>, vector<16xi32>,
        %swap3A_554 = vector.shape_cast %swap3A_553 : vector<16xi32> to vector<16xi32>
        %swap3A_555 = vector.shape_cast %and3A_551 : vector<16xi32> to vector<16xi32>
        tpu.vector_store %arg8[%swap3A_552], %swap3A_555 {strides = array<i32>} : memref<128xi32, #tpu.memory_space<vmem>>, vector<16xi32>,
        %get3A_556 = arith.index_cast %add3A_478 : i32 to index
        %get3A_557 = arith.constant 112 : index
        %get3A_558 = tpu.vector_load %arg6[%get3A_556, %get3A_557] {strides = array<i32>} : memref<114x128xi32, #tpu.memory_space<vmem>>, vector<1x16xi32>,
        %get3A_559 = vector.shape_cast %get3A_558 : vector<1x16xi32> to vector<16xi32>
        %and3A_560 = arith.constant 16383 : i32
        %and3A_561 = vector.broadcast %and3A_560 : i32 to vector<16xi32>
        %and3A_562 = arith.andi %get3A_559, %and3A_561 : vector<16xi32>
        %swap3A_563 = arith.constant 112 : index
        %swap3A_564 = tpu.vector_load %arg8[%swap3A_563] {strides = array<i32>} : memref<128xi32, #tpu.memory_space<vmem>>, vector<16xi32>,
        %swap3A_565 = vector.shape_cast %swap3A_564 : vector<16xi32> to vector<16xi32>
        %swap3A_566 = vector.shape_cast %and3A_562 : vector<16xi32> to vector<16xi32>
        tpu.vector_store %arg8[%swap3A_563], %swap3A_566 {strides = array<i32>} : memref<128xi32, #tpu.memory_space<vmem>>, vector<16xi32>,
        %add3A_567 = arith.constant 3 : i32
        %add3A_568 = arith.addi %mul3A_454, %add3A_567 : i32
        %dma_start3A_569 = arith.constant 0 : i32
        %dma_start3A_570 = arith.constant 0 : i32
        %dma_start3A_571 = tpu.memref_slice %arg2[%dma_start3A_569, %dma_start3A_570] : memref<10000x64xf32, #tpu.memory_space<hbm>> -> memref<10000x64xf32, #tpu.memory_space<hbm>>
        tpu.enqueue_indirect_dma source(%dma_start3A_571 : memref<10000x64xf32, #tpu.memory_space<hbm>>) target(%arg12 : memref<128x64xf32, #tpu.memory_space<vmem>>) offsets(%arg8 : memref<128xi32, #tpu.memory_space<vmem>>) semaphore(%arg15 : memref<!tpu.dma_semaphore, #tpu.memory_space<semaphore_mem>>)
      } else {
      }
      "tpu.region"() ({
        %run_scoped3A = tpu.sem_alloc : memref<!tpu.dma_semaphore, #tpu.memory_space<semaphore_mem>>
        %dma_start3A_477 = arith.constant 0 : i32
        %dma_start3A_478 = arith.constant 0 : i32
        %dma_start3A_479 = tpu.memref_slice %arg13[%dma_start3A_477, %dma_start3A_478] : memref<10240x64xf32, #tpu.memory_space<vmem_shared>> -> memref<10240x64xf32, #tpu.memory_space<vmem_shared>>
        tpu.enqueue_indirect_dma source(%arg12 : memref<128x64xf32, #tpu.memory_space<vmem>>) target(%dma_start3A_479 : memref<10240x64xf32, #tpu.memory_space<vmem_shared>>) offsets(%arg10 : memref<128xi32, #tpu.memory_space<vmem>>) semaphore(%run_scoped3A : memref<!tpu.dma_semaphore, #tpu.memory_space<semaphore_mem>>) {add = true}
        %dma_wait3A = arith.constant 0 : i32
        %dma_wait3A_480 = arith.constant 0 : i32
        %dma_wait3A_481 = tpu.memref_slice %arg13[%dma_wait3A, %dma_wait3A_480] : memref<10240x64xf32, #tpu.memory_space<vmem_shared>> -> memref<10240x64xf32, #tpu.memory_space<vmem_shared>>
        tpu.wait_indirect_dma semaphore(%run_scoped3A : memref<!tpu.dma_semaphore, #tpu.memory_space<semaphore_mem>>) src(%arg12 : memref<128x64xf32, #tpu.memory_space<vmem>>) dst(%dma_wait3A_481 : memref<10240x64xf32, #tpu.memory_space<vmem_shared>>)
        tpu.yield
      }) : () -> ()
      %add3A_470 = arith.constant 3 : i32
      %add3A_471 = arith.addi %mul3A_454, %add3A_470 : i32
      %lt3A_472 = arith.cmpi slt, %add3A_471, %select_n3A : i32
      %convert_element_type3A_473 = arith.extui %lt3A_472 : i1 to i32
      %cond3A_474 = arith.constant 0 : i32
      %cond3A_475 = arith.cmpi ne, %convert_element_type3A_473, %cond3A_474 : i32
      scf.if %cond3A_475 {
        %add3A_477 = arith.constant 3 : i32
        %add3A_478 = arith.addi %mul3A_454, %add3A_477 : i32
        %get3A_479 = arith.index_cast %add3A_478 : i32 to index
        %get3A_480 = arith.constant 0 : index
        %get3A_481 = tpu.vector_load %arg6[%get3A_479, %get3A_480] {strides = array<i32>} : memref<114x128xi32, #tpu.memory_space<vmem>>, vector<1x16xi32>,
        %get3A_482 = vector.shape_cast %get3A_481 : vector<1x16xi32> to vector<16xi32>
        %shift_right_logical3A_483 = arith.constant 14 : i32
        %shift_right_logical3A_484 = vector.broadcast %shift_right_logical3A_483 : i32 to vector<16xi32>
        %shift_right_logical3A_485 = arith.shrui %get3A_482, %shift_right_logical3A_484 : vector<16xi32>
        %swap3A_486 = arith.constant 0 : index
        %swap3A_487 = tpu.vector_load %arg10[%swap3A_486] {strides = array<i32>} : memref<128xi32, #tpu.memory_space<vmem>>, vector<16xi32>,
        %swap3A_488 = vector.shape_cast %swap3A_487 : vector<16xi32> to vector<16xi32>
        %swap3A_489 = vector.shape_cast %shift_right_logical3A_485 : vector<16xi32> to vector<16xi32>
        tpu.vector_store %arg10[%swap3A_486], %swap3A_489 {strides = array<i32>} : memref<128xi32, #tpu.memory_space<vmem>>, vector<16xi32>,
        %get3A_490 = arith.index_cast %add3A_478 : i32 to index
        %get3A_491 = arith.constant 16 : index
        %get3A_492 = tpu.vector_load %arg6[%get3A_490, %get3A_491] {strides = array<i32>} : memref<114x128xi32, #tpu.memory_space<vmem>>, vector<1x16xi32>,
        %get3A_493 = vector.shape_cast %get3A_492 : vector<1x16xi32> to vector<16xi32>
        %shift_right_logical3A_494 = arith.constant 14 : i32
        %shift_right_logical3A_495 = vector.broadcast %shift_right_logical3A_494 : i32 to vector<16xi32>
        %shift_right_logical3A_496 = arith.shrui %get3A_493, %shift_right_logical3A_495 : vector<16xi32>
        %swap3A_497 = arith.constant 16 : index
        %swap3A_498 = tpu.vector_load %arg10[%swap3A_497] {strides = array<i32>} : memref<128xi32, #tpu.memory_space<vmem>>, vector<16xi32>,
        %swap3A_499 = vector.shape_cast %swap3A_498 : vector<16xi32> to vector<16xi32>
        %swap3A_500 = vector.shape_cast %shift_right_logical3A_496 : vector<16xi32> to vector<16xi32>
        tpu.vector_store %arg10[%swap3A_497], %swap3A_500 {strides = array<i32>} : memref<128xi32, #tpu.memory_space<vmem>>, vector<16xi32>,
        %get3A_501 = arith.index_cast %add3A_478 : i32 to index
        %get3A_502 = arith.constant 32 : index
        %get3A_503 = tpu.vector_load %arg6[%get3A_501, %get3A_502] {strides = array<i32>} : memref<114x128xi32, #tpu.memory_space<vmem>>, vector<1x16xi32>,
        %get3A_504 = vector.shape_cast %get3A_503 : vector<1x16xi32> to vector<16xi32>
        %shift_right_logical3A_505 = arith.constant 14 : i32
        %shift_right_logical3A_506 = vector.broadcast %shift_right_logical3A_505 : i32 to vector<16xi32>
        %shift_right_logical3A_507 = arith.shrui %get3A_504, %shift_right_logical3A_506 : vector<16xi32>
        %swap3A_508 = arith.constant 32 : index
        %swap3A_509 = tpu.vector_load %arg10[%swap3A_508] {strides = array<i32>} : memref<128xi32, #tpu.memory_space<vmem>>, vector<16xi32>,
        %swap3A_510 = vector.shape_cast %swap3A_509 : vector<16xi32> to vector<16xi32>
        %swap3A_511 = vector.shape_cast %shift_right_logical3A_507 : vector<16xi32> to vector<16xi32>
        tpu.vector_store %arg10[%swap3A_508], %swap3A_511 {strides = array<i32>} : memref<128xi32, #tpu.memory_space<vmem>>, vector<16xi32>,
        %get3A_512 = arith.index_cast %add3A_478 : i32 to index
        %get3A_513 = arith.constant 48 : index
        %get3A_514 = tpu.vector_load %arg6[%get3A_512, %get3A_513] {strides = array<i32>} : memref<114x128xi32, #tpu.memory_space<vmem>>, vector<1x16xi32>,
        %get3A_515 = vector.shape_cast %get3A_514 : vector<1x16xi32> to vector<16xi32>
        %shift_right_logical3A_516 = arith.constant 14 : i32
        %shift_right_logical3A_517 = vector.broadcast %shift_right_logical3A_516 : i32 to vector<16xi32>
        %shift_right_logical3A_518 = arith.shrui %get3A_515, %shift_right_logical3A_517 : vector<16xi32>
        %swap3A_519 = arith.constant 48 : index
        %swap3A_520 = tpu.vector_load %arg10[%swap3A_519] {strides = array<i32>} : memref<128xi32, #tpu.memory_space<vmem>>, vector<16xi32>,
        %swap3A_521 = vector.shape_cast %swap3A_520 : vector<16xi32> to vector<16xi32>
        %swap3A_522 = vector.shape_cast %shift_right_logical3A_518 : vector<16xi32> to vector<16xi32>
        tpu.vector_store %arg10[%swap3A_519], %swap3A_522 {strides = array<i32>} : memref<128xi32, #tpu.memory_space<vmem>>, vector<16xi32>,
        %get3A_523 = arith.index_cast %add3A_478 : i32 to index
        %get3A_524 = arith.constant 64 : index
        %get3A_525 = tpu.vector_load %arg6[%get3A_523, %get3A_524] {strides = array<i32>} : memref<114x128xi32, #tpu.memory_space<vmem>>, vector<1x16xi32>,
        %get3A_526 = vector.shape_cast %get3A_525 : vector<1x16xi32> to vector<16xi32>
        %shift_right_logical3A_527 = arith.constant 14 : i32
        %shift_right_logical3A_528 = vector.broadcast %shift_right_logical3A_527 : i32 to vector<16xi32>
        %shift_right_logical3A_529 = arith.shrui %get3A_526, %shift_right_logical3A_528 : vector<16xi32>
        %swap3A_530 = arith.constant 64 : index
        %swap3A_531 = tpu.vector_load %arg10[%swap3A_530] {strides = array<i32>} : memref<128xi32, #tpu.memory_space<vmem>>, vector<16xi32>,
        %swap3A_532 = vector.shape_cast %swap3A_531 : vector<16xi32> to vector<16xi32>
        %swap3A_533 = vector.shape_cast %shift_right_logical3A_529 : vector<16xi32> to vector<16xi32>
        tpu.vector_store %arg10[%swap3A_530], %swap3A_533 {strides = array<i32>} : memref<128xi32, #tpu.memory_space<vmem>>, vector<16xi32>,
        %get3A_534 = arith.index_cast %add3A_478 : i32 to index
        %get3A_535 = arith.constant 80 : index
        %get3A_536 = tpu.vector_load %arg6[%get3A_534, %get3A_535] {strides = array<i32>} : memref<114x128xi32, #tpu.memory_space<vmem>>, vector<1x16xi32>,
        %get3A_537 = vector.shape_cast %get3A_536 : vector<1x16xi32> to vector<16xi32>
        %shift_right_logical3A_538 = arith.constant 14 : i32
        %shift_right_logical3A_539 = vector.broadcast %shift_right_logical3A_538 : i32 to vector<16xi32>
        %shift_right_logical3A_540 = arith.shrui %get3A_537, %shift_right_logical3A_539 : vector<16xi32>
        %swap3A_541 = arith.constant 80 : index
        %swap3A_542 = tpu.vector_load %arg10[%swap3A_541] {strides = array<i32>} : memref<128xi32, #tpu.memory_space<vmem>>, vector<16xi32>,
        %swap3A_543 = vector.shape_cast %swap3A_542 : vector<16xi32> to vector<16xi32>
        %swap3A_544 = vector.shape_cast %shift_right_logical3A_540 : vector<16xi32> to vector<16xi32>
        tpu.vector_store %arg10[%swap3A_541], %swap3A_544 {strides = array<i32>} : memref<128xi32, #tpu.memory_space<vmem>>, vector<16xi32>,
        %get3A_545 = arith.index_cast %add3A_478 : i32 to index
        %get3A_546 = arith.constant 96 : index
        %get3A_547 = tpu.vector_load %arg6[%get3A_545, %get3A_546] {strides = array<i32>} : memref<114x128xi32, #tpu.memory_space<vmem>>, vector<1x16xi32>,
        %get3A_548 = vector.shape_cast %get3A_547 : vector<1x16xi32> to vector<16xi32>
        %shift_right_logical3A_549 = arith.constant 14 : i32
        %shift_right_logical3A_550 = vector.broadcast %shift_right_logical3A_549 : i32 to vector<16xi32>
        %shift_right_logical3A_551 = arith.shrui %get3A_548, %shift_right_logical3A_550 : vector<16xi32>
        %swap3A_552 = arith.constant 96 : index
        %swap3A_553 = tpu.vector_load %arg10[%swap3A_552] {strides = array<i32>} : memref<128xi32, #tpu.memory_space<vmem>>, vector<16xi32>,
        %swap3A_554 = vector.shape_cast %swap3A_553 : vector<16xi32> to vector<16xi32>
        %swap3A_555 = vector.shape_cast %shift_right_logical3A_551 : vector<16xi32> to vector<16xi32>
        tpu.vector_store %arg10[%swap3A_552], %swap3A_555 {strides = array<i32>} : memref<128xi32, #tpu.memory_space<vmem>>, vector<16xi32>,
        %get3A_556 = arith.index_cast %add3A_478 : i32 to index
        %get3A_557 = arith.constant 112 : index
        %get3A_558 = tpu.vector_load %arg6[%get3A_556, %get3A_557] {strides = array<i32>} : memref<114x128xi32, #tpu.memory_space<vmem>>, vector<1x16xi32>,
        %get3A_559 = vector.shape_cast %get3A_558 : vector<1x16xi32> to vector<16xi32>
        %shift_right_logical3A_560 = arith.constant 14 : i32
        %shift_right_logical3A_561 = vector.broadcast %shift_right_logical3A_560 : i32 to vector<16xi32>
        %shift_right_logical3A_562 = arith.shrui %get3A_559, %shift_right_logical3A_561 : vector<16xi32>
        %swap3A_563 = arith.constant 112 : index
        %swap3A_564 = tpu.vector_load %arg10[%swap3A_563] {strides = array<i32>} : memref<128xi32, #tpu.memory_space<vmem>>, vector<16xi32>,
        %swap3A_565 = vector.shape_cast %swap3A_564 : vector<16xi32> to vector<16xi32>
        %swap3A_566 = vector.shape_cast %shift_right_logical3A_562 : vector<16xi32> to vector<16xi32>
        tpu.vector_store %arg10[%swap3A_563], %swap3A_566 {strides = array<i32>} : memref<128xi32, #tpu.memory_space<vmem>>, vector<16xi32>,
      } else {
      }
      %while3A_476 = arith.constant 0 : i32
      scf.yield %while3A_476 : i32
    }
    %barrier3A_430 = arith.constant 0 : index
    tpu.barrier barrier_id(%barrier3A_430)
    %add3A_431 = arith.constant 0 : i32
    %add3A_432 = arith.addi %mul3A_2, %add3A_431 : i32
    "tpu.region"() ({
      %run_scoped3A = tpu.sem_alloc : memref<!tpu.dma_semaphore, #tpu.memory_space<semaphore_mem>>
      %dma_start3A_451 = arith.constant 0 : i32
      %dma_start3A_452 = tpu.memref_slice %arg13[%add3A_432, %dma_start3A_451] : memref<10240x64xf32, #tpu.memory_space<vmem_shared>> -> memref<128x64xf32, #tpu.memory_space<vmem_shared>>
      %dma_start3A_453 = arith.constant 0 : i32
      %dma_start3A_454 = tpu.memref_slice %arg13[%add3A_432, %dma_start3A_453] : memref<10240x64xf32, #tpu.memory_space<vmem_shared>> -> memref<128x64xf32, #tpu.memory_space<vmem_shared>>
      tpu.enqueue_dma source(%dma_start3A_454 : memref<128x64xf32, #tpu.memory_space<vmem_shared>>) target(%arg11 : memref<128x64xf32, #tpu.memory_space<vmem>>) target_semaphore(%run_scoped3A : memref<!tpu.dma_semaphore, #tpu.memory_space<semaphore_mem>>)
      %dma_wait3A = arith.constant 0 : i32
      %dma_wait3A_455 = tpu.memref_slice %arg13[%add3A_432, %dma_wait3A] : memref<10240x64xf32, #tpu.memory_space<vmem_shared>> -> memref<128x64xf32, #tpu.memory_space<vmem_shared>>
      %dma_wait3A_456 = arith.constant 0 : i32
      %dma_wait3A_457 = tpu.memref_slice %arg13[%add3A_432, %dma_wait3A_456] : memref<10240x64xf32, #tpu.memory_space<vmem_shared>> -> memref<128x64xf32, #tpu.memory_space<vmem_shared>>
      tpu.wait_dma2 semaphore(%run_scoped3A : memref<!tpu.dma_semaphore, #tpu.memory_space<semaphore_mem>>) src(%dma_wait3A_457 : memref<128x64xf32, #tpu.memory_space<vmem_shared>>) dst(%arg11 : memref<128x64xf32, #tpu.memory_space<vmem>>)
      tpu.yield
    }) : () -> ()
    %add3A_433 = arith.constant 0 : i32
    %add3A_434 = arith.addi %mul3A_2, %add3A_433 : i32
    "tpu.region"() ({
      %run_scoped3A = tpu.sem_alloc : memref<!tpu.dma_semaphore, #tpu.memory_space<semaphore_mem>>
      %dma_start3A_451 = arith.constant 0 : i32
      %dma_start3A_452 = tpu.memref_slice %arg5[%arg0, %add3A_434, %dma_start3A_451] : memref<2x10240x64xf32, #tpu.memory_space<hbm>> -> memref<1x128x64xf32, #tpu.memory_space<hbm>>
      %dma_start3A_453 = tpu.memref_squeeze %dma_start3A_452 : memref<1x128x64xf32, #tpu.memory_space<hbm>> -> memref<128x64xf32, #tpu.memory_space<hbm>>
      %dma_start3A_454 = arith.constant 0 : i32
      %dma_start3A_455 = tpu.memref_slice %arg5[%arg0, %add3A_434, %dma_start3A_454] : memref<2x10240x64xf32, #tpu.memory_space<hbm>> -> memref<1x128x64xf32, #tpu.memory_space<hbm>>
      %dma_start3A_456 = tpu.memref_squeeze %dma_start3A_455 : memref<1x128x64xf32, #tpu.memory_space<hbm>> -> memref<128x64xf32, #tpu.memory_space<hbm>>
      tpu.enqueue_dma source(%arg11 : memref<128x64xf32, #tpu.memory_space<vmem>>) target(%dma_start3A_456 : memref<128x64xf32, #tpu.memory_space<hbm>>) target_semaphore(%run_scoped3A : memref<!tpu.dma_semaphore, #tpu.memory_space<semaphore_mem>>)
      %dma_wait3A = arith.constant 0 : i32
      %dma_wait3A_457 = tpu.memref_slice %arg5[%arg0, %add3A_434, %dma_wait3A] : memref<2x10240x64xf32, #tpu.memory_space<hbm>> -> memref<1x128x64xf32, #tpu.memory_space<hbm>>
      %dma_wait3A_458 = tpu.memref_squeeze %dma_wait3A_457 : memref<1x128x64xf32, #tpu.memory_space<hbm>> -> memref<128x64xf32, #tpu.memory_space<hbm>>
      %dma_wait3A_459 = arith.constant 0 : i32
      %dma_wait3A_460 = tpu.memref_slice %arg5[%arg0, %add3A_434, %dma_wait3A_459] : memref<2x10240x64xf32, #tpu.memory_space<hbm>> -> memref<1x128x64xf32, #tpu.memory_space<hbm>>
      %dma_wait3A_461 = tpu.memref_squeeze %dma_wait3A_460 : memref<1x128x64xf32, #tpu.memory_space<hbm>> -> memref<128x64xf32, #tpu.memory_space<hbm>>
      tpu.wait_dma2 semaphore(%run_scoped3A : memref<!tpu.dma_semaphore, #tpu.memory_space<semaphore_mem>>) src(%arg11 : memref<128x64xf32, #tpu.memory_space<vmem>>) dst(%dma_wait3A_461 : memref<128x64xf32, #tpu.memory_space<hbm>>)
      tpu.yield
    }) : () -> ()
    %add3A_435 = arith.constant 128 : i32
    %add3A_436 = arith.addi %mul3A_2, %add3A_435 : i32
    "tpu.region"() ({
      %run_scoped3A = tpu.sem_alloc : memref<!tpu.dma_semaphore, #tpu.memory_space<semaphore_mem>>
      %dma_start3A_451 = arith.constant 0 : i32
      %dma_start3A_452 = tpu.memref_slice %arg13[%add3A_436, %dma_start3A_451] : memref<10240x64xf32, #tpu.memory_space<vmem_shared>> -> memref<128x64xf32, #tpu.memory_space<vmem_shared>>
      %dma_start3A_453 = arith.constant 0 : i32
      %dma_start3A_454 = tpu.memref_slice %arg13[%add3A_436, %dma_start3A_453] : memref<10240x64xf32, #tpu.memory_space<vmem_shared>> -> memref<128x64xf32, #tpu.memory_space<vmem_shared>>
      tpu.enqueue_dma source(%dma_start3A_454 : memref<128x64xf32, #tpu.memory_space<vmem_shared>>) target(%arg11 : memref<128x64xf32, #tpu.memory_space<vmem>>) target_semaphore(%run_scoped3A : memref<!tpu.dma_semaphore, #tpu.memory_space<semaphore_mem>>)
      %dma_wait3A = arith.constant 0 : i32
      %dma_wait3A_455 = tpu.memref_slice %arg13[%add3A_436, %dma_wait3A] : memref<10240x64xf32, #tpu.memory_space<vmem_shared>> -> memref<128x64xf32, #tpu.memory_space<vmem_shared>>
      %dma_wait3A_456 = arith.constant 0 : i32
      %dma_wait3A_457 = tpu.memref_slice %arg13[%add3A_436, %dma_wait3A_456] : memref<10240x64xf32, #tpu.memory_space<vmem_shared>> -> memref<128x64xf32, #tpu.memory_space<vmem_shared>>
      tpu.wait_dma2 semaphore(%run_scoped3A : memref<!tpu.dma_semaphore, #tpu.memory_space<semaphore_mem>>) src(%dma_wait3A_457 : memref<128x64xf32, #tpu.memory_space<vmem_shared>>) dst(%arg11 : memref<128x64xf32, #tpu.memory_space<vmem>>)
      tpu.yield
    }) : () -> ()
    %add3A_437 = arith.constant 128 : i32
    %add3A_438 = arith.addi %mul3A_2, %add3A_437 : i32
    "tpu.region"() ({
      %run_scoped3A = tpu.sem_alloc : memref<!tpu.dma_semaphore, #tpu.memory_space<semaphore_mem>>
      %dma_start3A_451 = arith.constant 0 : i32
      %dma_start3A_452 = tpu.memref_slice %arg5[%arg0, %add3A_438, %dma_start3A_451] : memref<2x10240x64xf32, #tpu.memory_space<hbm>> -> memref<1x128x64xf32, #tpu.memory_space<hbm>>
      %dma_start3A_453 = tpu.memref_squeeze %dma_start3A_452 : memref<1x128x64xf32, #tpu.memory_space<hbm>> -> memref<128x64xf32, #tpu.memory_space<hbm>>
      %dma_start3A_454 = arith.constant 0 : i32
      %dma_start3A_455 = tpu.memref_slice %arg5[%arg0, %add3A_438, %dma_start3A_454] : memref<2x10240x64xf32, #tpu.memory_space<hbm>> -> memref<1x128x64xf32, #tpu.memory_space<hbm>>
      %dma_start3A_456 = tpu.memref_squeeze %dma_start3A_455 : memref<1x128x64xf32, #tpu.memory_space<hbm>> -> memref<128x64xf32, #tpu.memory_space<hbm>>
      tpu.enqueue_dma source(%arg11 : memref<128x64xf32, #tpu.memory_space<vmem>>) target(%dma_start3A_456 : memref<128x64xf32, #tpu.memory_space<hbm>>) target_semaphore(%run_scoped3A : memref<!tpu.dma_semaphore, #tpu.memory_space<semaphore_mem>>)
      %dma_wait3A = arith.constant 0 : i32
      %dma_wait3A_457 = tpu.memref_slice %arg5[%arg0, %add3A_438, %dma_wait3A] : memref<2x10240x64xf32, #tpu.memory_space<hbm>> -> memref<1x128x64xf32, #tpu.memory_space<hbm>>
      %dma_wait3A_458 = tpu.memref_squeeze %dma_wait3A_457 : memref<1x128x64xf32, #tpu.memory_space<hbm>> -> memref<128x64xf32, #tpu.memory_space<hbm>>
      %dma_wait3A_459 = arith.constant 0 : i32
      %dma_wait3A_460 = tpu.memref_slice %arg5[%arg0, %add3A_438, %dma_wait3A_459] : memref<2x10240x64xf32, #tpu.memory_space<hbm>> -> memref<1x128x64xf32, #tpu.memory_space<hbm>>
      %dma_wait3A_461 = tpu.memref_squeeze %dma_wait3A_460 : memref<1x128x64xf32, #tpu.memory_space<hbm>> -> memref<128x64xf32, #tpu.memory_space<hbm>>
      tpu.wait_dma2 semaphore(%run_scoped3A : memref<!tpu.dma_semaphore, #tpu.memory_space<semaphore_mem>>) src(%arg11 : memref<128x64xf32, #tpu.memory_space<vmem>>) dst(%dma_wait3A_461 : memref<128x64xf32, #tpu.memory_space<hbm>>)
      tpu.yield
    }) : () -> ()
    %add3A_439 = arith.constant 256 : i32
    %add3A_440 = arith.addi %mul3A_2, %add3A_439 : i32
    "tpu.region"() ({
      %run_scoped3A = tpu.sem_alloc : memref<!tpu.dma_semaphore, #tpu.memory_space<semaphore_mem>>
      %dma_start3A_451 = arith.constant 0 : i32
      %dma_start3A_452 = tpu.memref_slice %arg13[%add3A_440, %dma_start3A_451] : memref<10240x64xf32, #tpu.memory_space<vmem_shared>> -> memref<128x64xf32, #tpu.memory_space<vmem_shared>>
      %dma_start3A_453 = arith.constant 0 : i32
      %dma_start3A_454 = tpu.memref_slice %arg13[%add3A_440, %dma_start3A_453] : memref<10240x64xf32, #tpu.memory_space<vmem_shared>> -> memref<128x64xf32, #tpu.memory_space<vmem_shared>>
      tpu.enqueue_dma source(%dma_start3A_454 : memref<128x64xf32, #tpu.memory_space<vmem_shared>>) target(%arg11 : memref<128x64xf32, #tpu.memory_space<vmem>>) target_semaphore(%run_scoped3A : memref<!tpu.dma_semaphore, #tpu.memory_space<semaphore_mem>>)
      %dma_wait3A = arith.constant 0 : i32
      %dma_wait3A_455 = tpu.memref_slice %arg13[%add3A_440, %dma_wait3A] : memref<10240x64xf32, #tpu.memory_space<vmem_shared>> -> memref<128x64xf32, #tpu.memory_space<vmem_shared>>
      %dma_wait3A_456 = arith.constant 0 : i32
      %dma_wait3A_457 = tpu.memref_slice %arg13[%add3A_440, %dma_wait3A_456] : memref<10240x64xf32, #tpu.memory_space<vmem_shared>> -> memref<128x64xf32, #tpu.memory_space<vmem_shared>>
      tpu.wait_dma2 semaphore(%run_scoped3A : memref<!tpu.dma_semaphore, #tpu.memory_space<semaphore_mem>>) src(%dma_wait3A_457 : memref<128x64xf32, #tpu.memory_space<vmem_shared>>) dst(%arg11 : memref<128x64xf32, #tpu.memory_space<vmem>>)
      tpu.yield
    }) : () -> ()
    %add3A_441 = arith.constant 256 : i32
    %add3A_442 = arith.addi %mul3A_2, %add3A_441 : i32
    "tpu.region"() ({
      %run_scoped3A = tpu.sem_alloc : memref<!tpu.dma_semaphore, #tpu.memory_space<semaphore_mem>>
      %dma_start3A_451 = arith.constant 0 : i32
      %dma_start3A_452 = tpu.memref_slice %arg5[%arg0, %add3A_442, %dma_start3A_451] : memref<2x10240x64xf32, #tpu.memory_space<hbm>> -> memref<1x128x64xf32, #tpu.memory_space<hbm>>
      %dma_start3A_453 = tpu.memref_squeeze %dma_start3A_452 : memref<1x128x64xf32, #tpu.memory_space<hbm>> -> memref<128x64xf32, #tpu.memory_space<hbm>>
      %dma_start3A_454 = arith.constant 0 : i32
      %dma_start3A_455 = tpu.memref_slice %arg5[%arg0, %add3A_442, %dma_start3A_454] : memref<2x10240x64xf32, #tpu.memory_space<hbm>> -> memref<1x128x64xf32, #tpu.memory_space<hbm>>
      %dma_start3A_456 = tpu.memref_squeeze %dma_start3A_455 : memref<1x128x64xf32, #tpu.memory_space<hbm>> -> memref<128x64xf32, #tpu.memory_space<hbm>>
      tpu.enqueue_dma source(%arg11 : memref<128x64xf32, #tpu.memory_space<vmem>>) target(%dma_start3A_456 : memref<128x64xf32, #tpu.memory_space<hbm>>) target_semaphore(%run_scoped3A : memref<!tpu.dma_semaphore, #tpu.memory_space<semaphore_mem>>)
      %dma_wait3A = arith.constant 0 : i32
      %dma_wait3A_457 = tpu.memref_slice %arg5[%arg0, %add3A_442, %dma_wait3A] : memref<2x10240x64xf32, #tpu.memory_space<hbm>> -> memref<1x128x64xf32, #tpu.memory_space<hbm>>
      %dma_wait3A_458 = tpu.memref_squeeze %dma_wait3A_457 : memref<1x128x64xf32, #tpu.memory_space<hbm>> -> memref<128x64xf32, #tpu.memory_space<hbm>>
      %dma_wait3A_459 = arith.constant 0 : i32
      %dma_wait3A_460 = tpu.memref_slice %arg5[%arg0, %add3A_442, %dma_wait3A_459] : memref<2x10240x64xf32, #tpu.memory_space<hbm>> -> memref<1x128x64xf32, #tpu.memory_space<hbm>>
      %dma_wait3A_461 = tpu.memref_squeeze %dma_wait3A_460 : memref<1x128x64xf32, #tpu.memory_space<hbm>> -> memref<128x64xf32, #tpu.memory_space<hbm>>
      tpu.wait_dma2 semaphore(%run_scoped3A : memref<!tpu.dma_semaphore, #tpu.memory_space<semaphore_mem>>) src(%arg11 : memref<128x64xf32, #tpu.memory_space<vmem>>) dst(%dma_wait3A_461 : memref<128x64xf32, #tpu.memory_space<hbm>>)
      tpu.yield
    }) : () -> ()
    %add3A_443 = arith.constant 384 : i32
    %add3A_444 = arith.addi %mul3A_2, %add3A_443 : i32
    "tpu.region"() ({
      %run_scoped3A = tpu.sem_alloc : memref<!tpu.dma_semaphore, #tpu.memory_space<semaphore_mem>>
      %dma_start3A_451 = arith.constant 0 : i32
      %dma_start3A_452 = tpu.memref_slice %arg13[%add3A_444, %dma_start3A_451] : memref<10240x64xf32, #tpu.memory_space<vmem_shared>> -> memref<128x64xf32, #tpu.memory_space<vmem_shared>>
      %dma_start3A_453 = arith.constant 0 : i32
      %dma_start3A_454 = tpu.memref_slice %arg13[%add3A_444, %dma_start3A_453] : memref<10240x64xf32, #tpu.memory_space<vmem_shared>> -> memref<128x64xf32, #tpu.memory_space<vmem_shared>>
      tpu.enqueue_dma source(%dma_start3A_454 : memref<128x64xf32, #tpu.memory_space<vmem_shared>>) target(%arg11 : memref<128x64xf32, #tpu.memory_space<vmem>>) target_semaphore(%run_scoped3A : memref<!tpu.dma_semaphore, #tpu.memory_space<semaphore_mem>>)
      %dma_wait3A = arith.constant 0 : i32
      %dma_wait3A_455 = tpu.memref_slice %arg13[%add3A_444, %dma_wait3A] : memref<10240x64xf32, #tpu.memory_space<vmem_shared>> -> memref<128x64xf32, #tpu.memory_space<vmem_shared>>
      %dma_wait3A_456 = arith.constant 0 : i32
      %dma_wait3A_457 = tpu.memref_slice %arg13[%add3A_444, %dma_wait3A_456] : memref<10240x64xf32, #tpu.memory_space<vmem_shared>> -> memref<128x64xf32, #tpu.memory_space<vmem_shared>>
      tpu.wait_dma2 semaphore(%run_scoped3A : memref<!tpu.dma_semaphore, #tpu.memory_space<semaphore_mem>>) src(%dma_wait3A_457 : memref<128x64xf32, #tpu.memory_space<vmem_shared>>) dst(%arg11 : memref<128x64xf32, #tpu.memory_space<vmem>>)
      tpu.yield
    }) : () -> ()
    %add3A_445 = arith.constant 384 : i32
    %add3A_446 = arith.addi %mul3A_2, %add3A_445 : i32
    "tpu.region"() ({
      %run_scoped3A = tpu.sem_alloc : memref<!tpu.dma_semaphore, #tpu.memory_space<semaphore_mem>>
      %dma_start3A_451 = arith.constant 0 : i32
      %dma_start3A_452 = tpu.memref_slice %arg5[%arg0, %add3A_446, %dma_start3A_451] : memref<2x10240x64xf32, #tpu.memory_space<hbm>> -> memref<1x128x64xf32, #tpu.memory_space<hbm>>
      %dma_start3A_453 = tpu.memref_squeeze %dma_start3A_452 : memref<1x128x64xf32, #tpu.memory_space<hbm>> -> memref<128x64xf32, #tpu.memory_space<hbm>>
      %dma_start3A_454 = arith.constant 0 : i32
      %dma_start3A_455 = tpu.memref_slice %arg5[%arg0, %add3A_446, %dma_start3A_454] : memref<2x10240x64xf32, #tpu.memory_space<hbm>> -> memref<1x128x64xf32, #tpu.memory_space<hbm>>
      %dma_start3A_456 = tpu.memref_squeeze %dma_start3A_455 : memref<1x128x64xf32, #tpu.memory_space<hbm>> -> memref<128x64xf32, #tpu.memory_space<hbm>>
      tpu.enqueue_dma source(%arg11 : memref<128x64xf32, #tpu.memory_space<vmem>>) target(%dma_start3A_456 : memref<128x64xf32, #tpu.memory_space<hbm>>) target_semaphore(%run_scoped3A : memref<!tpu.dma_semaphore, #tpu.memory_space<semaphore_mem>>)
      %dma_wait3A = arith.constant 0 : i32
      %dma_wait3A_457 = tpu.memref_slice %arg5[%arg0, %add3A_446, %dma_wait3A] : memref<2x10240x64xf32, #tpu.memory_space<hbm>> -> memref<1x128x64xf32, #tpu.memory_space<hbm>>
      %dma_wait3A_458 = tpu.memref_squeeze %dma_wait3A_457 : memref<1x128x64xf32, #tpu.memory_space<hbm>> -> memref<128x64xf32, #tpu.memory_space<hbm>>
      %dma_wait3A_459 = arith.constant 0 : i32
      %dma_wait3A_460 = tpu.memref_slice %arg5[%arg0, %add3A_446, %dma_wait3A_459] : memref<2x10240x64xf32, #tpu.memory_space<hbm>> -> memref<1x128x64xf32, #tpu.memory_space<hbm>>
      %dma_wait3A_461 = tpu.memref_squeeze %dma_wait3A_460 : memref<1x128x64xf32, #tpu.memory_space<hbm>> -> memref<128x64xf32, #tpu.memory_space<hbm>>
      tpu.wait_dma2 semaphore(%run_scoped3A : memref<!tpu.dma_semaphore, #tpu.memory_space<semaphore_mem>>) src(%arg11 : memref<128x64xf32, #tpu.memory_space<vmem>>) dst(%dma_wait3A_461 : memref<128x64xf32, #tpu.memory_space<hbm>>)
      tpu.yield
    }) : () -> ()
    %add3A_447 = arith.constant 512 : i32
    %add3A_448 = arith.addi %mul3A_2, %add3A_447 : i32
    "tpu.region"() ({
      %run_scoped3A = tpu.sem_alloc : memref<!tpu.dma_semaphore, #tpu.memory_space<semaphore_mem>>
      %dma_start3A_451 = arith.constant 0 : i32
      %dma_start3A_452 = tpu.memref_slice %arg13[%add3A_448, %dma_start3A_451] : memref<10240x64xf32, #tpu.memory_space<vmem_shared>> -> memref<128x64xf32, #tpu.memory_space<vmem_shared>>
      %dma_start3A_453 = arith.constant 0 : i32
      %dma_start3A_454 = tpu.memref_slice %arg13[%add3A_448, %dma_start3A_453] : memref<10240x64xf32, #tpu.memory_space<vmem_shared>> -> memref<128x64xf32, #tpu.memory_space<vmem_shared>>
      tpu.enqueue_dma source(%dma_start3A_454 : memref<128x64xf32, #tpu.memory_space<vmem_shared>>) target(%arg11 : memref<128x64xf32, #tpu.memory_space<vmem>>) target_semaphore(%run_scoped3A : memref<!tpu.dma_semaphore, #tpu.memory_space<semaphore_mem>>)
      %dma_wait3A = arith.constant 0 : i32
      %dma_wait3A_455 = tpu.memref_slice %arg13[%add3A_448, %dma_wait3A] : memref<10240x64xf32, #tpu.memory_space<vmem_shared>> -> memref<128x64xf32, #tpu.memory_space<vmem_shared>>
      %dma_wait3A_456 = arith.constant 0 : i32
      %dma_wait3A_457 = tpu.memref_slice %arg13[%add3A_448, %dma_wait3A_456] : memref<10240x64xf32, #tpu.memory_space<vmem_shared>> -> memref<128x64xf32, #tpu.memory_space<vmem_shared>>
      tpu.wait_dma2 semaphore(%run_scoped3A : memref<!tpu.dma_semaphore, #tpu.memory_space<semaphore_mem>>) src(%dma_wait3A_457 : memref<128x64xf32, #tpu.memory_space<vmem_shared>>) dst(%arg11 : memref<128x64xf32, #tpu.memory_space<vmem>>)
      tpu.yield
    }) : () -> ()
    %add3A_449 = arith.constant 512 : i32
    %add3A_450 = arith.addi %mul3A_2, %add3A_449 : i32
    "tpu.region"() ({
      %run_scoped3A = tpu.sem_alloc : memref<!tpu.dma_semaphore, #tpu.memory_space<semaphore_mem>>
      %dma_start3A_451 = arith.constant 0 : i32
      %dma_start3A_452 = tpu.memref_slice %arg5[%arg0, %add3A_450, %dma_start3A_451] : memref<2x10240x64xf32, #tpu.memory_space<hbm>> -> memref<1x128x64xf32, #tpu.memory_space<hbm>>
      %dma_start3A_453 = tpu.memref_squeeze %dma_start3A_452 : memref<1x128x64xf32, #tpu.memory_space<hbm>> -> memref<128x64xf32, #tpu.memory_space<hbm>>
      %dma_start3A_454 = arith.constant 0 : i32
      %dma_start3A_455 = tpu.memref_slice %arg5[%arg0, %add3A_450, %dma_start3A_454] : memref<2x10240x64xf32, #tpu.memory_space<hbm>> -> memref<1x128x64xf32, #tpu.memory_space<hbm>>
      %dma_start3A_456 = tpu.memref_squeeze %dma_start3A_455 : memref<1x128x64xf32, #tpu.memory_space<hbm>> -> memref<128x64xf32, #tpu.memory_space<hbm>>
      tpu.enqueue_dma source(%arg11 : memref<128x64xf32, #tpu.memory_space<vmem>>) target(%dma_start3A_456 : memref<128x64xf32, #tpu.memory_space<hbm>>) target_semaphore(%run_scoped3A : memref<!tpu.dma_semaphore, #tpu.memory_space<semaphore_mem>>)
      %dma_wait3A = arith.constant 0 : i32
      %dma_wait3A_457 = tpu.memref_slice %arg5[%arg0, %add3A_450, %dma_wait3A] : memref<2x10240x64xf32, #tpu.memory_space<hbm>> -> memref<1x128x64xf32, #tpu.memory_space<hbm>>
      %dma_wait3A_458 = tpu.memref_squeeze %dma_wait3A_457 : memref<1x128x64xf32, #tpu.memory_space<hbm>> -> memref<128x64xf32, #tpu.memory_space<hbm>>
      %dma_wait3A_459 = arith.constant 0 : i32
      %dma_wait3A_460 = tpu.memref_slice %arg5[%arg0, %add3A_450, %dma_wait3A_459] : memref<2x10240x64xf32, #tpu.memory_space<hbm>> -> memref<1x128x64xf32, #tpu.memory_space<hbm>>
      %dma_wait3A_461 = tpu.memref_squeeze %dma_wait3A_460 : memref<1x128x64xf32, #tpu.memory_space<hbm>> -> memref<128x64xf32, #tpu.memory_space<hbm>>
      tpu.wait_dma2 semaphore(%run_scoped3A : memref<!tpu.dma_semaphore, #tpu.memory_space<semaphore_mem>>) src(%arg11 : memref<128x64xf32, #tpu.memory_space<vmem>>) dst(%dma_wait3A_461 : memref<128x64xf32, #tpu.memory_space<hbm>>)
      tpu.yield
    }) : () -> ()
    return
  }
}

#map = affine_map<(d0, d1) -> (0, 0, 0)>
#map1 = affine_map<(d0, d1) -> (0)>
#map2 = affine_map<(d0, d1) -> (0, 0)>
module attributes {stable_mosaic.version = 14 : i64} {
  func.func @deg_kernel(%arg0: i32, %arg1: i32, %arg2: memref<32x114x128xi32, #tpu.memory_space<hbm>>, %arg3: memref<128xf32, #tpu.memory_space<hbm>>, %arg4: memref<2x10240xf32, #tpu.memory_space<hbm>>, %arg5: memref<114x128xi32, #tpu.memory_space<vmem>>, %arg6: memref<128xi32, #tpu.memory_space<vmem>>, %arg7: memref<128xf32, #tpu.memory_space<vmem>>, %arg8: memref<640xf32, #tpu.memory_space<vmem>>, %arg9: memref<10240xf32, #tpu.memory_space<vmem_shared>>) attributes {dimension_semantics = [#tpu.dimension_semantics<core_parallel>, #tpu.dimension_semantics<subcore_parallel>], iteration_bounds = array<i64: 2, 16>, scalar_prefetch = 0 : i64, scratch_operands = 5 : i64, tpu.core_type = #tpu.core_type<sc_vector_subcore>, window_params = [{transform_indices = #map}, {transform_indices = #map1}, {transform_indices = #map2}]} {
    %mul3A = arith.constant 2 : i32
    %mul3A_0 = arith.muli %arg1, %mul3A : i32
    %add3A = arith.addi %mul3A_0, %arg0 : i32
    %mul3A_1 = arith.constant 640 : i32
    %mul3A_2 = arith.muli %arg1, %mul3A_1 : i32
    "tpu.region"() ({
      %run_scoped3A = tpu.sem_alloc : memref<!tpu.dma_semaphore, #tpu.memory_space<semaphore_mem>>
      %dma_start3A = arith.constant 0 : i32
      %dma_start3A_24 = arith.constant 0 : i32
      %dma_start3A_25 = tpu.memref_slice %arg2[%add3A, %dma_start3A, %dma_start3A_24] : memref<32x114x128xi32, #tpu.memory_space<hbm>> -> memref<1x114x128xi32, #tpu.memory_space<hbm>>
      %dma_start3A_26 = tpu.memref_squeeze %dma_start3A_25 : memref<1x114x128xi32, #tpu.memory_space<hbm>> -> memref<114x128xi32, #tpu.memory_space<hbm>>
      %dma_start3A_27 = arith.constant 0 : i32
      %dma_start3A_28 = arith.constant 0 : i32
      %dma_start3A_29 = tpu.memref_slice %arg2[%add3A, %dma_start3A_27, %dma_start3A_28] : memref<32x114x128xi32, #tpu.memory_space<hbm>> -> memref<1x114x128xi32, #tpu.memory_space<hbm>>
      %dma_start3A_30 = tpu.memref_squeeze %dma_start3A_29 : memref<1x114x128xi32, #tpu.memory_space<hbm>> -> memref<114x128xi32, #tpu.memory_space<hbm>>
      tpu.enqueue_dma source(%dma_start3A_30 : memref<114x128xi32, #tpu.memory_space<hbm>>) target(%arg5 : memref<114x128xi32, #tpu.memory_space<vmem>>) target_semaphore(%run_scoped3A : memref<!tpu.dma_semaphore, #tpu.memory_space<semaphore_mem>>)
      %dma_wait3A = arith.constant 0 : i32
      %dma_wait3A_31 = arith.constant 0 : i32
      %dma_wait3A_32 = tpu.memref_slice %arg2[%add3A, %dma_wait3A, %dma_wait3A_31] : memref<32x114x128xi32, #tpu.memory_space<hbm>> -> memref<1x114x128xi32, #tpu.memory_space<hbm>>
      %dma_wait3A_33 = tpu.memref_squeeze %dma_wait3A_32 : memref<1x114x128xi32, #tpu.memory_space<hbm>> -> memref<114x128xi32, #tpu.memory_space<hbm>>
      %dma_wait3A_34 = arith.constant 0 : i32
      %dma_wait3A_35 = arith.constant 0 : i32
      %dma_wait3A_36 = tpu.memref_slice %arg2[%add3A, %dma_wait3A_34, %dma_wait3A_35] : memref<32x114x128xi32, #tpu.memory_space<hbm>> -> memref<1x114x128xi32, #tpu.memory_space<hbm>>
      %dma_wait3A_37 = tpu.memref_squeeze %dma_wait3A_36 : memref<1x114x128xi32, #tpu.memory_space<hbm>> -> memref<114x128xi32, #tpu.memory_space<hbm>>
      tpu.wait_dma2 semaphore(%run_scoped3A : memref<!tpu.dma_semaphore, #tpu.memory_space<semaphore_mem>>) src(%dma_wait3A_37 : memref<114x128xi32, #tpu.memory_space<hbm>>) dst(%arg5 : memref<114x128xi32, #tpu.memory_space<vmem>>)
      tpu.yield
    }) : () -> ()
    "tpu.region"() ({
      %run_scoped3A = tpu.sem_alloc : memref<!tpu.dma_semaphore, #tpu.memory_space<semaphore_mem>>
      tpu.enqueue_dma source(%arg3 : memref<128xf32, #tpu.memory_space<hbm>>) target(%arg7 : memref<128xf32, #tpu.memory_space<vmem>>) target_semaphore(%run_scoped3A : memref<!tpu.dma_semaphore, #tpu.memory_space<semaphore_mem>>)
      tpu.wait_dma2 semaphore(%run_scoped3A : memref<!tpu.dma_semaphore, #tpu.memory_space<semaphore_mem>>) src(%arg3 : memref<128xf32, #tpu.memory_space<hbm>>) dst(%arg7 : memref<128xf32, #tpu.memory_space<vmem>>)
      tpu.yield
    }) : () -> ()
    %broadcast_in_dim3A = arith.constant 0.000000e+00 : f32
    %broadcast_in_dim3A_3 = vector.broadcast %broadcast_in_dim3A : f32 to vector<16xf32>
    %scan3A = arith.constant 0 : i32
    %scan3A_4 = arith.constant 0 : i32
    %scan3A_5 = arith.constant 40 : i32
    %scan3A_6 = arith.addi %scan3A_4, %scan3A_5 : i32
    %scan3A_7 = arith.constant 1 : i32
    %scan3A_8 = scf.for %scan3A_24 = %scan3A_4 to %scan3A_6 step %scan3A_7 iter_args(%scan3A_25 = %scan3A) -> (i32)  : i32 {
      %mul3A_26 = arith.constant 16 : i32
      %mul3A_27 = arith.muli %scan3A_24, %mul3A_26 : i32
      %swap3A = arith.index_cast %mul3A_27 : i32 to index
      %swap3A_28 = tpu.vector_load %arg8[%swap3A] {strides = array<i32>} : memref<640xf32, #tpu.memory_space<vmem>>, vector<16xf32>,
      %swap3A_29 = vector.shape_cast %swap3A_28 : vector<16xf32> to vector<16xf32>
      %swap3A_30 = vector.shape_cast %broadcast_in_dim3A_3 : vector<16xf32> to vector<16xf32>
      tpu.vector_store %arg8[%swap3A], %swap3A_30 {strides = array<i32>} : memref<640xf32, #tpu.memory_space<vmem>>, vector<16xf32>,
      %scan3A_31 = arith.constant 0 : i32
      scf.yield %scan3A_31 : i32
    }
    %scan3A_9 = arith.constant 40 : i32
    "tpu.region"() ({
      %run_scoped3A = tpu.sem_alloc : memref<!tpu.dma_semaphore, #tpu.memory_space<semaphore_mem>>
      %dma_start3A = tpu.memref_slice %arg9[%mul3A_2] : memref<10240xf32, #tpu.memory_space<vmem_shared>> -> memref<640xf32, #tpu.memory_space<vmem_shared>>
      %dma_start3A_24 = tpu.memref_slice %arg9[%mul3A_2] : memref<10240xf32, #tpu.memory_space<vmem_shared>> -> memref<640xf32, #tpu.memory_space<vmem_shared>>
      tpu.enqueue_dma source(%arg8 : memref<640xf32, #tpu.memory_space<vmem>>) target(%dma_start3A_24 : memref<640xf32, #tpu.memory_space<vmem_shared>>) target_semaphore(%run_scoped3A : memref<!tpu.dma_semaphore, #tpu.memory_space<semaphore_mem>>)
      %dma_wait3A = tpu.memref_slice %arg9[%mul3A_2] : memref<10240xf32, #tpu.memory_space<vmem_shared>> -> memref<640xf32, #tpu.memory_space<vmem_shared>>
      %dma_wait3A_25 = tpu.memref_slice %arg9[%mul3A_2] : memref<10240xf32, #tpu.memory_space<vmem_shared>> -> memref<640xf32, #tpu.memory_space<vmem_shared>>
      tpu.wait_dma2 semaphore(%run_scoped3A : memref<!tpu.dma_semaphore, #tpu.memory_space<semaphore_mem>>) src(%arg8 : memref<640xf32, #tpu.memory_space<vmem>>) dst(%dma_wait3A_25 : memref<640xf32, #tpu.memory_space<vmem_shared>>)
      tpu.yield
    }) : () -> ()
    %barrier3A = arith.constant 0 : index
    tpu.barrier barrier_id(%barrier3A)
    %eq3A = arith.constant 0 : i32
    %eq3A_10 = arith.cmpi eq, %arg0, %eq3A : i32
    %jit3A = arith.constant 44 : i32
    %jit3A_11 = arith.constant 114 : i32
    %select_n3A = arith.select %eq3A_10, %jit3A, %jit3A_11 : i32
    %while3A = arith.constant 0 : i32
    %while3A_12 = arith.constant 0 : i32
    %while3A_13 = arith.subi %select_n3A, %while3A : i32
    %while3A_14 = arith.addi %while3A, %while3A_13 : i32
    %while3A_15 = arith.constant 1 : i32
    %while3A_16 = arith.divsi %while3A_13, %while3A_15 : i32
    %while3A_17 = arith.muli %while3A_16, %while3A_15 : i32
    %while3A_18 = arith.addi %while3A, %while3A_17 : i32
    %while3A_19 = arith.constant 1 : i32
    %while3A_20 = scf.for %while3A_24 = %while3A to %while3A_18 step %while3A_19 iter_args(%while3A_25 = %while3A_12) -> (i32)  : i32 {
      %get3A = arith.index_cast %while3A_24 : i32 to index
      %get3A_26 = arith.constant 0 : index
      %get3A_27 = tpu.vector_load %arg5[%get3A, %get3A_26] {strides = array<i32>} : memref<114x128xi32, #tpu.memory_space<vmem>>, vector<1x16xi32>,
      %get3A_28 = vector.shape_cast %get3A_27 : vector<1x16xi32> to vector<16xi32>
      %shift_right_logical3A = arith.constant 14 : i32
      %shift_right_logical3A_29 = vector.broadcast %shift_right_logical3A : i32 to vector<16xi32>
      %shift_right_logical3A_30 = arith.shrui %get3A_28, %shift_right_logical3A_29 : vector<16xi32>
      %swap3A = arith.constant 0 : index
      %swap3A_31 = tpu.vector_load %arg6[%swap3A] {strides = array<i32>} : memref<128xi32, #tpu.memory_space<vmem>>, vector<16xi32>,
      %swap3A_32 = vector.shape_cast %swap3A_31 : vector<16xi32> to vector<16xi32>
      %swap3A_33 = vector.shape_cast %shift_right_logical3A_30 : vector<16xi32> to vector<16xi32>
      tpu.vector_store %arg6[%swap3A], %swap3A_33 {strides = array<i32>} : memref<128xi32, #tpu.memory_space<vmem>>, vector<16xi32>,
      %get3A_34 = arith.index_cast %while3A_24 : i32 to index
      %get3A_35 = arith.constant 16 : index
      %get3A_36 = tpu.vector_load %arg5[%get3A_34, %get3A_35] {strides = array<i32>} : memref<114x128xi32, #tpu.memory_space<vmem>>, vector<1x16xi32>,
      %get3A_37 = vector.shape_cast %get3A_36 : vector<1x16xi32> to vector<16xi32>
      %shift_right_logical3A_38 = arith.constant 14 : i32
      %shift_right_logical3A_39 = vector.broadcast %shift_right_logical3A_38 : i32 to vector<16xi32>
      %shift_right_logical3A_40 = arith.shrui %get3A_37, %shift_right_logical3A_39 : vector<16xi32>
      %swap3A_41 = arith.constant 16 : index
      %swap3A_42 = tpu.vector_load %arg6[%swap3A_41] {strides = array<i32>} : memref<128xi32, #tpu.memory_space<vmem>>, vector<16xi32>,
      %swap3A_43 = vector.shape_cast %swap3A_42 : vector<16xi32> to vector<16xi32>
      %swap3A_44 = vector.shape_cast %shift_right_logical3A_40 : vector<16xi32> to vector<16xi32>
      tpu.vector_store %arg6[%swap3A_41], %swap3A_44 {strides = array<i32>} : memref<128xi32, #tpu.memory_space<vmem>>, vector<16xi32>,
      %get3A_45 = arith.index_cast %while3A_24 : i32 to index
      %get3A_46 = arith.constant 32 : index
      %get3A_47 = tpu.vector_load %arg5[%get3A_45, %get3A_46] {strides = array<i32>} : memref<114x128xi32, #tpu.memory_space<vmem>>, vector<1x16xi32>,
      %get3A_48 = vector.shape_cast %get3A_47 : vector<1x16xi32> to vector<16xi32>
      %shift_right_logical3A_49 = arith.constant 14 : i32
      %shift_right_logical3A_50 = vector.broadcast %shift_right_logical3A_49 : i32 to vector<16xi32>
      %shift_right_logical3A_51 = arith.shrui %get3A_48, %shift_right_logical3A_50 : vector<16xi32>
      %swap3A_52 = arith.constant 32 : index
      %swap3A_53 = tpu.vector_load %arg6[%swap3A_52] {strides = array<i32>} : memref<128xi32, #tpu.memory_space<vmem>>, vector<16xi32>,
      %swap3A_54 = vector.shape_cast %swap3A_53 : vector<16xi32> to vector<16xi32>
      %swap3A_55 = vector.shape_cast %shift_right_logical3A_51 : vector<16xi32> to vector<16xi32>
      tpu.vector_store %arg6[%swap3A_52], %swap3A_55 {strides = array<i32>} : memref<128xi32, #tpu.memory_space<vmem>>, vector<16xi32>,
      %get3A_56 = arith.index_cast %while3A_24 : i32 to index
      %get3A_57 = arith.constant 48 : index
      %get3A_58 = tpu.vector_load %arg5[%get3A_56, %get3A_57] {strides = array<i32>} : memref<114x128xi32, #tpu.memory_space<vmem>>, vector<1x16xi32>,
      %get3A_59 = vector.shape_cast %get3A_58 : vector<1x16xi32> to vector<16xi32>
      %shift_right_logical3A_60 = arith.constant 14 : i32
      %shift_right_logical3A_61 = vector.broadcast %shift_right_logical3A_60 : i32 to vector<16xi32>
      %shift_right_logical3A_62 = arith.shrui %get3A_59, %shift_right_logical3A_61 : vector<16xi32>
      %swap3A_63 = arith.constant 48 : index
      %swap3A_64 = tpu.vector_load %arg6[%swap3A_63] {strides = array<i32>} : memref<128xi32, #tpu.memory_space<vmem>>, vector<16xi32>,
      %swap3A_65 = vector.shape_cast %swap3A_64 : vector<16xi32> to vector<16xi32>
      %swap3A_66 = vector.shape_cast %shift_right_logical3A_62 : vector<16xi32> to vector<16xi32>
      tpu.vector_store %arg6[%swap3A_63], %swap3A_66 {strides = array<i32>} : memref<128xi32, #tpu.memory_space<vmem>>, vector<16xi32>,
      %get3A_67 = arith.index_cast %while3A_24 : i32 to index
      %get3A_68 = arith.constant 64 : index
      %get3A_69 = tpu.vector_load %arg5[%get3A_67, %get3A_68] {strides = array<i32>} : memref<114x128xi32, #tpu.memory_space<vmem>>, vector<1x16xi32>,
      %get3A_70 = vector.shape_cast %get3A_69 : vector<1x16xi32> to vector<16xi32>
      %shift_right_logical3A_71 = arith.constant 14 : i32
      %shift_right_logical3A_72 = vector.broadcast %shift_right_logical3A_71 : i32 to vector<16xi32>
      %shift_right_logical3A_73 = arith.shrui %get3A_70, %shift_right_logical3A_72 : vector<16xi32>
      %swap3A_74 = arith.constant 64 : index
      %swap3A_75 = tpu.vector_load %arg6[%swap3A_74] {strides = array<i32>} : memref<128xi32, #tpu.memory_space<vmem>>, vector<16xi32>,
      %swap3A_76 = vector.shape_cast %swap3A_75 : vector<16xi32> to vector<16xi32>
      %swap3A_77 = vector.shape_cast %shift_right_logical3A_73 : vector<16xi32> to vector<16xi32>
      tpu.vector_store %arg6[%swap3A_74], %swap3A_77 {strides = array<i32>} : memref<128xi32, #tpu.memory_space<vmem>>, vector<16xi32>,
      %get3A_78 = arith.index_cast %while3A_24 : i32 to index
      %get3A_79 = arith.constant 80 : index
      %get3A_80 = tpu.vector_load %arg5[%get3A_78, %get3A_79] {strides = array<i32>} : memref<114x128xi32, #tpu.memory_space<vmem>>, vector<1x16xi32>,
      %get3A_81 = vector.shape_cast %get3A_80 : vector<1x16xi32> to vector<16xi32>
      %shift_right_logical3A_82 = arith.constant 14 : i32
      %shift_right_logical3A_83 = vector.broadcast %shift_right_logical3A_82 : i32 to vector<16xi32>
      %shift_right_logical3A_84 = arith.shrui %get3A_81, %shift_right_logical3A_83 : vector<16xi32>
      %swap3A_85 = arith.constant 80 : index
      %swap3A_86 = tpu.vector_load %arg6[%swap3A_85] {strides = array<i32>} : memref<128xi32, #tpu.memory_space<vmem>>, vector<16xi32>,
      %swap3A_87 = vector.shape_cast %swap3A_86 : vector<16xi32> to vector<16xi32>
      %swap3A_88 = vector.shape_cast %shift_right_logical3A_84 : vector<16xi32> to vector<16xi32>
      tpu.vector_store %arg6[%swap3A_85], %swap3A_88 {strides = array<i32>} : memref<128xi32, #tpu.memory_space<vmem>>, vector<16xi32>,
      %get3A_89 = arith.index_cast %while3A_24 : i32 to index
      %get3A_90 = arith.constant 96 : index
      %get3A_91 = tpu.vector_load %arg5[%get3A_89, %get3A_90] {strides = array<i32>} : memref<114x128xi32, #tpu.memory_space<vmem>>, vector<1x16xi32>,
      %get3A_92 = vector.shape_cast %get3A_91 : vector<1x16xi32> to vector<16xi32>
      %shift_right_logical3A_93 = arith.constant 14 : i32
      %shift_right_logical3A_94 = vector.broadcast %shift_right_logical3A_93 : i32 to vector<16xi32>
      %shift_right_logical3A_95 = arith.shrui %get3A_92, %shift_right_logical3A_94 : vector<16xi32>
      %swap3A_96 = arith.constant 96 : index
      %swap3A_97 = tpu.vector_load %arg6[%swap3A_96] {strides = array<i32>} : memref<128xi32, #tpu.memory_space<vmem>>, vector<16xi32>,
      %swap3A_98 = vector.shape_cast %swap3A_97 : vector<16xi32> to vector<16xi32>
      %swap3A_99 = vector.shape_cast %shift_right_logical3A_95 : vector<16xi32> to vector<16xi32>
      tpu.vector_store %arg6[%swap3A_96], %swap3A_99 {strides = array<i32>} : memref<128xi32, #tpu.memory_space<vmem>>, vector<16xi32>,
      %get3A_100 = arith.index_cast %while3A_24 : i32 to index
      %get3A_101 = arith.constant 112 : index
      %get3A_102 = tpu.vector_load %arg5[%get3A_100, %get3A_101] {strides = array<i32>} : memref<114x128xi32, #tpu.memory_space<vmem>>, vector<1x16xi32>,
      %get3A_103 = vector.shape_cast %get3A_102 : vector<1x16xi32> to vector<16xi32>
      %shift_right_logical3A_104 = arith.constant 14 : i32
      %shift_right_logical3A_105 = vector.broadcast %shift_right_logical3A_104 : i32 to vector<16xi32>
      %shift_right_logical3A_106 = arith.shrui %get3A_103, %shift_right_logical3A_105 : vector<16xi32>
      %swap3A_107 = arith.constant 112 : index
      %swap3A_108 = tpu.vector_load %arg6[%swap3A_107] {strides = array<i32>} : memref<128xi32, #tpu.memory_space<vmem>>, vector<16xi32>,
      %swap3A_109 = vector.shape_cast %swap3A_108 : vector<16xi32> to vector<16xi32>
      %swap3A_110 = vector.shape_cast %shift_right_logical3A_106 : vector<16xi32> to vector<16xi32>
      tpu.vector_store %arg6[%swap3A_107], %swap3A_110 {strides = array<i32>} : memref<128xi32, #tpu.memory_space<vmem>>, vector<16xi32>,
      "tpu.region"() ({
        %run_scoped3A = tpu.sem_alloc : memref<!tpu.dma_semaphore, #tpu.memory_space<semaphore_mem>>
        %dma_start3A = arith.constant 0 : i32
        %dma_start3A_112 = tpu.memref_slice %arg9[%dma_start3A] : memref<10240xf32, #tpu.memory_space<vmem_shared>> -> memref<10240xf32, #tpu.memory_space<vmem_shared>>
        tpu.enqueue_indirect_dma source(%arg7 : memref<128xf32, #tpu.memory_space<vmem>>) target(%dma_start3A_112 : memref<10240xf32, #tpu.memory_space<vmem_shared>>) offsets(%arg6 : memref<128xi32, #tpu.memory_space<vmem>>) semaphore(%run_scoped3A : memref<!tpu.dma_semaphore, #tpu.memory_space<semaphore_mem>>) {add = true}
        %dma_wait3A = arith.constant 0 : i32
        %dma_wait3A_113 = tpu.memref_slice %arg9[%dma_wait3A] : memref<10240xf32, #tpu.memory_space<vmem_shared>> -> memref<10240xf32, #tpu.memory_space<vmem_shared>>
        tpu.wait_indirect_dma semaphore(%run_scoped3A : memref<!tpu.dma_semaphore, #tpu.memory_space<semaphore_mem>>) src(%arg7 : memref<128xf32, #tpu.memory_space<vmem>>) dst(%dma_wait3A_113 : memref<10240xf32, #tpu.memory_space<vmem_shared>>)
        tpu.yield
      }) : () -> ()
      %while3A_111 = arith.constant 0 : i32
      scf.yield %while3A_111 : i32
    }
    %while3A_21 = arith.constant 1 : i32
    %while3A_22 = scf.for %while3A_24 = %while3A_18 to %while3A_14 step %while3A_21 iter_args(%while3A_25 = %while3A_20) -> (i32)  : i32 {
      %get3A = arith.index_cast %while3A_24 : i32 to index
      %get3A_26 = arith.constant 0 : index
      %get3A_27 = tpu.vector_load %arg5[%get3A, %get3A_26] {strides = array<i32>} : memref<114x128xi32, #tpu.memory_space<vmem>>, vector<1x16xi32>,
      %get3A_28 = vector.shape_cast %get3A_27 : vector<1x16xi32> to vector<16xi32>
      %shift_right_logical3A = arith.constant 14 : i32
      %shift_right_logical3A_29 = vector.broadcast %shift_right_logical3A : i32 to vector<16xi32>
      %shift_right_logical3A_30 = arith.shrui %get3A_28, %shift_right_logical3A_29 : vector<16xi32>
      %swap3A = arith.constant 0 : index
      %swap3A_31 = tpu.vector_load %arg6[%swap3A] {strides = array<i32>} : memref<128xi32, #tpu.memory_space<vmem>>, vector<16xi32>,
      %swap3A_32 = vector.shape_cast %swap3A_31 : vector<16xi32> to vector<16xi32>
      %swap3A_33 = vector.shape_cast %shift_right_logical3A_30 : vector<16xi32> to vector<16xi32>
      tpu.vector_store %arg6[%swap3A], %swap3A_33 {strides = array<i32>} : memref<128xi32, #tpu.memory_space<vmem>>, vector<16xi32>,
      %get3A_34 = arith.index_cast %while3A_24 : i32 to index
      %get3A_35 = arith.constant 16 : index
      %get3A_36 = tpu.vector_load %arg5[%get3A_34, %get3A_35] {strides = array<i32>} : memref<114x128xi32, #tpu.memory_space<vmem>>, vector<1x16xi32>,
      %get3A_37 = vector.shape_cast %get3A_36 : vector<1x16xi32> to vector<16xi32>
      %shift_right_logical3A_38 = arith.constant 14 : i32
      %shift_right_logical3A_39 = vector.broadcast %shift_right_logical3A_38 : i32 to vector<16xi32>
      %shift_right_logical3A_40 = arith.shrui %get3A_37, %shift_right_logical3A_39 : vector<16xi32>
      %swap3A_41 = arith.constant 16 : index
      %swap3A_42 = tpu.vector_load %arg6[%swap3A_41] {strides = array<i32>} : memref<128xi32, #tpu.memory_space<vmem>>, vector<16xi32>,
      %swap3A_43 = vector.shape_cast %swap3A_42 : vector<16xi32> to vector<16xi32>
      %swap3A_44 = vector.shape_cast %shift_right_logical3A_40 : vector<16xi32> to vector<16xi32>
      tpu.vector_store %arg6[%swap3A_41], %swap3A_44 {strides = array<i32>} : memref<128xi32, #tpu.memory_space<vmem>>, vector<16xi32>,
      %get3A_45 = arith.index_cast %while3A_24 : i32 to index
      %get3A_46 = arith.constant 32 : index
      %get3A_47 = tpu.vector_load %arg5[%get3A_45, %get3A_46] {strides = array<i32>} : memref<114x128xi32, #tpu.memory_space<vmem>>, vector<1x16xi32>,
      %get3A_48 = vector.shape_cast %get3A_47 : vector<1x16xi32> to vector<16xi32>
      %shift_right_logical3A_49 = arith.constant 14 : i32
      %shift_right_logical3A_50 = vector.broadcast %shift_right_logical3A_49 : i32 to vector<16xi32>
      %shift_right_logical3A_51 = arith.shrui %get3A_48, %shift_right_logical3A_50 : vector<16xi32>
      %swap3A_52 = arith.constant 32 : index
      %swap3A_53 = tpu.vector_load %arg6[%swap3A_52] {strides = array<i32>} : memref<128xi32, #tpu.memory_space<vmem>>, vector<16xi32>,
      %swap3A_54 = vector.shape_cast %swap3A_53 : vector<16xi32> to vector<16xi32>
      %swap3A_55 = vector.shape_cast %shift_right_logical3A_51 : vector<16xi32> to vector<16xi32>
      tpu.vector_store %arg6[%swap3A_52], %swap3A_55 {strides = array<i32>} : memref<128xi32, #tpu.memory_space<vmem>>, vector<16xi32>,
      %get3A_56 = arith.index_cast %while3A_24 : i32 to index
      %get3A_57 = arith.constant 48 : index
      %get3A_58 = tpu.vector_load %arg5[%get3A_56, %get3A_57] {strides = array<i32>} : memref<114x128xi32, #tpu.memory_space<vmem>>, vector<1x16xi32>,
      %get3A_59 = vector.shape_cast %get3A_58 : vector<1x16xi32> to vector<16xi32>
      %shift_right_logical3A_60 = arith.constant 14 : i32
      %shift_right_logical3A_61 = vector.broadcast %shift_right_logical3A_60 : i32 to vector<16xi32>
      %shift_right_logical3A_62 = arith.shrui %get3A_59, %shift_right_logical3A_61 : vector<16xi32>
      %swap3A_63 = arith.constant 48 : index
      %swap3A_64 = tpu.vector_load %arg6[%swap3A_63] {strides = array<i32>} : memref<128xi32, #tpu.memory_space<vmem>>, vector<16xi32>,
      %swap3A_65 = vector.shape_cast %swap3A_64 : vector<16xi32> to vector<16xi32>
      %swap3A_66 = vector.shape_cast %shift_right_logical3A_62 : vector<16xi32> to vector<16xi32>
      tpu.vector_store %arg6[%swap3A_63], %swap3A_66 {strides = array<i32>} : memref<128xi32, #tpu.memory_space<vmem>>, vector<16xi32>,
      %get3A_67 = arith.index_cast %while3A_24 : i32 to index
      %get3A_68 = arith.constant 64 : index
      %get3A_69 = tpu.vector_load %arg5[%get3A_67, %get3A_68] {strides = array<i32>} : memref<114x128xi32, #tpu.memory_space<vmem>>, vector<1x16xi32>,
      %get3A_70 = vector.shape_cast %get3A_69 : vector<1x16xi32> to vector<16xi32>
      %shift_right_logical3A_71 = arith.constant 14 : i32
      %shift_right_logical3A_72 = vector.broadcast %shift_right_logical3A_71 : i32 to vector<16xi32>
      %shift_right_logical3A_73 = arith.shrui %get3A_70, %shift_right_logical3A_72 : vector<16xi32>
      %swap3A_74 = arith.constant 64 : index
      %swap3A_75 = tpu.vector_load %arg6[%swap3A_74] {strides = array<i32>} : memref<128xi32, #tpu.memory_space<vmem>>, vector<16xi32>,
      %swap3A_76 = vector.shape_cast %swap3A_75 : vector<16xi32> to vector<16xi32>
      %swap3A_77 = vector.shape_cast %shift_right_logical3A_73 : vector<16xi32> to vector<16xi32>
      tpu.vector_store %arg6[%swap3A_74], %swap3A_77 {strides = array<i32>} : memref<128xi32, #tpu.memory_space<vmem>>, vector<16xi32>,
      %get3A_78 = arith.index_cast %while3A_24 : i32 to index
      %get3A_79 = arith.constant 80 : index
      %get3A_80 = tpu.vector_load %arg5[%get3A_78, %get3A_79] {strides = array<i32>} : memref<114x128xi32, #tpu.memory_space<vmem>>, vector<1x16xi32>,
      %get3A_81 = vector.shape_cast %get3A_80 : vector<1x16xi32> to vector<16xi32>
      %shift_right_logical3A_82 = arith.constant 14 : i32
      %shift_right_logical3A_83 = vector.broadcast %shift_right_logical3A_82 : i32 to vector<16xi32>
      %shift_right_logical3A_84 = arith.shrui %get3A_81, %shift_right_logical3A_83 : vector<16xi32>
      %swap3A_85 = arith.constant 80 : index
      %swap3A_86 = tpu.vector_load %arg6[%swap3A_85] {strides = array<i32>} : memref<128xi32, #tpu.memory_space<vmem>>, vector<16xi32>,
      %swap3A_87 = vector.shape_cast %swap3A_86 : vector<16xi32> to vector<16xi32>
      %swap3A_88 = vector.shape_cast %shift_right_logical3A_84 : vector<16xi32> to vector<16xi32>
      tpu.vector_store %arg6[%swap3A_85], %swap3A_88 {strides = array<i32>} : memref<128xi32, #tpu.memory_space<vmem>>, vector<16xi32>,
      %get3A_89 = arith.index_cast %while3A_24 : i32 to index
      %get3A_90 = arith.constant 96 : index
      %get3A_91 = tpu.vector_load %arg5[%get3A_89, %get3A_90] {strides = array<i32>} : memref<114x128xi32, #tpu.memory_space<vmem>>, vector<1x16xi32>,
      %get3A_92 = vector.shape_cast %get3A_91 : vector<1x16xi32> to vector<16xi32>
      %shift_right_logical3A_93 = arith.constant 14 : i32
      %shift_right_logical3A_94 = vector.broadcast %shift_right_logical3A_93 : i32 to vector<16xi32>
      %shift_right_logical3A_95 = arith.shrui %get3A_92, %shift_right_logical3A_94 : vector<16xi32>
      %swap3A_96 = arith.constant 96 : index
      %swap3A_97 = tpu.vector_load %arg6[%swap3A_96] {strides = array<i32>} : memref<128xi32, #tpu.memory_space<vmem>>, vector<16xi32>,
      %swap3A_98 = vector.shape_cast %swap3A_97 : vector<16xi32> to vector<16xi32>
      %swap3A_99 = vector.shape_cast %shift_right_logical3A_95 : vector<16xi32> to vector<16xi32>
      tpu.vector_store %arg6[%swap3A_96], %swap3A_99 {strides = array<i32>} : memref<128xi32, #tpu.memory_space<vmem>>, vector<16xi32>,
      %get3A_100 = arith.index_cast %while3A_24 : i32 to index
      %get3A_101 = arith.constant 112 : index
      %get3A_102 = tpu.vector_load %arg5[%get3A_100, %get3A_101] {strides = array<i32>} : memref<114x128xi32, #tpu.memory_space<vmem>>, vector<1x16xi32>,
      %get3A_103 = vector.shape_cast %get3A_102 : vector<1x16xi32> to vector<16xi32>
      %shift_right_logical3A_104 = arith.constant 14 : i32
      %shift_right_logical3A_105 = vector.broadcast %shift_right_logical3A_104 : i32 to vector<16xi32>
      %shift_right_logical3A_106 = arith.shrui %get3A_103, %shift_right_logical3A_105 : vector<16xi32>
      %swap3A_107 = arith.constant 112 : index
      %swap3A_108 = tpu.vector_load %arg6[%swap3A_107] {strides = array<i32>} : memref<128xi32, #tpu.memory_space<vmem>>, vector<16xi32>,
      %swap3A_109 = vector.shape_cast %swap3A_108 : vector<16xi32> to vector<16xi32>
      %swap3A_110 = vector.shape_cast %shift_right_logical3A_106 : vector<16xi32> to vector<16xi32>
      tpu.vector_store %arg6[%swap3A_107], %swap3A_110 {strides = array<i32>} : memref<128xi32, #tpu.memory_space<vmem>>, vector<16xi32>,
      "tpu.region"() ({
        %run_scoped3A = tpu.sem_alloc : memref<!tpu.dma_semaphore, #tpu.memory_space<semaphore_mem>>
        %dma_start3A = arith.constant 0 : i32
        %dma_start3A_112 = tpu.memref_slice %arg9[%dma_start3A] : memref<10240xf32, #tpu.memory_space<vmem_shared>> -> memref<10240xf32, #tpu.memory_space<vmem_shared>>
        tpu.enqueue_indirect_dma source(%arg7 : memref<128xf32, #tpu.memory_space<vmem>>) target(%dma_start3A_112 : memref<10240xf32, #tpu.memory_space<vmem_shared>>) offsets(%arg6 : memref<128xi32, #tpu.memory_space<vmem>>) semaphore(%run_scoped3A : memref<!tpu.dma_semaphore, #tpu.memory_space<semaphore_mem>>) {add = true}
        %dma_wait3A = arith.constant 0 : i32
        %dma_wait3A_113 = tpu.memref_slice %arg9[%dma_wait3A] : memref<10240xf32, #tpu.memory_space<vmem_shared>> -> memref<10240xf32, #tpu.memory_space<vmem_shared>>
        tpu.wait_indirect_dma semaphore(%run_scoped3A : memref<!tpu.dma_semaphore, #tpu.memory_space<semaphore_mem>>) src(%arg7 : memref<128xf32, #tpu.memory_space<vmem>>) dst(%dma_wait3A_113 : memref<10240xf32, #tpu.memory_space<vmem_shared>>)
        tpu.yield
      }) : () -> ()
      %while3A_111 = arith.constant 0 : i32
      scf.yield %while3A_111 : i32
    }
    %barrier3A_23 = arith.constant 0 : index
    tpu.barrier barrier_id(%barrier3A_23)
    "tpu.region"() ({
      %run_scoped3A = tpu.sem_alloc : memref<!tpu.dma_semaphore, #tpu.memory_space<semaphore_mem>>
      %dma_start3A = tpu.memref_slice %arg9[%mul3A_2] : memref<10240xf32, #tpu.memory_space<vmem_shared>> -> memref<640xf32, #tpu.memory_space<vmem_shared>>
      %dma_start3A_24 = tpu.memref_slice %arg9[%mul3A_2] : memref<10240xf32, #tpu.memory_space<vmem_shared>> -> memref<640xf32, #tpu.memory_space<vmem_shared>>
      tpu.enqueue_dma source(%dma_start3A_24 : memref<640xf32, #tpu.memory_space<vmem_shared>>) target(%arg8 : memref<640xf32, #tpu.memory_space<vmem>>) target_semaphore(%run_scoped3A : memref<!tpu.dma_semaphore, #tpu.memory_space<semaphore_mem>>)
      %dma_wait3A = tpu.memref_slice %arg9[%mul3A_2] : memref<10240xf32, #tpu.memory_space<vmem_shared>> -> memref<640xf32, #tpu.memory_space<vmem_shared>>
      %dma_wait3A_25 = tpu.memref_slice %arg9[%mul3A_2] : memref<10240xf32, #tpu.memory_space<vmem_shared>> -> memref<640xf32, #tpu.memory_space<vmem_shared>>
      tpu.wait_dma2 semaphore(%run_scoped3A : memref<!tpu.dma_semaphore, #tpu.memory_space<semaphore_mem>>) src(%dma_wait3A_25 : memref<640xf32, #tpu.memory_space<vmem_shared>>) dst(%arg8 : memref<640xf32, #tpu.memory_space<vmem>>)
      tpu.yield
    }) : () -> ()
    "tpu.region"() ({
      %run_scoped3A = tpu.sem_alloc : memref<!tpu.dma_semaphore, #tpu.memory_space<semaphore_mem>>
      %dma_start3A = tpu.memref_slice %arg4[%arg0, %mul3A_2] : memref<2x10240xf32, #tpu.memory_space<hbm>> -> memref<1x640xf32, #tpu.memory_space<hbm>>
      %dma_start3A_24 = tpu.memref_squeeze %dma_start3A : memref<1x640xf32, #tpu.memory_space<hbm>> -> memref<640xf32, #tpu.memory_space<hbm>>
      %dma_start3A_25 = tpu.memref_slice %arg4[%arg0, %mul3A_2] : memref<2x10240xf32, #tpu.memory_space<hbm>> -> memref<1x640xf32, #tpu.memory_space<hbm>>
      %dma_start3A_26 = tpu.memref_squeeze %dma_start3A_25 : memref<1x640xf32, #tpu.memory_space<hbm>> -> memref<640xf32, #tpu.memory_space<hbm>>
      tpu.enqueue_dma source(%arg8 : memref<640xf32, #tpu.memory_space<vmem>>) target(%dma_start3A_26 : memref<640xf32, #tpu.memory_space<hbm>>) target_semaphore(%run_scoped3A : memref<!tpu.dma_semaphore, #tpu.memory_space<semaphore_mem>>)
      %dma_wait3A = tpu.memref_slice %arg4[%arg0, %mul3A_2] : memref<2x10240xf32, #tpu.memory_space<hbm>> -> memref<1x640xf32, #tpu.memory_space<hbm>>
      %dma_wait3A_27 = tpu.memref_squeeze %dma_wait3A : memref<1x640xf32, #tpu.memory_space<hbm>> -> memref<640xf32, #tpu.memory_space<hbm>>
      %dma_wait3A_28 = tpu.memref_slice %arg4[%arg0, %mul3A_2] : memref<2x10240xf32, #tpu.memory_space<hbm>> -> memref<1x640xf32, #tpu.memory_space<hbm>>
      %dma_wait3A_29 = tpu.memref_squeeze %dma_wait3A_28 : memref<1x640xf32, #tpu.memory_space<hbm>> -> memref<640xf32, #tpu.memory_space<hbm>>
      tpu.wait_dma2 semaphore(%run_scoped3A : memref<!tpu.dma_semaphore, #tpu.memory_space<semaphore_mem>>) src(%arg8 : memref<640xf32, #tpu.memory_space<vmem>>) dst(%dma_wait3A_29 : memref<640xf32, #tpu.memory_space<hbm>>)
      tpu.yield
    }) : () -> ()
    return
  }
}

#map = affine_map<(d0, d1) -> (0, 0)>
#map1 = affine_map<(d0, d1) -> (0, 0, 0)>
module attributes {stable_mosaic.version = 14 : i64} {
  func.func @scatter_kernel(%arg0: i32, %arg1: i32, %arg2: memref<10000x128xf32, #tpu.memory_space<hbm>>, %arg3: memref<32x114x128xi32, #tpu.memory_space<hbm>>, %arg4: memref<128x128xf32, #tpu.memory_space<hbm>>, %arg5: memref<2x10240x128xf32, #tpu.memory_space<hbm>>, %arg6: memref<114x128xi32, #tpu.memory_space<vmem>>, %arg7: memref<128xi32, #tpu.memory_space<vmem>>, %arg8: memref<128xi32, #tpu.memory_space<vmem>>, %arg9: memref<128xi32, #tpu.memory_space<vmem>>, %arg10: memref<128xi32, #tpu.memory_space<vmem>>, %arg11: memref<128x128xf32, #tpu.memory_space<vmem>>, %arg12: memref<128x128xf32, #tpu.memory_space<vmem>>, %arg13: memref<10240x128xf32, #tpu.memory_space<vmem_shared>>, %arg14: memref<!tpu.dma_semaphore, #tpu.memory_space<semaphore_mem>>, %arg15: memref<!tpu.dma_semaphore, #tpu.memory_space<semaphore_mem>>) attributes {dimension_semantics = [#tpu.dimension_semantics<core_parallel>, #tpu.dimension_semantics<subcore_parallel>], iteration_bounds = array<i64: 2, 16>, scalar_prefetch = 0 : i64, scratch_operands = 10 : i64, tpu.core_type = #tpu.core_type<sc_vector_subcore>, window_params = [{transform_indices = #map}, {transform_indices = #map1}, {transform_indices = #map}, {transform_indices = #map1}]} {
    %mul3A = arith.constant 2 : i32
    %mul3A_0 = arith.muli %arg1, %mul3A : i32
    %add3A = arith.addi %mul3A_0, %arg0 : i32
    %mul3A_1 = arith.constant 640 : i32
    %mul3A_2 = arith.muli %arg1, %mul3A_1 : i32
    "tpu.region"() ({
      %run_scoped3A = tpu.sem_alloc : memref<!tpu.dma_semaphore, #tpu.memory_space<semaphore_mem>>
      %dma_start3A_451 = arith.constant 0 : i32
      %dma_start3A_452 = arith.constant 0 : i32
      %dma_start3A_453 = tpu.memref_slice %arg3[%add3A, %dma_start3A_451, %dma_start3A_452] : memref<32x114x128xi32, #tpu.memory_space<hbm>> -> memref<1x114x128xi32, #tpu.memory_space<hbm>>
      %dma_start3A_454 = tpu.memref_squeeze %dma_start3A_453 : memref<1x114x128xi32, #tpu.memory_space<hbm>> -> memref<114x128xi32, #tpu.memory_space<hbm>>
      %dma_start3A_455 = arith.constant 0 : i32
      %dma_start3A_456 = arith.constant 0 : i32
      %dma_start3A_457 = tpu.memref_slice %arg3[%add3A, %dma_start3A_455, %dma_start3A_456] : memref<32x114x128xi32, #tpu.memory_space<hbm>> -> memref<1x114x128xi32, #tpu.memory_space<hbm>>
      %dma_start3A_458 = tpu.memref_squeeze %dma_start3A_457 : memref<1x114x128xi32, #tpu.memory_space<hbm>> -> memref<114x128xi32, #tpu.memory_space<hbm>>
      tpu.enqueue_dma source(%dma_start3A_458 : memref<114x128xi32, #tpu.memory_space<hbm>>) target(%arg6 : memref<114x128xi32, #tpu.memory_space<vmem>>) target_semaphore(%run_scoped3A : memref<!tpu.dma_semaphore, #tpu.memory_space<semaphore_mem>>)
      %dma_wait3A = arith.constant 0 : i32
      %dma_wait3A_459 = arith.constant 0 : i32
      %dma_wait3A_460 = tpu.memref_slice %arg3[%add3A, %dma_wait3A, %dma_wait3A_459] : memref<32x114x128xi32, #tpu.memory_space<hbm>> -> memref<1x114x128xi32, #tpu.memory_space<hbm>>
      %dma_wait3A_461 = tpu.memref_squeeze %dma_wait3A_460 : memref<1x114x128xi32, #tpu.memory_space<hbm>> -> memref<114x128xi32, #tpu.memory_space<hbm>>
      %dma_wait3A_462 = arith.constant 0 : i32
      %dma_wait3A_463 = arith.constant 0 : i32
      %dma_wait3A_464 = tpu.memref_slice %arg3[%add3A, %dma_wait3A_462, %dma_wait3A_463] : memref<32x114x128xi32, #tpu.memory_space<hbm>> -> memref<1x114x128xi32, #tpu.memory_space<hbm>>
      %dma_wait3A_465 = tpu.memref_squeeze %dma_wait3A_464 : memref<1x114x128xi32, #tpu.memory_space<hbm>> -> memref<114x128xi32, #tpu.memory_space<hbm>>
      tpu.wait_dma2 semaphore(%run_scoped3A : memref<!tpu.dma_semaphore, #tpu.memory_space<semaphore_mem>>) src(%dma_wait3A_465 : memref<114x128xi32, #tpu.memory_space<hbm>>) dst(%arg6 : memref<114x128xi32, #tpu.memory_space<vmem>>)
      tpu.yield
    }) : () -> ()
    "tpu.region"() ({
      %run_scoped3A = tpu.sem_alloc : memref<!tpu.dma_semaphore, #tpu.memory_space<semaphore_mem>>
      tpu.enqueue_dma source(%arg4 : memref<128x128xf32, #tpu.memory_space<hbm>>) target(%arg11 : memref<128x128xf32, #tpu.memory_space<vmem>>) target_semaphore(%run_scoped3A : memref<!tpu.dma_semaphore, #tpu.memory_space<semaphore_mem>>)
      tpu.wait_dma2 semaphore(%run_scoped3A : memref<!tpu.dma_semaphore, #tpu.memory_space<semaphore_mem>>) src(%arg4 : memref<128x128xf32, #tpu.memory_space<hbm>>) dst(%arg11 : memref<128x128xf32, #tpu.memory_space<vmem>>)
      tpu.yield
    }) : () -> ()
    %add3A_3 = arith.constant 0 : i32
    %add3A_4 = arith.addi %mul3A_2, %add3A_3 : i32
    "tpu.region"() ({
      %run_scoped3A = tpu.sem_alloc : memref<!tpu.dma_semaphore, #tpu.memory_space<semaphore_mem>>
      %dma_start3A_451 = arith.constant 0 : i32
      %dma_start3A_452 = tpu.memref_slice %arg13[%add3A_4, %dma_start3A_451] : memref<10240x128xf32, #tpu.memory_space<vmem_shared>> -> memref<128x128xf32, #tpu.memory_space<vmem_shared>>
      %dma_start3A_453 = arith.constant 0 : i32
      %dma_start3A_454 = tpu.memref_slice %arg13[%add3A_4, %dma_start3A_453] : memref<10240x128xf32, #tpu.memory_space<vmem_shared>> -> memref<128x128xf32, #tpu.memory_space<vmem_shared>>
      tpu.enqueue_dma source(%arg11 : memref<128x128xf32, #tpu.memory_space<vmem>>) target(%dma_start3A_454 : memref<128x128xf32, #tpu.memory_space<vmem_shared>>) target_semaphore(%run_scoped3A : memref<!tpu.dma_semaphore, #tpu.memory_space<semaphore_mem>>)
      %dma_wait3A = arith.constant 0 : i32
      %dma_wait3A_455 = tpu.memref_slice %arg13[%add3A_4, %dma_wait3A] : memref<10240x128xf32, #tpu.memory_space<vmem_shared>> -> memref<128x128xf32, #tpu.memory_space<vmem_shared>>
      %dma_wait3A_456 = arith.constant 0 : i32
      %dma_wait3A_457 = tpu.memref_slice %arg13[%add3A_4, %dma_wait3A_456] : memref<10240x128xf32, #tpu.memory_space<vmem_shared>> -> memref<128x128xf32, #tpu.memory_space<vmem_shared>>
      tpu.wait_dma2 semaphore(%run_scoped3A : memref<!tpu.dma_semaphore, #tpu.memory_space<semaphore_mem>>) src(%arg11 : memref<128x128xf32, #tpu.memory_space<vmem>>) dst(%dma_wait3A_457 : memref<128x128xf32, #tpu.memory_space<vmem_shared>>)
      tpu.yield
    }) : () -> ()
    %add3A_5 = arith.constant 128 : i32
    %add3A_6 = arith.addi %mul3A_2, %add3A_5 : i32
    "tpu.region"() ({
      %run_scoped3A = tpu.sem_alloc : memref<!tpu.dma_semaphore, #tpu.memory_space<semaphore_mem>>
      %dma_start3A_451 = arith.constant 0 : i32
      %dma_start3A_452 = tpu.memref_slice %arg13[%add3A_6, %dma_start3A_451] : memref<10240x128xf32, #tpu.memory_space<vmem_shared>> -> memref<128x128xf32, #tpu.memory_space<vmem_shared>>
      %dma_start3A_453 = arith.constant 0 : i32
      %dma_start3A_454 = tpu.memref_slice %arg13[%add3A_6, %dma_start3A_453] : memref<10240x128xf32, #tpu.memory_space<vmem_shared>> -> memref<128x128xf32, #tpu.memory_space<vmem_shared>>
      tpu.enqueue_dma source(%arg11 : memref<128x128xf32, #tpu.memory_space<vmem>>) target(%dma_start3A_454 : memref<128x128xf32, #tpu.memory_space<vmem_shared>>) target_semaphore(%run_scoped3A : memref<!tpu.dma_semaphore, #tpu.memory_space<semaphore_mem>>)
      %dma_wait3A = arith.constant 0 : i32
      %dma_wait3A_455 = tpu.memref_slice %arg13[%add3A_6, %dma_wait3A] : memref<10240x128xf32, #tpu.memory_space<vmem_shared>> -> memref<128x128xf32, #tpu.memory_space<vmem_shared>>
      %dma_wait3A_456 = arith.constant 0 : i32
      %dma_wait3A_457 = tpu.memref_slice %arg13[%add3A_6, %dma_wait3A_456] : memref<10240x128xf32, #tpu.memory_space<vmem_shared>> -> memref<128x128xf32, #tpu.memory_space<vmem_shared>>
      tpu.wait_dma2 semaphore(%run_scoped3A : memref<!tpu.dma_semaphore, #tpu.memory_space<semaphore_mem>>) src(%arg11 : memref<128x128xf32, #tpu.memory_space<vmem>>) dst(%dma_wait3A_457 : memref<128x128xf32, #tpu.memory_space<vmem_shared>>)
      tpu.yield
    }) : () -> ()
    %add3A_7 = arith.constant 256 : i32
    %add3A_8 = arith.addi %mul3A_2, %add3A_7 : i32
    "tpu.region"() ({
      %run_scoped3A = tpu.sem_alloc : memref<!tpu.dma_semaphore, #tpu.memory_space<semaphore_mem>>
      %dma_start3A_451 = arith.constant 0 : i32
      %dma_start3A_452 = tpu.memref_slice %arg13[%add3A_8, %dma_start3A_451] : memref<10240x128xf32, #tpu.memory_space<vmem_shared>> -> memref<128x128xf32, #tpu.memory_space<vmem_shared>>
      %dma_start3A_453 = arith.constant 0 : i32
      %dma_start3A_454 = tpu.memref_slice %arg13[%add3A_8, %dma_start3A_453] : memref<10240x128xf32, #tpu.memory_space<vmem_shared>> -> memref<128x128xf32, #tpu.memory_space<vmem_shared>>
      tpu.enqueue_dma source(%arg11 : memref<128x128xf32, #tpu.memory_space<vmem>>) target(%dma_start3A_454 : memref<128x128xf32, #tpu.memory_space<vmem_shared>>) target_semaphore(%run_scoped3A : memref<!tpu.dma_semaphore, #tpu.memory_space<semaphore_mem>>)
      %dma_wait3A = arith.constant 0 : i32
      %dma_wait3A_455 = tpu.memref_slice %arg13[%add3A_8, %dma_wait3A] : memref<10240x128xf32, #tpu.memory_space<vmem_shared>> -> memref<128x128xf32, #tpu.memory_space<vmem_shared>>
      %dma_wait3A_456 = arith.constant 0 : i32
      %dma_wait3A_457 = tpu.memref_slice %arg13[%add3A_8, %dma_wait3A_456] : memref<10240x128xf32, #tpu.memory_space<vmem_shared>> -> memref<128x128xf32, #tpu.memory_space<vmem_shared>>
      tpu.wait_dma2 semaphore(%run_scoped3A : memref<!tpu.dma_semaphore, #tpu.memory_space<semaphore_mem>>) src(%arg11 : memref<128x128xf32, #tpu.memory_space<vmem>>) dst(%dma_wait3A_457 : memref<128x128xf32, #tpu.memory_space<vmem_shared>>)
      tpu.yield
    }) : () -> ()
    %add3A_9 = arith.constant 384 : i32
    %add3A_10 = arith.addi %mul3A_2, %add3A_9 : i32
    "tpu.region"() ({
      %run_scoped3A = tpu.sem_alloc : memref<!tpu.dma_semaphore, #tpu.memory_space<semaphore_mem>>
      %dma_start3A_451 = arith.constant 0 : i32
      %dma_start3A_452 = tpu.memref_slice %arg13[%add3A_10, %dma_start3A_451] : memref<10240x128xf32, #tpu.memory_space<vmem_shared>> -> memref<128x128xf32, #tpu.memory_space<vmem_shared>>
      %dma_start3A_453 = arith.constant 0 : i32
      %dma_start3A_454 = tpu.memref_slice %arg13[%add3A_10, %dma_start3A_453] : memref<10240x128xf32, #tpu.memory_space<vmem_shared>> -> memref<128x128xf32, #tpu.memory_space<vmem_shared>>
      tpu.enqueue_dma source(%arg11 : memref<128x128xf32, #tpu.memory_space<vmem>>) target(%dma_start3A_454 : memref<128x128xf32, #tpu.memory_space<vmem_shared>>) target_semaphore(%run_scoped3A : memref<!tpu.dma_semaphore, #tpu.memory_space<semaphore_mem>>)
      %dma_wait3A = arith.constant 0 : i32
      %dma_wait3A_455 = tpu.memref_slice %arg13[%add3A_10, %dma_wait3A] : memref<10240x128xf32, #tpu.memory_space<vmem_shared>> -> memref<128x128xf32, #tpu.memory_space<vmem_shared>>
      %dma_wait3A_456 = arith.constant 0 : i32
      %dma_wait3A_457 = tpu.memref_slice %arg13[%add3A_10, %dma_wait3A_456] : memref<10240x128xf32, #tpu.memory_space<vmem_shared>> -> memref<128x128xf32, #tpu.memory_space<vmem_shared>>
      tpu.wait_dma2 semaphore(%run_scoped3A : memref<!tpu.dma_semaphore, #tpu.memory_space<semaphore_mem>>) src(%arg11 : memref<128x128xf32, #tpu.memory_space<vmem>>) dst(%dma_wait3A_457 : memref<128x128xf32, #tpu.memory_space<vmem_shared>>)
      tpu.yield
    }) : () -> ()
    %add3A_11 = arith.constant 512 : i32
    %add3A_12 = arith.addi %mul3A_2, %add3A_11 : i32
    "tpu.region"() ({
      %run_scoped3A = tpu.sem_alloc : memref<!tpu.dma_semaphore, #tpu.memory_space<semaphore_mem>>
      %dma_start3A_451 = arith.constant 0 : i32
      %dma_start3A_452 = tpu.memref_slice %arg13[%add3A_12, %dma_start3A_451] : memref<10240x128xf32, #tpu.memory_space<vmem_shared>> -> memref<128x128xf32, #tpu.memory_space<vmem_shared>>
      %dma_start3A_453 = arith.constant 0 : i32
      %dma_start3A_454 = tpu.memref_slice %arg13[%add3A_12, %dma_start3A_453] : memref<10240x128xf32, #tpu.memory_space<vmem_shared>> -> memref<128x128xf32, #tpu.memory_space<vmem_shared>>
      tpu.enqueue_dma source(%arg11 : memref<128x128xf32, #tpu.memory_space<vmem>>) target(%dma_start3A_454 : memref<128x128xf32, #tpu.memory_space<vmem_shared>>) target_semaphore(%run_scoped3A : memref<!tpu.dma_semaphore, #tpu.memory_space<semaphore_mem>>)
      %dma_wait3A = arith.constant 0 : i32
      %dma_wait3A_455 = tpu.memref_slice %arg13[%add3A_12, %dma_wait3A] : memref<10240x128xf32, #tpu.memory_space<vmem_shared>> -> memref<128x128xf32, #tpu.memory_space<vmem_shared>>
      %dma_wait3A_456 = arith.constant 0 : i32
      %dma_wait3A_457 = tpu.memref_slice %arg13[%add3A_12, %dma_wait3A_456] : memref<10240x128xf32, #tpu.memory_space<vmem_shared>> -> memref<128x128xf32, #tpu.memory_space<vmem_shared>>
      tpu.wait_dma2 semaphore(%run_scoped3A : memref<!tpu.dma_semaphore, #tpu.memory_space<semaphore_mem>>) src(%arg11 : memref<128x128xf32, #tpu.memory_space<vmem>>) dst(%dma_wait3A_457 : memref<128x128xf32, #tpu.memory_space<vmem_shared>>)
      tpu.yield
    }) : () -> ()
    %barrier3A = arith.constant 0 : index
    tpu.barrier barrier_id(%barrier3A)
    %eq3A = arith.constant 0 : i32
    %eq3A_13 = arith.cmpi eq, %arg0, %eq3A : i32
    %jit3A = arith.constant 44 : i32
    %jit3A_14 = arith.constant 114 : i32
    %select_n3A = arith.select %eq3A_13, %jit3A, %jit3A_14 : i32
    %get3A = arith.constant 0 : i32
    %get3A_15 = arith.index_cast %get3A : i32 to index
    %get3A_16 = arith.constant 0 : index
    %get3A_17 = tpu.vector_load %arg6[%get3A_15, %get3A_16] {strides = array<i32>} : memref<114x128xi32, #tpu.memory_space<vmem>>, vector<1x16xi32>,
    %get3A_18 = vector.shape_cast %get3A_17 : vector<1x16xi32> to vector<16xi32>
    %and3A = arith.constant 16383 : i32
    %and3A_19 = vector.broadcast %and3A : i32 to vector<16xi32>
    %and3A_20 = arith.andi %get3A_18, %and3A_19 : vector<16xi32>
    %swap3A = arith.constant 0 : index
    %swap3A_21 = tpu.vector_load %arg7[%swap3A] {strides = array<i32>} : memref<128xi32, #tpu.memory_space<vmem>>, vector<16xi32>,
    %swap3A_22 = vector.shape_cast %swap3A_21 : vector<16xi32> to vector<16xi32>
    %swap3A_23 = vector.shape_cast %and3A_20 : vector<16xi32> to vector<16xi32>
    tpu.vector_store %arg7[%swap3A], %swap3A_23 {strides = array<i32>} : memref<128xi32, #tpu.memory_space<vmem>>, vector<16xi32>,
    %get3A_24 = arith.constant 0 : i32
    %get3A_25 = arith.index_cast %get3A_24 : i32 to index
    %get3A_26 = arith.constant 16 : index
    %get3A_27 = tpu.vector_load %arg6[%get3A_25, %get3A_26] {strides = array<i32>} : memref<114x128xi32, #tpu.memory_space<vmem>>, vector<1x16xi32>,
    %get3A_28 = vector.shape_cast %get3A_27 : vector<1x16xi32> to vector<16xi32>
    %and3A_29 = arith.constant 16383 : i32
    %and3A_30 = vector.broadcast %and3A_29 : i32 to vector<16xi32>
    %and3A_31 = arith.andi %get3A_28, %and3A_30 : vector<16xi32>
    %swap3A_32 = arith.constant 16 : index
    %swap3A_33 = tpu.vector_load %arg7[%swap3A_32] {strides = array<i32>} : memref<128xi32, #tpu.memory_space<vmem>>, vector<16xi32>,
    %swap3A_34 = vector.shape_cast %swap3A_33 : vector<16xi32> to vector<16xi32>
    %swap3A_35 = vector.shape_cast %and3A_31 : vector<16xi32> to vector<16xi32>
    tpu.vector_store %arg7[%swap3A_32], %swap3A_35 {strides = array<i32>} : memref<128xi32, #tpu.memory_space<vmem>>, vector<16xi32>,
    %get3A_36 = arith.constant 0 : i32
    %get3A_37 = arith.index_cast %get3A_36 : i32 to index
    %get3A_38 = arith.constant 32 : index
    %get3A_39 = tpu.vector_load %arg6[%get3A_37, %get3A_38] {strides = array<i32>} : memref<114x128xi32, #tpu.memory_space<vmem>>, vector<1x16xi32>,
    %get3A_40 = vector.shape_cast %get3A_39 : vector<1x16xi32> to vector<16xi32>
    %and3A_41 = arith.constant 16383 : i32
    %and3A_42 = vector.broadcast %and3A_41 : i32 to vector<16xi32>
    %and3A_43 = arith.andi %get3A_40, %and3A_42 : vector<16xi32>
    %swap3A_44 = arith.constant 32 : index
    %swap3A_45 = tpu.vector_load %arg7[%swap3A_44] {strides = array<i32>} : memref<128xi32, #tpu.memory_space<vmem>>, vector<16xi32>,
    %swap3A_46 = vector.shape_cast %swap3A_45 : vector<16xi32> to vector<16xi32>
    %swap3A_47 = vector.shape_cast %and3A_43 : vector<16xi32> to vector<16xi32>
    tpu.vector_store %arg7[%swap3A_44], %swap3A_47 {strides = array<i32>} : memref<128xi32, #tpu.memory_space<vmem>>, vector<16xi32>,
    %get3A_48 = arith.constant 0 : i32
    %get3A_49 = arith.index_cast %get3A_48 : i32 to index
    %get3A_50 = arith.constant 48 : index
    %get3A_51 = tpu.vector_load %arg6[%get3A_49, %get3A_50] {strides = array<i32>} : memref<114x128xi32, #tpu.memory_space<vmem>>, vector<1x16xi32>,
    %get3A_52 = vector.shape_cast %get3A_51 : vector<1x16xi32> to vector<16xi32>
    %and3A_53 = arith.constant 16383 : i32
    %and3A_54 = vector.broadcast %and3A_53 : i32 to vector<16xi32>
    %and3A_55 = arith.andi %get3A_52, %and3A_54 : vector<16xi32>
    %swap3A_56 = arith.constant 48 : index
    %swap3A_57 = tpu.vector_load %arg7[%swap3A_56] {strides = array<i32>} : memref<128xi32, #tpu.memory_space<vmem>>, vector<16xi32>,
    %swap3A_58 = vector.shape_cast %swap3A_57 : vector<16xi32> to vector<16xi32>
    %swap3A_59 = vector.shape_cast %and3A_55 : vector<16xi32> to vector<16xi32>
    tpu.vector_store %arg7[%swap3A_56], %swap3A_59 {strides = array<i32>} : memref<128xi32, #tpu.memory_space<vmem>>, vector<16xi32>,
    %get3A_60 = arith.constant 0 : i32
    %get3A_61 = arith.index_cast %get3A_60 : i32 to index
    %get3A_62 = arith.constant 64 : index
    %get3A_63 = tpu.vector_load %arg6[%get3A_61, %get3A_62] {strides = array<i32>} : memref<114x128xi32, #tpu.memory_space<vmem>>, vector<1x16xi32>,
    %get3A_64 = vector.shape_cast %get3A_63 : vector<1x16xi32> to vector<16xi32>
    %and3A_65 = arith.constant 16383 : i32
    %and3A_66 = vector.broadcast %and3A_65 : i32 to vector<16xi32>
    %and3A_67 = arith.andi %get3A_64, %and3A_66 : vector<16xi32>
    %swap3A_68 = arith.constant 64 : index
    %swap3A_69 = tpu.vector_load %arg7[%swap3A_68] {strides = array<i32>} : memref<128xi32, #tpu.memory_space<vmem>>, vector<16xi32>,
    %swap3A_70 = vector.shape_cast %swap3A_69 : vector<16xi32> to vector<16xi32>
    %swap3A_71 = vector.shape_cast %and3A_67 : vector<16xi32> to vector<16xi32>
    tpu.vector_store %arg7[%swap3A_68], %swap3A_71 {strides = array<i32>} : memref<128xi32, #tpu.memory_space<vmem>>, vector<16xi32>,
    %get3A_72 = arith.constant 0 : i32
    %get3A_73 = arith.index_cast %get3A_72 : i32 to index
    %get3A_74 = arith.constant 80 : index
    %get3A_75 = tpu.vector_load %arg6[%get3A_73, %get3A_74] {strides = array<i32>} : memref<114x128xi32, #tpu.memory_space<vmem>>, vector<1x16xi32>,
    %get3A_76 = vector.shape_cast %get3A_75 : vector<1x16xi32> to vector<16xi32>
    %and3A_77 = arith.constant 16383 : i32
    %and3A_78 = vector.broadcast %and3A_77 : i32 to vector<16xi32>
    %and3A_79 = arith.andi %get3A_76, %and3A_78 : vector<16xi32>
    %swap3A_80 = arith.constant 80 : index
    %swap3A_81 = tpu.vector_load %arg7[%swap3A_80] {strides = array<i32>} : memref<128xi32, #tpu.memory_space<vmem>>, vector<16xi32>,
    %swap3A_82 = vector.shape_cast %swap3A_81 : vector<16xi32> to vector<16xi32>
    %swap3A_83 = vector.shape_cast %and3A_79 : vector<16xi32> to vector<16xi32>
    tpu.vector_store %arg7[%swap3A_80], %swap3A_83 {strides = array<i32>} : memref<128xi32, #tpu.memory_space<vmem>>, vector<16xi32>,
    %get3A_84 = arith.constant 0 : i32
    %get3A_85 = arith.index_cast %get3A_84 : i32 to index
    %get3A_86 = arith.constant 96 : index
    %get3A_87 = tpu.vector_load %arg6[%get3A_85, %get3A_86] {strides = array<i32>} : memref<114x128xi32, #tpu.memory_space<vmem>>, vector<1x16xi32>,
    %get3A_88 = vector.shape_cast %get3A_87 : vector<1x16xi32> to vector<16xi32>
    %and3A_89 = arith.constant 16383 : i32
    %and3A_90 = vector.broadcast %and3A_89 : i32 to vector<16xi32>
    %and3A_91 = arith.andi %get3A_88, %and3A_90 : vector<16xi32>
    %swap3A_92 = arith.constant 96 : index
    %swap3A_93 = tpu.vector_load %arg7[%swap3A_92] {strides = array<i32>} : memref<128xi32, #tpu.memory_space<vmem>>, vector<16xi32>,
    %swap3A_94 = vector.shape_cast %swap3A_93 : vector<16xi32> to vector<16xi32>
    %swap3A_95 = vector.shape_cast %and3A_91 : vector<16xi32> to vector<16xi32>
    tpu.vector_store %arg7[%swap3A_92], %swap3A_95 {strides = array<i32>} : memref<128xi32, #tpu.memory_space<vmem>>, vector<16xi32>,
    %get3A_96 = arith.constant 0 : i32
    %get3A_97 = arith.index_cast %get3A_96 : i32 to index
    %get3A_98 = arith.constant 112 : index
    %get3A_99 = tpu.vector_load %arg6[%get3A_97, %get3A_98] {strides = array<i32>} : memref<114x128xi32, #tpu.memory_space<vmem>>, vector<1x16xi32>,
    %get3A_100 = vector.shape_cast %get3A_99 : vector<1x16xi32> to vector<16xi32>
    %and3A_101 = arith.constant 16383 : i32
    %and3A_102 = vector.broadcast %and3A_101 : i32 to vector<16xi32>
    %and3A_103 = arith.andi %get3A_100, %and3A_102 : vector<16xi32>
    %swap3A_104 = arith.constant 112 : index
    %swap3A_105 = tpu.vector_load %arg7[%swap3A_104] {strides = array<i32>} : memref<128xi32, #tpu.memory_space<vmem>>, vector<16xi32>,
    %swap3A_106 = vector.shape_cast %swap3A_105 : vector<16xi32> to vector<16xi32>
    %swap3A_107 = vector.shape_cast %and3A_103 : vector<16xi32> to vector<16xi32>
    tpu.vector_store %arg7[%swap3A_104], %swap3A_107 {strides = array<i32>} : memref<128xi32, #tpu.memory_space<vmem>>, vector<16xi32>,
    %dma_start3A = arith.constant 0 : i32
    %dma_start3A_108 = arith.constant 0 : i32
    %dma_start3A_109 = tpu.memref_slice %arg2[%dma_start3A, %dma_start3A_108] : memref<10000x128xf32, #tpu.memory_space<hbm>> -> memref<10000x128xf32, #tpu.memory_space<hbm>>
    tpu.enqueue_indirect_dma source(%dma_start3A_109 : memref<10000x128xf32, #tpu.memory_space<hbm>>) target(%arg11 : memref<128x128xf32, #tpu.memory_space<vmem>>) offsets(%arg7 : memref<128xi32, #tpu.memory_space<vmem>>) semaphore(%arg14 : memref<!tpu.dma_semaphore, #tpu.memory_space<semaphore_mem>>)
    %get3A_110 = arith.constant 1 : i32
    %get3A_111 = arith.index_cast %get3A_110 : i32 to index
    %get3A_112 = arith.constant 0 : index
    %get3A_113 = tpu.vector_load %arg6[%get3A_111, %get3A_112] {strides = array<i32>} : memref<114x128xi32, #tpu.memory_space<vmem>>, vector<1x16xi32>,
    %get3A_114 = vector.shape_cast %get3A_113 : vector<1x16xi32> to vector<16xi32>
    %and3A_115 = arith.constant 16383 : i32
    %and3A_116 = vector.broadcast %and3A_115 : i32 to vector<16xi32>
    %and3A_117 = arith.andi %get3A_114, %and3A_116 : vector<16xi32>
    %swap3A_118 = arith.constant 0 : index
    %swap3A_119 = tpu.vector_load %arg8[%swap3A_118] {strides = array<i32>} : memref<128xi32, #tpu.memory_space<vmem>>, vector<16xi32>,
    %swap3A_120 = vector.shape_cast %swap3A_119 : vector<16xi32> to vector<16xi32>
    %swap3A_121 = vector.shape_cast %and3A_117 : vector<16xi32> to vector<16xi32>
    tpu.vector_store %arg8[%swap3A_118], %swap3A_121 {strides = array<i32>} : memref<128xi32, #tpu.memory_space<vmem>>, vector<16xi32>,
    %get3A_122 = arith.constant 1 : i32
    %get3A_123 = arith.index_cast %get3A_122 : i32 to index
    %get3A_124 = arith.constant 16 : index
    %get3A_125 = tpu.vector_load %arg6[%get3A_123, %get3A_124] {strides = array<i32>} : memref<114x128xi32, #tpu.memory_space<vmem>>, vector<1x16xi32>,
    %get3A_126 = vector.shape_cast %get3A_125 : vector<1x16xi32> to vector<16xi32>
    %and3A_127 = arith.constant 16383 : i32
    %and3A_128 = vector.broadcast %and3A_127 : i32 to vector<16xi32>
    %and3A_129 = arith.andi %get3A_126, %and3A_128 : vector<16xi32>
    %swap3A_130 = arith.constant 16 : index
    %swap3A_131 = tpu.vector_load %arg8[%swap3A_130] {strides = array<i32>} : memref<128xi32, #tpu.memory_space<vmem>>, vector<16xi32>,
    %swap3A_132 = vector.shape_cast %swap3A_131 : vector<16xi32> to vector<16xi32>
    %swap3A_133 = vector.shape_cast %and3A_129 : vector<16xi32> to vector<16xi32>
    tpu.vector_store %arg8[%swap3A_130], %swap3A_133 {strides = array<i32>} : memref<128xi32, #tpu.memory_space<vmem>>, vector<16xi32>,
    %get3A_134 = arith.constant 1 : i32
    %get3A_135 = arith.index_cast %get3A_134 : i32 to index
    %get3A_136 = arith.constant 32 : index
    %get3A_137 = tpu.vector_load %arg6[%get3A_135, %get3A_136] {strides = array<i32>} : memref<114x128xi32, #tpu.memory_space<vmem>>, vector<1x16xi32>,
    %get3A_138 = vector.shape_cast %get3A_137 : vector<1x16xi32> to vector<16xi32>
    %and3A_139 = arith.constant 16383 : i32
    %and3A_140 = vector.broadcast %and3A_139 : i32 to vector<16xi32>
    %and3A_141 = arith.andi %get3A_138, %and3A_140 : vector<16xi32>
    %swap3A_142 = arith.constant 32 : index
    %swap3A_143 = tpu.vector_load %arg8[%swap3A_142] {strides = array<i32>} : memref<128xi32, #tpu.memory_space<vmem>>, vector<16xi32>,
    %swap3A_144 = vector.shape_cast %swap3A_143 : vector<16xi32> to vector<16xi32>
    %swap3A_145 = vector.shape_cast %and3A_141 : vector<16xi32> to vector<16xi32>
    tpu.vector_store %arg8[%swap3A_142], %swap3A_145 {strides = array<i32>} : memref<128xi32, #tpu.memory_space<vmem>>, vector<16xi32>,
    %get3A_146 = arith.constant 1 : i32
    %get3A_147 = arith.index_cast %get3A_146 : i32 to index
    %get3A_148 = arith.constant 48 : index
    %get3A_149 = tpu.vector_load %arg6[%get3A_147, %get3A_148] {strides = array<i32>} : memref<114x128xi32, #tpu.memory_space<vmem>>, vector<1x16xi32>,
    %get3A_150 = vector.shape_cast %get3A_149 : vector<1x16xi32> to vector<16xi32>
    %and3A_151 = arith.constant 16383 : i32
    %and3A_152 = vector.broadcast %and3A_151 : i32 to vector<16xi32>
    %and3A_153 = arith.andi %get3A_150, %and3A_152 : vector<16xi32>
    %swap3A_154 = arith.constant 48 : index
    %swap3A_155 = tpu.vector_load %arg8[%swap3A_154] {strides = array<i32>} : memref<128xi32, #tpu.memory_space<vmem>>, vector<16xi32>,
    %swap3A_156 = vector.shape_cast %swap3A_155 : vector<16xi32> to vector<16xi32>
    %swap3A_157 = vector.shape_cast %and3A_153 : vector<16xi32> to vector<16xi32>
    tpu.vector_store %arg8[%swap3A_154], %swap3A_157 {strides = array<i32>} : memref<128xi32, #tpu.memory_space<vmem>>, vector<16xi32>,
    %get3A_158 = arith.constant 1 : i32
    %get3A_159 = arith.index_cast %get3A_158 : i32 to index
    %get3A_160 = arith.constant 64 : index
    %get3A_161 = tpu.vector_load %arg6[%get3A_159, %get3A_160] {strides = array<i32>} : memref<114x128xi32, #tpu.memory_space<vmem>>, vector<1x16xi32>,
    %get3A_162 = vector.shape_cast %get3A_161 : vector<1x16xi32> to vector<16xi32>
    %and3A_163 = arith.constant 16383 : i32
    %and3A_164 = vector.broadcast %and3A_163 : i32 to vector<16xi32>
    %and3A_165 = arith.andi %get3A_162, %and3A_164 : vector<16xi32>
    %swap3A_166 = arith.constant 64 : index
    %swap3A_167 = tpu.vector_load %arg8[%swap3A_166] {strides = array<i32>} : memref<128xi32, #tpu.memory_space<vmem>>, vector<16xi32>,
    %swap3A_168 = vector.shape_cast %swap3A_167 : vector<16xi32> to vector<16xi32>
    %swap3A_169 = vector.shape_cast %and3A_165 : vector<16xi32> to vector<16xi32>
    tpu.vector_store %arg8[%swap3A_166], %swap3A_169 {strides = array<i32>} : memref<128xi32, #tpu.memory_space<vmem>>, vector<16xi32>,
    %get3A_170 = arith.constant 1 : i32
    %get3A_171 = arith.index_cast %get3A_170 : i32 to index
    %get3A_172 = arith.constant 80 : index
    %get3A_173 = tpu.vector_load %arg6[%get3A_171, %get3A_172] {strides = array<i32>} : memref<114x128xi32, #tpu.memory_space<vmem>>, vector<1x16xi32>,
    %get3A_174 = vector.shape_cast %get3A_173 : vector<1x16xi32> to vector<16xi32>
    %and3A_175 = arith.constant 16383 : i32
    %and3A_176 = vector.broadcast %and3A_175 : i32 to vector<16xi32>
    %and3A_177 = arith.andi %get3A_174, %and3A_176 : vector<16xi32>
    %swap3A_178 = arith.constant 80 : index
    %swap3A_179 = tpu.vector_load %arg8[%swap3A_178] {strides = array<i32>} : memref<128xi32, #tpu.memory_space<vmem>>, vector<16xi32>,
    %swap3A_180 = vector.shape_cast %swap3A_179 : vector<16xi32> to vector<16xi32>
    %swap3A_181 = vector.shape_cast %and3A_177 : vector<16xi32> to vector<16xi32>
    tpu.vector_store %arg8[%swap3A_178], %swap3A_181 {strides = array<i32>} : memref<128xi32, #tpu.memory_space<vmem>>, vector<16xi32>,
    %get3A_182 = arith.constant 1 : i32
    %get3A_183 = arith.index_cast %get3A_182 : i32 to index
    %get3A_184 = arith.constant 96 : index
    %get3A_185 = tpu.vector_load %arg6[%get3A_183, %get3A_184] {strides = array<i32>} : memref<114x128xi32, #tpu.memory_space<vmem>>, vector<1x16xi32>,
    %get3A_186 = vector.shape_cast %get3A_185 : vector<1x16xi32> to vector<16xi32>
    %and3A_187 = arith.constant 16383 : i32
    %and3A_188 = vector.broadcast %and3A_187 : i32 to vector<16xi32>
    %and3A_189 = arith.andi %get3A_186, %and3A_188 : vector<16xi32>
    %swap3A_190 = arith.constant 96 : index
    %swap3A_191 = tpu.vector_load %arg8[%swap3A_190] {strides = array<i32>} : memref<128xi32, #tpu.memory_space<vmem>>, vector<16xi32>,
    %swap3A_192 = vector.shape_cast %swap3A_191 : vector<16xi32> to vector<16xi32>
    %swap3A_193 = vector.shape_cast %and3A_189 : vector<16xi32> to vector<16xi32>
    tpu.vector_store %arg8[%swap3A_190], %swap3A_193 {strides = array<i32>} : memref<128xi32, #tpu.memory_space<vmem>>, vector<16xi32>,
    %get3A_194 = arith.constant 1 : i32
    %get3A_195 = arith.index_cast %get3A_194 : i32 to index
    %get3A_196 = arith.constant 112 : index
    %get3A_197 = tpu.vector_load %arg6[%get3A_195, %get3A_196] {strides = array<i32>} : memref<114x128xi32, #tpu.memory_space<vmem>>, vector<1x16xi32>,
    %get3A_198 = vector.shape_cast %get3A_197 : vector<1x16xi32> to vector<16xi32>
    %and3A_199 = arith.constant 16383 : i32
    %and3A_200 = vector.broadcast %and3A_199 : i32 to vector<16xi32>
    %and3A_201 = arith.andi %get3A_198, %and3A_200 : vector<16xi32>
    %swap3A_202 = arith.constant 112 : index
    %swap3A_203 = tpu.vector_load %arg8[%swap3A_202] {strides = array<i32>} : memref<128xi32, #tpu.memory_space<vmem>>, vector<16xi32>,
    %swap3A_204 = vector.shape_cast %swap3A_203 : vector<16xi32> to vector<16xi32>
    %swap3A_205 = vector.shape_cast %and3A_201 : vector<16xi32> to vector<16xi32>
    tpu.vector_store %arg8[%swap3A_202], %swap3A_205 {strides = array<i32>} : memref<128xi32, #tpu.memory_space<vmem>>, vector<16xi32>,
    %dma_start3A_206 = arith.constant 0 : i32
    %dma_start3A_207 = arith.constant 0 : i32
    %dma_start3A_208 = tpu.memref_slice %arg2[%dma_start3A_206, %dma_start3A_207] : memref<10000x128xf32, #tpu.memory_space<hbm>> -> memref<10000x128xf32, #tpu.memory_space<hbm>>
    tpu.enqueue_indirect_dma source(%dma_start3A_208 : memref<10000x128xf32, #tpu.memory_space<hbm>>) target(%arg12 : memref<128x128xf32, #tpu.memory_space<vmem>>) offsets(%arg8 : memref<128xi32, #tpu.memory_space<vmem>>) semaphore(%arg15 : memref<!tpu.dma_semaphore, #tpu.memory_space<semaphore_mem>>)
    %get3A_209 = arith.constant 0 : i32
    %get3A_210 = arith.index_cast %get3A_209 : i32 to index
    %get3A_211 = arith.constant 0 : index
    %get3A_212 = tpu.vector_load %arg6[%get3A_210, %get3A_211] {strides = array<i32>} : memref<114x128xi32, #tpu.memory_space<vmem>>, vector<1x16xi32>,
    %get3A_213 = vector.shape_cast %get3A_212 : vector<1x16xi32> to vector<16xi32>
    %shift_right_logical3A = arith.constant 14 : i32
    %shift_right_logical3A_214 = vector.broadcast %shift_right_logical3A : i32 to vector<16xi32>
    %shift_right_logical3A_215 = arith.shrui %get3A_213, %shift_right_logical3A_214 : vector<16xi32>
    %swap3A_216 = arith.constant 0 : index
    %swap3A_217 = tpu.vector_load %arg9[%swap3A_216] {strides = array<i32>} : memref<128xi32, #tpu.memory_space<vmem>>, vector<16xi32>,
    %swap3A_218 = vector.shape_cast %swap3A_217 : vector<16xi32> to vector<16xi32>
    %swap3A_219 = vector.shape_cast %shift_right_logical3A_215 : vector<16xi32> to vector<16xi32>
    tpu.vector_store %arg9[%swap3A_216], %swap3A_219 {strides = array<i32>} : memref<128xi32, #tpu.memory_space<vmem>>, vector<16xi32>,
    %get3A_220 = arith.constant 0 : i32
    %get3A_221 = arith.index_cast %get3A_220 : i32 to index
    %get3A_222 = arith.constant 16 : index
    %get3A_223 = tpu.vector_load %arg6[%get3A_221, %get3A_222] {strides = array<i32>} : memref<114x128xi32, #tpu.memory_space<vmem>>, vector<1x16xi32>,
    %get3A_224 = vector.shape_cast %get3A_223 : vector<1x16xi32> to vector<16xi32>
    %shift_right_logical3A_225 = arith.constant 14 : i32
    %shift_right_logical3A_226 = vector.broadcast %shift_right_logical3A_225 : i32 to vector<16xi32>
    %shift_right_logical3A_227 = arith.shrui %get3A_224, %shift_right_logical3A_226 : vector<16xi32>
    %swap3A_228 = arith.constant 16 : index
    %swap3A_229 = tpu.vector_load %arg9[%swap3A_228] {strides = array<i32>} : memref<128xi32, #tpu.memory_space<vmem>>, vector<16xi32>,
    %swap3A_230 = vector.shape_cast %swap3A_229 : vector<16xi32> to vector<16xi32>
    %swap3A_231 = vector.shape_cast %shift_right_logical3A_227 : vector<16xi32> to vector<16xi32>
    tpu.vector_store %arg9[%swap3A_228], %swap3A_231 {strides = array<i32>} : memref<128xi32, #tpu.memory_space<vmem>>, vector<16xi32>,
    %get3A_232 = arith.constant 0 : i32
    %get3A_233 = arith.index_cast %get3A_232 : i32 to index
    %get3A_234 = arith.constant 32 : index
    %get3A_235 = tpu.vector_load %arg6[%get3A_233, %get3A_234] {strides = array<i32>} : memref<114x128xi32, #tpu.memory_space<vmem>>, vector<1x16xi32>,
    %get3A_236 = vector.shape_cast %get3A_235 : vector<1x16xi32> to vector<16xi32>
    %shift_right_logical3A_237 = arith.constant 14 : i32
    %shift_right_logical3A_238 = vector.broadcast %shift_right_logical3A_237 : i32 to vector<16xi32>
    %shift_right_logical3A_239 = arith.shrui %get3A_236, %shift_right_logical3A_238 : vector<16xi32>
    %swap3A_240 = arith.constant 32 : index
    %swap3A_241 = tpu.vector_load %arg9[%swap3A_240] {strides = array<i32>} : memref<128xi32, #tpu.memory_space<vmem>>, vector<16xi32>,
    %swap3A_242 = vector.shape_cast %swap3A_241 : vector<16xi32> to vector<16xi32>
    %swap3A_243 = vector.shape_cast %shift_right_logical3A_239 : vector<16xi32> to vector<16xi32>
    tpu.vector_store %arg9[%swap3A_240], %swap3A_243 {strides = array<i32>} : memref<128xi32, #tpu.memory_space<vmem>>, vector<16xi32>,
    %get3A_244 = arith.constant 0 : i32
    %get3A_245 = arith.index_cast %get3A_244 : i32 to index
    %get3A_246 = arith.constant 48 : index
    %get3A_247 = tpu.vector_load %arg6[%get3A_245, %get3A_246] {strides = array<i32>} : memref<114x128xi32, #tpu.memory_space<vmem>>, vector<1x16xi32>,
    %get3A_248 = vector.shape_cast %get3A_247 : vector<1x16xi32> to vector<16xi32>
    %shift_right_logical3A_249 = arith.constant 14 : i32
    %shift_right_logical3A_250 = vector.broadcast %shift_right_logical3A_249 : i32 to vector<16xi32>
    %shift_right_logical3A_251 = arith.shrui %get3A_248, %shift_right_logical3A_250 : vector<16xi32>
    %swap3A_252 = arith.constant 48 : index
    %swap3A_253 = tpu.vector_load %arg9[%swap3A_252] {strides = array<i32>} : memref<128xi32, #tpu.memory_space<vmem>>, vector<16xi32>,
    %swap3A_254 = vector.shape_cast %swap3A_253 : vector<16xi32> to vector<16xi32>
    %swap3A_255 = vector.shape_cast %shift_right_logical3A_251 : vector<16xi32> to vector<16xi32>
    tpu.vector_store %arg9[%swap3A_252], %swap3A_255 {strides = array<i32>} : memref<128xi32, #tpu.memory_space<vmem>>, vector<16xi32>,
    %get3A_256 = arith.constant 0 : i32
    %get3A_257 = arith.index_cast %get3A_256 : i32 to index
    %get3A_258 = arith.constant 64 : index
    %get3A_259 = tpu.vector_load %arg6[%get3A_257, %get3A_258] {strides = array<i32>} : memref<114x128xi32, #tpu.memory_space<vmem>>, vector<1x16xi32>,
    %get3A_260 = vector.shape_cast %get3A_259 : vector<1x16xi32> to vector<16xi32>
    %shift_right_logical3A_261 = arith.constant 14 : i32
    %shift_right_logical3A_262 = vector.broadcast %shift_right_logical3A_261 : i32 to vector<16xi32>
    %shift_right_logical3A_263 = arith.shrui %get3A_260, %shift_right_logical3A_262 : vector<16xi32>
    %swap3A_264 = arith.constant 64 : index
    %swap3A_265 = tpu.vector_load %arg9[%swap3A_264] {strides = array<i32>} : memref<128xi32, #tpu.memory_space<vmem>>, vector<16xi32>,
    %swap3A_266 = vector.shape_cast %swap3A_265 : vector<16xi32> to vector<16xi32>
    %swap3A_267 = vector.shape_cast %shift_right_logical3A_263 : vector<16xi32> to vector<16xi32>
    tpu.vector_store %arg9[%swap3A_264], %swap3A_267 {strides = array<i32>} : memref<128xi32, #tpu.memory_space<vmem>>, vector<16xi32>,
    %get3A_268 = arith.constant 0 : i32
    %get3A_269 = arith.index_cast %get3A_268 : i32 to index
    %get3A_270 = arith.constant 80 : index
    %get3A_271 = tpu.vector_load %arg6[%get3A_269, %get3A_270] {strides = array<i32>} : memref<114x128xi32, #tpu.memory_space<vmem>>, vector<1x16xi32>,
    %get3A_272 = vector.shape_cast %get3A_271 : vector<1x16xi32> to vector<16xi32>
    %shift_right_logical3A_273 = arith.constant 14 : i32
    %shift_right_logical3A_274 = vector.broadcast %shift_right_logical3A_273 : i32 to vector<16xi32>
    %shift_right_logical3A_275 = arith.shrui %get3A_272, %shift_right_logical3A_274 : vector<16xi32>
    %swap3A_276 = arith.constant 80 : index
    %swap3A_277 = tpu.vector_load %arg9[%swap3A_276] {strides = array<i32>} : memref<128xi32, #tpu.memory_space<vmem>>, vector<16xi32>,
    %swap3A_278 = vector.shape_cast %swap3A_277 : vector<16xi32> to vector<16xi32>
    %swap3A_279 = vector.shape_cast %shift_right_logical3A_275 : vector<16xi32> to vector<16xi32>
    tpu.vector_store %arg9[%swap3A_276], %swap3A_279 {strides = array<i32>} : memref<128xi32, #tpu.memory_space<vmem>>, vector<16xi32>,
    %get3A_280 = arith.constant 0 : i32
    %get3A_281 = arith.index_cast %get3A_280 : i32 to index
    %get3A_282 = arith.constant 96 : index
    %get3A_283 = tpu.vector_load %arg6[%get3A_281, %get3A_282] {strides = array<i32>} : memref<114x128xi32, #tpu.memory_space<vmem>>, vector<1x16xi32>,
    %get3A_284 = vector.shape_cast %get3A_283 : vector<1x16xi32> to vector<16xi32>
    %shift_right_logical3A_285 = arith.constant 14 : i32
    %shift_right_logical3A_286 = vector.broadcast %shift_right_logical3A_285 : i32 to vector<16xi32>
    %shift_right_logical3A_287 = arith.shrui %get3A_284, %shift_right_logical3A_286 : vector<16xi32>
    %swap3A_288 = arith.constant 96 : index
    %swap3A_289 = tpu.vector_load %arg9[%swap3A_288] {strides = array<i32>} : memref<128xi32, #tpu.memory_space<vmem>>, vector<16xi32>,
    %swap3A_290 = vector.shape_cast %swap3A_289 : vector<16xi32> to vector<16xi32>
    %swap3A_291 = vector.shape_cast %shift_right_logical3A_287 : vector<16xi32> to vector<16xi32>
    tpu.vector_store %arg9[%swap3A_288], %swap3A_291 {strides = array<i32>} : memref<128xi32, #tpu.memory_space<vmem>>, vector<16xi32>,
    %get3A_292 = arith.constant 0 : i32
    %get3A_293 = arith.index_cast %get3A_292 : i32 to index
    %get3A_294 = arith.constant 112 : index
    %get3A_295 = tpu.vector_load %arg6[%get3A_293, %get3A_294] {strides = array<i32>} : memref<114x128xi32, #tpu.memory_space<vmem>>, vector<1x16xi32>,
    %get3A_296 = vector.shape_cast %get3A_295 : vector<1x16xi32> to vector<16xi32>
    %shift_right_logical3A_297 = arith.constant 14 : i32
    %shift_right_logical3A_298 = vector.broadcast %shift_right_logical3A_297 : i32 to vector<16xi32>
    %shift_right_logical3A_299 = arith.shrui %get3A_296, %shift_right_logical3A_298 : vector<16xi32>
    %swap3A_300 = arith.constant 112 : index
    %swap3A_301 = tpu.vector_load %arg9[%swap3A_300] {strides = array<i32>} : memref<128xi32, #tpu.memory_space<vmem>>, vector<16xi32>,
    %swap3A_302 = vector.shape_cast %swap3A_301 : vector<16xi32> to vector<16xi32>
    %swap3A_303 = vector.shape_cast %shift_right_logical3A_299 : vector<16xi32> to vector<16xi32>
    tpu.vector_store %arg9[%swap3A_300], %swap3A_303 {strides = array<i32>} : memref<128xi32, #tpu.memory_space<vmem>>, vector<16xi32>,
    %get3A_304 = arith.constant 1 : i32
    %get3A_305 = arith.index_cast %get3A_304 : i32 to index
    %get3A_306 = arith.constant 0 : index
    %get3A_307 = tpu.vector_load %arg6[%get3A_305, %get3A_306] {strides = array<i32>} : memref<114x128xi32, #tpu.memory_space<vmem>>, vector<1x16xi32>,
    %get3A_308 = vector.shape_cast %get3A_307 : vector<1x16xi32> to vector<16xi32>
    %shift_right_logical3A_309 = arith.constant 14 : i32
    %shift_right_logical3A_310 = vector.broadcast %shift_right_logical3A_309 : i32 to vector<16xi32>
    %shift_right_logical3A_311 = arith.shrui %get3A_308, %shift_right_logical3A_310 : vector<16xi32>
    %swap3A_312 = arith.constant 0 : index
    %swap3A_313 = tpu.vector_load %arg10[%swap3A_312] {strides = array<i32>} : memref<128xi32, #tpu.memory_space<vmem>>, vector<16xi32>,
    %swap3A_314 = vector.shape_cast %swap3A_313 : vector<16xi32> to vector<16xi32>
    %swap3A_315 = vector.shape_cast %shift_right_logical3A_311 : vector<16xi32> to vector<16xi32>
    tpu.vector_store %arg10[%swap3A_312], %swap3A_315 {strides = array<i32>} : memref<128xi32, #tpu.memory_space<vmem>>, vector<16xi32>,
    %get3A_316 = arith.constant 1 : i32
    %get3A_317 = arith.index_cast %get3A_316 : i32 to index
    %get3A_318 = arith.constant 16 : index
    %get3A_319 = tpu.vector_load %arg6[%get3A_317, %get3A_318] {strides = array<i32>} : memref<114x128xi32, #tpu.memory_space<vmem>>, vector<1x16xi32>,
    %get3A_320 = vector.shape_cast %get3A_319 : vector<1x16xi32> to vector<16xi32>
    %shift_right_logical3A_321 = arith.constant 14 : i32
    %shift_right_logical3A_322 = vector.broadcast %shift_right_logical3A_321 : i32 to vector<16xi32>
    %shift_right_logical3A_323 = arith.shrui %get3A_320, %shift_right_logical3A_322 : vector<16xi32>
    %swap3A_324 = arith.constant 16 : index
    %swap3A_325 = tpu.vector_load %arg10[%swap3A_324] {strides = array<i32>} : memref<128xi32, #tpu.memory_space<vmem>>, vector<16xi32>,
    %swap3A_326 = vector.shape_cast %swap3A_325 : vector<16xi32> to vector<16xi32>
    %swap3A_327 = vector.shape_cast %shift_right_logical3A_323 : vector<16xi32> to vector<16xi32>
    tpu.vector_store %arg10[%swap3A_324], %swap3A_327 {strides = array<i32>} : memref<128xi32, #tpu.memory_space<vmem>>, vector<16xi32>,
    %get3A_328 = arith.constant 1 : i32
    %get3A_329 = arith.index_cast %get3A_328 : i32 to index
    %get3A_330 = arith.constant 32 : index
    %get3A_331 = tpu.vector_load %arg6[%get3A_329, %get3A_330] {strides = array<i32>} : memref<114x128xi32, #tpu.memory_space<vmem>>, vector<1x16xi32>,
    %get3A_332 = vector.shape_cast %get3A_331 : vector<1x16xi32> to vector<16xi32>
    %shift_right_logical3A_333 = arith.constant 14 : i32
    %shift_right_logical3A_334 = vector.broadcast %shift_right_logical3A_333 : i32 to vector<16xi32>
    %shift_right_logical3A_335 = arith.shrui %get3A_332, %shift_right_logical3A_334 : vector<16xi32>
    %swap3A_336 = arith.constant 32 : index
    %swap3A_337 = tpu.vector_load %arg10[%swap3A_336] {strides = array<i32>} : memref<128xi32, #tpu.memory_space<vmem>>, vector<16xi32>,
    %swap3A_338 = vector.shape_cast %swap3A_337 : vector<16xi32> to vector<16xi32>
    %swap3A_339 = vector.shape_cast %shift_right_logical3A_335 : vector<16xi32> to vector<16xi32>
    tpu.vector_store %arg10[%swap3A_336], %swap3A_339 {strides = array<i32>} : memref<128xi32, #tpu.memory_space<vmem>>, vector<16xi32>,
    %get3A_340 = arith.constant 1 : i32
    %get3A_341 = arith.index_cast %get3A_340 : i32 to index
    %get3A_342 = arith.constant 48 : index
    %get3A_343 = tpu.vector_load %arg6[%get3A_341, %get3A_342] {strides = array<i32>} : memref<114x128xi32, #tpu.memory_space<vmem>>, vector<1x16xi32>,
    %get3A_344 = vector.shape_cast %get3A_343 : vector<1x16xi32> to vector<16xi32>
    %shift_right_logical3A_345 = arith.constant 14 : i32
    %shift_right_logical3A_346 = vector.broadcast %shift_right_logical3A_345 : i32 to vector<16xi32>
    %shift_right_logical3A_347 = arith.shrui %get3A_344, %shift_right_logical3A_346 : vector<16xi32>
    %swap3A_348 = arith.constant 48 : index
    %swap3A_349 = tpu.vector_load %arg10[%swap3A_348] {strides = array<i32>} : memref<128xi32, #tpu.memory_space<vmem>>, vector<16xi32>,
    %swap3A_350 = vector.shape_cast %swap3A_349 : vector<16xi32> to vector<16xi32>
    %swap3A_351 = vector.shape_cast %shift_right_logical3A_347 : vector<16xi32> to vector<16xi32>
    tpu.vector_store %arg10[%swap3A_348], %swap3A_351 {strides = array<i32>} : memref<128xi32, #tpu.memory_space<vmem>>, vector<16xi32>,
    %get3A_352 = arith.constant 1 : i32
    %get3A_353 = arith.index_cast %get3A_352 : i32 to index
    %get3A_354 = arith.constant 64 : index
    %get3A_355 = tpu.vector_load %arg6[%get3A_353, %get3A_354] {strides = array<i32>} : memref<114x128xi32, #tpu.memory_space<vmem>>, vector<1x16xi32>,
    %get3A_356 = vector.shape_cast %get3A_355 : vector<1x16xi32> to vector<16xi32>
    %shift_right_logical3A_357 = arith.constant 14 : i32
    %shift_right_logical3A_358 = vector.broadcast %shift_right_logical3A_357 : i32 to vector<16xi32>
    %shift_right_logical3A_359 = arith.shrui %get3A_356, %shift_right_logical3A_358 : vector<16xi32>
    %swap3A_360 = arith.constant 64 : index
    %swap3A_361 = tpu.vector_load %arg10[%swap3A_360] {strides = array<i32>} : memref<128xi32, #tpu.memory_space<vmem>>, vector<16xi32>,
    %swap3A_362 = vector.shape_cast %swap3A_361 : vector<16xi32> to vector<16xi32>
    %swap3A_363 = vector.shape_cast %shift_right_logical3A_359 : vector<16xi32> to vector<16xi32>
    tpu.vector_store %arg10[%swap3A_360], %swap3A_363 {strides = array<i32>} : memref<128xi32, #tpu.memory_space<vmem>>, vector<16xi32>,
    %get3A_364 = arith.constant 1 : i32
    %get3A_365 = arith.index_cast %get3A_364 : i32 to index
    %get3A_366 = arith.constant 80 : index
    %get3A_367 = tpu.vector_load %arg6[%get3A_365, %get3A_366] {strides = array<i32>} : memref<114x128xi32, #tpu.memory_space<vmem>>, vector<1x16xi32>,
    %get3A_368 = vector.shape_cast %get3A_367 : vector<1x16xi32> to vector<16xi32>
    %shift_right_logical3A_369 = arith.constant 14 : i32
    %shift_right_logical3A_370 = vector.broadcast %shift_right_logical3A_369 : i32 to vector<16xi32>
    %shift_right_logical3A_371 = arith.shrui %get3A_368, %shift_right_logical3A_370 : vector<16xi32>
    %swap3A_372 = arith.constant 80 : index
    %swap3A_373 = tpu.vector_load %arg10[%swap3A_372] {strides = array<i32>} : memref<128xi32, #tpu.memory_space<vmem>>, vector<16xi32>,
    %swap3A_374 = vector.shape_cast %swap3A_373 : vector<16xi32> to vector<16xi32>
    %swap3A_375 = vector.shape_cast %shift_right_logical3A_371 : vector<16xi32> to vector<16xi32>
    tpu.vector_store %arg10[%swap3A_372], %swap3A_375 {strides = array<i32>} : memref<128xi32, #tpu.memory_space<vmem>>, vector<16xi32>,
    %get3A_376 = arith.constant 1 : i32
    %get3A_377 = arith.index_cast %get3A_376 : i32 to index
    %get3A_378 = arith.constant 96 : index
    %get3A_379 = tpu.vector_load %arg6[%get3A_377, %get3A_378] {strides = array<i32>} : memref<114x128xi32, #tpu.memory_space<vmem>>, vector<1x16xi32>,
    %get3A_380 = vector.shape_cast %get3A_379 : vector<1x16xi32> to vector<16xi32>
    %shift_right_logical3A_381 = arith.constant 14 : i32
    %shift_right_logical3A_382 = vector.broadcast %shift_right_logical3A_381 : i32 to vector<16xi32>
    %shift_right_logical3A_383 = arith.shrui %get3A_380, %shift_right_logical3A_382 : vector<16xi32>
    %swap3A_384 = arith.constant 96 : index
    %swap3A_385 = tpu.vector_load %arg10[%swap3A_384] {strides = array<i32>} : memref<128xi32, #tpu.memory_space<vmem>>, vector<16xi32>,
    %swap3A_386 = vector.shape_cast %swap3A_385 : vector<16xi32> to vector<16xi32>
    %swap3A_387 = vector.shape_cast %shift_right_logical3A_383 : vector<16xi32> to vector<16xi32>
    tpu.vector_store %arg10[%swap3A_384], %swap3A_387 {strides = array<i32>} : memref<128xi32, #tpu.memory_space<vmem>>, vector<16xi32>,
    %get3A_388 = arith.constant 1 : i32
    %get3A_389 = arith.index_cast %get3A_388 : i32 to index
    %get3A_390 = arith.constant 112 : index
    %get3A_391 = tpu.vector_load %arg6[%get3A_389, %get3A_390] {strides = array<i32>} : memref<114x128xi32, #tpu.memory_space<vmem>>, vector<1x16xi32>,
    %get3A_392 = vector.shape_cast %get3A_391 : vector<1x16xi32> to vector<16xi32>
    %shift_right_logical3A_393 = arith.constant 14 : i32
    %shift_right_logical3A_394 = vector.broadcast %shift_right_logical3A_393 : i32 to vector<16xi32>
    %shift_right_logical3A_395 = arith.shrui %get3A_392, %shift_right_logical3A_394 : vector<16xi32>
    %swap3A_396 = arith.constant 112 : index
    %swap3A_397 = tpu.vector_load %arg10[%swap3A_396] {strides = array<i32>} : memref<128xi32, #tpu.memory_space<vmem>>, vector<16xi32>,
    %swap3A_398 = vector.shape_cast %swap3A_397 : vector<16xi32> to vector<16xi32>
    %swap3A_399 = vector.shape_cast %shift_right_logical3A_395 : vector<16xi32> to vector<16xi32>
    tpu.vector_store %arg10[%swap3A_396], %swap3A_399 {strides = array<i32>} : memref<128xi32, #tpu.memory_space<vmem>>, vector<16xi32>,
    %jit3A_400 = arith.constant 2 : i32
    %div3A = arith.divsi %select_n3A, %jit3A_400 : i32
    %sign3A = arith.constant 0 : i32
    %sign3A_401 = arith.cmpi sgt, %select_n3A, %sign3A : i32
    %sign3A_402 = arith.extui %sign3A_401 : i1 to i32
    %sign3A_403 = arith.constant 0 : i32
    %sign3A_404 = arith.cmpi slt, %select_n3A, %sign3A_403 : i32
    %sign3A_405 = arith.extui %sign3A_404 : i1 to i32
    %sign3A_406 = arith.subi %sign3A_402, %sign3A_405 : i32
    %sign3A_407 = arith.constant 0 : i32
    %sign3A_408 = arith.cmpi sgt, %jit3A_400, %sign3A_407 : i32
    %sign3A_409 = arith.extui %sign3A_408 : i1 to i32
    %sign3A_410 = arith.constant 0 : i32
    %sign3A_411 = arith.cmpi slt, %jit3A_400, %sign3A_410 : i32
    %sign3A_412 = arith.extui %sign3A_411 : i1 to i32
    %sign3A_413 = arith.subi %sign3A_409, %sign3A_412 : i32
    %ne3A = arith.cmpi ne, %sign3A_406, %sign3A_413 : i32
    %rem3A = arith.remsi %select_n3A, %jit3A_400 : i32
    %ne3A_414 = arith.constant 0 : i32
    %ne3A_415 = arith.cmpi ne, %rem3A, %ne3A_414 : i32
    %and3A_416 = arith.andi %ne3A, %ne3A_415 : i1
    %sub3A = arith.constant 1 : i32
    %sub3A_417 = arith.subi %div3A, %sub3A : i32
    %select_n3A_418 = arith.select %and3A_416, %sub3A_417, %div3A : i32
    %while3A = arith.constant 0 : i32
    %while3A_419 = arith.constant 0 : i32
    %while3A_420 = arith.subi %select_n3A_418, %while3A : i32
    %while3A_421 = arith.addi %while3A, %while3A_420 : i32
    %while3A_422 = arith.constant 1 : i32
    %while3A_423 = arith.divsi %while3A_420, %while3A_422 : i32
    %while3A_424 = arith.muli %while3A_423, %while3A_422 : i32
    %while3A_425 = arith.addi %while3A, %while3A_424 : i32
    %while3A_426 = arith.constant 1 : i32
    %while3A_427 = scf.for %while3A_451 = %while3A to %while3A_425 step %while3A_426 iter_args(%while3A_452 = %while3A_419) -> (i32)  : i32 {
      %mul3A_453 = arith.constant 2 : i32
      %mul3A_454 = arith.muli %mul3A_453, %while3A_451 : i32
      tpu.wait_dma2 semaphore(%arg14 : memref<!tpu.dma_semaphore, #tpu.memory_space<semaphore_mem>>) src(%arg4 : memref<128x128xf32, #tpu.memory_space<hbm>>) dst(%arg11 : memref<128x128xf32, #tpu.memory_space<vmem>>)
      %add3A_455 = arith.constant 2 : i32
      %add3A_456 = arith.addi %mul3A_454, %add3A_455 : i32
      %lt3A = arith.cmpi slt, %add3A_456, %select_n3A : i32
      %convert_element_type3A = arith.extui %lt3A : i1 to i32
      %cond3A = arith.constant 0 : i32
      %cond3A_457 = arith.cmpi ne, %convert_element_type3A, %cond3A : i32
      scf.if %cond3A_457 {
        %add3A_477 = arith.constant 2 : i32
        %add3A_478 = arith.addi %mul3A_454, %add3A_477 : i32
        %get3A_479 = arith.index_cast %add3A_478 : i32 to index
        %get3A_480 = arith.constant 0 : index
        %get3A_481 = tpu.vector_load %arg6[%get3A_479, %get3A_480] {strides = array<i32>} : memref<114x128xi32, #tpu.memory_space<vmem>>, vector<1x16xi32>,
        %get3A_482 = vector.shape_cast %get3A_481 : vector<1x16xi32> to vector<16xi32>
        %and3A_483 = arith.constant 16383 : i32
        %and3A_484 = vector.broadcast %and3A_483 : i32 to vector<16xi32>
        %and3A_485 = arith.andi %get3A_482, %and3A_484 : vector<16xi32>
        %swap3A_486 = arith.constant 0 : index
        %swap3A_487 = tpu.vector_load %arg7[%swap3A_486] {strides = array<i32>} : memref<128xi32, #tpu.memory_space<vmem>>, vector<16xi32>,
        %swap3A_488 = vector.shape_cast %swap3A_487 : vector<16xi32> to vector<16xi32>
        %swap3A_489 = vector.shape_cast %and3A_485 : vector<16xi32> to vector<16xi32>
        tpu.vector_store %arg7[%swap3A_486], %swap3A_489 {strides = array<i32>} : memref<128xi32, #tpu.memory_space<vmem>>, vector<16xi32>,
        %get3A_490 = arith.index_cast %add3A_478 : i32 to index
        %get3A_491 = arith.constant 16 : index
        %get3A_492 = tpu.vector_load %arg6[%get3A_490, %get3A_491] {strides = array<i32>} : memref<114x128xi32, #tpu.memory_space<vmem>>, vector<1x16xi32>,
        %get3A_493 = vector.shape_cast %get3A_492 : vector<1x16xi32> to vector<16xi32>
        %and3A_494 = arith.constant 16383 : i32
        %and3A_495 = vector.broadcast %and3A_494 : i32 to vector<16xi32>
        %and3A_496 = arith.andi %get3A_493, %and3A_495 : vector<16xi32>
        %swap3A_497 = arith.constant 16 : index
        %swap3A_498 = tpu.vector_load %arg7[%swap3A_497] {strides = array<i32>} : memref<128xi32, #tpu.memory_space<vmem>>, vector<16xi32>,
        %swap3A_499 = vector.shape_cast %swap3A_498 : vector<16xi32> to vector<16xi32>
        %swap3A_500 = vector.shape_cast %and3A_496 : vector<16xi32> to vector<16xi32>
        tpu.vector_store %arg7[%swap3A_497], %swap3A_500 {strides = array<i32>} : memref<128xi32, #tpu.memory_space<vmem>>, vector<16xi32>,
        %get3A_501 = arith.index_cast %add3A_478 : i32 to index
        %get3A_502 = arith.constant 32 : index
        %get3A_503 = tpu.vector_load %arg6[%get3A_501, %get3A_502] {strides = array<i32>} : memref<114x128xi32, #tpu.memory_space<vmem>>, vector<1x16xi32>,
        %get3A_504 = vector.shape_cast %get3A_503 : vector<1x16xi32> to vector<16xi32>
        %and3A_505 = arith.constant 16383 : i32
        %and3A_506 = vector.broadcast %and3A_505 : i32 to vector<16xi32>
        %and3A_507 = arith.andi %get3A_504, %and3A_506 : vector<16xi32>
        %swap3A_508 = arith.constant 32 : index
        %swap3A_509 = tpu.vector_load %arg7[%swap3A_508] {strides = array<i32>} : memref<128xi32, #tpu.memory_space<vmem>>, vector<16xi32>,
        %swap3A_510 = vector.shape_cast %swap3A_509 : vector<16xi32> to vector<16xi32>
        %swap3A_511 = vector.shape_cast %and3A_507 : vector<16xi32> to vector<16xi32>
        tpu.vector_store %arg7[%swap3A_508], %swap3A_511 {strides = array<i32>} : memref<128xi32, #tpu.memory_space<vmem>>, vector<16xi32>,
        %get3A_512 = arith.index_cast %add3A_478 : i32 to index
        %get3A_513 = arith.constant 48 : index
        %get3A_514 = tpu.vector_load %arg6[%get3A_512, %get3A_513] {strides = array<i32>} : memref<114x128xi32, #tpu.memory_space<vmem>>, vector<1x16xi32>,
        %get3A_515 = vector.shape_cast %get3A_514 : vector<1x16xi32> to vector<16xi32>
        %and3A_516 = arith.constant 16383 : i32
        %and3A_517 = vector.broadcast %and3A_516 : i32 to vector<16xi32>
        %and3A_518 = arith.andi %get3A_515, %and3A_517 : vector<16xi32>
        %swap3A_519 = arith.constant 48 : index
        %swap3A_520 = tpu.vector_load %arg7[%swap3A_519] {strides = array<i32>} : memref<128xi32, #tpu.memory_space<vmem>>, vector<16xi32>,
        %swap3A_521 = vector.shape_cast %swap3A_520 : vector<16xi32> to vector<16xi32>
        %swap3A_522 = vector.shape_cast %and3A_518 : vector<16xi32> to vector<16xi32>
        tpu.vector_store %arg7[%swap3A_519], %swap3A_522 {strides = array<i32>} : memref<128xi32, #tpu.memory_space<vmem>>, vector<16xi32>,
        %get3A_523 = arith.index_cast %add3A_478 : i32 to index
        %get3A_524 = arith.constant 64 : index
        %get3A_525 = tpu.vector_load %arg6[%get3A_523, %get3A_524] {strides = array<i32>} : memref<114x128xi32, #tpu.memory_space<vmem>>, vector<1x16xi32>,
        %get3A_526 = vector.shape_cast %get3A_525 : vector<1x16xi32> to vector<16xi32>
        %and3A_527 = arith.constant 16383 : i32
        %and3A_528 = vector.broadcast %and3A_527 : i32 to vector<16xi32>
        %and3A_529 = arith.andi %get3A_526, %and3A_528 : vector<16xi32>
        %swap3A_530 = arith.constant 64 : index
        %swap3A_531 = tpu.vector_load %arg7[%swap3A_530] {strides = array<i32>} : memref<128xi32, #tpu.memory_space<vmem>>, vector<16xi32>,
        %swap3A_532 = vector.shape_cast %swap3A_531 : vector<16xi32> to vector<16xi32>
        %swap3A_533 = vector.shape_cast %and3A_529 : vector<16xi32> to vector<16xi32>
        tpu.vector_store %arg7[%swap3A_530], %swap3A_533 {strides = array<i32>} : memref<128xi32, #tpu.memory_space<vmem>>, vector<16xi32>,
        %get3A_534 = arith.index_cast %add3A_478 : i32 to index
        %get3A_535 = arith.constant 80 : index
        %get3A_536 = tpu.vector_load %arg6[%get3A_534, %get3A_535] {strides = array<i32>} : memref<114x128xi32, #tpu.memory_space<vmem>>, vector<1x16xi32>,
        %get3A_537 = vector.shape_cast %get3A_536 : vector<1x16xi32> to vector<16xi32>
        %and3A_538 = arith.constant 16383 : i32
        %and3A_539 = vector.broadcast %and3A_538 : i32 to vector<16xi32>
        %and3A_540 = arith.andi %get3A_537, %and3A_539 : vector<16xi32>
        %swap3A_541 = arith.constant 80 : index
        %swap3A_542 = tpu.vector_load %arg7[%swap3A_541] {strides = array<i32>} : memref<128xi32, #tpu.memory_space<vmem>>, vector<16xi32>,
        %swap3A_543 = vector.shape_cast %swap3A_542 : vector<16xi32> to vector<16xi32>
        %swap3A_544 = vector.shape_cast %and3A_540 : vector<16xi32> to vector<16xi32>
        tpu.vector_store %arg7[%swap3A_541], %swap3A_544 {strides = array<i32>} : memref<128xi32, #tpu.memory_space<vmem>>, vector<16xi32>,
        %get3A_545 = arith.index_cast %add3A_478 : i32 to index
        %get3A_546 = arith.constant 96 : index
        %get3A_547 = tpu.vector_load %arg6[%get3A_545, %get3A_546] {strides = array<i32>} : memref<114x128xi32, #tpu.memory_space<vmem>>, vector<1x16xi32>,
        %get3A_548 = vector.shape_cast %get3A_547 : vector<1x16xi32> to vector<16xi32>
        %and3A_549 = arith.constant 16383 : i32
        %and3A_550 = vector.broadcast %and3A_549 : i32 to vector<16xi32>
        %and3A_551 = arith.andi %get3A_548, %and3A_550 : vector<16xi32>
        %swap3A_552 = arith.constant 96 : index
        %swap3A_553 = tpu.vector_load %arg7[%swap3A_552] {strides = array<i32>} : memref<128xi32, #tpu.memory_space<vmem>>, vector<16xi32>,
        %swap3A_554 = vector.shape_cast %swap3A_553 : vector<16xi32> to vector<16xi32>
        %swap3A_555 = vector.shape_cast %and3A_551 : vector<16xi32> to vector<16xi32>
        tpu.vector_store %arg7[%swap3A_552], %swap3A_555 {strides = array<i32>} : memref<128xi32, #tpu.memory_space<vmem>>, vector<16xi32>,
        %get3A_556 = arith.index_cast %add3A_478 : i32 to index
        %get3A_557 = arith.constant 112 : index
        %get3A_558 = tpu.vector_load %arg6[%get3A_556, %get3A_557] {strides = array<i32>} : memref<114x128xi32, #tpu.memory_space<vmem>>, vector<1x16xi32>,
        %get3A_559 = vector.shape_cast %get3A_558 : vector<1x16xi32> to vector<16xi32>
        %and3A_560 = arith.constant 16383 : i32
        %and3A_561 = vector.broadcast %and3A_560 : i32 to vector<16xi32>
        %and3A_562 = arith.andi %get3A_559, %and3A_561 : vector<16xi32>
        %swap3A_563 = arith.constant 112 : index
        %swap3A_564 = tpu.vector_load %arg7[%swap3A_563] {strides = array<i32>} : memref<128xi32, #tpu.memory_space<vmem>>, vector<16xi32>,
        %swap3A_565 = vector.shape_cast %swap3A_564 : vector<16xi32> to vector<16xi32>
        %swap3A_566 = vector.shape_cast %and3A_562 : vector<16xi32> to vector<16xi32>
        tpu.vector_store %arg7[%swap3A_563], %swap3A_566 {strides = array<i32>} : memref<128xi32, #tpu.memory_space<vmem>>, vector<16xi32>,
        %add3A_567 = arith.constant 2 : i32
        %add3A_568 = arith.addi %mul3A_454, %add3A_567 : i32
        %dma_start3A_569 = arith.constant 0 : i32
        %dma_start3A_570 = arith.constant 0 : i32
        %dma_start3A_571 = tpu.memref_slice %arg2[%dma_start3A_569, %dma_start3A_570] : memref<10000x128xf32, #tpu.memory_space<hbm>> -> memref<10000x128xf32, #tpu.memory_space<hbm>>
        tpu.enqueue_indirect_dma source(%dma_start3A_571 : memref<10000x128xf32, #tpu.memory_space<hbm>>) target(%arg11 : memref<128x128xf32, #tpu.memory_space<vmem>>) offsets(%arg7 : memref<128xi32, #tpu.memory_space<vmem>>) semaphore(%arg14 : memref<!tpu.dma_semaphore, #tpu.memory_space<semaphore_mem>>)
      } else {
      }
      "tpu.region"() ({
        %run_scoped3A = tpu.sem_alloc : memref<!tpu.dma_semaphore, #tpu.memory_space<semaphore_mem>>
        %dma_start3A_477 = arith.constant 0 : i32
        %dma_start3A_478 = arith.constant 0 : i32
        %dma_start3A_479 = tpu.memref_slice %arg13[%dma_start3A_477, %dma_start3A_478] : memref<10240x128xf32, #tpu.memory_space<vmem_shared>> -> memref<10240x128xf32, #tpu.memory_space<vmem_shared>>
        tpu.enqueue_indirect_dma source(%arg11 : memref<128x128xf32, #tpu.memory_space<vmem>>) target(%dma_start3A_479 : memref<10240x128xf32, #tpu.memory_space<vmem_shared>>) offsets(%arg9 : memref<128xi32, #tpu.memory_space<vmem>>) semaphore(%run_scoped3A : memref<!tpu.dma_semaphore, #tpu.memory_space<semaphore_mem>>) {add = true}
        %dma_wait3A = arith.constant 0 : i32
        %dma_wait3A_480 = arith.constant 0 : i32
        %dma_wait3A_481 = tpu.memref_slice %arg13[%dma_wait3A, %dma_wait3A_480] : memref<10240x128xf32, #tpu.memory_space<vmem_shared>> -> memref<10240x128xf32, #tpu.memory_space<vmem_shared>>
        tpu.wait_indirect_dma semaphore(%run_scoped3A : memref<!tpu.dma_semaphore, #tpu.memory_space<semaphore_mem>>) src(%arg11 : memref<128x128xf32, #tpu.memory_space<vmem>>) dst(%dma_wait3A_481 : memref<10240x128xf32, #tpu.memory_space<vmem_shared>>)
        tpu.yield
      }) : () -> ()
      %add3A_458 = arith.constant 2 : i32
      %add3A_459 = arith.addi %mul3A_454, %add3A_458 : i32
      %lt3A_460 = arith.cmpi slt, %add3A_459, %select_n3A : i32
      %convert_element_type3A_461 = arith.extui %lt3A_460 : i1 to i32
      %cond3A_462 = arith.constant 0 : i32
      %cond3A_463 = arith.cmpi ne, %convert_element_type3A_461, %cond3A_462 : i32
      scf.if %cond3A_463 {
        %add3A_477 = arith.constant 2 : i32
        %add3A_478 = arith.addi %mul3A_454, %add3A_477 : i32
        %get3A_479 = arith.index_cast %add3A_478 : i32 to index
        %get3A_480 = arith.constant 0 : index
        %get3A_481 = tpu.vector_load %arg6[%get3A_479, %get3A_480] {strides = array<i32>} : memref<114x128xi32, #tpu.memory_space<vmem>>, vector<1x16xi32>,
        %get3A_482 = vector.shape_cast %get3A_481 : vector<1x16xi32> to vector<16xi32>
        %shift_right_logical3A_483 = arith.constant 14 : i32
        %shift_right_logical3A_484 = vector.broadcast %shift_right_logical3A_483 : i32 to vector<16xi32>
        %shift_right_logical3A_485 = arith.shrui %get3A_482, %shift_right_logical3A_484 : vector<16xi32>
        %swap3A_486 = arith.constant 0 : index
        %swap3A_487 = tpu.vector_load %arg9[%swap3A_486] {strides = array<i32>} : memref<128xi32, #tpu.memory_space<vmem>>, vector<16xi32>,
        %swap3A_488 = vector.shape_cast %swap3A_487 : vector<16xi32> to vector<16xi32>
        %swap3A_489 = vector.shape_cast %shift_right_logical3A_485 : vector<16xi32> to vector<16xi32>
        tpu.vector_store %arg9[%swap3A_486], %swap3A_489 {strides = array<i32>} : memref<128xi32, #tpu.memory_space<vmem>>, vector<16xi32>,
        %get3A_490 = arith.index_cast %add3A_478 : i32 to index
        %get3A_491 = arith.constant 16 : index
        %get3A_492 = tpu.vector_load %arg6[%get3A_490, %get3A_491] {strides = array<i32>} : memref<114x128xi32, #tpu.memory_space<vmem>>, vector<1x16xi32>,
        %get3A_493 = vector.shape_cast %get3A_492 : vector<1x16xi32> to vector<16xi32>
        %shift_right_logical3A_494 = arith.constant 14 : i32
        %shift_right_logical3A_495 = vector.broadcast %shift_right_logical3A_494 : i32 to vector<16xi32>
        %shift_right_logical3A_496 = arith.shrui %get3A_493, %shift_right_logical3A_495 : vector<16xi32>
        %swap3A_497 = arith.constant 16 : index
        %swap3A_498 = tpu.vector_load %arg9[%swap3A_497] {strides = array<i32>} : memref<128xi32, #tpu.memory_space<vmem>>, vector<16xi32>,
        %swap3A_499 = vector.shape_cast %swap3A_498 : vector<16xi32> to vector<16xi32>
        %swap3A_500 = vector.shape_cast %shift_right_logical3A_496 : vector<16xi32> to vector<16xi32>
        tpu.vector_store %arg9[%swap3A_497], %swap3A_500 {strides = array<i32>} : memref<128xi32, #tpu.memory_space<vmem>>, vector<16xi32>,
        %get3A_501 = arith.index_cast %add3A_478 : i32 to index
        %get3A_502 = arith.constant 32 : index
        %get3A_503 = tpu.vector_load %arg6[%get3A_501, %get3A_502] {strides = array<i32>} : memref<114x128xi32, #tpu.memory_space<vmem>>, vector<1x16xi32>,
        %get3A_504 = vector.shape_cast %get3A_503 : vector<1x16xi32> to vector<16xi32>
        %shift_right_logical3A_505 = arith.constant 14 : i32
        %shift_right_logical3A_506 = vector.broadcast %shift_right_logical3A_505 : i32 to vector<16xi32>
        %shift_right_logical3A_507 = arith.shrui %get3A_504, %shift_right_logical3A_506 : vector<16xi32>
        %swap3A_508 = arith.constant 32 : index
        %swap3A_509 = tpu.vector_load %arg9[%swap3A_508] {strides = array<i32>} : memref<128xi32, #tpu.memory_space<vmem>>, vector<16xi32>,
        %swap3A_510 = vector.shape_cast %swap3A_509 : vector<16xi32> to vector<16xi32>
        %swap3A_511 = vector.shape_cast %shift_right_logical3A_507 : vector<16xi32> to vector<16xi32>
        tpu.vector_store %arg9[%swap3A_508], %swap3A_511 {strides = array<i32>} : memref<128xi32, #tpu.memory_space<vmem>>, vector<16xi32>,
        %get3A_512 = arith.index_cast %add3A_478 : i32 to index
        %get3A_513 = arith.constant 48 : index
        %get3A_514 = tpu.vector_load %arg6[%get3A_512, %get3A_513] {strides = array<i32>} : memref<114x128xi32, #tpu.memory_space<vmem>>, vector<1x16xi32>,
        %get3A_515 = vector.shape_cast %get3A_514 : vector<1x16xi32> to vector<16xi32>
        %shift_right_logical3A_516 = arith.constant 14 : i32
        %shift_right_logical3A_517 = vector.broadcast %shift_right_logical3A_516 : i32 to vector<16xi32>
        %shift_right_logical3A_518 = arith.shrui %get3A_515, %shift_right_logical3A_517 : vector<16xi32>
        %swap3A_519 = arith.constant 48 : index
        %swap3A_520 = tpu.vector_load %arg9[%swap3A_519] {strides = array<i32>} : memref<128xi32, #tpu.memory_space<vmem>>, vector<16xi32>,
        %swap3A_521 = vector.shape_cast %swap3A_520 : vector<16xi32> to vector<16xi32>
        %swap3A_522 = vector.shape_cast %shift_right_logical3A_518 : vector<16xi32> to vector<16xi32>
        tpu.vector_store %arg9[%swap3A_519], %swap3A_522 {strides = array<i32>} : memref<128xi32, #tpu.memory_space<vmem>>, vector<16xi32>,
        %get3A_523 = arith.index_cast %add3A_478 : i32 to index
        %get3A_524 = arith.constant 64 : index
        %get3A_525 = tpu.vector_load %arg6[%get3A_523, %get3A_524] {strides = array<i32>} : memref<114x128xi32, #tpu.memory_space<vmem>>, vector<1x16xi32>,
        %get3A_526 = vector.shape_cast %get3A_525 : vector<1x16xi32> to vector<16xi32>
        %shift_right_logical3A_527 = arith.constant 14 : i32
        %shift_right_logical3A_528 = vector.broadcast %shift_right_logical3A_527 : i32 to vector<16xi32>
        %shift_right_logical3A_529 = arith.shrui %get3A_526, %shift_right_logical3A_528 : vector<16xi32>
        %swap3A_530 = arith.constant 64 : index
        %swap3A_531 = tpu.vector_load %arg9[%swap3A_530] {strides = array<i32>} : memref<128xi32, #tpu.memory_space<vmem>>, vector<16xi32>,
        %swap3A_532 = vector.shape_cast %swap3A_531 : vector<16xi32> to vector<16xi32>
        %swap3A_533 = vector.shape_cast %shift_right_logical3A_529 : vector<16xi32> to vector<16xi32>
        tpu.vector_store %arg9[%swap3A_530], %swap3A_533 {strides = array<i32>} : memref<128xi32, #tpu.memory_space<vmem>>, vector<16xi32>,
        %get3A_534 = arith.index_cast %add3A_478 : i32 to index
        %get3A_535 = arith.constant 80 : index
        %get3A_536 = tpu.vector_load %arg6[%get3A_534, %get3A_535] {strides = array<i32>} : memref<114x128xi32, #tpu.memory_space<vmem>>, vector<1x16xi32>,
        %get3A_537 = vector.shape_cast %get3A_536 : vector<1x16xi32> to vector<16xi32>
        %shift_right_logical3A_538 = arith.constant 14 : i32
        %shift_right_logical3A_539 = vector.broadcast %shift_right_logical3A_538 : i32 to vector<16xi32>
        %shift_right_logical3A_540 = arith.shrui %get3A_537, %shift_right_logical3A_539 : vector<16xi32>
        %swap3A_541 = arith.constant 80 : index
        %swap3A_542 = tpu.vector_load %arg9[%swap3A_541] {strides = array<i32>} : memref<128xi32, #tpu.memory_space<vmem>>, vector<16xi32>,
        %swap3A_543 = vector.shape_cast %swap3A_542 : vector<16xi32> to vector<16xi32>
        %swap3A_544 = vector.shape_cast %shift_right_logical3A_540 : vector<16xi32> to vector<16xi32>
        tpu.vector_store %arg9[%swap3A_541], %swap3A_544 {strides = array<i32>} : memref<128xi32, #tpu.memory_space<vmem>>, vector<16xi32>,
        %get3A_545 = arith.index_cast %add3A_478 : i32 to index
        %get3A_546 = arith.constant 96 : index
        %get3A_547 = tpu.vector_load %arg6[%get3A_545, %get3A_546] {strides = array<i32>} : memref<114x128xi32, #tpu.memory_space<vmem>>, vector<1x16xi32>,
        %get3A_548 = vector.shape_cast %get3A_547 : vector<1x16xi32> to vector<16xi32>
        %shift_right_logical3A_549 = arith.constant 14 : i32
        %shift_right_logical3A_550 = vector.broadcast %shift_right_logical3A_549 : i32 to vector<16xi32>
        %shift_right_logical3A_551 = arith.shrui %get3A_548, %shift_right_logical3A_550 : vector<16xi32>
        %swap3A_552 = arith.constant 96 : index
        %swap3A_553 = tpu.vector_load %arg9[%swap3A_552] {strides = array<i32>} : memref<128xi32, #tpu.memory_space<vmem>>, vector<16xi32>,
        %swap3A_554 = vector.shape_cast %swap3A_553 : vector<16xi32> to vector<16xi32>
        %swap3A_555 = vector.shape_cast %shift_right_logical3A_551 : vector<16xi32> to vector<16xi32>
        tpu.vector_store %arg9[%swap3A_552], %swap3A_555 {strides = array<i32>} : memref<128xi32, #tpu.memory_space<vmem>>, vector<16xi32>,
        %get3A_556 = arith.index_cast %add3A_478 : i32 to index
        %get3A_557 = arith.constant 112 : index
        %get3A_558 = tpu.vector_load %arg6[%get3A_556, %get3A_557] {strides = array<i32>} : memref<114x128xi32, #tpu.memory_space<vmem>>, vector<1x16xi32>,
        %get3A_559 = vector.shape_cast %get3A_558 : vector<1x16xi32> to vector<16xi32>
        %shift_right_logical3A_560 = arith.constant 14 : i32
        %shift_right_logical3A_561 = vector.broadcast %shift_right_logical3A_560 : i32 to vector<16xi32>
        %shift_right_logical3A_562 = arith.shrui %get3A_559, %shift_right_logical3A_561 : vector<16xi32>
        %swap3A_563 = arith.constant 112 : index
        %swap3A_564 = tpu.vector_load %arg9[%swap3A_563] {strides = array<i32>} : memref<128xi32, #tpu.memory_space<vmem>>, vector<16xi32>,
        %swap3A_565 = vector.shape_cast %swap3A_564 : vector<16xi32> to vector<16xi32>
        %swap3A_566 = vector.shape_cast %shift_right_logical3A_562 : vector<16xi32> to vector<16xi32>
        tpu.vector_store %arg9[%swap3A_563], %swap3A_566 {strides = array<i32>} : memref<128xi32, #tpu.memory_space<vmem>>, vector<16xi32>,
      } else {
      }
      tpu.wait_dma2 semaphore(%arg15 : memref<!tpu.dma_semaphore, #tpu.memory_space<semaphore_mem>>) src(%arg4 : memref<128x128xf32, #tpu.memory_space<hbm>>) dst(%arg12 : memref<128x128xf32, #tpu.memory_space<vmem>>)
      %add3A_464 = arith.constant 3 : i32
      %add3A_465 = arith.addi %mul3A_454, %add3A_464 : i32
      %lt3A_466 = arith.cmpi slt, %add3A_465, %select_n3A : i32
      %convert_element_type3A_467 = arith.extui %lt3A_466 : i1 to i32
      %cond3A_468 = arith.constant 0 : i32
      %cond3A_469 = arith.cmpi ne, %convert_element_type3A_467, %cond3A_468 : i32
      scf.if %cond3A_469 {
        %add3A_477 = arith.constant 3 : i32
        %add3A_478 = arith.addi %mul3A_454, %add3A_477 : i32
        %get3A_479 = arith.index_cast %add3A_478 : i32 to index
        %get3A_480 = arith.constant 0 : index
        %get3A_481 = tpu.vector_load %arg6[%get3A_479, %get3A_480] {strides = array<i32>} : memref<114x128xi32, #tpu.memory_space<vmem>>, vector<1x16xi32>,
        %get3A_482 = vector.shape_cast %get3A_481 : vector<1x16xi32> to vector<16xi32>
        %and3A_483 = arith.constant 16383 : i32
        %and3A_484 = vector.broadcast %and3A_483 : i32 to vector<16xi32>
        %and3A_485 = arith.andi %get3A_482, %and3A_484 : vector<16xi32>
        %swap3A_486 = arith.constant 0 : index
        %swap3A_487 = tpu.vector_load %arg8[%swap3A_486] {strides = array<i32>} : memref<128xi32, #tpu.memory_space<vmem>>, vector<16xi32>,
        %swap3A_488 = vector.shape_cast %swap3A_487 : vector<16xi32> to vector<16xi32>
        %swap3A_489 = vector.shape_cast %and3A_485 : vector<16xi32> to vector<16xi32>
        tpu.vector_store %arg8[%swap3A_486], %swap3A_489 {strides = array<i32>} : memref<128xi32, #tpu.memory_space<vmem>>, vector<16xi32>,
        %get3A_490 = arith.index_cast %add3A_478 : i32 to index
        %get3A_491 = arith.constant 16 : index
        %get3A_492 = tpu.vector_load %arg6[%get3A_490, %get3A_491] {strides = array<i32>} : memref<114x128xi32, #tpu.memory_space<vmem>>, vector<1x16xi32>,
        %get3A_493 = vector.shape_cast %get3A_492 : vector<1x16xi32> to vector<16xi32>
        %and3A_494 = arith.constant 16383 : i32
        %and3A_495 = vector.broadcast %and3A_494 : i32 to vector<16xi32>
        %and3A_496 = arith.andi %get3A_493, %and3A_495 : vector<16xi32>
        %swap3A_497 = arith.constant 16 : index
        %swap3A_498 = tpu.vector_load %arg8[%swap3A_497] {strides = array<i32>} : memref<128xi32, #tpu.memory_space<vmem>>, vector<16xi32>,
        %swap3A_499 = vector.shape_cast %swap3A_498 : vector<16xi32> to vector<16xi32>
        %swap3A_500 = vector.shape_cast %and3A_496 : vector<16xi32> to vector<16xi32>
        tpu.vector_store %arg8[%swap3A_497], %swap3A_500 {strides = array<i32>} : memref<128xi32, #tpu.memory_space<vmem>>, vector<16xi32>,
        %get3A_501 = arith.index_cast %add3A_478 : i32 to index
        %get3A_502 = arith.constant 32 : index
        %get3A_503 = tpu.vector_load %arg6[%get3A_501, %get3A_502] {strides = array<i32>} : memref<114x128xi32, #tpu.memory_space<vmem>>, vector<1x16xi32>,
        %get3A_504 = vector.shape_cast %get3A_503 : vector<1x16xi32> to vector<16xi32>
        %and3A_505 = arith.constant 16383 : i32
        %and3A_506 = vector.broadcast %and3A_505 : i32 to vector<16xi32>
        %and3A_507 = arith.andi %get3A_504, %and3A_506 : vector<16xi32>
        %swap3A_508 = arith.constant 32 : index
        %swap3A_509 = tpu.vector_load %arg8[%swap3A_508] {strides = array<i32>} : memref<128xi32, #tpu.memory_space<vmem>>, vector<16xi32>,
        %swap3A_510 = vector.shape_cast %swap3A_509 : vector<16xi32> to vector<16xi32>
        %swap3A_511 = vector.shape_cast %and3A_507 : vector<16xi32> to vector<16xi32>
        tpu.vector_store %arg8[%swap3A_508], %swap3A_511 {strides = array<i32>} : memref<128xi32, #tpu.memory_space<vmem>>, vector<16xi32>,
        %get3A_512 = arith.index_cast %add3A_478 : i32 to index
        %get3A_513 = arith.constant 48 : index
        %get3A_514 = tpu.vector_load %arg6[%get3A_512, %get3A_513] {strides = array<i32>} : memref<114x128xi32, #tpu.memory_space<vmem>>, vector<1x16xi32>,
        %get3A_515 = vector.shape_cast %get3A_514 : vector<1x16xi32> to vector<16xi32>
        %and3A_516 = arith.constant 16383 : i32
        %and3A_517 = vector.broadcast %and3A_516 : i32 to vector<16xi32>
        %and3A_518 = arith.andi %get3A_515, %and3A_517 : vector<16xi32>
        %swap3A_519 = arith.constant 48 : index
        %swap3A_520 = tpu.vector_load %arg8[%swap3A_519] {strides = array<i32>} : memref<128xi32, #tpu.memory_space<vmem>>, vector<16xi32>,
        %swap3A_521 = vector.shape_cast %swap3A_520 : vector<16xi32> to vector<16xi32>
        %swap3A_522 = vector.shape_cast %and3A_518 : vector<16xi32> to vector<16xi32>
        tpu.vector_store %arg8[%swap3A_519], %swap3A_522 {strides = array<i32>} : memref<128xi32, #tpu.memory_space<vmem>>, vector<16xi32>,
        %get3A_523 = arith.index_cast %add3A_478 : i32 to index
        %get3A_524 = arith.constant 64 : index
        %get3A_525 = tpu.vector_load %arg6[%get3A_523, %get3A_524] {strides = array<i32>} : memref<114x128xi32, #tpu.memory_space<vmem>>, vector<1x16xi32>,
        %get3A_526 = vector.shape_cast %get3A_525 : vector<1x16xi32> to vector<16xi32>
        %and3A_527 = arith.constant 16383 : i32
        %and3A_528 = vector.broadcast %and3A_527 : i32 to vector<16xi32>
        %and3A_529 = arith.andi %get3A_526, %and3A_528 : vector<16xi32>
        %swap3A_530 = arith.constant 64 : index
        %swap3A_531 = tpu.vector_load %arg8[%swap3A_530] {strides = array<i32>} : memref<128xi32, #tpu.memory_space<vmem>>, vector<16xi32>,
        %swap3A_532 = vector.shape_cast %swap3A_531 : vector<16xi32> to vector<16xi32>
        %swap3A_533 = vector.shape_cast %and3A_529 : vector<16xi32> to vector<16xi32>
        tpu.vector_store %arg8[%swap3A_530], %swap3A_533 {strides = array<i32>} : memref<128xi32, #tpu.memory_space<vmem>>, vector<16xi32>,
        %get3A_534 = arith.index_cast %add3A_478 : i32 to index
        %get3A_535 = arith.constant 80 : index
        %get3A_536 = tpu.vector_load %arg6[%get3A_534, %get3A_535] {strides = array<i32>} : memref<114x128xi32, #tpu.memory_space<vmem>>, vector<1x16xi32>,
        %get3A_537 = vector.shape_cast %get3A_536 : vector<1x16xi32> to vector<16xi32>
        %and3A_538 = arith.constant 16383 : i32
        %and3A_539 = vector.broadcast %and3A_538 : i32 to vector<16xi32>
        %and3A_540 = arith.andi %get3A_537, %and3A_539 : vector<16xi32>
        %swap3A_541 = arith.constant 80 : index
        %swap3A_542 = tpu.vector_load %arg8[%swap3A_541] {strides = array<i32>} : memref<128xi32, #tpu.memory_space<vmem>>, vector<16xi32>,
        %swap3A_543 = vector.shape_cast %swap3A_542 : vector<16xi32> to vector<16xi32>
        %swap3A_544 = vector.shape_cast %and3A_540 : vector<16xi32> to vector<16xi32>
        tpu.vector_store %arg8[%swap3A_541], %swap3A_544 {strides = array<i32>} : memref<128xi32, #tpu.memory_space<vmem>>, vector<16xi32>,
        %get3A_545 = arith.index_cast %add3A_478 : i32 to index
        %get3A_546 = arith.constant 96 : index
        %get3A_547 = tpu.vector_load %arg6[%get3A_545, %get3A_546] {strides = array<i32>} : memref<114x128xi32, #tpu.memory_space<vmem>>, vector<1x16xi32>,
        %get3A_548 = vector.shape_cast %get3A_547 : vector<1x16xi32> to vector<16xi32>
        %and3A_549 = arith.constant 16383 : i32
        %and3A_550 = vector.broadcast %and3A_549 : i32 to vector<16xi32>
        %and3A_551 = arith.andi %get3A_548, %and3A_550 : vector<16xi32>
        %swap3A_552 = arith.constant 96 : index
        %swap3A_553 = tpu.vector_load %arg8[%swap3A_552] {strides = array<i32>} : memref<128xi32, #tpu.memory_space<vmem>>, vector<16xi32>,
        %swap3A_554 = vector.shape_cast %swap3A_553 : vector<16xi32> to vector<16xi32>
        %swap3A_555 = vector.shape_cast %and3A_551 : vector<16xi32> to vector<16xi32>
        tpu.vector_store %arg8[%swap3A_552], %swap3A_555 {strides = array<i32>} : memref<128xi32, #tpu.memory_space<vmem>>, vector<16xi32>,
        %get3A_556 = arith.index_cast %add3A_478 : i32 to index
        %get3A_557 = arith.constant 112 : index
        %get3A_558 = tpu.vector_load %arg6[%get3A_556, %get3A_557] {strides = array<i32>} : memref<114x128xi32, #tpu.memory_space<vmem>>, vector<1x16xi32>,
        %get3A_559 = vector.shape_cast %get3A_558 : vector<1x16xi32> to vector<16xi32>
        %and3A_560 = arith.constant 16383 : i32
        %and3A_561 = vector.broadcast %and3A_560 : i32 to vector<16xi32>
        %and3A_562 = arith.andi %get3A_559, %and3A_561 : vector<16xi32>
        %swap3A_563 = arith.constant 112 : index
        %swap3A_564 = tpu.vector_load %arg8[%swap3A_563] {strides = array<i32>} : memref<128xi32, #tpu.memory_space<vmem>>, vector<16xi32>,
        %swap3A_565 = vector.shape_cast %swap3A_564 : vector<16xi32> to vector<16xi32>
        %swap3A_566 = vector.shape_cast %and3A_562 : vector<16xi32> to vector<16xi32>
        tpu.vector_store %arg8[%swap3A_563], %swap3A_566 {strides = array<i32>} : memref<128xi32, #tpu.memory_space<vmem>>, vector<16xi32>,
        %add3A_567 = arith.constant 3 : i32
        %add3A_568 = arith.addi %mul3A_454, %add3A_567 : i32
        %dma_start3A_569 = arith.constant 0 : i32
        %dma_start3A_570 = arith.constant 0 : i32
        %dma_start3A_571 = tpu.memref_slice %arg2[%dma_start3A_569, %dma_start3A_570] : memref<10000x128xf32, #tpu.memory_space<hbm>> -> memref<10000x128xf32, #tpu.memory_space<hbm>>
        tpu.enqueue_indirect_dma source(%dma_start3A_571 : memref<10000x128xf32, #tpu.memory_space<hbm>>) target(%arg12 : memref<128x128xf32, #tpu.memory_space<vmem>>) offsets(%arg8 : memref<128xi32, #tpu.memory_space<vmem>>) semaphore(%arg15 : memref<!tpu.dma_semaphore, #tpu.memory_space<semaphore_mem>>)
      } else {
      }
      "tpu.region"() ({
        %run_scoped3A = tpu.sem_alloc : memref<!tpu.dma_semaphore, #tpu.memory_space<semaphore_mem>>
        %dma_start3A_477 = arith.constant 0 : i32
        %dma_start3A_478 = arith.constant 0 : i32
        %dma_start3A_479 = tpu.memref_slice %arg13[%dma_start3A_477, %dma_start3A_478] : memref<10240x128xf32, #tpu.memory_space<vmem_shared>> -> memref<10240x128xf32, #tpu.memory_space<vmem_shared>>
        tpu.enqueue_indirect_dma source(%arg12 : memref<128x128xf32, #tpu.memory_space<vmem>>) target(%dma_start3A_479 : memref<10240x128xf32, #tpu.memory_space<vmem_shared>>) offsets(%arg10 : memref<128xi32, #tpu.memory_space<vmem>>) semaphore(%run_scoped3A : memref<!tpu.dma_semaphore, #tpu.memory_space<semaphore_mem>>) {add = true}
        %dma_wait3A = arith.constant 0 : i32
        %dma_wait3A_480 = arith.constant 0 : i32
        %dma_wait3A_481 = tpu.memref_slice %arg13[%dma_wait3A, %dma_wait3A_480] : memref<10240x128xf32, #tpu.memory_space<vmem_shared>> -> memref<10240x128xf32, #tpu.memory_space<vmem_shared>>
        tpu.wait_indirect_dma semaphore(%run_scoped3A : memref<!tpu.dma_semaphore, #tpu.memory_space<semaphore_mem>>) src(%arg12 : memref<128x128xf32, #tpu.memory_space<vmem>>) dst(%dma_wait3A_481 : memref<10240x128xf32, #tpu.memory_space<vmem_shared>>)
        tpu.yield
      }) : () -> ()
      %add3A_470 = arith.constant 3 : i32
      %add3A_471 = arith.addi %mul3A_454, %add3A_470 : i32
      %lt3A_472 = arith.cmpi slt, %add3A_471, %select_n3A : i32
      %convert_element_type3A_473 = arith.extui %lt3A_472 : i1 to i32
      %cond3A_474 = arith.constant 0 : i32
      %cond3A_475 = arith.cmpi ne, %convert_element_type3A_473, %cond3A_474 : i32
      scf.if %cond3A_475 {
        %add3A_477 = arith.constant 3 : i32
        %add3A_478 = arith.addi %mul3A_454, %add3A_477 : i32
        %get3A_479 = arith.index_cast %add3A_478 : i32 to index
        %get3A_480 = arith.constant 0 : index
        %get3A_481 = tpu.vector_load %arg6[%get3A_479, %get3A_480] {strides = array<i32>} : memref<114x128xi32, #tpu.memory_space<vmem>>, vector<1x16xi32>,
        %get3A_482 = vector.shape_cast %get3A_481 : vector<1x16xi32> to vector<16xi32>
        %shift_right_logical3A_483 = arith.constant 14 : i32
        %shift_right_logical3A_484 = vector.broadcast %shift_right_logical3A_483 : i32 to vector<16xi32>
        %shift_right_logical3A_485 = arith.shrui %get3A_482, %shift_right_logical3A_484 : vector<16xi32>
        %swap3A_486 = arith.constant 0 : index
        %swap3A_487 = tpu.vector_load %arg10[%swap3A_486] {strides = array<i32>} : memref<128xi32, #tpu.memory_space<vmem>>, vector<16xi32>,
        %swap3A_488 = vector.shape_cast %swap3A_487 : vector<16xi32> to vector<16xi32>
        %swap3A_489 = vector.shape_cast %shift_right_logical3A_485 : vector<16xi32> to vector<16xi32>
        tpu.vector_store %arg10[%swap3A_486], %swap3A_489 {strides = array<i32>} : memref<128xi32, #tpu.memory_space<vmem>>, vector<16xi32>,
        %get3A_490 = arith.index_cast %add3A_478 : i32 to index
        %get3A_491 = arith.constant 16 : index
        %get3A_492 = tpu.vector_load %arg6[%get3A_490, %get3A_491] {strides = array<i32>} : memref<114x128xi32, #tpu.memory_space<vmem>>, vector<1x16xi32>,
        %get3A_493 = vector.shape_cast %get3A_492 : vector<1x16xi32> to vector<16xi32>
        %shift_right_logical3A_494 = arith.constant 14 : i32
        %shift_right_logical3A_495 = vector.broadcast %shift_right_logical3A_494 : i32 to vector<16xi32>
        %shift_right_logical3A_496 = arith.shrui %get3A_493, %shift_right_logical3A_495 : vector<16xi32>
        %swap3A_497 = arith.constant 16 : index
        %swap3A_498 = tpu.vector_load %arg10[%swap3A_497] {strides = array<i32>} : memref<128xi32, #tpu.memory_space<vmem>>, vector<16xi32>,
        %swap3A_499 = vector.shape_cast %swap3A_498 : vector<16xi32> to vector<16xi32>
        %swap3A_500 = vector.shape_cast %shift_right_logical3A_496 : vector<16xi32> to vector<16xi32>
        tpu.vector_store %arg10[%swap3A_497], %swap3A_500 {strides = array<i32>} : memref<128xi32, #tpu.memory_space<vmem>>, vector<16xi32>,
        %get3A_501 = arith.index_cast %add3A_478 : i32 to index
        %get3A_502 = arith.constant 32 : index
        %get3A_503 = tpu.vector_load %arg6[%get3A_501, %get3A_502] {strides = array<i32>} : memref<114x128xi32, #tpu.memory_space<vmem>>, vector<1x16xi32>,
        %get3A_504 = vector.shape_cast %get3A_503 : vector<1x16xi32> to vector<16xi32>
        %shift_right_logical3A_505 = arith.constant 14 : i32
        %shift_right_logical3A_506 = vector.broadcast %shift_right_logical3A_505 : i32 to vector<16xi32>
        %shift_right_logical3A_507 = arith.shrui %get3A_504, %shift_right_logical3A_506 : vector<16xi32>
        %swap3A_508 = arith.constant 32 : index
        %swap3A_509 = tpu.vector_load %arg10[%swap3A_508] {strides = array<i32>} : memref<128xi32, #tpu.memory_space<vmem>>, vector<16xi32>,
        %swap3A_510 = vector.shape_cast %swap3A_509 : vector<16xi32> to vector<16xi32>
        %swap3A_511 = vector.shape_cast %shift_right_logical3A_507 : vector<16xi32> to vector<16xi32>
        tpu.vector_store %arg10[%swap3A_508], %swap3A_511 {strides = array<i32>} : memref<128xi32, #tpu.memory_space<vmem>>, vector<16xi32>,
        %get3A_512 = arith.index_cast %add3A_478 : i32 to index
        %get3A_513 = arith.constant 48 : index
        %get3A_514 = tpu.vector_load %arg6[%get3A_512, %get3A_513] {strides = array<i32>} : memref<114x128xi32, #tpu.memory_space<vmem>>, vector<1x16xi32>,
        %get3A_515 = vector.shape_cast %get3A_514 : vector<1x16xi32> to vector<16xi32>
        %shift_right_logical3A_516 = arith.constant 14 : i32
        %shift_right_logical3A_517 = vector.broadcast %shift_right_logical3A_516 : i32 to vector<16xi32>
        %shift_right_logical3A_518 = arith.shrui %get3A_515, %shift_right_logical3A_517 : vector<16xi32>
        %swap3A_519 = arith.constant 48 : index
        %swap3A_520 = tpu.vector_load %arg10[%swap3A_519] {strides = array<i32>} : memref<128xi32, #tpu.memory_space<vmem>>, vector<16xi32>,
        %swap3A_521 = vector.shape_cast %swap3A_520 : vector<16xi32> to vector<16xi32>
        %swap3A_522 = vector.shape_cast %shift_right_logical3A_518 : vector<16xi32> to vector<16xi32>
        tpu.vector_store %arg10[%swap3A_519], %swap3A_522 {strides = array<i32>} : memref<128xi32, #tpu.memory_space<vmem>>, vector<16xi32>,
        %get3A_523 = arith.index_cast %add3A_478 : i32 to index
        %get3A_524 = arith.constant 64 : index
        %get3A_525 = tpu.vector_load %arg6[%get3A_523, %get3A_524] {strides = array<i32>} : memref<114x128xi32, #tpu.memory_space<vmem>>, vector<1x16xi32>,
        %get3A_526 = vector.shape_cast %get3A_525 : vector<1x16xi32> to vector<16xi32>
        %shift_right_logical3A_527 = arith.constant 14 : i32
        %shift_right_logical3A_528 = vector.broadcast %shift_right_logical3A_527 : i32 to vector<16xi32>
        %shift_right_logical3A_529 = arith.shrui %get3A_526, %shift_right_logical3A_528 : vector<16xi32>
        %swap3A_530 = arith.constant 64 : index
        %swap3A_531 = tpu.vector_load %arg10[%swap3A_530] {strides = array<i32>} : memref<128xi32, #tpu.memory_space<vmem>>, vector<16xi32>,
        %swap3A_532 = vector.shape_cast %swap3A_531 : vector<16xi32> to vector<16xi32>
        %swap3A_533 = vector.shape_cast %shift_right_logical3A_529 : vector<16xi32> to vector<16xi32>
        tpu.vector_store %arg10[%swap3A_530], %swap3A_533 {strides = array<i32>} : memref<128xi32, #tpu.memory_space<vmem>>, vector<16xi32>,
        %get3A_534 = arith.index_cast %add3A_478 : i32 to index
        %get3A_535 = arith.constant 80 : index
        %get3A_536 = tpu.vector_load %arg6[%get3A_534, %get3A_535] {strides = array<i32>} : memref<114x128xi32, #tpu.memory_space<vmem>>, vector<1x16xi32>,
        %get3A_537 = vector.shape_cast %get3A_536 : vector<1x16xi32> to vector<16xi32>
        %shift_right_logical3A_538 = arith.constant 14 : i32
        %shift_right_logical3A_539 = vector.broadcast %shift_right_logical3A_538 : i32 to vector<16xi32>
        %shift_right_logical3A_540 = arith.shrui %get3A_537, %shift_right_logical3A_539 : vector<16xi32>
        %swap3A_541 = arith.constant 80 : index
        %swap3A_542 = tpu.vector_load %arg10[%swap3A_541] {strides = array<i32>} : memref<128xi32, #tpu.memory_space<vmem>>, vector<16xi32>,
        %swap3A_543 = vector.shape_cast %swap3A_542 : vector<16xi32> to vector<16xi32>
        %swap3A_544 = vector.shape_cast %shift_right_logical3A_540 : vector<16xi32> to vector<16xi32>
        tpu.vector_store %arg10[%swap3A_541], %swap3A_544 {strides = array<i32>} : memref<128xi32, #tpu.memory_space<vmem>>, vector<16xi32>,
        %get3A_545 = arith.index_cast %add3A_478 : i32 to index
        %get3A_546 = arith.constant 96 : index
        %get3A_547 = tpu.vector_load %arg6[%get3A_545, %get3A_546] {strides = array<i32>} : memref<114x128xi32, #tpu.memory_space<vmem>>, vector<1x16xi32>,
        %get3A_548 = vector.shape_cast %get3A_547 : vector<1x16xi32> to vector<16xi32>
        %shift_right_logical3A_549 = arith.constant 14 : i32
        %shift_right_logical3A_550 = vector.broadcast %shift_right_logical3A_549 : i32 to vector<16xi32>
        %shift_right_logical3A_551 = arith.shrui %get3A_548, %shift_right_logical3A_550 : vector<16xi32>
        %swap3A_552 = arith.constant 96 : index
        %swap3A_553 = tpu.vector_load %arg10[%swap3A_552] {strides = array<i32>} : memref<128xi32, #tpu.memory_space<vmem>>, vector<16xi32>,
        %swap3A_554 = vector.shape_cast %swap3A_553 : vector<16xi32> to vector<16xi32>
        %swap3A_555 = vector.shape_cast %shift_right_logical3A_551 : vector<16xi32> to vector<16xi32>
        tpu.vector_store %arg10[%swap3A_552], %swap3A_555 {strides = array<i32>} : memref<128xi32, #tpu.memory_space<vmem>>, vector<16xi32>,
        %get3A_556 = arith.index_cast %add3A_478 : i32 to index
        %get3A_557 = arith.constant 112 : index
        %get3A_558 = tpu.vector_load %arg6[%get3A_556, %get3A_557] {strides = array<i32>} : memref<114x128xi32, #tpu.memory_space<vmem>>, vector<1x16xi32>,
        %get3A_559 = vector.shape_cast %get3A_558 : vector<1x16xi32> to vector<16xi32>
        %shift_right_logical3A_560 = arith.constant 14 : i32
        %shift_right_logical3A_561 = vector.broadcast %shift_right_logical3A_560 : i32 to vector<16xi32>
        %shift_right_logical3A_562 = arith.shrui %get3A_559, %shift_right_logical3A_561 : vector<16xi32>
        %swap3A_563 = arith.constant 112 : index
        %swap3A_564 = tpu.vector_load %arg10[%swap3A_563] {strides = array<i32>} : memref<128xi32, #tpu.memory_space<vmem>>, vector<16xi32>,
        %swap3A_565 = vector.shape_cast %swap3A_564 : vector<16xi32> to vector<16xi32>
        %swap3A_566 = vector.shape_cast %shift_right_logical3A_562 : vector<16xi32> to vector<16xi32>
        tpu.vector_store %arg10[%swap3A_563], %swap3A_566 {strides = array<i32>} : memref<128xi32, #tpu.memory_space<vmem>>, vector<16xi32>,
      } else {
      }
      %while3A_476 = arith.constant 0 : i32
      scf.yield %while3A_476 : i32
    }
    %while3A_428 = arith.constant 1 : i32
    %while3A_429 = scf.for %while3A_451 = %while3A_425 to %while3A_421 step %while3A_428 iter_args(%while3A_452 = %while3A_427) -> (i32)  : i32 {
      %mul3A_453 = arith.constant 2 : i32
      %mul3A_454 = arith.muli %mul3A_453, %while3A_451 : i32
      tpu.wait_dma2 semaphore(%arg14 : memref<!tpu.dma_semaphore, #tpu.memory_space<semaphore_mem>>) src(%arg4 : memref<128x128xf32, #tpu.memory_space<hbm>>) dst(%arg11 : memref<128x128xf32, #tpu.memory_space<vmem>>)
      %add3A_455 = arith.constant 2 : i32
      %add3A_456 = arith.addi %mul3A_454, %add3A_455 : i32
      %lt3A = arith.cmpi slt, %add3A_456, %select_n3A : i32
      %convert_element_type3A = arith.extui %lt3A : i1 to i32
      %cond3A = arith.constant 0 : i32
      %cond3A_457 = arith.cmpi ne, %convert_element_type3A, %cond3A : i32
      scf.if %cond3A_457 {
        %add3A_477 = arith.constant 2 : i32
        %add3A_478 = arith.addi %mul3A_454, %add3A_477 : i32
        %get3A_479 = arith.index_cast %add3A_478 : i32 to index
        %get3A_480 = arith.constant 0 : index
        %get3A_481 = tpu.vector_load %arg6[%get3A_479, %get3A_480] {strides = array<i32>} : memref<114x128xi32, #tpu.memory_space<vmem>>, vector<1x16xi32>,
        %get3A_482 = vector.shape_cast %get3A_481 : vector<1x16xi32> to vector<16xi32>
        %and3A_483 = arith.constant 16383 : i32
        %and3A_484 = vector.broadcast %and3A_483 : i32 to vector<16xi32>
        %and3A_485 = arith.andi %get3A_482, %and3A_484 : vector<16xi32>
        %swap3A_486 = arith.constant 0 : index
        %swap3A_487 = tpu.vector_load %arg7[%swap3A_486] {strides = array<i32>} : memref<128xi32, #tpu.memory_space<vmem>>, vector<16xi32>,
        %swap3A_488 = vector.shape_cast %swap3A_487 : vector<16xi32> to vector<16xi32>
        %swap3A_489 = vector.shape_cast %and3A_485 : vector<16xi32> to vector<16xi32>
        tpu.vector_store %arg7[%swap3A_486], %swap3A_489 {strides = array<i32>} : memref<128xi32, #tpu.memory_space<vmem>>, vector<16xi32>,
        %get3A_490 = arith.index_cast %add3A_478 : i32 to index
        %get3A_491 = arith.constant 16 : index
        %get3A_492 = tpu.vector_load %arg6[%get3A_490, %get3A_491] {strides = array<i32>} : memref<114x128xi32, #tpu.memory_space<vmem>>, vector<1x16xi32>,
        %get3A_493 = vector.shape_cast %get3A_492 : vector<1x16xi32> to vector<16xi32>
        %and3A_494 = arith.constant 16383 : i32
        %and3A_495 = vector.broadcast %and3A_494 : i32 to vector<16xi32>
        %and3A_496 = arith.andi %get3A_493, %and3A_495 : vector<16xi32>
        %swap3A_497 = arith.constant 16 : index
        %swap3A_498 = tpu.vector_load %arg7[%swap3A_497] {strides = array<i32>} : memref<128xi32, #tpu.memory_space<vmem>>, vector<16xi32>,
        %swap3A_499 = vector.shape_cast %swap3A_498 : vector<16xi32> to vector<16xi32>
        %swap3A_500 = vector.shape_cast %and3A_496 : vector<16xi32> to vector<16xi32>
        tpu.vector_store %arg7[%swap3A_497], %swap3A_500 {strides = array<i32>} : memref<128xi32, #tpu.memory_space<vmem>>, vector<16xi32>,
        %get3A_501 = arith.index_cast %add3A_478 : i32 to index
        %get3A_502 = arith.constant 32 : index
        %get3A_503 = tpu.vector_load %arg6[%get3A_501, %get3A_502] {strides = array<i32>} : memref<114x128xi32, #tpu.memory_space<vmem>>, vector<1x16xi32>,
        %get3A_504 = vector.shape_cast %get3A_503 : vector<1x16xi32> to vector<16xi32>
        %and3A_505 = arith.constant 16383 : i32
        %and3A_506 = vector.broadcast %and3A_505 : i32 to vector<16xi32>
        %and3A_507 = arith.andi %get3A_504, %and3A_506 : vector<16xi32>
        %swap3A_508 = arith.constant 32 : index
        %swap3A_509 = tpu.vector_load %arg7[%swap3A_508] {strides = array<i32>} : memref<128xi32, #tpu.memory_space<vmem>>, vector<16xi32>,
        %swap3A_510 = vector.shape_cast %swap3A_509 : vector<16xi32> to vector<16xi32>
        %swap3A_511 = vector.shape_cast %and3A_507 : vector<16xi32> to vector<16xi32>
        tpu.vector_store %arg7[%swap3A_508], %swap3A_511 {strides = array<i32>} : memref<128xi32, #tpu.memory_space<vmem>>, vector<16xi32>,
        %get3A_512 = arith.index_cast %add3A_478 : i32 to index
        %get3A_513 = arith.constant 48 : index
        %get3A_514 = tpu.vector_load %arg6[%get3A_512, %get3A_513] {strides = array<i32>} : memref<114x128xi32, #tpu.memory_space<vmem>>, vector<1x16xi32>,
        %get3A_515 = vector.shape_cast %get3A_514 : vector<1x16xi32> to vector<16xi32>
        %and3A_516 = arith.constant 16383 : i32
        %and3A_517 = vector.broadcast %and3A_516 : i32 to vector<16xi32>
        %and3A_518 = arith.andi %get3A_515, %and3A_517 : vector<16xi32>
        %swap3A_519 = arith.constant 48 : index
        %swap3A_520 = tpu.vector_load %arg7[%swap3A_519] {strides = array<i32>} : memref<128xi32, #tpu.memory_space<vmem>>, vector<16xi32>,
        %swap3A_521 = vector.shape_cast %swap3A_520 : vector<16xi32> to vector<16xi32>
        %swap3A_522 = vector.shape_cast %and3A_518 : vector<16xi32> to vector<16xi32>
        tpu.vector_store %arg7[%swap3A_519], %swap3A_522 {strides = array<i32>} : memref<128xi32, #tpu.memory_space<vmem>>, vector<16xi32>,
        %get3A_523 = arith.index_cast %add3A_478 : i32 to index
        %get3A_524 = arith.constant 64 : index
        %get3A_525 = tpu.vector_load %arg6[%get3A_523, %get3A_524] {strides = array<i32>} : memref<114x128xi32, #tpu.memory_space<vmem>>, vector<1x16xi32>,
        %get3A_526 = vector.shape_cast %get3A_525 : vector<1x16xi32> to vector<16xi32>
        %and3A_527 = arith.constant 16383 : i32
        %and3A_528 = vector.broadcast %and3A_527 : i32 to vector<16xi32>
        %and3A_529 = arith.andi %get3A_526, %and3A_528 : vector<16xi32>
        %swap3A_530 = arith.constant 64 : index
        %swap3A_531 = tpu.vector_load %arg7[%swap3A_530] {strides = array<i32>} : memref<128xi32, #tpu.memory_space<vmem>>, vector<16xi32>,
        %swap3A_532 = vector.shape_cast %swap3A_531 : vector<16xi32> to vector<16xi32>
        %swap3A_533 = vector.shape_cast %and3A_529 : vector<16xi32> to vector<16xi32>
        tpu.vector_store %arg7[%swap3A_530], %swap3A_533 {strides = array<i32>} : memref<128xi32, #tpu.memory_space<vmem>>, vector<16xi32>,
        %get3A_534 = arith.index_cast %add3A_478 : i32 to index
        %get3A_535 = arith.constant 80 : index
        %get3A_536 = tpu.vector_load %arg6[%get3A_534, %get3A_535] {strides = array<i32>} : memref<114x128xi32, #tpu.memory_space<vmem>>, vector<1x16xi32>,
        %get3A_537 = vector.shape_cast %get3A_536 : vector<1x16xi32> to vector<16xi32>
        %and3A_538 = arith.constant 16383 : i32
        %and3A_539 = vector.broadcast %and3A_538 : i32 to vector<16xi32>
        %and3A_540 = arith.andi %get3A_537, %and3A_539 : vector<16xi32>
        %swap3A_541 = arith.constant 80 : index
        %swap3A_542 = tpu.vector_load %arg7[%swap3A_541] {strides = array<i32>} : memref<128xi32, #tpu.memory_space<vmem>>, vector<16xi32>,
        %swap3A_543 = vector.shape_cast %swap3A_542 : vector<16xi32> to vector<16xi32>
        %swap3A_544 = vector.shape_cast %and3A_540 : vector<16xi32> to vector<16xi32>
        tpu.vector_store %arg7[%swap3A_541], %swap3A_544 {strides = array<i32>} : memref<128xi32, #tpu.memory_space<vmem>>, vector<16xi32>,
        %get3A_545 = arith.index_cast %add3A_478 : i32 to index
        %get3A_546 = arith.constant 96 : index
        %get3A_547 = tpu.vector_load %arg6[%get3A_545, %get3A_546] {strides = array<i32>} : memref<114x128xi32, #tpu.memory_space<vmem>>, vector<1x16xi32>,
        %get3A_548 = vector.shape_cast %get3A_547 : vector<1x16xi32> to vector<16xi32>
        %and3A_549 = arith.constant 16383 : i32
        %and3A_550 = vector.broadcast %and3A_549 : i32 to vector<16xi32>
        %and3A_551 = arith.andi %get3A_548, %and3A_550 : vector<16xi32>
        %swap3A_552 = arith.constant 96 : index
        %swap3A_553 = tpu.vector_load %arg7[%swap3A_552] {strides = array<i32>} : memref<128xi32, #tpu.memory_space<vmem>>, vector<16xi32>,
        %swap3A_554 = vector.shape_cast %swap3A_553 : vector<16xi32> to vector<16xi32>
        %swap3A_555 = vector.shape_cast %and3A_551 : vector<16xi32> to vector<16xi32>
        tpu.vector_store %arg7[%swap3A_552], %swap3A_555 {strides = array<i32>} : memref<128xi32, #tpu.memory_space<vmem>>, vector<16xi32>,
        %get3A_556 = arith.index_cast %add3A_478 : i32 to index
        %get3A_557 = arith.constant 112 : index
        %get3A_558 = tpu.vector_load %arg6[%get3A_556, %get3A_557] {strides = array<i32>} : memref<114x128xi32, #tpu.memory_space<vmem>>, vector<1x16xi32>,
        %get3A_559 = vector.shape_cast %get3A_558 : vector<1x16xi32> to vector<16xi32>
        %and3A_560 = arith.constant 16383 : i32
        %and3A_561 = vector.broadcast %and3A_560 : i32 to vector<16xi32>
        %and3A_562 = arith.andi %get3A_559, %and3A_561 : vector<16xi32>
        %swap3A_563 = arith.constant 112 : index
        %swap3A_564 = tpu.vector_load %arg7[%swap3A_563] {strides = array<i32>} : memref<128xi32, #tpu.memory_space<vmem>>, vector<16xi32>,
        %swap3A_565 = vector.shape_cast %swap3A_564 : vector<16xi32> to vector<16xi32>
        %swap3A_566 = vector.shape_cast %and3A_562 : vector<16xi32> to vector<16xi32>
        tpu.vector_store %arg7[%swap3A_563], %swap3A_566 {strides = array<i32>} : memref<128xi32, #tpu.memory_space<vmem>>, vector<16xi32>,
        %add3A_567 = arith.constant 2 : i32
        %add3A_568 = arith.addi %mul3A_454, %add3A_567 : i32
        %dma_start3A_569 = arith.constant 0 : i32
        %dma_start3A_570 = arith.constant 0 : i32
        %dma_start3A_571 = tpu.memref_slice %arg2[%dma_start3A_569, %dma_start3A_570] : memref<10000x128xf32, #tpu.memory_space<hbm>> -> memref<10000x128xf32, #tpu.memory_space<hbm>>
        tpu.enqueue_indirect_dma source(%dma_start3A_571 : memref<10000x128xf32, #tpu.memory_space<hbm>>) target(%arg11 : memref<128x128xf32, #tpu.memory_space<vmem>>) offsets(%arg7 : memref<128xi32, #tpu.memory_space<vmem>>) semaphore(%arg14 : memref<!tpu.dma_semaphore, #tpu.memory_space<semaphore_mem>>)
      } else {
      }
      "tpu.region"() ({
        %run_scoped3A = tpu.sem_alloc : memref<!tpu.dma_semaphore, #tpu.memory_space<semaphore_mem>>
        %dma_start3A_477 = arith.constant 0 : i32
        %dma_start3A_478 = arith.constant 0 : i32
        %dma_start3A_479 = tpu.memref_slice %arg13[%dma_start3A_477, %dma_start3A_478] : memref<10240x128xf32, #tpu.memory_space<vmem_shared>> -> memref<10240x128xf32, #tpu.memory_space<vmem_shared>>
        tpu.enqueue_indirect_dma source(%arg11 : memref<128x128xf32, #tpu.memory_space<vmem>>) target(%dma_start3A_479 : memref<10240x128xf32, #tpu.memory_space<vmem_shared>>) offsets(%arg9 : memref<128xi32, #tpu.memory_space<vmem>>) semaphore(%run_scoped3A : memref<!tpu.dma_semaphore, #tpu.memory_space<semaphore_mem>>) {add = true}
        %dma_wait3A = arith.constant 0 : i32
        %dma_wait3A_480 = arith.constant 0 : i32
        %dma_wait3A_481 = tpu.memref_slice %arg13[%dma_wait3A, %dma_wait3A_480] : memref<10240x128xf32, #tpu.memory_space<vmem_shared>> -> memref<10240x128xf32, #tpu.memory_space<vmem_shared>>
        tpu.wait_indirect_dma semaphore(%run_scoped3A : memref<!tpu.dma_semaphore, #tpu.memory_space<semaphore_mem>>) src(%arg11 : memref<128x128xf32, #tpu.memory_space<vmem>>) dst(%dma_wait3A_481 : memref<10240x128xf32, #tpu.memory_space<vmem_shared>>)
        tpu.yield
      }) : () -> ()
      %add3A_458 = arith.constant 2 : i32
      %add3A_459 = arith.addi %mul3A_454, %add3A_458 : i32
      %lt3A_460 = arith.cmpi slt, %add3A_459, %select_n3A : i32
      %convert_element_type3A_461 = arith.extui %lt3A_460 : i1 to i32
      %cond3A_462 = arith.constant 0 : i32
      %cond3A_463 = arith.cmpi ne, %convert_element_type3A_461, %cond3A_462 : i32
      scf.if %cond3A_463 {
        %add3A_477 = arith.constant 2 : i32
        %add3A_478 = arith.addi %mul3A_454, %add3A_477 : i32
        %get3A_479 = arith.index_cast %add3A_478 : i32 to index
        %get3A_480 = arith.constant 0 : index
        %get3A_481 = tpu.vector_load %arg6[%get3A_479, %get3A_480] {strides = array<i32>} : memref<114x128xi32, #tpu.memory_space<vmem>>, vector<1x16xi32>,
        %get3A_482 = vector.shape_cast %get3A_481 : vector<1x16xi32> to vector<16xi32>
        %shift_right_logical3A_483 = arith.constant 14 : i32
        %shift_right_logical3A_484 = vector.broadcast %shift_right_logical3A_483 : i32 to vector<16xi32>
        %shift_right_logical3A_485 = arith.shrui %get3A_482, %shift_right_logical3A_484 : vector<16xi32>
        %swap3A_486 = arith.constant 0 : index
        %swap3A_487 = tpu.vector_load %arg9[%swap3A_486] {strides = array<i32>} : memref<128xi32, #tpu.memory_space<vmem>>, vector<16xi32>,
        %swap3A_488 = vector.shape_cast %swap3A_487 : vector<16xi32> to vector<16xi32>
        %swap3A_489 = vector.shape_cast %shift_right_logical3A_485 : vector<16xi32> to vector<16xi32>
        tpu.vector_store %arg9[%swap3A_486], %swap3A_489 {strides = array<i32>} : memref<128xi32, #tpu.memory_space<vmem>>, vector<16xi32>,
        %get3A_490 = arith.index_cast %add3A_478 : i32 to index
        %get3A_491 = arith.constant 16 : index
        %get3A_492 = tpu.vector_load %arg6[%get3A_490, %get3A_491] {strides = array<i32>} : memref<114x128xi32, #tpu.memory_space<vmem>>, vector<1x16xi32>,
        %get3A_493 = vector.shape_cast %get3A_492 : vector<1x16xi32> to vector<16xi32>
        %shift_right_logical3A_494 = arith.constant 14 : i32
        %shift_right_logical3A_495 = vector.broadcast %shift_right_logical3A_494 : i32 to vector<16xi32>
        %shift_right_logical3A_496 = arith.shrui %get3A_493, %shift_right_logical3A_495 : vector<16xi32>
        %swap3A_497 = arith.constant 16 : index
        %swap3A_498 = tpu.vector_load %arg9[%swap3A_497] {strides = array<i32>} : memref<128xi32, #tpu.memory_space<vmem>>, vector<16xi32>,
        %swap3A_499 = vector.shape_cast %swap3A_498 : vector<16xi32> to vector<16xi32>
        %swap3A_500 = vector.shape_cast %shift_right_logical3A_496 : vector<16xi32> to vector<16xi32>
        tpu.vector_store %arg9[%swap3A_497], %swap3A_500 {strides = array<i32>} : memref<128xi32, #tpu.memory_space<vmem>>, vector<16xi32>,
        %get3A_501 = arith.index_cast %add3A_478 : i32 to index
        %get3A_502 = arith.constant 32 : index
        %get3A_503 = tpu.vector_load %arg6[%get3A_501, %get3A_502] {strides = array<i32>} : memref<114x128xi32, #tpu.memory_space<vmem>>, vector<1x16xi32>,
        %get3A_504 = vector.shape_cast %get3A_503 : vector<1x16xi32> to vector<16xi32>
        %shift_right_logical3A_505 = arith.constant 14 : i32
        %shift_right_logical3A_506 = vector.broadcast %shift_right_logical3A_505 : i32 to vector<16xi32>
        %shift_right_logical3A_507 = arith.shrui %get3A_504, %shift_right_logical3A_506 : vector<16xi32>
        %swap3A_508 = arith.constant 32 : index
        %swap3A_509 = tpu.vector_load %arg9[%swap3A_508] {strides = array<i32>} : memref<128xi32, #tpu.memory_space<vmem>>, vector<16xi32>,
        %swap3A_510 = vector.shape_cast %swap3A_509 : vector<16xi32> to vector<16xi32>
        %swap3A_511 = vector.shape_cast %shift_right_logical3A_507 : vector<16xi32> to vector<16xi32>
        tpu.vector_store %arg9[%swap3A_508], %swap3A_511 {strides = array<i32>} : memref<128xi32, #tpu.memory_space<vmem>>, vector<16xi32>,
        %get3A_512 = arith.index_cast %add3A_478 : i32 to index
        %get3A_513 = arith.constant 48 : index
        %get3A_514 = tpu.vector_load %arg6[%get3A_512, %get3A_513] {strides = array<i32>} : memref<114x128xi32, #tpu.memory_space<vmem>>, vector<1x16xi32>,
        %get3A_515 = vector.shape_cast %get3A_514 : vector<1x16xi32> to vector<16xi32>
        %shift_right_logical3A_516 = arith.constant 14 : i32
        %shift_right_logical3A_517 = vector.broadcast %shift_right_logical3A_516 : i32 to vector<16xi32>
        %shift_right_logical3A_518 = arith.shrui %get3A_515, %shift_right_logical3A_517 : vector<16xi32>
        %swap3A_519 = arith.constant 48 : index
        %swap3A_520 = tpu.vector_load %arg9[%swap3A_519] {strides = array<i32>} : memref<128xi32, #tpu.memory_space<vmem>>, vector<16xi32>,
        %swap3A_521 = vector.shape_cast %swap3A_520 : vector<16xi32> to vector<16xi32>
        %swap3A_522 = vector.shape_cast %shift_right_logical3A_518 : vector<16xi32> to vector<16xi32>
        tpu.vector_store %arg9[%swap3A_519], %swap3A_522 {strides = array<i32>} : memref<128xi32, #tpu.memory_space<vmem>>, vector<16xi32>,
        %get3A_523 = arith.index_cast %add3A_478 : i32 to index
        %get3A_524 = arith.constant 64 : index
        %get3A_525 = tpu.vector_load %arg6[%get3A_523, %get3A_524] {strides = array<i32>} : memref<114x128xi32, #tpu.memory_space<vmem>>, vector<1x16xi32>,
        %get3A_526 = vector.shape_cast %get3A_525 : vector<1x16xi32> to vector<16xi32>
        %shift_right_logical3A_527 = arith.constant 14 : i32
        %shift_right_logical3A_528 = vector.broadcast %shift_right_logical3A_527 : i32 to vector<16xi32>
        %shift_right_logical3A_529 = arith.shrui %get3A_526, %shift_right_logical3A_528 : vector<16xi32>
        %swap3A_530 = arith.constant 64 : index
        %swap3A_531 = tpu.vector_load %arg9[%swap3A_530] {strides = array<i32>} : memref<128xi32, #tpu.memory_space<vmem>>, vector<16xi32>,
        %swap3A_532 = vector.shape_cast %swap3A_531 : vector<16xi32> to vector<16xi32>
        %swap3A_533 = vector.shape_cast %shift_right_logical3A_529 : vector<16xi32> to vector<16xi32>
        tpu.vector_store %arg9[%swap3A_530], %swap3A_533 {strides = array<i32>} : memref<128xi32, #tpu.memory_space<vmem>>, vector<16xi32>,
        %get3A_534 = arith.index_cast %add3A_478 : i32 to index
        %get3A_535 = arith.constant 80 : index
        %get3A_536 = tpu.vector_load %arg6[%get3A_534, %get3A_535] {strides = array<i32>} : memref<114x128xi32, #tpu.memory_space<vmem>>, vector<1x16xi32>,
        %get3A_537 = vector.shape_cast %get3A_536 : vector<1x16xi32> to vector<16xi32>
        %shift_right_logical3A_538 = arith.constant 14 : i32
        %shift_right_logical3A_539 = vector.broadcast %shift_right_logical3A_538 : i32 to vector<16xi32>
        %shift_right_logical3A_540 = arith.shrui %get3A_537, %shift_right_logical3A_539 : vector<16xi32>
        %swap3A_541 = arith.constant 80 : index
        %swap3A_542 = tpu.vector_load %arg9[%swap3A_541] {strides = array<i32>} : memref<128xi32, #tpu.memory_space<vmem>>, vector<16xi32>,
        %swap3A_543 = vector.shape_cast %swap3A_542 : vector<16xi32> to vector<16xi32>
        %swap3A_544 = vector.shape_cast %shift_right_logical3A_540 : vector<16xi32> to vector<16xi32>
        tpu.vector_store %arg9[%swap3A_541], %swap3A_544 {strides = array<i32>} : memref<128xi32, #tpu.memory_space<vmem>>, vector<16xi32>,
        %get3A_545 = arith.index_cast %add3A_478 : i32 to index
        %get3A_546 = arith.constant 96 : index
        %get3A_547 = tpu.vector_load %arg6[%get3A_545, %get3A_546] {strides = array<i32>} : memref<114x128xi32, #tpu.memory_space<vmem>>, vector<1x16xi32>,
        %get3A_548 = vector.shape_cast %get3A_547 : vector<1x16xi32> to vector<16xi32>
        %shift_right_logical3A_549 = arith.constant 14 : i32
        %shift_right_logical3A_550 = vector.broadcast %shift_right_logical3A_549 : i32 to vector<16xi32>
        %shift_right_logical3A_551 = arith.shrui %get3A_548, %shift_right_logical3A_550 : vector<16xi32>
        %swap3A_552 = arith.constant 96 : index
        %swap3A_553 = tpu.vector_load %arg9[%swap3A_552] {strides = array<i32>} : memref<128xi32, #tpu.memory_space<vmem>>, vector<16xi32>,
        %swap3A_554 = vector.shape_cast %swap3A_553 : vector<16xi32> to vector<16xi32>
        %swap3A_555 = vector.shape_cast %shift_right_logical3A_551 : vector<16xi32> to vector<16xi32>
        tpu.vector_store %arg9[%swap3A_552], %swap3A_555 {strides = array<i32>} : memref<128xi32, #tpu.memory_space<vmem>>, vector<16xi32>,
        %get3A_556 = arith.index_cast %add3A_478 : i32 to index
        %get3A_557 = arith.constant 112 : index
        %get3A_558 = tpu.vector_load %arg6[%get3A_556, %get3A_557] {strides = array<i32>} : memref<114x128xi32, #tpu.memory_space<vmem>>, vector<1x16xi32>,
        %get3A_559 = vector.shape_cast %get3A_558 : vector<1x16xi32> to vector<16xi32>
        %shift_right_logical3A_560 = arith.constant 14 : i32
        %shift_right_logical3A_561 = vector.broadcast %shift_right_logical3A_560 : i32 to vector<16xi32>
        %shift_right_logical3A_562 = arith.shrui %get3A_559, %shift_right_logical3A_561 : vector<16xi32>
        %swap3A_563 = arith.constant 112 : index
        %swap3A_564 = tpu.vector_load %arg9[%swap3A_563] {strides = array<i32>} : memref<128xi32, #tpu.memory_space<vmem>>, vector<16xi32>,
        %swap3A_565 = vector.shape_cast %swap3A_564 : vector<16xi32> to vector<16xi32>
        %swap3A_566 = vector.shape_cast %shift_right_logical3A_562 : vector<16xi32> to vector<16xi32>
        tpu.vector_store %arg9[%swap3A_563], %swap3A_566 {strides = array<i32>} : memref<128xi32, #tpu.memory_space<vmem>>, vector<16xi32>,
      } else {
      }
      tpu.wait_dma2 semaphore(%arg15 : memref<!tpu.dma_semaphore, #tpu.memory_space<semaphore_mem>>) src(%arg4 : memref<128x128xf32, #tpu.memory_space<hbm>>) dst(%arg12 : memref<128x128xf32, #tpu.memory_space<vmem>>)
      %add3A_464 = arith.constant 3 : i32
      %add3A_465 = arith.addi %mul3A_454, %add3A_464 : i32
      %lt3A_466 = arith.cmpi slt, %add3A_465, %select_n3A : i32
      %convert_element_type3A_467 = arith.extui %lt3A_466 : i1 to i32
      %cond3A_468 = arith.constant 0 : i32
      %cond3A_469 = arith.cmpi ne, %convert_element_type3A_467, %cond3A_468 : i32
      scf.if %cond3A_469 {
        %add3A_477 = arith.constant 3 : i32
        %add3A_478 = arith.addi %mul3A_454, %add3A_477 : i32
        %get3A_479 = arith.index_cast %add3A_478 : i32 to index
        %get3A_480 = arith.constant 0 : index
        %get3A_481 = tpu.vector_load %arg6[%get3A_479, %get3A_480] {strides = array<i32>} : memref<114x128xi32, #tpu.memory_space<vmem>>, vector<1x16xi32>,
        %get3A_482 = vector.shape_cast %get3A_481 : vector<1x16xi32> to vector<16xi32>
        %and3A_483 = arith.constant 16383 : i32
        %and3A_484 = vector.broadcast %and3A_483 : i32 to vector<16xi32>
        %and3A_485 = arith.andi %get3A_482, %and3A_484 : vector<16xi32>
        %swap3A_486 = arith.constant 0 : index
        %swap3A_487 = tpu.vector_load %arg8[%swap3A_486] {strides = array<i32>} : memref<128xi32, #tpu.memory_space<vmem>>, vector<16xi32>,
        %swap3A_488 = vector.shape_cast %swap3A_487 : vector<16xi32> to vector<16xi32>
        %swap3A_489 = vector.shape_cast %and3A_485 : vector<16xi32> to vector<16xi32>
        tpu.vector_store %arg8[%swap3A_486], %swap3A_489 {strides = array<i32>} : memref<128xi32, #tpu.memory_space<vmem>>, vector<16xi32>,
        %get3A_490 = arith.index_cast %add3A_478 : i32 to index
        %get3A_491 = arith.constant 16 : index
        %get3A_492 = tpu.vector_load %arg6[%get3A_490, %get3A_491] {strides = array<i32>} : memref<114x128xi32, #tpu.memory_space<vmem>>, vector<1x16xi32>,
        %get3A_493 = vector.shape_cast %get3A_492 : vector<1x16xi32> to vector<16xi32>
        %and3A_494 = arith.constant 16383 : i32
        %and3A_495 = vector.broadcast %and3A_494 : i32 to vector<16xi32>
        %and3A_496 = arith.andi %get3A_493, %and3A_495 : vector<16xi32>
        %swap3A_497 = arith.constant 16 : index
        %swap3A_498 = tpu.vector_load %arg8[%swap3A_497] {strides = array<i32>} : memref<128xi32, #tpu.memory_space<vmem>>, vector<16xi32>,
        %swap3A_499 = vector.shape_cast %swap3A_498 : vector<16xi32> to vector<16xi32>
        %swap3A_500 = vector.shape_cast %and3A_496 : vector<16xi32> to vector<16xi32>
        tpu.vector_store %arg8[%swap3A_497], %swap3A_500 {strides = array<i32>} : memref<128xi32, #tpu.memory_space<vmem>>, vector<16xi32>,
        %get3A_501 = arith.index_cast %add3A_478 : i32 to index
        %get3A_502 = arith.constant 32 : index
        %get3A_503 = tpu.vector_load %arg6[%get3A_501, %get3A_502] {strides = array<i32>} : memref<114x128xi32, #tpu.memory_space<vmem>>, vector<1x16xi32>,
        %get3A_504 = vector.shape_cast %get3A_503 : vector<1x16xi32> to vector<16xi32>
        %and3A_505 = arith.constant 16383 : i32
        %and3A_506 = vector.broadcast %and3A_505 : i32 to vector<16xi32>
        %and3A_507 = arith.andi %get3A_504, %and3A_506 : vector<16xi32>
        %swap3A_508 = arith.constant 32 : index
        %swap3A_509 = tpu.vector_load %arg8[%swap3A_508] {strides = array<i32>} : memref<128xi32, #tpu.memory_space<vmem>>, vector<16xi32>,
        %swap3A_510 = vector.shape_cast %swap3A_509 : vector<16xi32> to vector<16xi32>
        %swap3A_511 = vector.shape_cast %and3A_507 : vector<16xi32> to vector<16xi32>
        tpu.vector_store %arg8[%swap3A_508], %swap3A_511 {strides = array<i32>} : memref<128xi32, #tpu.memory_space<vmem>>, vector<16xi32>,
        %get3A_512 = arith.index_cast %add3A_478 : i32 to index
        %get3A_513 = arith.constant 48 : index
        %get3A_514 = tpu.vector_load %arg6[%get3A_512, %get3A_513] {strides = array<i32>} : memref<114x128xi32, #tpu.memory_space<vmem>>, vector<1x16xi32>,
        %get3A_515 = vector.shape_cast %get3A_514 : vector<1x16xi32> to vector<16xi32>
        %and3A_516 = arith.constant 16383 : i32
        %and3A_517 = vector.broadcast %and3A_516 : i32 to vector<16xi32>
        %and3A_518 = arith.andi %get3A_515, %and3A_517 : vector<16xi32>
        %swap3A_519 = arith.constant 48 : index
        %swap3A_520 = tpu.vector_load %arg8[%swap3A_519] {strides = array<i32>} : memref<128xi32, #tpu.memory_space<vmem>>, vector<16xi32>,
        %swap3A_521 = vector.shape_cast %swap3A_520 : vector<16xi32> to vector<16xi32>
        %swap3A_522 = vector.shape_cast %and3A_518 : vector<16xi32> to vector<16xi32>
        tpu.vector_store %arg8[%swap3A_519], %swap3A_522 {strides = array<i32>} : memref<128xi32, #tpu.memory_space<vmem>>, vector<16xi32>,
        %get3A_523 = arith.index_cast %add3A_478 : i32 to index
        %get3A_524 = arith.constant 64 : index
        %get3A_525 = tpu.vector_load %arg6[%get3A_523, %get3A_524] {strides = array<i32>} : memref<114x128xi32, #tpu.memory_space<vmem>>, vector<1x16xi32>,
        %get3A_526 = vector.shape_cast %get3A_525 : vector<1x16xi32> to vector<16xi32>
        %and3A_527 = arith.constant 16383 : i32
        %and3A_528 = vector.broadcast %and3A_527 : i32 to vector<16xi32>
        %and3A_529 = arith.andi %get3A_526, %and3A_528 : vector<16xi32>
        %swap3A_530 = arith.constant 64 : index
        %swap3A_531 = tpu.vector_load %arg8[%swap3A_530] {strides = array<i32>} : memref<128xi32, #tpu.memory_space<vmem>>, vector<16xi32>,
        %swap3A_532 = vector.shape_cast %swap3A_531 : vector<16xi32> to vector<16xi32>
        %swap3A_533 = vector.shape_cast %and3A_529 : vector<16xi32> to vector<16xi32>
        tpu.vector_store %arg8[%swap3A_530], %swap3A_533 {strides = array<i32>} : memref<128xi32, #tpu.memory_space<vmem>>, vector<16xi32>,
        %get3A_534 = arith.index_cast %add3A_478 : i32 to index
        %get3A_535 = arith.constant 80 : index
        %get3A_536 = tpu.vector_load %arg6[%get3A_534, %get3A_535] {strides = array<i32>} : memref<114x128xi32, #tpu.memory_space<vmem>>, vector<1x16xi32>,
        %get3A_537 = vector.shape_cast %get3A_536 : vector<1x16xi32> to vector<16xi32>
        %and3A_538 = arith.constant 16383 : i32
        %and3A_539 = vector.broadcast %and3A_538 : i32 to vector<16xi32>
        %and3A_540 = arith.andi %get3A_537, %and3A_539 : vector<16xi32>
        %swap3A_541 = arith.constant 80 : index
        %swap3A_542 = tpu.vector_load %arg8[%swap3A_541] {strides = array<i32>} : memref<128xi32, #tpu.memory_space<vmem>>, vector<16xi32>,
        %swap3A_543 = vector.shape_cast %swap3A_542 : vector<16xi32> to vector<16xi32>
        %swap3A_544 = vector.shape_cast %and3A_540 : vector<16xi32> to vector<16xi32>
        tpu.vector_store %arg8[%swap3A_541], %swap3A_544 {strides = array<i32>} : memref<128xi32, #tpu.memory_space<vmem>>, vector<16xi32>,
        %get3A_545 = arith.index_cast %add3A_478 : i32 to index
        %get3A_546 = arith.constant 96 : index
        %get3A_547 = tpu.vector_load %arg6[%get3A_545, %get3A_546] {strides = array<i32>} : memref<114x128xi32, #tpu.memory_space<vmem>>, vector<1x16xi32>,
        %get3A_548 = vector.shape_cast %get3A_547 : vector<1x16xi32> to vector<16xi32>
        %and3A_549 = arith.constant 16383 : i32
        %and3A_550 = vector.broadcast %and3A_549 : i32 to vector<16xi32>
        %and3A_551 = arith.andi %get3A_548, %and3A_550 : vector<16xi32>
        %swap3A_552 = arith.constant 96 : index
        %swap3A_553 = tpu.vector_load %arg8[%swap3A_552] {strides = array<i32>} : memref<128xi32, #tpu.memory_space<vmem>>, vector<16xi32>,
        %swap3A_554 = vector.shape_cast %swap3A_553 : vector<16xi32> to vector<16xi32>
        %swap3A_555 = vector.shape_cast %and3A_551 : vector<16xi32> to vector<16xi32>
        tpu.vector_store %arg8[%swap3A_552], %swap3A_555 {strides = array<i32>} : memref<128xi32, #tpu.memory_space<vmem>>, vector<16xi32>,
        %get3A_556 = arith.index_cast %add3A_478 : i32 to index
        %get3A_557 = arith.constant 112 : index
        %get3A_558 = tpu.vector_load %arg6[%get3A_556, %get3A_557] {strides = array<i32>} : memref<114x128xi32, #tpu.memory_space<vmem>>, vector<1x16xi32>,
        %get3A_559 = vector.shape_cast %get3A_558 : vector<1x16xi32> to vector<16xi32>
        %and3A_560 = arith.constant 16383 : i32
        %and3A_561 = vector.broadcast %and3A_560 : i32 to vector<16xi32>
        %and3A_562 = arith.andi %get3A_559, %and3A_561 : vector<16xi32>
        %swap3A_563 = arith.constant 112 : index
        %swap3A_564 = tpu.vector_load %arg8[%swap3A_563] {strides = array<i32>} : memref<128xi32, #tpu.memory_space<vmem>>, vector<16xi32>,
        %swap3A_565 = vector.shape_cast %swap3A_564 : vector<16xi32> to vector<16xi32>
        %swap3A_566 = vector.shape_cast %and3A_562 : vector<16xi32> to vector<16xi32>
        tpu.vector_store %arg8[%swap3A_563], %swap3A_566 {strides = array<i32>} : memref<128xi32, #tpu.memory_space<vmem>>, vector<16xi32>,
        %add3A_567 = arith.constant 3 : i32
        %add3A_568 = arith.addi %mul3A_454, %add3A_567 : i32
        %dma_start3A_569 = arith.constant 0 : i32
        %dma_start3A_570 = arith.constant 0 : i32
        %dma_start3A_571 = tpu.memref_slice %arg2[%dma_start3A_569, %dma_start3A_570] : memref<10000x128xf32, #tpu.memory_space<hbm>> -> memref<10000x128xf32, #tpu.memory_space<hbm>>
        tpu.enqueue_indirect_dma source(%dma_start3A_571 : memref<10000x128xf32, #tpu.memory_space<hbm>>) target(%arg12 : memref<128x128xf32, #tpu.memory_space<vmem>>) offsets(%arg8 : memref<128xi32, #tpu.memory_space<vmem>>) semaphore(%arg15 : memref<!tpu.dma_semaphore, #tpu.memory_space<semaphore_mem>>)
      } else {
      }
      "tpu.region"() ({
        %run_scoped3A = tpu.sem_alloc : memref<!tpu.dma_semaphore, #tpu.memory_space<semaphore_mem>>
        %dma_start3A_477 = arith.constant 0 : i32
        %dma_start3A_478 = arith.constant 0 : i32
        %dma_start3A_479 = tpu.memref_slice %arg13[%dma_start3A_477, %dma_start3A_478] : memref<10240x128xf32, #tpu.memory_space<vmem_shared>> -> memref<10240x128xf32, #tpu.memory_space<vmem_shared>>
        tpu.enqueue_indirect_dma source(%arg12 : memref<128x128xf32, #tpu.memory_space<vmem>>) target(%dma_start3A_479 : memref<10240x128xf32, #tpu.memory_space<vmem_shared>>) offsets(%arg10 : memref<128xi32, #tpu.memory_space<vmem>>) semaphore(%run_scoped3A : memref<!tpu.dma_semaphore, #tpu.memory_space<semaphore_mem>>) {add = true}
        %dma_wait3A = arith.constant 0 : i32
        %dma_wait3A_480 = arith.constant 0 : i32
        %dma_wait3A_481 = tpu.memref_slice %arg13[%dma_wait3A, %dma_wait3A_480] : memref<10240x128xf32, #tpu.memory_space<vmem_shared>> -> memref<10240x128xf32, #tpu.memory_space<vmem_shared>>
        tpu.wait_indirect_dma semaphore(%run_scoped3A : memref<!tpu.dma_semaphore, #tpu.memory_space<semaphore_mem>>) src(%arg12 : memref<128x128xf32, #tpu.memory_space<vmem>>) dst(%dma_wait3A_481 : memref<10240x128xf32, #tpu.memory_space<vmem_shared>>)
        tpu.yield
      }) : () -> ()
      %add3A_470 = arith.constant 3 : i32
      %add3A_471 = arith.addi %mul3A_454, %add3A_470 : i32
      %lt3A_472 = arith.cmpi slt, %add3A_471, %select_n3A : i32
      %convert_element_type3A_473 = arith.extui %lt3A_472 : i1 to i32
      %cond3A_474 = arith.constant 0 : i32
      %cond3A_475 = arith.cmpi ne, %convert_element_type3A_473, %cond3A_474 : i32
      scf.if %cond3A_475 {
        %add3A_477 = arith.constant 3 : i32
        %add3A_478 = arith.addi %mul3A_454, %add3A_477 : i32
        %get3A_479 = arith.index_cast %add3A_478 : i32 to index
        %get3A_480 = arith.constant 0 : index
        %get3A_481 = tpu.vector_load %arg6[%get3A_479, %get3A_480] {strides = array<i32>} : memref<114x128xi32, #tpu.memory_space<vmem>>, vector<1x16xi32>,
        %get3A_482 = vector.shape_cast %get3A_481 : vector<1x16xi32> to vector<16xi32>
        %shift_right_logical3A_483 = arith.constant 14 : i32
        %shift_right_logical3A_484 = vector.broadcast %shift_right_logical3A_483 : i32 to vector<16xi32>
        %shift_right_logical3A_485 = arith.shrui %get3A_482, %shift_right_logical3A_484 : vector<16xi32>
        %swap3A_486 = arith.constant 0 : index
        %swap3A_487 = tpu.vector_load %arg10[%swap3A_486] {strides = array<i32>} : memref<128xi32, #tpu.memory_space<vmem>>, vector<16xi32>,
        %swap3A_488 = vector.shape_cast %swap3A_487 : vector<16xi32> to vector<16xi32>
        %swap3A_489 = vector.shape_cast %shift_right_logical3A_485 : vector<16xi32> to vector<16xi32>
        tpu.vector_store %arg10[%swap3A_486], %swap3A_489 {strides = array<i32>} : memref<128xi32, #tpu.memory_space<vmem>>, vector<16xi32>,
        %get3A_490 = arith.index_cast %add3A_478 : i32 to index
        %get3A_491 = arith.constant 16 : index
        %get3A_492 = tpu.vector_load %arg6[%get3A_490, %get3A_491] {strides = array<i32>} : memref<114x128xi32, #tpu.memory_space<vmem>>, vector<1x16xi32>,
        %get3A_493 = vector.shape_cast %get3A_492 : vector<1x16xi32> to vector<16xi32>
        %shift_right_logical3A_494 = arith.constant 14 : i32
        %shift_right_logical3A_495 = vector.broadcast %shift_right_logical3A_494 : i32 to vector<16xi32>
        %shift_right_logical3A_496 = arith.shrui %get3A_493, %shift_right_logical3A_495 : vector<16xi32>
        %swap3A_497 = arith.constant 16 : index
        %swap3A_498 = tpu.vector_load %arg10[%swap3A_497] {strides = array<i32>} : memref<128xi32, #tpu.memory_space<vmem>>, vector<16xi32>,
        %swap3A_499 = vector.shape_cast %swap3A_498 : vector<16xi32> to vector<16xi32>
        %swap3A_500 = vector.shape_cast %shift_right_logical3A_496 : vector<16xi32> to vector<16xi32>
        tpu.vector_store %arg10[%swap3A_497], %swap3A_500 {strides = array<i32>} : memref<128xi32, #tpu.memory_space<vmem>>, vector<16xi32>,
        %get3A_501 = arith.index_cast %add3A_478 : i32 to index
        %get3A_502 = arith.constant 32 : index
        %get3A_503 = tpu.vector_load %arg6[%get3A_501, %get3A_502] {strides = array<i32>} : memref<114x128xi32, #tpu.memory_space<vmem>>, vector<1x16xi32>,
        %get3A_504 = vector.shape_cast %get3A_503 : vector<1x16xi32> to vector<16xi32>
        %shift_right_logical3A_505 = arith.constant 14 : i32
        %shift_right_logical3A_506 = vector.broadcast %shift_right_logical3A_505 : i32 to vector<16xi32>
        %shift_right_logical3A_507 = arith.shrui %get3A_504, %shift_right_logical3A_506 : vector<16xi32>
        %swap3A_508 = arith.constant 32 : index
        %swap3A_509 = tpu.vector_load %arg10[%swap3A_508] {strides = array<i32>} : memref<128xi32, #tpu.memory_space<vmem>>, vector<16xi32>,
        %swap3A_510 = vector.shape_cast %swap3A_509 : vector<16xi32> to vector<16xi32>
        %swap3A_511 = vector.shape_cast %shift_right_logical3A_507 : vector<16xi32> to vector<16xi32>
        tpu.vector_store %arg10[%swap3A_508], %swap3A_511 {strides = array<i32>} : memref<128xi32, #tpu.memory_space<vmem>>, vector<16xi32>,
        %get3A_512 = arith.index_cast %add3A_478 : i32 to index
        %get3A_513 = arith.constant 48 : index
        %get3A_514 = tpu.vector_load %arg6[%get3A_512, %get3A_513] {strides = array<i32>} : memref<114x128xi32, #tpu.memory_space<vmem>>, vector<1x16xi32>,
        %get3A_515 = vector.shape_cast %get3A_514 : vector<1x16xi32> to vector<16xi32>
        %shift_right_logical3A_516 = arith.constant 14 : i32
        %shift_right_logical3A_517 = vector.broadcast %shift_right_logical3A_516 : i32 to vector<16xi32>
        %shift_right_logical3A_518 = arith.shrui %get3A_515, %shift_right_logical3A_517 : vector<16xi32>
        %swap3A_519 = arith.constant 48 : index
        %swap3A_520 = tpu.vector_load %arg10[%swap3A_519] {strides = array<i32>} : memref<128xi32, #tpu.memory_space<vmem>>, vector<16xi32>,
        %swap3A_521 = vector.shape_cast %swap3A_520 : vector<16xi32> to vector<16xi32>
        %swap3A_522 = vector.shape_cast %shift_right_logical3A_518 : vector<16xi32> to vector<16xi32>
        tpu.vector_store %arg10[%swap3A_519], %swap3A_522 {strides = array<i32>} : memref<128xi32, #tpu.memory_space<vmem>>, vector<16xi32>,
        %get3A_523 = arith.index_cast %add3A_478 : i32 to index
        %get3A_524 = arith.constant 64 : index
        %get3A_525 = tpu.vector_load %arg6[%get3A_523, %get3A_524] {strides = array<i32>} : memref<114x128xi32, #tpu.memory_space<vmem>>, vector<1x16xi32>,
        %get3A_526 = vector.shape_cast %get3A_525 : vector<1x16xi32> to vector<16xi32>
        %shift_right_logical3A_527 = arith.constant 14 : i32
        %shift_right_logical3A_528 = vector.broadcast %shift_right_logical3A_527 : i32 to vector<16xi32>
        %shift_right_logical3A_529 = arith.shrui %get3A_526, %shift_right_logical3A_528 : vector<16xi32>
        %swap3A_530 = arith.constant 64 : index
        %swap3A_531 = tpu.vector_load %arg10[%swap3A_530] {strides = array<i32>} : memref<128xi32, #tpu.memory_space<vmem>>, vector<16xi32>,
        %swap3A_532 = vector.shape_cast %swap3A_531 : vector<16xi32> to vector<16xi32>
        %swap3A_533 = vector.shape_cast %shift_right_logical3A_529 : vector<16xi32> to vector<16xi32>
        tpu.vector_store %arg10[%swap3A_530], %swap3A_533 {strides = array<i32>} : memref<128xi32, #tpu.memory_space<vmem>>, vector<16xi32>,
        %get3A_534 = arith.index_cast %add3A_478 : i32 to index
        %get3A_535 = arith.constant 80 : index
        %get3A_536 = tpu.vector_load %arg6[%get3A_534, %get3A_535] {strides = array<i32>} : memref<114x128xi32, #tpu.memory_space<vmem>>, vector<1x16xi32>,
        %get3A_537 = vector.shape_cast %get3A_536 : vector<1x16xi32> to vector<16xi32>
        %shift_right_logical3A_538 = arith.constant 14 : i32
        %shift_right_logical3A_539 = vector.broadcast %shift_right_logical3A_538 : i32 to vector<16xi32>
        %shift_right_logical3A_540 = arith.shrui %get3A_537, %shift_right_logical3A_539 : vector<16xi32>
        %swap3A_541 = arith.constant 80 : index
        %swap3A_542 = tpu.vector_load %arg10[%swap3A_541] {strides = array<i32>} : memref<128xi32, #tpu.memory_space<vmem>>, vector<16xi32>,
        %swap3A_543 = vector.shape_cast %swap3A_542 : vector<16xi32> to vector<16xi32>
        %swap3A_544 = vector.shape_cast %shift_right_logical3A_540 : vector<16xi32> to vector<16xi32>
        tpu.vector_store %arg10[%swap3A_541], %swap3A_544 {strides = array<i32>} : memref<128xi32, #tpu.memory_space<vmem>>, vector<16xi32>,
        %get3A_545 = arith.index_cast %add3A_478 : i32 to index
        %get3A_546 = arith.constant 96 : index
        %get3A_547 = tpu.vector_load %arg6[%get3A_545, %get3A_546] {strides = array<i32>} : memref<114x128xi32, #tpu.memory_space<vmem>>, vector<1x16xi32>,
        %get3A_548 = vector.shape_cast %get3A_547 : vector<1x16xi32> to vector<16xi32>
        %shift_right_logical3A_549 = arith.constant 14 : i32
        %shift_right_logical3A_550 = vector.broadcast %shift_right_logical3A_549 : i32 to vector<16xi32>
        %shift_right_logical3A_551 = arith.shrui %get3A_548, %shift_right_logical3A_550 : vector<16xi32>
        %swap3A_552 = arith.constant 96 : index
        %swap3A_553 = tpu.vector_load %arg10[%swap3A_552] {strides = array<i32>} : memref<128xi32, #tpu.memory_space<vmem>>, vector<16xi32>,
        %swap3A_554 = vector.shape_cast %swap3A_553 : vector<16xi32> to vector<16xi32>
        %swap3A_555 = vector.shape_cast %shift_right_logical3A_551 : vector<16xi32> to vector<16xi32>
        tpu.vector_store %arg10[%swap3A_552], %swap3A_555 {strides = array<i32>} : memref<128xi32, #tpu.memory_space<vmem>>, vector<16xi32>,
        %get3A_556 = arith.index_cast %add3A_478 : i32 to index
        %get3A_557 = arith.constant 112 : index
        %get3A_558 = tpu.vector_load %arg6[%get3A_556, %get3A_557] {strides = array<i32>} : memref<114x128xi32, #tpu.memory_space<vmem>>, vector<1x16xi32>,
        %get3A_559 = vector.shape_cast %get3A_558 : vector<1x16xi32> to vector<16xi32>
        %shift_right_logical3A_560 = arith.constant 14 : i32
        %shift_right_logical3A_561 = vector.broadcast %shift_right_logical3A_560 : i32 to vector<16xi32>
        %shift_right_logical3A_562 = arith.shrui %get3A_559, %shift_right_logical3A_561 : vector<16xi32>
        %swap3A_563 = arith.constant 112 : index
        %swap3A_564 = tpu.vector_load %arg10[%swap3A_563] {strides = array<i32>} : memref<128xi32, #tpu.memory_space<vmem>>, vector<16xi32>,
        %swap3A_565 = vector.shape_cast %swap3A_564 : vector<16xi32> to vector<16xi32>
        %swap3A_566 = vector.shape_cast %shift_right_logical3A_562 : vector<16xi32> to vector<16xi32>
        tpu.vector_store %arg10[%swap3A_563], %swap3A_566 {strides = array<i32>} : memref<128xi32, #tpu.memory_space<vmem>>, vector<16xi32>,
      } else {
      }
      %while3A_476 = arith.constant 0 : i32
      scf.yield %while3A_476 : i32
    }
    %barrier3A_430 = arith.constant 0 : index
    tpu.barrier barrier_id(%barrier3A_430)
    %add3A_431 = arith.constant 0 : i32
    %add3A_432 = arith.addi %mul3A_2, %add3A_431 : i32
    "tpu.region"() ({
      %run_scoped3A = tpu.sem_alloc : memref<!tpu.dma_semaphore, #tpu.memory_space<semaphore_mem>>
      %dma_start3A_451 = arith.constant 0 : i32
      %dma_start3A_452 = tpu.memref_slice %arg13[%add3A_432, %dma_start3A_451] : memref<10240x128xf32, #tpu.memory_space<vmem_shared>> -> memref<128x128xf32, #tpu.memory_space<vmem_shared>>
      %dma_start3A_453 = arith.constant 0 : i32
      %dma_start3A_454 = tpu.memref_slice %arg13[%add3A_432, %dma_start3A_453] : memref<10240x128xf32, #tpu.memory_space<vmem_shared>> -> memref<128x128xf32, #tpu.memory_space<vmem_shared>>
      tpu.enqueue_dma source(%dma_start3A_454 : memref<128x128xf32, #tpu.memory_space<vmem_shared>>) target(%arg11 : memref<128x128xf32, #tpu.memory_space<vmem>>) target_semaphore(%run_scoped3A : memref<!tpu.dma_semaphore, #tpu.memory_space<semaphore_mem>>)
      %dma_wait3A = arith.constant 0 : i32
      %dma_wait3A_455 = tpu.memref_slice %arg13[%add3A_432, %dma_wait3A] : memref<10240x128xf32, #tpu.memory_space<vmem_shared>> -> memref<128x128xf32, #tpu.memory_space<vmem_shared>>
      %dma_wait3A_456 = arith.constant 0 : i32
      %dma_wait3A_457 = tpu.memref_slice %arg13[%add3A_432, %dma_wait3A_456] : memref<10240x128xf32, #tpu.memory_space<vmem_shared>> -> memref<128x128xf32, #tpu.memory_space<vmem_shared>>
      tpu.wait_dma2 semaphore(%run_scoped3A : memref<!tpu.dma_semaphore, #tpu.memory_space<semaphore_mem>>) src(%dma_wait3A_457 : memref<128x128xf32, #tpu.memory_space<vmem_shared>>) dst(%arg11 : memref<128x128xf32, #tpu.memory_space<vmem>>)
      tpu.yield
    }) : () -> ()
    %add3A_433 = arith.constant 0 : i32
    %add3A_434 = arith.addi %mul3A_2, %add3A_433 : i32
    "tpu.region"() ({
      %run_scoped3A = tpu.sem_alloc : memref<!tpu.dma_semaphore, #tpu.memory_space<semaphore_mem>>
      %dma_start3A_451 = arith.constant 0 : i32
      %dma_start3A_452 = tpu.memref_slice %arg5[%arg0, %add3A_434, %dma_start3A_451] : memref<2x10240x128xf32, #tpu.memory_space<hbm>> -> memref<1x128x128xf32, #tpu.memory_space<hbm>>
      %dma_start3A_453 = tpu.memref_squeeze %dma_start3A_452 : memref<1x128x128xf32, #tpu.memory_space<hbm>> -> memref<128x128xf32, #tpu.memory_space<hbm>>
      %dma_start3A_454 = arith.constant 0 : i32
      %dma_start3A_455 = tpu.memref_slice %arg5[%arg0, %add3A_434, %dma_start3A_454] : memref<2x10240x128xf32, #tpu.memory_space<hbm>> -> memref<1x128x128xf32, #tpu.memory_space<hbm>>
      %dma_start3A_456 = tpu.memref_squeeze %dma_start3A_455 : memref<1x128x128xf32, #tpu.memory_space<hbm>> -> memref<128x128xf32, #tpu.memory_space<hbm>>
      tpu.enqueue_dma source(%arg11 : memref<128x128xf32, #tpu.memory_space<vmem>>) target(%dma_start3A_456 : memref<128x128xf32, #tpu.memory_space<hbm>>) target_semaphore(%run_scoped3A : memref<!tpu.dma_semaphore, #tpu.memory_space<semaphore_mem>>)
      %dma_wait3A = arith.constant 0 : i32
      %dma_wait3A_457 = tpu.memref_slice %arg5[%arg0, %add3A_434, %dma_wait3A] : memref<2x10240x128xf32, #tpu.memory_space<hbm>> -> memref<1x128x128xf32, #tpu.memory_space<hbm>>
      %dma_wait3A_458 = tpu.memref_squeeze %dma_wait3A_457 : memref<1x128x128xf32, #tpu.memory_space<hbm>> -> memref<128x128xf32, #tpu.memory_space<hbm>>
      %dma_wait3A_459 = arith.constant 0 : i32
      %dma_wait3A_460 = tpu.memref_slice %arg5[%arg0, %add3A_434, %dma_wait3A_459] : memref<2x10240x128xf32, #tpu.memory_space<hbm>> -> memref<1x128x128xf32, #tpu.memory_space<hbm>>
      %dma_wait3A_461 = tpu.memref_squeeze %dma_wait3A_460 : memref<1x128x128xf32, #tpu.memory_space<hbm>> -> memref<128x128xf32, #tpu.memory_space<hbm>>
      tpu.wait_dma2 semaphore(%run_scoped3A : memref<!tpu.dma_semaphore, #tpu.memory_space<semaphore_mem>>) src(%arg11 : memref<128x128xf32, #tpu.memory_space<vmem>>) dst(%dma_wait3A_461 : memref<128x128xf32, #tpu.memory_space<hbm>>)
      tpu.yield
    }) : () -> ()
    %add3A_435 = arith.constant 128 : i32
    %add3A_436 = arith.addi %mul3A_2, %add3A_435 : i32
    "tpu.region"() ({
      %run_scoped3A = tpu.sem_alloc : memref<!tpu.dma_semaphore, #tpu.memory_space<semaphore_mem>>
      %dma_start3A_451 = arith.constant 0 : i32
      %dma_start3A_452 = tpu.memref_slice %arg13[%add3A_436, %dma_start3A_451] : memref<10240x128xf32, #tpu.memory_space<vmem_shared>> -> memref<128x128xf32, #tpu.memory_space<vmem_shared>>
      %dma_start3A_453 = arith.constant 0 : i32
      %dma_start3A_454 = tpu.memref_slice %arg13[%add3A_436, %dma_start3A_453] : memref<10240x128xf32, #tpu.memory_space<vmem_shared>> -> memref<128x128xf32, #tpu.memory_space<vmem_shared>>
      tpu.enqueue_dma source(%dma_start3A_454 : memref<128x128xf32, #tpu.memory_space<vmem_shared>>) target(%arg11 : memref<128x128xf32, #tpu.memory_space<vmem>>) target_semaphore(%run_scoped3A : memref<!tpu.dma_semaphore, #tpu.memory_space<semaphore_mem>>)
      %dma_wait3A = arith.constant 0 : i32
      %dma_wait3A_455 = tpu.memref_slice %arg13[%add3A_436, %dma_wait3A] : memref<10240x128xf32, #tpu.memory_space<vmem_shared>> -> memref<128x128xf32, #tpu.memory_space<vmem_shared>>
      %dma_wait3A_456 = arith.constant 0 : i32
      %dma_wait3A_457 = tpu.memref_slice %arg13[%add3A_436, %dma_wait3A_456] : memref<10240x128xf32, #tpu.memory_space<vmem_shared>> -> memref<128x128xf32, #tpu.memory_space<vmem_shared>>
      tpu.wait_dma2 semaphore(%run_scoped3A : memref<!tpu.dma_semaphore, #tpu.memory_space<semaphore_mem>>) src(%dma_wait3A_457 : memref<128x128xf32, #tpu.memory_space<vmem_shared>>) dst(%arg11 : memref<128x128xf32, #tpu.memory_space<vmem>>)
      tpu.yield
    }) : () -> ()
    %add3A_437 = arith.constant 128 : i32
    %add3A_438 = arith.addi %mul3A_2, %add3A_437 : i32
    "tpu.region"() ({
      %run_scoped3A = tpu.sem_alloc : memref<!tpu.dma_semaphore, #tpu.memory_space<semaphore_mem>>
      %dma_start3A_451 = arith.constant 0 : i32
      %dma_start3A_452 = tpu.memref_slice %arg5[%arg0, %add3A_438, %dma_start3A_451] : memref<2x10240x128xf32, #tpu.memory_space<hbm>> -> memref<1x128x128xf32, #tpu.memory_space<hbm>>
      %dma_start3A_453 = tpu.memref_squeeze %dma_start3A_452 : memref<1x128x128xf32, #tpu.memory_space<hbm>> -> memref<128x128xf32, #tpu.memory_space<hbm>>
      %dma_start3A_454 = arith.constant 0 : i32
      %dma_start3A_455 = tpu.memref_slice %arg5[%arg0, %add3A_438, %dma_start3A_454] : memref<2x10240x128xf32, #tpu.memory_space<hbm>> -> memref<1x128x128xf32, #tpu.memory_space<hbm>>
      %dma_start3A_456 = tpu.memref_squeeze %dma_start3A_455 : memref<1x128x128xf32, #tpu.memory_space<hbm>> -> memref<128x128xf32, #tpu.memory_space<hbm>>
      tpu.enqueue_dma source(%arg11 : memref<128x128xf32, #tpu.memory_space<vmem>>) target(%dma_start3A_456 : memref<128x128xf32, #tpu.memory_space<hbm>>) target_semaphore(%run_scoped3A : memref<!tpu.dma_semaphore, #tpu.memory_space<semaphore_mem>>)
      %dma_wait3A = arith.constant 0 : i32
      %dma_wait3A_457 = tpu.memref_slice %arg5[%arg0, %add3A_438, %dma_wait3A] : memref<2x10240x128xf32, #tpu.memory_space<hbm>> -> memref<1x128x128xf32, #tpu.memory_space<hbm>>
      %dma_wait3A_458 = tpu.memref_squeeze %dma_wait3A_457 : memref<1x128x128xf32, #tpu.memory_space<hbm>> -> memref<128x128xf32, #tpu.memory_space<hbm>>
      %dma_wait3A_459 = arith.constant 0 : i32
      %dma_wait3A_460 = tpu.memref_slice %arg5[%arg0, %add3A_438, %dma_wait3A_459] : memref<2x10240x128xf32, #tpu.memory_space<hbm>> -> memref<1x128x128xf32, #tpu.memory_space<hbm>>
      %dma_wait3A_461 = tpu.memref_squeeze %dma_wait3A_460 : memref<1x128x128xf32, #tpu.memory_space<hbm>> -> memref<128x128xf32, #tpu.memory_space<hbm>>
      tpu.wait_dma2 semaphore(%run_scoped3A : memref<!tpu.dma_semaphore, #tpu.memory_space<semaphore_mem>>) src(%arg11 : memref<128x128xf32, #tpu.memory_space<vmem>>) dst(%dma_wait3A_461 : memref<128x128xf32, #tpu.memory_space<hbm>>)
      tpu.yield
    }) : () -> ()
    %add3A_439 = arith.constant 256 : i32
    %add3A_440 = arith.addi %mul3A_2, %add3A_439 : i32
    "tpu.region"() ({
      %run_scoped3A = tpu.sem_alloc : memref<!tpu.dma_semaphore, #tpu.memory_space<semaphore_mem>>
      %dma_start3A_451 = arith.constant 0 : i32
      %dma_start3A_452 = tpu.memref_slice %arg13[%add3A_440, %dma_start3A_451] : memref<10240x128xf32, #tpu.memory_space<vmem_shared>> -> memref<128x128xf32, #tpu.memory_space<vmem_shared>>
      %dma_start3A_453 = arith.constant 0 : i32
      %dma_start3A_454 = tpu.memref_slice %arg13[%add3A_440, %dma_start3A_453] : memref<10240x128xf32, #tpu.memory_space<vmem_shared>> -> memref<128x128xf32, #tpu.memory_space<vmem_shared>>
      tpu.enqueue_dma source(%dma_start3A_454 : memref<128x128xf32, #tpu.memory_space<vmem_shared>>) target(%arg11 : memref<128x128xf32, #tpu.memory_space<vmem>>) target_semaphore(%run_scoped3A : memref<!tpu.dma_semaphore, #tpu.memory_space<semaphore_mem>>)
      %dma_wait3A = arith.constant 0 : i32
      %dma_wait3A_455 = tpu.memref_slice %arg13[%add3A_440, %dma_wait3A] : memref<10240x128xf32, #tpu.memory_space<vmem_shared>> -> memref<128x128xf32, #tpu.memory_space<vmem_shared>>
      %dma_wait3A_456 = arith.constant 0 : i32
      %dma_wait3A_457 = tpu.memref_slice %arg13[%add3A_440, %dma_wait3A_456] : memref<10240x128xf32, #tpu.memory_space<vmem_shared>> -> memref<128x128xf32, #tpu.memory_space<vmem_shared>>
      tpu.wait_dma2 semaphore(%run_scoped3A : memref<!tpu.dma_semaphore, #tpu.memory_space<semaphore_mem>>) src(%dma_wait3A_457 : memref<128x128xf32, #tpu.memory_space<vmem_shared>>) dst(%arg11 : memref<128x128xf32, #tpu.memory_space<vmem>>)
      tpu.yield
    }) : () -> ()
    %add3A_441 = arith.constant 256 : i32
    %add3A_442 = arith.addi %mul3A_2, %add3A_441 : i32
    "tpu.region"() ({
      %run_scoped3A = tpu.sem_alloc : memref<!tpu.dma_semaphore, #tpu.memory_space<semaphore_mem>>
      %dma_start3A_451 = arith.constant 0 : i32
      %dma_start3A_452 = tpu.memref_slice %arg5[%arg0, %add3A_442, %dma_start3A_451] : memref<2x10240x128xf32, #tpu.memory_space<hbm>> -> memref<1x128x128xf32, #tpu.memory_space<hbm>>
      %dma_start3A_453 = tpu.memref_squeeze %dma_start3A_452 : memref<1x128x128xf32, #tpu.memory_space<hbm>> -> memref<128x128xf32, #tpu.memory_space<hbm>>
      %dma_start3A_454 = arith.constant 0 : i32
      %dma_start3A_455 = tpu.memref_slice %arg5[%arg0, %add3A_442, %dma_start3A_454] : memref<2x10240x128xf32, #tpu.memory_space<hbm>> -> memref<1x128x128xf32, #tpu.memory_space<hbm>>
      %dma_start3A_456 = tpu.memref_squeeze %dma_start3A_455 : memref<1x128x128xf32, #tpu.memory_space<hbm>> -> memref<128x128xf32, #tpu.memory_space<hbm>>
      tpu.enqueue_dma source(%arg11 : memref<128x128xf32, #tpu.memory_space<vmem>>) target(%dma_start3A_456 : memref<128x128xf32, #tpu.memory_space<hbm>>) target_semaphore(%run_scoped3A : memref<!tpu.dma_semaphore, #tpu.memory_space<semaphore_mem>>)
      %dma_wait3A = arith.constant 0 : i32
      %dma_wait3A_457 = tpu.memref_slice %arg5[%arg0, %add3A_442, %dma_wait3A] : memref<2x10240x128xf32, #tpu.memory_space<hbm>> -> memref<1x128x128xf32, #tpu.memory_space<hbm>>
      %dma_wait3A_458 = tpu.memref_squeeze %dma_wait3A_457 : memref<1x128x128xf32, #tpu.memory_space<hbm>> -> memref<128x128xf32, #tpu.memory_space<hbm>>
      %dma_wait3A_459 = arith.constant 0 : i32
      %dma_wait3A_460 = tpu.memref_slice %arg5[%arg0, %add3A_442, %dma_wait3A_459] : memref<2x10240x128xf32, #tpu.memory_space<hbm>> -> memref<1x128x128xf32, #tpu.memory_space<hbm>>
      %dma_wait3A_461 = tpu.memref_squeeze %dma_wait3A_460 : memref<1x128x128xf32, #tpu.memory_space<hbm>> -> memref<128x128xf32, #tpu.memory_space<hbm>>
      tpu.wait_dma2 semaphore(%run_scoped3A : memref<!tpu.dma_semaphore, #tpu.memory_space<semaphore_mem>>) src(%arg11 : memref<128x128xf32, #tpu.memory_space<vmem>>) dst(%dma_wait3A_461 : memref<128x128xf32, #tpu.memory_space<hbm>>)
      tpu.yield
    }) : () -> ()
    %add3A_443 = arith.constant 384 : i32
    %add3A_444 = arith.addi %mul3A_2, %add3A_443 : i32
    "tpu.region"() ({
      %run_scoped3A = tpu.sem_alloc : memref<!tpu.dma_semaphore, #tpu.memory_space<semaphore_mem>>
      %dma_start3A_451 = arith.constant 0 : i32
      %dma_start3A_452 = tpu.memref_slice %arg13[%add3A_444, %dma_start3A_451] : memref<10240x128xf32, #tpu.memory_space<vmem_shared>> -> memref<128x128xf32, #tpu.memory_space<vmem_shared>>
      %dma_start3A_453 = arith.constant 0 : i32
      %dma_start3A_454 = tpu.memref_slice %arg13[%add3A_444, %dma_start3A_453] : memref<10240x128xf32, #tpu.memory_space<vmem_shared>> -> memref<128x128xf32, #tpu.memory_space<vmem_shared>>
      tpu.enqueue_dma source(%dma_start3A_454 : memref<128x128xf32, #tpu.memory_space<vmem_shared>>) target(%arg11 : memref<128x128xf32, #tpu.memory_space<vmem>>) target_semaphore(%run_scoped3A : memref<!tpu.dma_semaphore, #tpu.memory_space<semaphore_mem>>)
      %dma_wait3A = arith.constant 0 : i32
      %dma_wait3A_455 = tpu.memref_slice %arg13[%add3A_444, %dma_wait3A] : memref<10240x128xf32, #tpu.memory_space<vmem_shared>> -> memref<128x128xf32, #tpu.memory_space<vmem_shared>>
      %dma_wait3A_456 = arith.constant 0 : i32
      %dma_wait3A_457 = tpu.memref_slice %arg13[%add3A_444, %dma_wait3A_456] : memref<10240x128xf32, #tpu.memory_space<vmem_shared>> -> memref<128x128xf32, #tpu.memory_space<vmem_shared>>
      tpu.wait_dma2 semaphore(%run_scoped3A : memref<!tpu.dma_semaphore, #tpu.memory_space<semaphore_mem>>) src(%dma_wait3A_457 : memref<128x128xf32, #tpu.memory_space<vmem_shared>>) dst(%arg11 : memref<128x128xf32, #tpu.memory_space<vmem>>)
      tpu.yield
    }) : () -> ()
    %add3A_445 = arith.constant 384 : i32
    %add3A_446 = arith.addi %mul3A_2, %add3A_445 : i32
    "tpu.region"() ({
      %run_scoped3A = tpu.sem_alloc : memref<!tpu.dma_semaphore, #tpu.memory_space<semaphore_mem>>
      %dma_start3A_451 = arith.constant 0 : i32
      %dma_start3A_452 = tpu.memref_slice %arg5[%arg0, %add3A_446, %dma_start3A_451] : memref<2x10240x128xf32, #tpu.memory_space<hbm>> -> memref<1x128x128xf32, #tpu.memory_space<hbm>>
      %dma_start3A_453 = tpu.memref_squeeze %dma_start3A_452 : memref<1x128x128xf32, #tpu.memory_space<hbm>> -> memref<128x128xf32, #tpu.memory_space<hbm>>
      %dma_start3A_454 = arith.constant 0 : i32
      %dma_start3A_455 = tpu.memref_slice %arg5[%arg0, %add3A_446, %dma_start3A_454] : memref<2x10240x128xf32, #tpu.memory_space<hbm>> -> memref<1x128x128xf32, #tpu.memory_space<hbm>>
      %dma_start3A_456 = tpu.memref_squeeze %dma_start3A_455 : memref<1x128x128xf32, #tpu.memory_space<hbm>> -> memref<128x128xf32, #tpu.memory_space<hbm>>
      tpu.enqueue_dma source(%arg11 : memref<128x128xf32, #tpu.memory_space<vmem>>) target(%dma_start3A_456 : memref<128x128xf32, #tpu.memory_space<hbm>>) target_semaphore(%run_scoped3A : memref<!tpu.dma_semaphore, #tpu.memory_space<semaphore_mem>>)
      %dma_wait3A = arith.constant 0 : i32
      %dma_wait3A_457 = tpu.memref_slice %arg5[%arg0, %add3A_446, %dma_wait3A] : memref<2x10240x128xf32, #tpu.memory_space<hbm>> -> memref<1x128x128xf32, #tpu.memory_space<hbm>>
      %dma_wait3A_458 = tpu.memref_squeeze %dma_wait3A_457 : memref<1x128x128xf32, #tpu.memory_space<hbm>> -> memref<128x128xf32, #tpu.memory_space<hbm>>
      %dma_wait3A_459 = arith.constant 0 : i32
      %dma_wait3A_460 = tpu.memref_slice %arg5[%arg0, %add3A_446, %dma_wait3A_459] : memref<2x10240x128xf32, #tpu.memory_space<hbm>> -> memref<1x128x128xf32, #tpu.memory_space<hbm>>
      %dma_wait3A_461 = tpu.memref_squeeze %dma_wait3A_460 : memref<1x128x128xf32, #tpu.memory_space<hbm>> -> memref<128x128xf32, #tpu.memory_space<hbm>>
      tpu.wait_dma2 semaphore(%run_scoped3A : memref<!tpu.dma_semaphore, #tpu.memory_space<semaphore_mem>>) src(%arg11 : memref<128x128xf32, #tpu.memory_space<vmem>>) dst(%dma_wait3A_461 : memref<128x128xf32, #tpu.memory_space<hbm>>)
      tpu.yield
    }) : () -> ()
    %add3A_447 = arith.constant 512 : i32
    %add3A_448 = arith.addi %mul3A_2, %add3A_447 : i32
    "tpu.region"() ({
      %run_scoped3A = tpu.sem_alloc : memref<!tpu.dma_semaphore, #tpu.memory_space<semaphore_mem>>
      %dma_start3A_451 = arith.constant 0 : i32
      %dma_start3A_452 = tpu.memref_slice %arg13[%add3A_448, %dma_start3A_451] : memref<10240x128xf32, #tpu.memory_space<vmem_shared>> -> memref<128x128xf32, #tpu.memory_space<vmem_shared>>
      %dma_start3A_453 = arith.constant 0 : i32
      %dma_start3A_454 = tpu.memref_slice %arg13[%add3A_448, %dma_start3A_453] : memref<10240x128xf32, #tpu.memory_space<vmem_shared>> -> memref<128x128xf32, #tpu.memory_space<vmem_shared>>
      tpu.enqueue_dma source(%dma_start3A_454 : memref<128x128xf32, #tpu.memory_space<vmem_shared>>) target(%arg11 : memref<128x128xf32, #tpu.memory_space<vmem>>) target_semaphore(%run_scoped3A : memref<!tpu.dma_semaphore, #tpu.memory_space<semaphore_mem>>)
      %dma_wait3A = arith.constant 0 : i32
      %dma_wait3A_455 = tpu.memref_slice %arg13[%add3A_448, %dma_wait3A] : memref<10240x128xf32, #tpu.memory_space<vmem_shared>> -> memref<128x128xf32, #tpu.memory_space<vmem_shared>>
      %dma_wait3A_456 = arith.constant 0 : i32
      %dma_wait3A_457 = tpu.memref_slice %arg13[%add3A_448, %dma_wait3A_456] : memref<10240x128xf32, #tpu.memory_space<vmem_shared>> -> memref<128x128xf32, #tpu.memory_space<vmem_shared>>
      tpu.wait_dma2 semaphore(%run_scoped3A : memref<!tpu.dma_semaphore, #tpu.memory_space<semaphore_mem>>) src(%dma_wait3A_457 : memref<128x128xf32, #tpu.memory_space<vmem_shared>>) dst(%arg11 : memref<128x128xf32, #tpu.memory_space<vmem>>)
      tpu.yield
    }) : () -> ()
    %add3A_449 = arith.constant 512 : i32
    %add3A_450 = arith.addi %mul3A_2, %add3A_449 : i32
    "tpu.region"() ({
      %run_scoped3A = tpu.sem_alloc : memref<!tpu.dma_semaphore, #tpu.memory_space<semaphore_mem>>
      %dma_start3A_451 = arith.constant 0 : i32
      %dma_start3A_452 = tpu.memref_slice %arg5[%arg0, %add3A_450, %dma_start3A_451] : memref<2x10240x128xf32, #tpu.memory_space<hbm>> -> memref<1x128x128xf32, #tpu.memory_space<hbm>>
      %dma_start3A_453 = tpu.memref_squeeze %dma_start3A_452 : memref<1x128x128xf32, #tpu.memory_space<hbm>> -> memref<128x128xf32, #tpu.memory_space<hbm>>
      %dma_start3A_454 = arith.constant 0 : i32
      %dma_start3A_455 = tpu.memref_slice %arg5[%arg0, %add3A_450, %dma_start3A_454] : memref<2x10240x128xf32, #tpu.memory_space<hbm>> -> memref<1x128x128xf32, #tpu.memory_space<hbm>>
      %dma_start3A_456 = tpu.memref_squeeze %dma_start3A_455 : memref<1x128x128xf32, #tpu.memory_space<hbm>> -> memref<128x128xf32, #tpu.memory_space<hbm>>
      tpu.enqueue_dma source(%arg11 : memref<128x128xf32, #tpu.memory_space<vmem>>) target(%dma_start3A_456 : memref<128x128xf32, #tpu.memory_space<hbm>>) target_semaphore(%run_scoped3A : memref<!tpu.dma_semaphore, #tpu.memory_space<semaphore_mem>>)
      %dma_wait3A = arith.constant 0 : i32
      %dma_wait3A_457 = tpu.memref_slice %arg5[%arg0, %add3A_450, %dma_wait3A] : memref<2x10240x128xf32, #tpu.memory_space<hbm>> -> memref<1x128x128xf32, #tpu.memory_space<hbm>>
      %dma_wait3A_458 = tpu.memref_squeeze %dma_wait3A_457 : memref<1x128x128xf32, #tpu.memory_space<hbm>> -> memref<128x128xf32, #tpu.memory_space<hbm>>
      %dma_wait3A_459 = arith.constant 0 : i32
      %dma_wait3A_460 = tpu.memref_slice %arg5[%arg0, %add3A_450, %dma_wait3A_459] : memref<2x10240x128xf32, #tpu.memory_space<hbm>> -> memref<1x128x128xf32, #tpu.memory_space<hbm>>
      %dma_wait3A_461 = tpu.memref_squeeze %dma_wait3A_460 : memref<1x128x128xf32, #tpu.memory_space<hbm>> -> memref<128x128xf32, #tpu.memory_space<hbm>>
      tpu.wait_dma2 semaphore(%run_scoped3A : memref<!tpu.dma_semaphore, #tpu.memory_space<semaphore_mem>>) src(%arg11 : memref<128x128xf32, #tpu.memory_space<vmem>>) dst(%dma_wait3A_461 : memref<128x128xf32, #tpu.memory_space<hbm>>)
      tpu.yield
    }) : () -> ()
    return
  }
}

module attributes {stable_mosaic.version = 14 : i64} {
  func.func @_stage1_body(%arg0: i32, %arg1: memref<2000x2xf32, #tpu.memory_space<vmem>>, %arg2: memref<2000x128xf32, #tpu.memory_space<vmem>>, %arg3: memref<128x128xf32, #tpu.memory_space<vmem>>, %arg4: memref<2000x128xf32, #tpu.memory_space<vmem>>, %arg5: memref<2000x1xf32, #tpu.memory_space<vmem>>) attributes {dimension_semantics = [#tpu.dimension_semantics<arbitrary>], iteration_bounds = array<i64: 5>, scalar_prefetch = 0 : i64, scratch_operands = 0 : i64, tpu.core_type = #tpu.core_type<tc>, window_params = [{transform_indices = @transform_0, window_bounds = array<i64: 2000, 2>}, {transform_indices = @transform_1, window_bounds = array<i64: 2000, 128>}, {pipeline_mode = #tpu.pipeline_mode<synchronous>, transform_indices = @transform_2, window_bounds = array<i64: 128, 128>}, {transform_indices = @transform_3, window_bounds = array<i64: 2000, 128>}, {transform_indices = @transform_4, window_bounds = array<i64: 2000, 1>}]} {
    %get3A = arith.constant 0 : index
    %get3A_0 = arith.constant 0 : index
    %get3A_1 = vector.load %arg1[%get3A, %get3A_0] : memref<2000x2xf32, #tpu.memory_space<vmem>>, vector<2000x1xf32>
    %get3A_2 = arith.constant 0 : index
    %get3A_3 = arith.constant 1 : index
    %get3A_4 = vector.load %arg1[%get3A_2, %get3A_3] : memref<2000x2xf32, #tpu.memory_space<vmem>>, vector<2000x1xf32>
    %add3A = arith.addf %get3A_1, %get3A_4 : vector<2000x1xf32>
    %add3A_5 = arith.constant 1.000000e+00 : f32
    %add3A_6 = vector.broadcast %add3A_5 : f32 to vector<2000x1xf32>
    %add3A_7 = arith.addf %add3A, %add3A_6 : vector<2000x1xf32>
    %rsqrt3A = math.rsqrt %add3A_7 : vector<2000x1xf32>
    %get3A_8 = arith.constant 0 : index
    %get3A_9 = arith.constant 0 : index
    %get3A_10 = vector.load %arg2[%get3A_8, %get3A_9] : memref<2000x128xf32, #tpu.memory_space<vmem>>, vector<2000x128xf32>
    %get3A_11 = arith.constant 0 : index
    %get3A_12 = arith.constant 0 : index
    %get3A_13 = vector.load %arg3[%get3A_11, %get3A_12] : memref<128x128xf32, #tpu.memory_space<vmem>>, vector<128x128xf32>
    %dot_general3A = arith.constant dense<0.000000e+00> : vector<2000x128xf32>
    %dot_general3A_14 = tpu.matmul %get3A_10, %get3A_13, %dot_general3A {dimension_numbers = #tpu.dot_dimension_numbers<[1], [0], [0], [1], [0, 0, 1, 1], [], []>, transpose_lhs_hint = false} : vector<2000x128xf32>, vector<128x128xf32>, vector<2000x128xf32> -> vector<2000x128xf32>
    %mul3A = vector.broadcast %rsqrt3A : vector<2000x1xf32> to vector<2000x128xf32>
    %mul3A_15 = arith.mulf %mul3A, %dot_general3A_14 : vector<2000x128xf32>
    %swap3A = arith.constant 0 : index
    %swap3A_16 = arith.constant 0 : index
    %swap3A_17 = vector.load %arg4[%swap3A, %swap3A_16] : memref<2000x128xf32, #tpu.memory_space<vmem>>, vector<2000x128xf32>
    tpu.vector_store %arg4[%swap3A, %swap3A_16], %mul3A_15 {strides = array<i32>} : memref<2000x128xf32, #tpu.memory_space<vmem>>, vector<2000x128xf32>,
    %swap3A_18 = arith.constant 0 : index
    %swap3A_19 = arith.constant 0 : index
    %swap3A_20 = vector.load %arg5[%swap3A_18, %swap3A_19] : memref<2000x1xf32, #tpu.memory_space<vmem>>, vector<2000x1xf32>
    tpu.vector_store %arg5[%swap3A_18, %swap3A_19], %rsqrt3A {strides = array<i32>} : memref<2000x1xf32, #tpu.memory_space<vmem>>, vector<2000x1xf32>,
    return
  }
  func.func @transform_0(%arg0: i32) -> (i32, i32) {
    %c0_i32 = arith.constant 0 : i32
    %c0_i32_0 = arith.constant 0 : i32
    return %arg0, %c0_i32 : i32, i32
  }
  func.func @transform_1(%arg0: i32) -> (i32, i32) {
    %c0_i32 = arith.constant 0 : i32
    %c0_i32_0 = arith.constant 0 : i32
    return %arg0, %c0_i32 : i32, i32
  }
  func.func @transform_2(%arg0: i32) -> (i32, i32) {
    %c0_i32 = arith.constant 0 : i32
    %c0_i32_0 = arith.constant 0 : i32
    %c0_i32_1 = arith.constant 0 : i32
    return %c0_i32, %c0_i32_0 : i32, i32
  }
  func.func @transform_3(%arg0: i32) -> (i32, i32) {
    %c0_i32 = arith.constant 0 : i32
    %c0_i32_0 = arith.constant 0 : i32
    return %arg0, %c0_i32 : i32, i32
  }
  func.func @transform_4(%arg0: i32) -> (i32, i32) {
    %c0_i32 = arith.constant 0 : i32
    %c0_i32_0 = arith.constant 0 : i32
    return %arg0, %c0_i32 : i32, i32
  }
}

module attributes {stable_mosaic.version = 14 : i64} {
  func.func @_stage2_body(%arg0: i32, %arg1: memref<2x2000x128xf32, #tpu.memory_space<vmem>>, %arg2: memref<2000x128xf32, #tpu.memory_space<vmem>>, %arg3: memref<2000x1xf32, #tpu.memory_space<vmem>>, %arg4: memref<1x128xf32, #tpu.memory_space<vmem>>, %arg5: memref<128x64xf32, #tpu.memory_space<vmem>>, %arg6: memref<2000x64xf32, #tpu.memory_space<vmem>>) attributes {dimension_semantics = [#tpu.dimension_semantics<arbitrary>], iteration_bounds = array<i64: 5>, scalar_prefetch = 0 : i64, scratch_operands = 0 : i64, tpu.core_type = #tpu.core_type<tc>, window_params = [{transform_indices = @transform_0, window_bounds = array<i64: 2, 2000, 128>}, {transform_indices = @transform_1, window_bounds = array<i64: 2000, 128>}, {transform_indices = @transform_2, window_bounds = array<i64: 2000, 1>}, {pipeline_mode = #tpu.pipeline_mode<synchronous>, transform_indices = @transform_3, window_bounds = array<i64: 1, 128>}, {pipeline_mode = #tpu.pipeline_mode<synchronous>, transform_indices = @transform_4, window_bounds = array<i64: 128, 64>}, {transform_indices = @transform_5, window_bounds = array<i64: 2000, 64>}]} {
    %get3A = arith.constant 0 : index
    %get3A_0 = arith.constant 0 : index
    %get3A_1 = vector.load %arg3[%get3A, %get3A_0] : memref<2000x1xf32, #tpu.memory_space<vmem>>, vector<2000x1xf32>
    %get3A_2 = arith.constant 0 : index
    %get3A_3 = arith.constant 0 : index
    %get3A_4 = arith.constant 0 : index
    %get3A_5 = vector.load %arg1[%get3A_2, %get3A_3, %get3A_4] : memref<2x2000x128xf32, #tpu.memory_space<vmem>>, vector<1x2000x128xf32>
    %get3A_6 = vector.shape_cast %get3A_5 : vector<1x2000x128xf32> to vector<2000x128xf32>
    %get3A_7 = arith.constant 1 : index
    %get3A_8 = arith.constant 0 : index
    %get3A_9 = arith.constant 0 : index
    %get3A_10 = vector.load %arg1[%get3A_7, %get3A_8, %get3A_9] : memref<2x2000x128xf32, #tpu.memory_space<vmem>>, vector<1x2000x128xf32>
    %get3A_11 = vector.shape_cast %get3A_10 : vector<1x2000x128xf32> to vector<2000x128xf32>
    %add3A = arith.addf %get3A_6, %get3A_11 : vector<2000x128xf32>
    %get3A_12 = arith.constant 0 : index
    %get3A_13 = arith.constant 0 : index
    %get3A_14 = vector.load %arg2[%get3A_12, %get3A_13] : memref<2000x128xf32, #tpu.memory_space<vmem>>, vector<2000x128xf32>
    %add3A_15 = arith.addf %add3A, %get3A_14 : vector<2000x128xf32>
    %mul3A = vector.broadcast %get3A_1 : vector<2000x1xf32> to vector<2000x128xf32>
    %mul3A_16 = arith.mulf %mul3A, %add3A_15 : vector<2000x128xf32>
    %get3A_17 = arith.constant 0 : index
    %get3A_18 = arith.constant 0 : index
    %get3A_19 = vector.load %arg4[%get3A_17, %get3A_18] : memref<1x128xf32, #tpu.memory_space<vmem>>, vector<1x128xf32>
    %add3A_20 = vector.broadcast %get3A_19 : vector<1x128xf32> to vector<2000x128xf32>
    %add3A_21 = arith.addf %mul3A_16, %add3A_20 : vector<2000x128xf32>
    %max3A = arith.constant 0.000000e+00 : f32
    %max3A_22 = vector.broadcast %max3A : f32 to vector<2000x128xf32>
    %max3A_23 = arith.maximumf %add3A_21, %max3A_22 : vector<2000x128xf32>
    %get3A_24 = arith.constant 0 : index
    %get3A_25 = arith.constant 0 : index
    %get3A_26 = vector.load %arg5[%get3A_24, %get3A_25] : memref<128x64xf32, #tpu.memory_space<vmem>>, vector<128x64xf32>
    %dot_general3A = arith.constant dense<0.000000e+00> : vector<2000x64xf32>
    %dot_general3A_27 = tpu.matmul %max3A_23, %get3A_26, %dot_general3A {dimension_numbers = #tpu.dot_dimension_numbers<[1], [0], [0], [1], [0, 0, 1, 1], [], []>, transpose_lhs_hint = false} : vector<2000x128xf32>, vector<128x64xf32>, vector<2000x64xf32> -> vector<2000x64xf32>
    %mul3A_28 = vector.broadcast %get3A_1 : vector<2000x1xf32> to vector<2000x64xf32>
    %mul3A_29 = arith.mulf %mul3A_28, %dot_general3A_27 : vector<2000x64xf32>
    %swap3A = arith.constant 0 : index
    %swap3A_30 = arith.constant 0 : index
    %swap3A_31 = vector.load %arg6[%swap3A, %swap3A_30] : memref<2000x64xf32, #tpu.memory_space<vmem>>, vector<2000x64xf32>
    tpu.vector_store %arg6[%swap3A, %swap3A_30], %mul3A_29 {strides = array<i32>} : memref<2000x64xf32, #tpu.memory_space<vmem>>, vector<2000x64xf32>,
    return
  }
  func.func @transform_0(%arg0: i32) -> (i32, i32, i32) {
    %c0_i32 = arith.constant 0 : i32
    %c0_i32_0 = arith.constant 0 : i32
    %c0_i32_1 = arith.constant 0 : i32
    return %c0_i32, %arg0, %c0_i32_0 : i32, i32, i32
  }
  func.func @transform_1(%arg0: i32) -> (i32, i32) {
    %c0_i32 = arith.constant 0 : i32
    %c0_i32_0 = arith.constant 0 : i32
    return %arg0, %c0_i32 : i32, i32
  }
  func.func @transform_2(%arg0: i32) -> (i32, i32) {
    %c0_i32 = arith.constant 0 : i32
    %c0_i32_0 = arith.constant 0 : i32
    return %arg0, %c0_i32 : i32, i32
  }
  func.func @transform_3(%arg0: i32) -> (i32, i32) {
    %c0_i32 = arith.constant 0 : i32
    %c0_i32_0 = arith.constant 0 : i32
    %c0_i32_1 = arith.constant 0 : i32
    return %c0_i32, %c0_i32_0 : i32, i32
  }
  func.func @transform_4(%arg0: i32) -> (i32, i32) {
    %c0_i32 = arith.constant 0 : i32
    %c0_i32_0 = arith.constant 0 : i32
    %c0_i32_1 = arith.constant 0 : i32
    return %c0_i32, %c0_i32_0 : i32, i32
  }
  func.func @transform_5(%arg0: i32) -> (i32, i32) {
    %c0_i32 = arith.constant 0 : i32
    %c0_i32_0 = arith.constant 0 : i32
    return %arg0, %c0_i32 : i32, i32
  }
}

module attributes {stable_mosaic.version = 14 : i64} {
  func.func @_stage3_body(%arg0: i32, %arg1: memref<2x2000x64xf32, #tpu.memory_space<vmem>>, %arg2: memref<2000x64xf32, #tpu.memory_space<vmem>>, %arg3: memref<2000x1xf32, #tpu.memory_space<vmem>>, %arg4: memref<1x64xf32, #tpu.memory_space<vmem>>, %arg5: memref<2000x64xf32, #tpu.memory_space<vmem>>) attributes {dimension_semantics = [#tpu.dimension_semantics<arbitrary>], iteration_bounds = array<i64: 5>, scalar_prefetch = 0 : i64, scratch_operands = 0 : i64, tpu.core_type = #tpu.core_type<tc>, window_params = [{transform_indices = @transform_0, window_bounds = array<i64: 2, 2000, 64>}, {transform_indices = @transform_1, window_bounds = array<i64: 2000, 64>}, {transform_indices = @transform_2, window_bounds = array<i64: 2000, 1>}, {pipeline_mode = #tpu.pipeline_mode<synchronous>, transform_indices = @transform_3, window_bounds = array<i64: 1, 64>}, {transform_indices = @transform_4, window_bounds = array<i64: 2000, 64>}]} {
    %get3A = arith.constant 0 : index
    %get3A_0 = arith.constant 0 : index
    %get3A_1 = arith.constant 0 : index
    %get3A_2 = vector.load %arg1[%get3A, %get3A_0, %get3A_1] : memref<2x2000x64xf32, #tpu.memory_space<vmem>>, vector<1x2000x64xf32>
    %get3A_3 = vector.shape_cast %get3A_2 : vector<1x2000x64xf32> to vector<2000x64xf32>
    %get3A_4 = arith.constant 1 : index
    %get3A_5 = arith.constant 0 : index
    %get3A_6 = arith.constant 0 : index
    %get3A_7 = vector.load %arg1[%get3A_4, %get3A_5, %get3A_6] : memref<2x2000x64xf32, #tpu.memory_space<vmem>>, vector<1x2000x64xf32>
    %get3A_8 = vector.shape_cast %get3A_7 : vector<1x2000x64xf32> to vector<2000x64xf32>
    %add3A = arith.addf %get3A_3, %get3A_8 : vector<2000x64xf32>
    %get3A_9 = arith.constant 0 : index
    %get3A_10 = arith.constant 0 : index
    %get3A_11 = vector.load %arg2[%get3A_9, %get3A_10] : memref<2000x64xf32, #tpu.memory_space<vmem>>, vector<2000x64xf32>
    %add3A_12 = arith.addf %add3A, %get3A_11 : vector<2000x64xf32>
    %get3A_13 = arith.constant 0 : index
    %get3A_14 = arith.constant 0 : index
    %get3A_15 = vector.load %arg3[%get3A_13, %get3A_14] : memref<2000x1xf32, #tpu.memory_space<vmem>>, vector<2000x1xf32>
    %mul3A = vector.broadcast %get3A_15 : vector<2000x1xf32> to vector<2000x64xf32>
    %mul3A_16 = arith.mulf %mul3A, %add3A_12 : vector<2000x64xf32>
    %get3A_17 = arith.constant 0 : index
    %get3A_18 = arith.constant 0 : index
    %get3A_19 = vector.load %arg4[%get3A_17, %get3A_18] : memref<1x64xf32, #tpu.memory_space<vmem>>, vector<1x64xf32>
    %add3A_20 = vector.broadcast %get3A_19 : vector<1x64xf32> to vector<2000x64xf32>
    %add3A_21 = arith.addf %mul3A_16, %add3A_20 : vector<2000x64xf32>
    %reduce_max3A = arith.constant dense<0xFF800000> : vector<2000xf32>
    %reduce_max3A_22 = vector.multi_reduction <maximumf>, %add3A_21, %reduce_max3A [1] : vector<2000x64xf32> to vector<2000xf32>
    %broadcast_in_dim3A = vector.shape_cast %reduce_max3A_22 : vector<2000xf32> to vector<2000x1xf32>
    %sub3A = vector.broadcast %broadcast_in_dim3A : vector<2000x1xf32> to vector<2000x64xf32>
    %sub3A_23 = arith.subf %add3A_21, %sub3A : vector<2000x64xf32>
    %exp3A = math.exp %sub3A_23 : vector<2000x64xf32>
    %reduce_sum3A = arith.constant dense<0.000000e+00> : vector<2000xf32>
    %reduce_sum3A_24 = vector.multi_reduction <add>, %exp3A, %reduce_sum3A [1] : vector<2000x64xf32> to vector<2000xf32>
    %broadcast_in_dim3A_25 = vector.shape_cast %reduce_sum3A_24 : vector<2000xf32> to vector<2000x1xf32>
    %log3A = math.log %broadcast_in_dim3A_25 : vector<2000x1xf32>
    %sub3A_26 = vector.broadcast %log3A : vector<2000x1xf32> to vector<2000x64xf32>
    %sub3A_27 = arith.subf %sub3A_23, %sub3A_26 : vector<2000x64xf32>
    %swap3A = arith.constant 0 : index
    %swap3A_28 = arith.constant 0 : index
    %swap3A_29 = vector.load %arg5[%swap3A, %swap3A_28] : memref<2000x64xf32, #tpu.memory_space<vmem>>, vector<2000x64xf32>
    tpu.vector_store %arg5[%swap3A, %swap3A_28], %sub3A_27 {strides = array<i32>} : memref<2000x64xf32, #tpu.memory_space<vmem>>, vector<2000x64xf32>,
    return
  }
  func.func @transform_0(%arg0: i32) -> (i32, i32, i32) {
    %c0_i32 = arith.constant 0 : i32
    %c0_i32_0 = arith.constant 0 : i32
    %c0_i32_1 = arith.constant 0 : i32
    return %c0_i32, %arg0, %c0_i32_0 : i32, i32, i32
  }
  func.func @transform_1(%arg0: i32) -> (i32, i32) {
    %c0_i32 = arith.constant 0 : i32
    %c0_i32_0 = arith.constant 0 : i32
    return %arg0, %c0_i32 : i32, i32
  }
  func.func @transform_2(%arg0: i32) -> (i32, i32) {
    %c0_i32 = arith.constant 0 : i32
    %c0_i32_0 = arith.constant 0 : i32
    return %arg0, %c0_i32 : i32, i32
  }
  func.func @transform_3(%arg0: i32) -> (i32, i32) {
    %c0_i32 = arith.constant 0 : i32
    %c0_i32_0 = arith.constant 0 : i32
    %c0_i32_1 = arith.constant 0 : i32
    return %c0_i32, %c0_i32_0 : i32, i32
  }
  func.func @transform_4(%arg0: i32) -> (i32, i32) {
    %c0_i32 = arith.constant 0 : i32
    %c0_i32_0 = arith.constant 0 : i32
    return %arg0, %c0_i32 : i32, i32
  }
}

</mosaic_0001>

<sc_bundles>
// kernel: kernel.11.cloned.1.call-start
scs
__scs_entry_jumppad:
0x0: {  	(pc) =	sbr.rel $0x88, $3  }
0x1: {  	(tag) =	ssettag $0x0;
	lr =	simm.s32 $0x1  }
0x2: {  	[smem:$0x3F9B] =	sst lr;
	_ =	strace $0xD0000000  }
0x3: {  	_ = 	snop  }
0x4: {  	_ = 	snop  }
0x5: {  	_ = 	snop  }
0x6: {  	_ = 	snop  }
0x7: {  	_ = 	snop  }
__scs_overlays_trampoline_lowered:
0x8: {  	[smem:$0x3FAA] =	sst s0  }
0x9: {  	[smem:$0x3FAB] =	sst s1  }
0xa: {  	[smem:$0x3FAC] =	sst s2  }
0xb: {  	[smem:$0x3FAD] =	sst s3  }
0xc: {  	[smem:$0x3FAE] =	sst s4  }
0xd: {  	[smem:$0x3FAF] =	sst s5  }
0xe: {  	[smem:$0x3FB0] =	sst s6  }
0xf: {  	[smem:$0x3FB1] =	sst s7  }
0x10: {  	[smem:$0x3FB2] =	sst s8  }
0x11: {  	[smem:$0x3FB3] =	sst s9;
	s0 =	simm.s32 @!p0 $0x0  }
0x12: {  	s1 =	sld [smem:$0x3F99];
	s0 =	simm.s32 @p0 $0x1  }
0x13: {  	[smem:$0x3FB4] =	sst s0;
	s0 =	simm.s32 @!p1 $0x0  }
0x14: {  	s2 =	sld [smem:$0x3F98];
	s0 =	simm.s32 @p1 $0x1  }
0x15: {  	[smem:$0x3FB5] =	sst s0;
	s0 =	simm.s32 @!p2 $0x0  }
0x16: {  	s3 =	sld [smem:$0x3FDB];
	s0 =	simm.s32 @p2 $0x1  }
0x17: {  	s4 =	simm.s32 $0x1BF5;
	[smem:$0x3FB7] =	sst s0  }
0x18: {  	s0 =	sld [smem:$0x3F9A];
	_ =	swait.ge [sflag:s4], $0x0  }
0x19: {  	s7 =	sld [smem:$0x3F9B]  }
0x1a: {  	s8 =	sadd.s32 $0xFFFFE003, lr  }
0x1b: {  	s9 =	sadd.s32 $0xFFFFFEF7, lr;
	s5 =	simm.s32 $0xFFFFFFFF;
	p2 =	slt.u32 s8, $0xFFFFF086  }
0x1c: {  	p1 =	slt.u32 s9, $0xF7A;
	s5 =	simm.s32 @!p2 $0x0  }
0x1d: {  	s5 =	simm.s32 @p1 $0x1;
	p0 =	seq.s32 s7, s2  }
0x1e: {  	s7 =	smul.u32 @!p0 $0xF7A, s2;
	p2 =	seq.s32 @!p0 s5, $0x0  }
0x1f: {  	s9 =	smul.u32 $0xF7A, s1;
	s8 =	simm.s32 @!p0 $0x1BF5;
	p2 =	por !p2, p0  }
0x20: {  	[sflag:s8] =	ssyncset.s32 @!p0 $0xFFFFF086;
	s6 =	sadd.s32 @!p0 s3, s7;
	s7 =	simm.s32 @!p0 $0x108  }
0x21: {  	s3 =	sadd.s32 s3, s9;
	s6 =	sadd.s32 @!p0 $0x88, s6;
	s7 =	simm.s32 @p2 $0x1082  }
0x22: {  	[simem:s7], [sflag:s8] =	dma.local @!p0 [hbm:s6], $0xF7A  }
0x23: {  	s9 =	sor.u32 $0xD0000000, s2;
	s6 =	simm.s32 $0x108;
	_ =	swait.ge @!p0 [sflag:s8], $0x0  }
0x24: {  	s3 =	sadd.s32 $0x88, s3;
	s6 =	simm.s32 @!p1 $0x1082;
	[sflag:s4] =	ssyncset.s32 $0xFFFFF086  }
0x25: {  	[simem:s6], [sflag:s4] =	dma.local [hbm:s3], $0xF7A  }
0x26: {  	[smem:$0x3F9B] =	sst s1;
	(tag) =	ssettag s2;
	_ =	strace s9  }
0x27: {  	s1 =	sld [smem:$0x3FAB]  }
0x28: {  	s2 =	sld [smem:$0x3FAC]  }
0x29: {  	s4 =	sld [smem:$0x3FAE]  }
0x2a: {  	p0 =	seq.s32 s5, $0x0;
	s5 =	sld [smem:$0x3FAF]  }
0x2b: {  	s6 =	sld [smem:$0x3FB0]  }
0x2c: {  	s7 =	sld [smem:$0x3FB1]  }
0x2d: {  	s3 =	simm.s32 $0x108;
	s8 =	sld [smem:$0x3FB2]  }
0x2e: {  	s3 =	simm.s32 @!p0 $0x1082;
	s9 =	sld [smem:$0x3FB3]  }
0x2f: {  	lr =	sadd.s32 s0, s3;
	s0 =	sld [smem:$0x3FAA]  }
0x30: {  	s3 =	sld [smem:$0x3FAD]  }
0x31: {  	[smem:$0x3FB6] =	sst s10  }
0x32: {  	s10 =	sld [smem:$0x3FB4];
	_ =	sdelay $0x3  }
0x33: {  	p0 =	seq.s32 s10, $0x1;
	s10 =	sld [smem:$0x3FB6];
	_ =	sdelay $0x3  }
0x34: {  	[smem:$0x3FB6] =	sst s10  }
0x35: {  	s10 =	sld [smem:$0x3FB5];
	_ =	sdelay $0x3  }
0x36: {  	p1 =	seq.s32 s10, $0x1;
	s10 =	sld [smem:$0x3FB6];
	_ =	sdelay $0x3  }
0x37: {  	[smem:$0x3FB6] =	sst s10  }
0x38: {  	s10 =	sld [smem:$0x3FB7]  }
0x39: {  	_ = 	snop;
	(pc) =	sbr.ind lr, $3  }
0x3a: {  	_ = 	snop  }
0x3b: {  	_ = 	snop  }
0x3c: {  	p2 =	seq.s32 s10, $0x1;
	s10 =	sld [smem:$0x3FB6]  }
0x3d: {  	_ =	shalt  }
0x3e: {  	_ =	shalt  }
0x3f: {  	_ =	shalt  }
0x40: {  	_ =	shalt  }
0x41: {  	_ =	shalt  }
0x42: {  	_ =	shalt  }
0x43: {  	_ =	shalt  }
0x44: {  	_ =	shalt  }
0x45: {  	_ =	shalt  }
0x46: {  	_ =	shalt  }
0x47: {  	_ =	shalt  }
0x48: {  	_ =	shalt  }
0x49: {  	_ =	shalt  }
0x4a: {  	_ =	shalt  }
0x4b: {  	_ =	shalt  }
0x4c: {  	_ =	shalt  }
0x4d: {  	_ =	shalt  }
0x4e: {  	_ =	shalt  }
0x4f: {  	_ =	shalt  }
0x50: {  	_ =	shalt  }
0x51: {  	_ =	shalt  }
0x52: {  	_ =	shalt  }
0x53: {  	_ =	shalt  }
0x54: {  	_ =	shalt  }
0x55: {  	_ =	shalt  }
0x56: {  	_ =	shalt  }
0x57: {  	_ =	shalt  }
0x58: {  	_ =	shalt  }
0x59: {  	_ =	shalt  }
0x5a: {  	_ =	shalt  }
0x5b: {  	_ =	shalt  }
0x5c: {  	_ =	shalt  }
0x5d: {  	_ =	shalt  }
0x5e: {  	_ =	shalt  }
0x5f: {  	_ =	shalt  }
0x60: {  	_ =	shalt  }
0x61: {  	_ =	shalt  }
0x62: {  	_ =	shalt  }
0x63: {  	_ =	shalt  }
0x64: {  	_ =	shalt  }
0x65: {  	_ =	shalt  }
0x66: {  	_ =	shalt  }
0x67: {  	_ =	shalt  }
0x68: {  	_ =	shalt  }
0x69: {  	_ =	shalt  }
0x6a: {  	_ =	shalt  }
0x6b: {  	_ =	shalt  }
0x6c: {  	_ =	shalt  }
0x6d: {  	_ =	shalt  }
0x6e: {  	_ =	shalt  }
0x6f: {  	_ =	shalt  }
0x70: {  	_ =	shalt  }
0x71: {  	_ =	shalt  }
0x72: {  	_ =	shalt  }
0x73: {  	_ =	shalt  }
0x74: {  	_ =	shalt  }
0x75: {  	_ =	shalt  }
0x76: {  	_ =	shalt  }
0x77: {  	_ =	shalt  }
0x78: {  	_ =	shalt  }
0x79: {  	_ =	shalt  }
0x7a: {  	_ =	shalt  }
0x7b: {  	_ =	shalt  }
0x7c: {  	_ =	shalt  }
0x7d: {  	_ =	shalt  }
0x7e: {  	_ =	shalt  }
0x7f: {  	_ =	shalt  }
0x80: {  	_ =	shalt  }
0x81: {  	_ =	shalt  }
0x82: {  	_ =	shalt  }
0x83: {  	_ =	shalt  }
0x84: {  	_ =	shalt  }
0x85: {  	_ =	shalt  }
0x86: {  	_ =	shalt  }
0x87: {  	_ =	shalt  }
.Lfunc_end0:
.L_simem_size_0:
called_computation.1_lowered:
.L_overlay_start_0:
0x88: {  	s2 =	sld [smem:$0x3FD9]  }
0x89: {  	s3 =	sld [smem:$0x3FFE];
	_ =	sdelay $0x1  }
0x8a: {  	s1 =	srdreg.scid  }
0x8b: {  	s0 =	sand.u32 $0x1, s1  }
0x8c: {  	s17 =	sshll.u32 s0, $0xA;
	s2 =	sadd.s32 s3, s2  }
0x8d: {  	s2 =	sadd.s32 s2, s17  }
0x8e: {  	[smem:$0x3FC2] =	sst s2  }
0x8f: {  	_ = 	snop  }
0x90: {  	s2 =	sld [smem:$0x3FD0];
	(tm) =	ssettm $0x1  }
0x91: {  	s18 =	sld [smem:$0x3FFB];
	_ =	sdelay $0x3  }
0x92: {  	_ =	strace s18  }
0x93: {  	s3 =	sld [smem:$0x3FFC];
	_ =	sdelay $0x3  }
0x94: {  	_ =	strace s3  }
0x95: {  	s3 =	sld [smem:$0x3FFD];
	_ =	sdelay $0x3  }
0x96: {  	_ =	strace s3  }
0x97: {  	_ =	strace $0x8FFFFFFF  }
0x98: {  	s19 =	sld [smem:$0x3FDB];
	_ =	sdelay $0x1  }
0x99: {  	s4 =	simm.s32 $_scs_section_size  }
0x9a: {  	s5 =	simm.s32 $_size__tile_overlayer_lowered;
	s6 =	simm.s32 $_tile_overlayer_lowered  }
0x9b: {  	s22 =	simm.s32 $0x1BFF;
	s21 =	sshll.u32 s6, $0x1;
	s3 =	sadd.s32 s4, s19  }
0x9c: {  	s7 =	simm.s32 $0x0;
	s20 =	sshll.u32 s5, $0x1;
	s5 =	sadd.s32 s21, s3  }
0x9d: {  	[timem:s7], [sflag:s22] =	dma.local [hbm:s5], s20  }
0x9e: {  	_ =	swait.ge [sflag:s22], s20  }
0x9f: {  	s4 =	ssub.s32 $0x0, s20;
	[sflag:s22] =	ssyncset.done $0x0  }
0xa0: {  	[sflag:s22] =	ssyncadd.s32 s4;
	_ =	sdelay $0x1  }
0xa1: {  	s23 =	simm.s32 $0x1B8B  }
0xa2: {  	_ =	swait.ge [sflag:s23], $0x1  }
0xa3: {  	[sflag:s23] =	ssyncset.done $0x0  }
0xa4: {  	s25 =	simm.s32 $0x1B8E;
	s24 =	sld [smem:$0x3FFE];
	[sflag:s23] =	ssyncadd.s32 $0xFFFFFFFF  }
0xa5: {  	s26 =	simm.s32 $execute0_lowered;
	[smem:$0x3FD2] =	sst s25  }
0xa6: {  	s5 =	sshll.u32 s26, $0x1;
	_ =	strace $0x80000049;
	[dreg:$0x1] =	wrdreg $0xFFFFFFFF  }
0xa7: {  	s28 =	simm.s32 $_size_execute0_lowered;
	s3 =	sadd.s32 s3, s5;
	[dreg:$0x0] =	wrdreg $0x0  }
0xa8: {  	s5 =	sshll.u32 s28, $0x1;
	[dreg:$0x2] =	wrdreg s3  }
0xa9: {  	[dreg:$0x3] =	wrdreg s5  }
0xaa: {  	[dreg:$0x4] =	wrdreg $0xC0  }
0xab: {  	_ =	task [dreg:s7], $0x5FFFF  }
0xac: {  	[dreg:$0x1] =	wrdreg $0xFFFFFFFF  }
0xad: {  	[dreg:$0x0] =	wrdreg $0x60  }
0xae: {  	[dreg:$0x2] =	wrdreg s24  }
0xaf: {  	[dreg:$0x3] =	wrdreg s2  }
0xb0: {  	[dreg:$0x4] =	wrdreg $0xBB000  }
0xb1: {  	[dreg:$0x5] =	wrdreg $0x9  }
0xb2: {  	_ =	task.clear_ibuf [dreg:s7], $0x6FFFF;
	_ =	strace $0x90000049  }
0xb3: {  	s29 =	simm.s32 $0x9;
	_ =	strace $0x8000004B  }
0xb4: {  	_ =	swait.ge [sflag:s29], $0x1  }
0xb5: {  	[sflag:s29] =	ssyncadd.s32 $0xFFFFFFFF  }
0xb6: {  	_ =	strace $0x9000004B  }
0xb7: {  	_ =	sfence  }
0xb8: {  	s30 =	sld [smem:$0x0];
	_ =	sdelay $0x2  }
0xb9: {  	s31 =	sshll.u32 s1, $0xD;
	s1 =	sshrl.u32 s1, $0x2  }
0xba: {  	s3 =	sand.u32 $0x4000, s31;
	s1 =	sadd.s32 s1, s30  }
0xbb: {  	s0 =	sor.u32 s3, s0;
	s1 =	sshll.u32 s1, $0x11  }
0xbc: {  	s0 =	sor.u32 s1, s0  }
0xbd: {  	s0 =	sadd.s32 $0x8F2B, s0  }
0xbe: {  	[sflag:s0] =	ssyncadd.remote.s32 $0x1  }
0xbf: {  	_ =	sfence.sel $0xFFFF  }
0xc0: {  	[dreg:$0x0] =	wrdreg $0xFFFFFFFF;
	(pc) =	sbr.abs _section_cstart, $3  }
0xc1: {  	[dreg:$0x1] =	wrdreg $0xFFFFFFFF  }
0xc2: {  	_ =	task.clear_ibuf [dreg:s7], $0x2FFFF;
	_ =	strace $0x9FFFFFFF  }
0xc3: {  	(tm) =	ssettm $0x7FFFFFFF  }
tec
execute0_lowered:
.L_overlay_start_1:
0x0: {  	(tag) =	ssettag $0x1  }
0x1: {  	s1 =	rddreg [dreg:$0x0];
	s4 =	srdreg.scid  }
0x2: {  	s0 =	stileid.u32;
	s3 =	rddreg [dreg:$0x2];
	s24 =	simm.s32 $0x7B00  }
0x3: {  	s25 =	simm.s32 $0x1;
	s26 =	simm.s32 $0x2;
	s28 =	simm.s32 $0x3  }
0x4: {  	s29 =	simm.s32 $0x0;
	s12 =	sand.u32 $0x1, s4;
	s5 =	sshll.u32 s0, $0x1  }
0x5: {  	s4 =	simm.s32 $0x0;
	s13 =	smul.u32 $0x14000, s0;
	s5 =	sor.u32 s12, s5  }
0x6: {  	[smem:$0x7FF] =	sst s4;
	s7 =	ssub.s32 $0x2, s12;
	s20 =	smul.u32 $0x140000, s12  }
0x7: {  	p0 =	seq.s32 s12, $0x0;
	s12 =	simm.s32 $0x2C;
	s6 =	smul.u32 $0x720, s5  }
0x8: {  	_ =	strace $0x8000004A;
	s5 =	sadd.s32 $0x11200, s1;
	s8 =	sshrl.u32 s7, $0x1  }
0x9: {  	s14 =	sadd.s32 $0x4000, s13;
	s16 =	sadd.s32 $0x8000, s13;
	s17 =	sadd.s32 $0xC000, s13  }
0xa: {  	s18 =	sadd.s32 $0x10000, s13;
	s12 =	simm.s32 @!p0 $0x72;
	s19 =	ssub.s32 s7, s8  }
0xb: {  	s7 =	sadd.s32 s13, s3;
	s8 =	sadd.s32 s14, s3;
	s9 =	sadd.s32 s16, s3  }
0xc: {  	s10 =	sadd.s32 s17, s3;
	s11 =	sadd.s32 s18, s3;
	s15 =	sadd.s32 s13, s20  }
0xd: {  	s14 =	sadd.s32 s20, s14;
	s13 =	sshrl.u32 s12, $0x1;
	s16 =	sadd.s32 s20, s16  }
0xe: {  	s17 =	sadd.s32 s20, s17;
	s18 =	sadd.s32 s20, s18;
	s20 =	simm.s32 $0x3B00  }
0xf: {  	s6 =	sadd.s32 s6, s1;
	s1 =	sadd.s32 $0x38400, s1;
	s15 =	sshrl.u32 s15, $0x3  }
0x10: {  	s21 =	sshrl.u32 s14, $0x3;
	s16 =	sshrl.u32 s16, $0x3;
	s17 =	sshrl.u32 s17, $0x3  }
0x11: {  	s18 =	sshrl.u32 s18, $0x3;
	s19 =	smax.u32 s19, $0x1;
	s6 =	sadd.s32 $0x2E00, s6  }
0x12: {  	s14 =	sadd.s32 s1, s15;
	s15 =	sadd.s32 s1, s21;
	s16 =	sadd.s32 s1, s16  }
0x13: {  	s17 =	sadd.s32 s1, s17;
	s18 =	sadd.s32 s1, s18;
	s21 =	simm.s32 $0x80  }
.LBB2_1:
0x14: {  	[tilespmem:s4], [sflag:$0x3] =	stream.linear.gather [hbm4b:s6+s4], $0x3900, $0x38;
	[tilespmem:$0x1FB00] =	vst v63  }
0x15: {  	_ =	swait.ge [sflag:s28], $0x3900  }
0x16: {  	[sflag:s28] =	ssyncset.done $0x0  }
0x17: {  	[sflag:s28] =	ssyncadd.s32 $0xFFFFC700  }
0x18: {  	s0 =	rddreg [dreg:$0x1]  }
0x19: {  	[tilespmem:s20], [sflag:$0x3] =	stream.linear.gather [hbm4b:s0+s4], $0x4000, $0x38;
	[tilespmem:$0x1FB00] =	vst v63  }
0x1a: {  	_ =	swait.ge [sflag:s28], $0x4000  }
0x1b: {  	[sflag:s28] =	ssyncset.done $0x0  }
0x1c: {  	[sflag:s28] =	ssyncadd.s32 $0xFFFFC000  }
0x1d: {  	[spmem:s7] =	stream.linear.scatter [tilespmem:s20], [sflag:$0x3], $0x4000, $0x38;
	[tilespmem:$0x1FB00] =	vst v63  }
0x1e: {  	_ =	swait.ge [sflag:s28], $0x4000  }
0x1f: {  	[sflag:s28] =	ssyncset.done $0x0  }
0x20: {  	[sflag:s28] =	ssyncadd.s32 $0xFFFFC000  }
0x21: {  	[spmem:s8] =	stream.linear.scatter [tilespmem:s20], [sflag:$0x3], $0x4000, $0x38;
	[tilespmem:$0x1FB00] =	vst v63  }
0x22: {  	_ =	swait.ge [sflag:s28], $0x4000  }
0x23: {  	[sflag:s28] =	ssyncset.done $0x0  }
0x24: {  	[sflag:s28] =	ssyncadd.s32 $0xFFFFC000  }
0x25: {  	[spmem:s9] =	stream.linear.scatter [tilespmem:s20], [sflag:$0x3], $0x4000, $0x38;
	[tilespmem:$0x1FB00] =	vst v63  }
0x26: {  	_ =	swait.ge [sflag:s28], $0x4000  }
0x27: {  	[sflag:s28] =	ssyncset.done $0x0  }
0x28: {  	[sflag:s28] =	ssyncadd.s32 $0xFFFFC000  }
0x29: {  	[spmem:s10] =	stream.linear.scatter [tilespmem:s20], [sflag:$0x3], $0x4000, $0x38;
	[tilespmem:$0x1FB00] =	vst v63  }
0x2a: {  	_ =	swait.ge [sflag:s28], $0x4000  }
0x2b: {  	[sflag:s28] =	ssyncset.done $0x0  }
0x2c: {  	[sflag:s28] =	ssyncadd.s32 $0xFFFFC000  }
0x2d: {  	[spmem:s11] =	stream.linear.scatter [tilespmem:s20], [sflag:$0x3], $0x4000, $0x38;
	[tilespmem:$0x1FB00] =	vst v63  }
0x2e: {  	_ =	swait.ge [sflag:s28], $0x4000  }
0x2f: {  	[sflag:s28] =	ssyncset.done $0x0  }
0x30: {  	[sflag:s28] =	ssyncadd.s32 $0xFFFFC000  }
0x31: {  	[bflag:$0x0] =	sbarrier.arrive $0xFFFF  }
0x32: {  	v0 =	vld [tilespmem:$0x0]  }
0x33: {  	v1 =	vld [tilespmem:$0x10]  }
0x34: {  	v2 =	vld [tilespmem:$0x20]  }
0x35: {  	v3 =	vld [tilespmem:$0x30]  }
0x36: {  	v4 =	vld [tilespmem:$0x40]  }
0x37: {  	v5 =	vld [tilespmem:$0x50];
	v0 =	vand.u32 $0x3FFF, v0  }
0x38: {  	[tilespmem:$0x3900] =	vst v0;
	v0 =	vand.u32 $0x3FFF, v1;
	v1 =	vld [tilespmem:$0x60]  }
0x39: {  	[tilespmem:$0x3910] =	vst v0;
	v0 =	vand.u32 $0x3FFF, v2;
	v2 =	vld [tilespmem:$0x70]  }
0x3a: {  	[tilespmem:$0x3920] =	vst v0;
	v0 =	vand.u32 $0x3FFF, v3  }
0x3b: {  	[tilespmem:$0x3930] =	vst v0;
	v0 =	vand.u32 $0x3FFF, v4  }
0x3c: {  	[tilespmem:$0x3940] =	vst v0;
	v0 =	vand.u32 $0x3FFF, v5  }
0x3d: {  	[tilespmem:$0x3950] =	vst v0;
	v0 =	vand.u32 $0x3FFF, v1  }
0x3e: {  	[tilespmem:$0x3960] =	vst v0;
	v0 =	vand.u32 $0x3FFF, v2  }
0x3f: {  	s22 =	simm.s32 $0x3900;
	[tilespmem:$0x3970] =	vst v0  }
0x40: {  	[tilespmem:s20], [sflag:$0x1] =	stream.indirect.gather [hbm4b:s5+s21], $0x80, s22, s21, $0xb8;
	[tilespmem:$0x1FB00] =	vst v63  }
0x41: {  	v0 =	vld [tilespmem:$0x80]  }
0x42: {  	v1 =	vld [tilespmem:$0x90]  }
0x43: {  	v2 =	vld [tilespmem:$0xA0]  }
0x44: {  	v3 =	vld [tilespmem:$0xB0]  }
0x45: {  	v56 =	vld [tilespmem:$0xC0]  }
0x46: {  	v57 =	vld [tilespmem:$0xD0];
	v0 =	vand.u32 $0x3FFF, v0  }
0x47: {  	[tilespmem:$0x3980] =	vst v0;
	v0 =	vand.u32 $0x3FFF, v1;
	v1 =	vld [tilespmem:$0xE0]  }
0x48: {  	[tilespmem:$0x3990] =	vst v0;
	v0 =	vand.u32 $0x3FFF, v2;
	v2 =	vld [tilespmem:$0xF0]  }
0x49: {  	[tilespmem:$0x39A0] =	vst v0;
	v0 =	vand.u32 $0x3FFF, v3  }
0x4a: {  	[tilespmem:$0x39B0] =	vst v0;
	v0 =	vand.u32 $0x3FFF, v56  }
0x4b: {  	[tilespmem:$0x39C0] =	vst v0;
	v0 =	vand.u32 $0x3FFF, v57  }
0x4c: {  	[tilespmem:$0x39D0] =	vst v0;
	v0 =	vand.u32 $0x3FFF, v1  }
0x4d: {  	[tilespmem:$0x39E0] =	vst v0;
	v0 =	vand.u32 $0x3FFF, v2  }
0x4e: {  	s23 =	simm.s32 $0x3980;
	[tilespmem:$0x39F0] =	vst v0  }
0x4f: {  	[tilespmem:s24], [sflag:$0x2] =	stream.indirect.gather [hbm4b:s5+s21], $0x80, s23, s21, $0xb8;
	[tilespmem:$0x1FB00] =	vst v63  }
0x50: {  	v0 =	vld [tilespmem:$0x0]  }
0x51: {  	v1 =	vld [tilespmem:$0x10]  }
0x52: {  	v2 =	vld [tilespmem:$0x20]  }
0x53: {  	v3 =	vld [tilespmem:$0x30]  }
0x54: {  	v58 =	vld [tilespmem:$0x40]  }
0x55: {  	v59 =	vld [tilespmem:$0x50];
	v0 =	vshrl.u32 v0, $0xE  }
0x56: {  	[tilespmem:$0x3A00] =	vst v0;
	v0 =	vshrl.u32 v1, $0xE;
	v1 =	vld [tilespmem:$0x60]  }
0x57: {  	[tilespmem:$0x3A10] =	vst v0;
	v0 =	vshrl.u32 v2, $0xE;
	v2 =	vld [tilespmem:$0x70]  }
0x58: {  	[tilespmem:$0x3A20] =	vst v0;
	v0 =	vshrl.u32 v3, $0xE;
	v3 =	vld [tilespmem:$0x80]  }
0x59: {  	v60 =	vld [tilespmem:$0x90];
	[tilespmem:$0x3A30] =	vst v0;
	v0 =	vshrl.u32 v58, $0xE  }
0x5a: {  	v61 =	vld [tilespmem:$0xA0];
	[tilespmem:$0x3A40] =	vst v0;
	v0 =	vshrl.u32 v59, $0xE  }
0x5b: {  	[tilespmem:$0x3A50] =	vst v0;
	v0 =	vshrl.u32 v1, $0xE;
	v1 =	vld [tilespmem:$0xB0]  }
0x5c: {  	[tilespmem:$0x3A60] =	vst v0;
	v0 =	vshrl.u32 v2, $0xE;
	v2 =	vld [tilespmem:$0xC0]  }
0x5d: {  	[tilespmem:$0x3A70] =	vst v0;
	v0 =	vshrl.u32 v3, $0xE;
	v3 =	vld [tilespmem:$0xD0]  }
0x5e: {  	v62 =	vld [tilespmem:$0xE0];
	[tilespmem:$0x3A80] =	vst v0;
	v0 =	vshrl.u32 v60, $0xE  }
0x5f: {  	v63 =	vld [tilespmem:$0xF0];
	[tilespmem:$0x3A90] =	vst v0;
	v0 =	vshrl.u32 v61, $0xE  }
0x60: {  	[tilespmem:$0x3AA0] =	vst v0;
	v0 =	vshrl.u32 v1, $0xE  }
0x61: {  	[tilespmem:$0x3AB0] =	vst v0;
	v0 =	vshrl.u32 v2, $0xE  }
0x62: {  	[tilespmem:$0x3AC0] =	vst v0;
	v0 =	vshrl.u32 v3, $0xE  }
0x63: {  	[tilespmem:$0x3AD0] =	vst v0;
	v0 =	vshrl.u32 v62, $0xE  }
0x64: {  	[tilespmem:$0x3AE0] =	vst v0;
	v0 =	vshrl.u32 v63, $0xE  }
0x65: {  	[tilespmem:$0x3AF0] =	vst v0  }
0x66: {  	p0 =	sle.u32 s12, $0x2;
	_ =	swait.ge [sflag:s25], $0x4000  }
0x67: {  	s1 =	simm.s32 @p0 $0x80;
	s30 =	simm.s32 @p0 $0x3A00;
	[sflag:s25] =	ssyncset.done $0x0  }
0x68: {  	s31 =	simm.s32 @p0 $0x3B00;
	s0 =	simm.s32 @p0 $0x3;
	[sflag:s25] =	ssyncadd.s32 $0xFFFFC000  }
0x69: {  	[spmem:s3] =	stream.indirect.scatter.add.f32 @p0 [tilespmem:s31], [sflag:$0x3], $0x80, s30, s1, $0xb8;
	[tilespmem:$0x1FB00] =	vst v63  }
0x6a: {  	_ =	swait.ge @p0 [sflag:s0], $0x4000  }
0x6b: {  	[sflag:s0] =	ssyncset.done @p0 $0x0  }
0x6c: {  	s30 =	simm.s32 $0x1F0;
	[sflag:s0] =	ssyncadd.s32 @p0 $0xFFFFC000  }
0x6d: {  	v0 =	vld @!p0 [tilespmem:s30+$0xFFFFFF10];
	_ =	sdelay $0x4  }
0x6e: {  	v0 =	vand.u32 @!p0 $0x3FFF, v0  }
0x6f: {  	[tilespmem:$0x3900] =	vst @!p0 v0  }
0x70: {  	v0 =	vld @!p0 [tilespmem:s30+$0xFFFFFF20];
	_ =	sdelay $0x4  }
0x71: {  	v0 =	vand.u32 @!p0 $0x3FFF, v0  }
0x72: {  	[tilespmem:$0x3910] =	vst @!p0 v0  }
0x73: {  	v0 =	vld @!p0 [tilespmem:s30+$0xFFFFFF30];
	_ =	sdelay $0x4  }
0x74: {  	v0 =	vand.u32 @!p0 $0x3FFF, v0  }
0x75: {  	[tilespmem:$0x3920] =	vst @!p0 v0  }
0x76: {  	v0 =	vld @!p0 [tilespmem:s30+$0xFFFFFF40];
	_ =	sdelay $0x4  }
0x77: {  	v0 =	vand.u32 @!p0 $0x3FFF, v0  }
0x78: {  	[tilespmem:$0x3930] =	vst @!p0 v0  }
0x79: {  	v0 =	vld @!p0 [tilespmem:s30+$0xFFFFFF50];
	_ =	sdelay $0x4  }
0x7a: {  	v0 =	vand.u32 @!p0 $0x3FFF, v0  }
0x7b: {  	[tilespmem:$0x3940] =	vst @!p0 v0  }
0x7c: {  	v0 =	vld @!p0 [tilespmem:s30+$0xFFFFFF60];
	_ =	sdelay $0x4  }
0x7d: {  	v0 =	vand.u32 @!p0 $0x3FFF, v0  }
0x7e: {  	[tilespmem:$0x3950] =	vst @!p0 v0  }
0x7f: {  	v0 =	vld @!p0 [tilespmem:s30+$0xFFFFFF70];
	_ =	sdelay $0x4  }
0x80: {  	v0 =	vand.u32 @!p0 $0x3FFF, v0  }
0x81: {  	[tilespmem:$0x3960] =	vst @!p0 v0  }
0x82: {  	v0 =	vld @!p0 [tilespmem:s30+$0xFFFFFF80];
	_ =	sdelay $0x4  }
0x83: {  	v0 =	vand.u32 @!p0 $0x3FFF, v0  }
0x84: {  	s1 =	simm.s32 @!p0 $0x3900;
	s31 =	simm.s32 @!p0 $0x3B00;
	s0 =	simm.s32 @!p0 $0x80;
	[tilespmem:$0x3970] =	vst @!p0 v0  }
0x85: {  	[tilespmem:s31], [sflag:$0x1] =	stream.indirect.gather @!p0 [hbm4b:s5+s0], $0x80, s1, s0, $0xb8;
	[tilespmem:$0x1FB00] =	vst v63  }
0x86: {  	s2 =	simm.s32 @!p0 $0x3;
	s1 =	simm.s32 @!p0 $0x3A00  }
0x87: {  	[spmem:s3] =	stream.indirect.scatter.add.f32 @!p0 [tilespmem:s31], [sflag:$0x3], $0x80, s1, s0, $0xb8;
	[tilespmem:$0x1FB00] =	vst v63  }
0x88: {  	_ =	swait.ge @!p0 [sflag:s2], $0x4000  }
0x89: {  	[sflag:s2] =	ssyncset.done @!p0 $0x0  }
0x8a: {  	[sflag:s2] =	ssyncadd.s32 @!p0 $0xFFFFC000  }
0x8b: {  	v0 =	vld @!p0 [tilespmem:s30+$0xFFFFFF10];
	_ =	sdelay $0x4  }
0x8c: {  	v0 =	vshrl.u32 @!p0 v0, $0xE  }
0x8d: {  	[tilespmem:$0x3A00] =	vst @!p0 v0  }
0x8e: {  	v0 =	vld @!p0 [tilespmem:s30+$0xFFFFFF20];
	_ =	sdelay $0x4  }
0x8f: {  	v0 =	vshrl.u32 @!p0 v0, $0xE  }
0x90: {  	[tilespmem:$0x3A10] =	vst @!p0 v0  }
0x91: {  	v0 =	vld @!p0 [tilespmem:s30+$0xFFFFFF30];
	_ =	sdelay $0x4  }
0x92: {  	v0 =	vshrl.u32 @!p0 v0, $0xE  }
0x93: {  	[tilespmem:$0x3A20] =	vst @!p0 v0  }
0x94: {  	v0 =	vld @!p0 [tilespmem:s30+$0xFFFFFF40];
	_ =	sdelay $0x4  }
0x95: {  	v0 =	vshrl.u32 @!p0 v0, $0xE  }
0x96: {  	[tilespmem:$0x3A30] =	vst @!p0 v0  }
0x97: {  	v0 =	vld @!p0 [tilespmem:s30+$0xFFFFFF50];
	_ =	sdelay $0x4  }
0x98: {  	v0 =	vshrl.u32 @!p0 v0, $0xE  }
0x99: {  	[tilespmem:$0x3A40] =	vst @!p0 v0  }
0x9a: {  	v0 =	vld @!p0 [tilespmem:s30+$0xFFFFFF60];
	_ =	sdelay $0x4  }
0x9b: {  	v0 =	vshrl.u32 @!p0 v0, $0xE  }
0x9c: {  	[tilespmem:$0x3A50] =	vst @!p0 v0  }
0x9d: {  	v0 =	vld @!p0 [tilespmem:s30+$0xFFFFFF70];
	_ =	sdelay $0x4  }
0x9e: {  	v0 =	vshrl.u32 @!p0 v0, $0xE  }
0x9f: {  	[tilespmem:$0x3A60] =	vst @!p0 v0  }
0xa0: {  	v0 =	vld @!p0 [tilespmem:s30+$0xFFFFFF80];
	_ =	sdelay $0x4  }
0xa1: {  	v0 =	vshrl.u32 @!p0 v0, $0xE  }
0xa2: {  	[tilespmem:$0x3A70] =	vst @!p0 v0  }
0xa3: {  	p1 =	sle.u32 s12, $0x3;
	_ =	swait.ge [sflag:s26], $0x4000  }
0xa4: {  	s0 =	simm.s32 @p1 $0x80;
	s1 =	simm.s32 @p1 $0x7B00;
	[sflag:s26] =	ssyncset.done $0x0  }
0xa5: {  	s31 =	simm.s32 @p1 $0x3;
	s2 =	simm.s32 @p1 $0x3A80;
	[sflag:s26] =	ssyncadd.s32 $0xFFFFC000  }
0xa6: {  	[spmem:s3] =	stream.indirect.scatter.add.f32 @p1 [tilespmem:s1], [sflag:$0x3], $0x80, s2, s0, $0xb8;
	[tilespmem:$0x1FB00] =	vst v63  }
0xa7: {  	_ =	swait.ge @p1 [sflag:s31], $0x4000  }
0xa8: {  	[sflag:s31] =	ssyncset.done @p1 $0x0  }
0xa9: {  	[sflag:s31] =	ssyncadd.s32 @p1 $0xFFFFC000  }
0xaa: {  	v0 =	vld @!p1 [tilespmem:s30+$0xFFFFFF90];
	_ =	sdelay $0x4  }
0xab: {  	v0 =	vand.u32 @!p1 $0x3FFF, v0  }
0xac: {  	[tilespmem:$0x3980] =	vst @!p1 v0  }
0xad: {  	v0 =	vld @!p1 [tilespmem:s30+$0xFFFFFFA0];
	_ =	sdelay $0x4  }
0xae: {  	v0 =	vand.u32 @!p1 $0x3FFF, v0  }
0xaf: {  	[tilespmem:$0x3990] =	vst @!p1 v0  }
0xb0: {  	v0 =	vld @!p1 [tilespmem:s30+$0xFFFFFFB0];
	_ =	sdelay $0x4  }
0xb1: {  	v0 =	vand.u32 @!p1 $0x3FFF, v0  }
0xb2: {  	[tilespmem:$0x39A0] =	vst @!p1 v0  }
0xb3: {  	v0 =	vld @!p1 [tilespmem:s30+$0xFFFFFFC0];
	_ =	sdelay $0x4  }
0xb4: {  	v0 =	vand.u32 @!p1 $0x3FFF, v0  }
0xb5: {  	[tilespmem:$0x39B0] =	vst @!p1 v0  }
0xb6: {  	v0 =	vld @!p1 [tilespmem:s30+$0xFFFFFFD0];
	_ =	sdelay $0x4  }
0xb7: {  	v0 =	vand.u32 @!p1 $0x3FFF, v0  }
0xb8: {  	[tilespmem:$0x39C0] =	vst @!p1 v0  }
0xb9: {  	v0 =	vld @!p1 [tilespmem:s30+$0xFFFFFFE0];
	_ =	sdelay $0x4  }
0xba: {  	v0 =	vand.u32 @!p1 $0x3FFF, v0  }
0xbb: {  	[tilespmem:$0x39D0] =	vst @!p1 v0  }
0xbc: {  	v0 =	vld @!p1 [tilespmem:s30+$0xFFFFFFF0];
	_ =	sdelay $0x4  }
0xbd: {  	v0 =	vand.u32 @!p1 $0x3FFF, v0  }
0xbe: {  	[tilespmem:$0x39E0] =	vst @!p1 v0  }
0xbf: {  	v0 =	vld @!p1 [tilespmem:s30+$0x0];
	_ =	sdelay $0x4  }
0xc0: {  	v0 =	vand.u32 @!p1 $0x3FFF, v0  }
0xc1: {  	s0 =	simm.s32 @!p1 $0x80;
	s1 =	simm.s32 @!p1 $0x3980;
	s2 =	simm.s32 @!p1 $0x7B00;
	[tilespmem:$0x39F0] =	vst @!p1 v0  }
0xc2: {  	[tilespmem:s2], [sflag:$0x2] =	stream.indirect.gather @!p1 [hbm4b:s5+s0], $0x80, s1, s0, $0xb8;
	[tilespmem:$0x1FB00] =	vst v63  }
0xc3: {  	s31 =	simm.s32 @!p1 $0x3;
	s1 =	simm.s32 @!p1 $0x3A80  }
0xc4: {  	[spmem:s3] =	stream.indirect.scatter.add.f32 @!p1 [tilespmem:s2], [sflag:$0x3], $0x80, s1, s0, $0xb8;
	[tilespmem:$0x1FB00] =	vst v63  }
0xc5: {  	_ =	swait.ge @!p1 [sflag:s31], $0x4000  }
0xc6: {  	[sflag:s31] =	ssyncset.done @!p1 $0x0  }
0xc7: {  	[sflag:s31] =	ssyncadd.s32 @!p1 $0xFFFFC000  }
0xc8: {  	v0 =	vld @!p1 [tilespmem:s30+$0xFFFFFF90];
	_ =	sdelay $0x4  }
0xc9: {  	v0 =	vshrl.u32 @!p1 v0, $0xE  }
0xca: {  	[tilespmem:$0x3A80] =	vst @!p1 v0  }
0xcb: {  	v0 =	vld @!p1 [tilespmem:s30+$0xFFFFFFA0];
	_ =	sdelay $0x4  }
0xcc: {  	v0 =	vshrl.u32 @!p1 v0, $0xE  }
0xcd: {  	[tilespmem:$0x3A90] =	vst @!p1 v0  }
0xce: {  	v0 =	vld @!p1 [tilespmem:s30+$0xFFFFFFB0];
	_ =	sdelay $0x4  }
0xcf: {  	v0 =	vshrl.u32 @!p1 v0, $0xE  }
0xd0: {  	[tilespmem:$0x3AA0] =	vst @!p1 v0  }
0xd1: {  	v0 =	vld @!p1 [tilespmem:s30+$0xFFFFFFC0];
	_ =	sdelay $0x4  }
0xd2: {  	v0 =	vshrl.u32 @!p1 v0, $0xE  }
0xd3: {  	[tilespmem:$0x3AB0] =	vst @!p1 v0  }
0xd4: {  	v0 =	vld @!p1 [tilespmem:s30+$0xFFFFFFD0];
	_ =	sdelay $0x4  }
0xd5: {  	v0 =	vshrl.u32 @!p1 v0, $0xE  }
0xd6: {  	[tilespmem:$0x3AC0] =	vst @!p1 v0  }
0xd7: {  	v0 =	vld @!p1 [tilespmem:s30+$0xFFFFFFE0];
	_ =	sdelay $0x4  }
0xd8: {  	v0 =	vshrl.u32 @!p1 v0, $0xE  }
0xd9: {  	[tilespmem:$0x3AD0] =	vst @!p1 v0  }
0xda: {  	v0 =	vld @!p1 [tilespmem:s30+$0xFFFFFFF0]  }
0xdb: {  	s31 =	sadd.s32 $0xFFFFFFFF, s13  }
0xdc: {  	p0 =	sne.s32 s31, $0x0  }
.Ltmp0:
0xdd: {  	_ = 	snop;
	(pc) =	sbr.rel @!p0 .LBB2_3-.Ltmp0, $4  }
0xde: {  	_ = 	snop  }
0xdf: {  	v0 =	vshrl.u32 @!p1 v0, $0xE  }
0xe0: {  	[tilespmem:$0x3AE0] =	vst @!p1 v0  }
0xe1: {  	s1 =	simm.s32 $0x3;
	v0 =	vld @!p1 [tilespmem:s30+$0x0]  }
.LBB2_2:
0xe2: {  	_ =	sdelay $0x3  }
0xe3: {  	s31 =	sadd.s32 $0xFFFFFFFF, s31;
	s1 =	sadd.s32 $0x2, s1;
	s30 =	sadd.s32 $0x100, s30;
	v0 =	vshrl.u32 @!p1 v0, $0xE  }
0xe4: {  	s0 =	sadd.s32 $0xFFFFFFFF, s1;
	p0 =	sne.s32 s31, $0x0;
	[tilespmem:$0x3AF0] =	vst @!p1 v0  }
0xe5: {  	p1 =	sge.u32 s0, s12;
	_ =	swait.ge [sflag:s25], $0x4000  }
0xe6: {  	s0 =	simm.s32 @p1 $0x80;
	s2 =	simm.s32 @p1 $0x3A00;
	[sflag:s25] =	ssyncset.done $0x0  }
0xe7: {  	s22 =	simm.s32 @p1 $0x3B00;
	s23 =	simm.s32 @p1 $0x3;
	[sflag:s25] =	ssyncadd.s32 $0xFFFFC000  }
0xe8: {  	[spmem:s3] =	stream.indirect.scatter.add.f32 @p1 [tilespmem:s22], [sflag:$0x3], $0x80, s2, s0, $0xb8;
	[tilespmem:$0x1FB00] =	vst v63  }
0xe9: {  	_ =	swait.ge @p1 [sflag:s23], $0x4000  }
0xea: {  	[sflag:s23] =	ssyncset.done @p1 $0x0  }
0xeb: {  	[sflag:s23] =	ssyncadd.s32 @p1 $0xFFFFC000  }
0xec: {  	v0 =	vld @!p1 [tilespmem:s30+$0xFFFFFF10];
	_ =	sdelay $0x4  }
0xed: {  	v0 =	vand.u32 @!p1 $0x3FFF, v0  }
0xee: {  	[tilespmem:$0x3900] =	vst @!p1 v0  }
0xef: {  	v0 =	vld @!p1 [tilespmem:s30+$0xFFFFFF20];
	_ =	sdelay $0x4  }
0xf0: {  	v0 =	vand.u32 @!p1 $0x3FFF, v0  }
0xf1: {  	[tilespmem:$0x3910] =	vst @!p1 v0  }
0xf2: {  	v0 =	vld @!p1 [tilespmem:s30+$0xFFFFFF30];
	_ =	sdelay $0x4  }
0xf3: {  	v0 =	vand.u32 @!p1 $0x3FFF, v0  }
0xf4: {  	[tilespmem:$0x3920] =	vst @!p1 v0  }
0xf5: {  	v0 =	vld @!p1 [tilespmem:s30+$0xFFFFFF40];
	_ =	sdelay $0x4  }
0xf6: {  	v0 =	vand.u32 @!p1 $0x3FFF, v0  }
0xf7: {  	[tilespmem:$0x3930] =	vst @!p1 v0  }
0xf8: {  	v0 =	vld @!p1 [tilespmem:s30+$0xFFFFFF50];
	_ =	sdelay $0x4  }
0xf9: {  	v0 =	vand.u32 @!p1 $0x3FFF, v0  }
0xfa: {  	[tilespmem:$0x3940] =	vst @!p1 v0  }
0xfb: {  	v0 =	vld @!p1 [tilespmem:s30+$0xFFFFFF60];
	_ =	sdelay $0x4  }
0xfc: {  	v0 =	vand.u32 @!p1 $0x3FFF, v0  }
0xfd: {  	[tilespmem:$0x3950] =	vst @!p1 v0  }
0xfe: {  	v0 =	vld @!p1 [tilespmem:s30+$0xFFFFFF70];
	_ =	sdelay $0x4  }
0xff: {  	v0 =	vand.u32 @!p1 $0x3FFF, v0  }
0x100: {  	[tilespmem:$0x3960] =	vst @!p1 v0  }
0x101: {  	v0 =	vld @!p1 [tilespmem:s30+$0xFFFFFF80];
	_ =	sdelay $0x4  }
0x102: {  	s0 =	simm.s32 @!p1 $0x80;
	s2 =	simm.s32 @!p1 $0x3900;
	s22 =	simm.s32 @!p1 $0x3B00;
	v0 =	vand.u32 @!p1 $0x3FFF, v0  }
0x103: {  	s23 =	simm.s32 @!p1 $0x3A00;
	[tilespmem:$0x3970] =	vst @!p1 v0  }
0x104: {  	[tilespmem:s22], [sflag:$0x1] =	stream.indirect.gather @!p1 [hbm4b:s5+s0], $0x80, s2, s0, $0xb8;
	[tilespmem:$0x1FB00] =	vst v63  }
0x105: {  	s2 =	simm.s32 @!p1 $0x3  }
0x106: {  	[spmem:s3] =	stream.indirect.scatter.add.f32 @!p1 [tilespmem:s22], [sflag:$0x3], $0x80, s23, s0, $0xb8;
	[tilespmem:$0x1FB00] =	vst v63  }
0x107: {  	_ =	swait.ge @!p1 [sflag:s2], $0x4000  }
0x108: {  	[sflag:s2] =	ssyncset.done @!p1 $0x0  }
0x109: {  	[sflag:s2] =	ssyncadd.s32 @!p1 $0xFFFFC000  }
0x10a: {  	v0 =	vld @!p1 [tilespmem:s30+$0xFFFFFF10];
	_ =	sdelay $0x4  }
0x10b: {  	v0 =	vshrl.u32 @!p1 v0, $0xE  }
0x10c: {  	[tilespmem:$0x3A00] =	vst @!p1 v0  }
0x10d: {  	v0 =	vld @!p1 [tilespmem:s30+$0xFFFFFF20];
	_ =	sdelay $0x4  }
0x10e: {  	v0 =	vshrl.u32 @!p1 v0, $0xE  }
0x10f: {  	[tilespmem:$0x3A10] =	vst @!p1 v0  }
0x110: {  	v0 =	vld @!p1 [tilespmem:s30+$0xFFFFFF30];
	_ =	sdelay $0x4  }
0x111: {  	v0 =	vshrl.u32 @!p1 v0, $0xE  }
0x112: {  	[tilespmem:$0x3A20] =	vst @!p1 v0  }
0x113: {  	v0 =	vld @!p1 [tilespmem:s30+$0xFFFFFF40];
	_ =	sdelay $0x4  }
0x114: {  	v0 =	vshrl.u32 @!p1 v0, $0xE  }
0x115: {  	[tilespmem:$0x3A30] =	vst @!p1 v0  }
0x116: {  	v0 =	vld @!p1 [tilespmem:s30+$0xFFFFFF50];
	_ =	sdelay $0x4  }
0x117: {  	v0 =	vshrl.u32 @!p1 v0, $0xE  }
0x118: {  	[tilespmem:$0x3A40] =	vst @!p1 v0  }
0x119: {  	v0 =	vld @!p1 [tilespmem:s30+$0xFFFFFF60];
	_ =	sdelay $0x4  }
0x11a: {  	v0 =	vshrl.u32 @!p1 v0, $0xE  }
0x11b: {  	[tilespmem:$0x3A50] =	vst @!p1 v0  }
0x11c: {  	v0 =	vld @!p1 [tilespmem:s30+$0xFFFFFF70];
	_ =	sdelay $0x4  }
0x11d: {  	v0 =	vshrl.u32 @!p1 v0, $0xE  }
0x11e: {  	[tilespmem:$0x3A60] =	vst @!p1 v0  }
0x11f: {  	v0 =	vld @!p1 [tilespmem:s30+$0xFFFFFF80];
	_ =	sdelay $0x4  }
0x120: {  	v0 =	vshrl.u32 @!p1 v0, $0xE  }
0x121: {  	[tilespmem:$0x3A70] =	vst @!p1 v0  }
0x122: {  	p1 =	sge.u32 s1, s12;
	_ =	swait.ge [sflag:s26], $0x4000  }
0x123: {  	s0 =	simm.s32 @p1 $0x80;
	s2 =	simm.s32 @p1 $0x7B00;
	[sflag:s26] =	ssyncset.done $0x0  }
0x124: {  	s22 =	simm.s32 @p1 $0x3A80;
	s23 =	simm.s32 @p1 $0x3;
	[sflag:s26] =	ssyncadd.s32 $0xFFFFC000  }
0x125: {  	[spmem:s3] =	stream.indirect.scatter.add.f32 @p1 [tilespmem:s2], [sflag:$0x3], $0x80, s22, s0, $0xb8;
	[tilespmem:$0x1FB00] =	vst v63  }
0x126: {  	_ =	swait.ge @p1 [sflag:s23], $0x4000  }
0x127: {  	[sflag:s23] =	ssyncset.done @p1 $0x0  }
0x128: {  	[sflag:s23] =	ssyncadd.s32 @p1 $0xFFFFC000  }
0x129: {  	v0 =	vld @!p1 [tilespmem:s30+$0xFFFFFF90];
	_ =	sdelay $0x4  }
0x12a: {  	v0 =	vand.u32 @!p1 $0x3FFF, v0  }
0x12b: {  	[tilespmem:$0x3980] =	vst @!p1 v0  }
0x12c: {  	v0 =	vld @!p1 [tilespmem:s30+$0xFFFFFFA0];
	_ =	sdelay $0x4  }
0x12d: {  	v0 =	vand.u32 @!p1 $0x3FFF, v0  }
0x12e: {  	[tilespmem:$0x3990] =	vst @!p1 v0  }
0x12f: {  	v0 =	vld @!p1 [tilespmem:s30+$0xFFFFFFB0];
	_ =	sdelay $0x4  }
0x130: {  	v0 =	vand.u32 @!p1 $0x3FFF, v0  }
0x131: {  	[tilespmem:$0x39A0] =	vst @!p1 v0  }
0x132: {  	v0 =	vld @!p1 [tilespmem:s30+$0xFFFFFFC0];
	_ =	sdelay $0x4  }
0x133: {  	v0 =	vand.u32 @!p1 $0x3FFF, v0  }
0x134: {  	[tilespmem:$0x39B0] =	vst @!p1 v0  }
0x135: {  	v0 =	vld @!p1 [tilespmem:s30+$0xFFFFFFD0];
	_ =	sdelay $0x4  }
0x136: {  	v0 =	vand.u32 @!p1 $0x3FFF, v0  }
0x137: {  	[tilespmem:$0x39C0] =	vst @!p1 v0  }
0x138: {  	v0 =	vld @!p1 [tilespmem:s30+$0xFFFFFFE0];
	_ =	sdelay $0x4  }
0x139: {  	v0 =	vand.u32 @!p1 $0x3FFF, v0  }
0x13a: {  	[tilespmem:$0x39D0] =	vst @!p1 v0  }
0x13b: {  	v0 =	vld @!p1 [tilespmem:s30+$0xFFFFFFF0];
	_ =	sdelay $0x4  }
0x13c: {  	v0 =	vand.u32 @!p1 $0x3FFF, v0  }
0x13d: {  	[tilespmem:$0x39E0] =	vst @!p1 v0  }
0x13e: {  	v0 =	vld @!p1 [tilespmem:s30+$0x0];
	_ =	sdelay $0x4  }
0x13f: {  	s0 =	simm.s32 @!p1 $0x80;
	s2 =	simm.s32 @!p1 $0x3980;
	s22 =	simm.s32 @!p1 $0x7B00;
	v0 =	vand.u32 @!p1 $0x3FFF, v0  }
0x140: {  	s23 =	simm.s32 @!p1 $0x3A80;
	[tilespmem:$0x39F0] =	vst @!p1 v0  }
0x141: {  	[tilespmem:s22], [sflag:$0x2] =	stream.indirect.gather @!p1 [hbm4b:s5+s0], $0x80, s2, s0, $0xb8;
	[tilespmem:$0x1FB00] =	vst v63  }
0x142: {  	s2 =	simm.s32 @!p1 $0x3  }
0x143: {  	[spmem:s3] =	stream.indirect.scatter.add.f32 @!p1 [tilespmem:s22], [sflag:$0x3], $0x80, s23, s0, $0xb8;
	[tilespmem:$0x1FB00] =	vst v63  }
0x144: {  	_ =	swait.ge @!p1 [sflag:s2], $0x4000  }
0x145: {  	[sflag:s2] =	ssyncset.done @!p1 $0x0  }
0x146: {  	[sflag:s2] =	ssyncadd.s32 @!p1 $0xFFFFC000  }
0x147: {  	v0 =	vld @!p1 [tilespmem:s30+$0xFFFFFF90];
	_ =	sdelay $0x4  }
0x148: {  	v0 =	vshrl.u32 @!p1 v0, $0xE  }
0x149: {  	[tilespmem:$0x3A80] =	vst @!p1 v0  }
0x14a: {  	v0 =	vld @!p1 [tilespmem:s30+$0xFFFFFFA0];
	_ =	sdelay $0x4  }
0x14b: {  	v0 =	vshrl.u32 @!p1 v0, $0xE  }
0x14c: {  	[tilespmem:$0x3A90] =	vst @!p1 v0  }
0x14d: {  	v0 =	vld @!p1 [tilespmem:s30+$0xFFFFFFB0];
	_ =	sdelay $0x4  }
0x14e: {  	v0 =	vshrl.u32 @!p1 v0, $0xE  }
0x14f: {  	[tilespmem:$0x3AA0] =	vst @!p1 v0  }
0x150: {  	v0 =	vld @!p1 [tilespmem:s30+$0xFFFFFFC0];
	_ =	sdelay $0x4  }
0x151: {  	v0 =	vshrl.u32 @!p1 v0, $0xE  }
0x152: {  	[tilespmem:$0x3AB0] =	vst @!p1 v0  }
0x153: {  	v0 =	vld @!p1 [tilespmem:s30+$0xFFFFFFD0];
	_ =	sdelay $0x4  }
0x154: {  	v0 =	vshrl.u32 @!p1 v0, $0xE  }
0x155: {  	[tilespmem:$0x3AC0] =	vst @!p1 v0  }
0x156: {  	v0 =	vld @!p1 [tilespmem:s30+$0xFFFFFFE0];
	_ =	sdelay $0x4  }
0x157: {  	v0 =	vshrl.u32 @!p1 v0, $0xE  }
0x158: {  	[tilespmem:$0x3AD0] =	vst @!p1 v0  }
0x159: {  	v0 =	vld @!p1 [tilespmem:s30+$0xFFFFFFF0];
	_ =	sdelay $0x2  }
.Ltmp1:
0x15a: {  	(pc) =	sbr.rel @p0 .LBB2_2-.Ltmp1, $4  }
0x15b: {  	_ = 	snop  }
0x15c: {  	v0 =	vshrl.u32 @!p1 v0, $0xE  }
0x15d: {  	[tilespmem:$0x3AE0] =	vst @!p1 v0  }
0x15e: {  	v0 =	vld @!p1 [tilespmem:s30+$0x0]  }
.LBB2_3:
0x15f: {  	_ =	sdelay $0x3  }
0x160: {  	v0 =	vshrl.u32 @!p1 v0, $0xE  }
0x161: {  	[tilespmem:$0x3AF0] =	vst @!p1 v0  }
0x162: {  	[bflag:$0x0] =	sbarrier.arrive $0xFFFF  }
0x163: {  	[tilespmem:s20], [sflag:$0x3] =	stream.linear.gather [spmem:s7], $0x4000, $0x38;
	[tilespmem:$0x1FB00] =	vst v63  }
0x164: {  	_ =	swait.ge [sflag:s28], $0x4000  }
0x165: {  	[sflag:s28] =	ssyncset.done $0x0  }
0x166: {  	[sflag:s28] =	ssyncadd.s32 $0xFFFFC000  }
0x167: {  	[hbm4b:s14+s4] =	stream.linear.scatter [tilespmem:s20], [sflag:$0x3], $0x4000, $0x38;
	[tilespmem:$0x1FB00] =	vst v63  }
0x168: {  	_ =	swait.ge [sflag:s28], $0x4000  }
0x169: {  	[sflag:s28] =	ssyncset.done $0x0  }
0x16a: {  	[sflag:s28] =	ssyncadd.s32 $0xFFFFC000  }
0x16b: {  	[tilespmem:s20], [sflag:$0x3] =	stream.linear.gather [spmem:s8], $0x4000, $0x38;
	[tilespmem:$0x1FB00] =	vst v63  }
0x16c: {  	_ =	swait.ge [sflag:s28], $0x4000  }
0x16d: {  	[sflag:s28] =	ssyncset.done $0x0  }
0x16e: {  	[sflag:s28] =	ssyncadd.s32 $0xFFFFC000  }
0x16f: {  	[hbm4b:s15+s4] =	stream.linear.scatter [tilespmem:s20], [sflag:$0x3], $0x4000, $0x38;
	[tilespmem:$0x1FB00] =	vst v63  }
0x170: {  	_ =	swait.ge [sflag:s28], $0x4000  }
0x171: {  	[sflag:s28] =	ssyncset.done $0x0  }
0x172: {  	[sflag:s28] =	ssyncadd.s32 $0xFFFFC000  }
0x173: {  	[tilespmem:s20], [sflag:$0x3] =	stream.linear.gather [spmem:s9], $0x4000, $0x38;
	[tilespmem:$0x1FB00] =	vst v63  }
0x174: {  	_ =	swait.ge [sflag:s28], $0x4000  }
0x175: {  	[sflag:s28] =	ssyncset.done $0x0  }
0x176: {  	[sflag:s28] =	ssyncadd.s32 $0xFFFFC000  }
0x177: {  	[hbm4b:s16+s4] =	stream.linear.scatter [tilespmem:s20], [sflag:$0x3], $0x4000, $0x38;
	[tilespmem:$0x1FB00] =	vst v63  }
0x178: {  	_ =	swait.ge [sflag:s28], $0x4000  }
0x179: {  	[sflag:s28] =	ssyncset.done $0x0  }
0x17a: {  	[sflag:s28] =	ssyncadd.s32 $0xFFFFC000  }
0x17b: {  	[tilespmem:s20], [sflag:$0x3] =	stream.linear.gather [spmem:s10], $0x4000, $0x38;
	[tilespmem:$0x1FB00] =	vst v63  }
0x17c: {  	_ =	swait.ge [sflag:s28], $0x4000  }
0x17d: {  	[sflag:s28] =	ssyncset.done $0x0  }
0x17e: {  	[sflag:s28] =	ssyncadd.s32 $0xFFFFC000  }
0x17f: {  	[hbm4b:s17+s4] =	stream.linear.scatter [tilespmem:s20], [sflag:$0x3], $0x4000, $0x38;
	[tilespmem:$0x1FB00] =	vst v63  }
0x180: {  	_ =	swait.ge [sflag:s28], $0x4000  }
0x181: {  	[sflag:s28] =	ssyncset.done $0x0  }
0x182: {  	[sflag:s28] =	ssyncadd.s32 $0xFFFFC000  }
0x183: {  	[tilespmem:s20], [sflag:$0x3] =	stream.linear.gather [spmem:s11], $0x4000, $0x38;
	[tilespmem:$0x1FB00] =	vst v63  }
0x184: {  	s29 =	sadd.s32 $0x1, s29;
	_ =	swait.ge [sflag:s28], $0x4000  }
0x185: {  	p0 =	sne.s32 s29, s19;
	[sflag:s28] =	ssyncset.done $0x0  }
.Ltmp2:
0x186: {  	[sflag:s28] =	ssyncadd.s32 $0xFFFFC000;
	(pc) =	sbr.rel @p0 .LBB2_1-.Ltmp2, $4  }
0x187: {  	[hbm4b:s18+s4] =	stream.linear.scatter [tilespmem:s20], [sflag:$0x3], $0x4000, $0x38;
	[tilespmem:$0x1FB00] =	vst v63  }
0x188: {  	_ =	swait.ge [sflag:s28], $0x4000  }
0x189: {  	[sflag:s28] =	ssyncset.done $0x0  }
0x18a: {  	[sflag:s28] =	ssyncadd.s32 $0xFFFFC000  }
0x18b: {  	_ =	sfence.sel $0x180000  }
0x18c: {  	[bflag:$0x0] =	sbarrier.arrive $0xFFFF  }
0x18d: {  	_ =	strace $0x9000004A  }
0x18e: {  	s0 =	stileid.u32;
	[bflag:$0x2] =	sbarrier.arrive $0xFFFF  }
0x18f: {  	p0 =	sne.s32 s0, $0x0;
	s0 =	rddreg [dreg:$0x3]  }
0x190: {  	s0 =	sadd.s32 @!p0 $0x100000, s0  }
0x191: {  	[sflag:s0] =	ssyncadd.tile.s32 @!p0 $0x1;
	_ =	shalt  }
.Lfunc_end2:
_tile_overlayer_lowered:
.L_overlay_start_2:
0x192: {  	(tag) =	ssettag $0x2  }
0x193: {  	s0 =	rddreg [dreg:$0x0];
	s2 =	stileid.u32  }
0x194: {  	s1 =	rddreg [dreg:$0x1];
	p0 =	sne.s32 s2, $0x0  }
0x195: {  	s3 =	rddreg [dreg:$0x2];
	[bflag:$0x3] =	sbarrier.arrive $0xFFFF;
	s2 =	simm.s32 @!p0 $0x1C03  }
0x196: {  	[timem:s3], [sflag:s2] =	dma.local @!p0 [hbm:s0], s1  }
0x197: {  	s0 =	simm.s32 @!p0 $0x3  }
0x198: {  	_ =	swait.ge @!p0 [sflag:s0], s1  }
0x199: {  	s1 =	ssub.s32 @!p0 $0x0, s1;
	[sflag:s0] =	ssyncset.done @!p0 $0x0  }
0x19a: {  	[sflag:s0] =	ssyncadd.s32 @!p0 s1  }
0x19b: {  	[bflag:$0x3] =	sbarrier.arrive $0xFFFF  }
0x19c: {  	_ =	shalt  }

// kernel: kernel.14.cloned.1.call-start
scs
__scs_entry_jumppad:
0x0: {  	(pc) =	sbr.rel $0x88, $3  }
0x1: {  	(tag) =	ssettag $0x0;
	lr =	simm.s32 $0x1  }
0x2: {  	[smem:$0x3F9B] =	sst lr;
	_ =	strace $0xD0000000  }
0x3: {  	_ = 	snop  }
0x4: {  	_ = 	snop  }
0x5: {  	_ = 	snop  }
0x6: {  	_ = 	snop  }
0x7: {  	_ = 	snop  }
__scs_overlays_trampoline_lowered:
0x8: {  	[smem:$0x3FAA] =	sst s0  }
0x9: {  	[smem:$0x3FAB] =	sst s1  }
0xa: {  	[smem:$0x3FAC] =	sst s2  }
0xb: {  	[smem:$0x3FAD] =	sst s3  }
0xc: {  	[smem:$0x3FAE] =	sst s4  }
0xd: {  	[smem:$0x3FAF] =	sst s5  }
0xe: {  	[smem:$0x3FB0] =	sst s6  }
0xf: {  	[smem:$0x3FB1] =	sst s7  }
0x10: {  	[smem:$0x3FB2] =	sst s8  }
0x11: {  	[smem:$0x3FB3] =	sst s9;
	s0 =	simm.s32 @!p0 $0x0  }
0x12: {  	s1 =	sld [smem:$0x3F99];
	s0 =	simm.s32 @p0 $0x1  }
0x13: {  	[smem:$0x3FB4] =	sst s0;
	s0 =	simm.s32 @!p1 $0x0  }
0x14: {  	s2 =	sld [smem:$0x3F98];
	s0 =	simm.s32 @p1 $0x1  }
0x15: {  	[smem:$0x3FB5] =	sst s0;
	s0 =	simm.s32 @!p2 $0x0  }
0x16: {  	s3 =	sld [smem:$0x3FDB];
	s0 =	simm.s32 @p2 $0x1  }
0x17: {  	s4 =	simm.s32 $0x1BF5;
	[smem:$0x3FB7] =	sst s0  }
0x18: {  	s0 =	sld [smem:$0x3F9A];
	_ =	swait.ge [sflag:s4], $0x0  }
0x19: {  	s7 =	sld [smem:$0x3F9B]  }
0x1a: {  	s8 =	sadd.s32 $0xFFFFE003, lr  }
0x1b: {  	s9 =	sadd.s32 $0xFFFFFEF7, lr;
	s5 =	simm.s32 $0xFFFFFFFF;
	p2 =	slt.u32 s8, $0xFFFFF086  }
0x1c: {  	p1 =	slt.u32 s9, $0xF7A;
	s5 =	simm.s32 @!p2 $0x0  }
0x1d: {  	s5 =	simm.s32 @p1 $0x1;
	p0 =	seq.s32 s7, s2  }
0x1e: {  	s7 =	smul.u32 @!p0 $0xF7A, s2;
	p2 =	seq.s32 @!p0 s5, $0x0  }
0x1f: {  	s9 =	smul.u32 $0xF7A, s1;
	s8 =	simm.s32 @!p0 $0x1BF5;
	p2 =	por !p2, p0  }
0x20: {  	[sflag:s8] =	ssyncset.s32 @!p0 $0xFFFFF086;
	s6 =	sadd.s32 @!p0 s3, s7;
	s7 =	simm.s32 @!p0 $0x108  }
0x21: {  	s3 =	sadd.s32 s3, s9;
	s6 =	sadd.s32 @!p0 $0x88, s6;
	s7 =	simm.s32 @p2 $0x1082  }
0x22: {  	[simem:s7], [sflag:s8] =	dma.local @!p0 [hbm:s6], $0xF7A  }
0x23: {  	s9 =	sor.u32 $0xD0000000, s2;
	s6 =	simm.s32 $0x108;
	_ =	swait.ge @!p0 [sflag:s8], $0x0  }
0x24: {  	s3 =	sadd.s32 $0x88, s3;
	s6 =	simm.s32 @!p1 $0x1082;
	[sflag:s4] =	ssyncset.s32 $0xFFFFF086  }
0x25: {  	[simem:s6], [sflag:s4] =	dma.local [hbm:s3], $0xF7A  }
0x26: {  	[smem:$0x3F9B] =	sst s1;
	(tag) =	ssettag s2;
	_ =	strace s9  }
0x27: {  	s1 =	sld [smem:$0x3FAB]  }
0x28: {  	s2 =	sld [smem:$0x3FAC]  }
0x29: {  	s4 =	sld [smem:$0x3FAE]  }
0x2a: {  	p0 =	seq.s32 s5, $0x0;
	s5 =	sld [smem:$0x3FAF]  }
0x2b: {  	s6 =	sld [smem:$0x3FB0]  }
0x2c: {  	s7 =	sld [smem:$0x3FB1]  }
0x2d: {  	s3 =	simm.s32 $0x108;
	s8 =	sld [smem:$0x3FB2]  }
0x2e: {  	s3 =	simm.s32 @!p0 $0x1082;
	s9 =	sld [smem:$0x3FB3]  }
0x2f: {  	lr =	sadd.s32 s0, s3;
	s0 =	sld [smem:$0x3FAA]  }
0x30: {  	s3 =	sld [smem:$0x3FAD]  }
0x31: {  	[smem:$0x3FB6] =	sst s10  }
0x32: {  	s10 =	sld [smem:$0x3FB4];
	_ =	sdelay $0x3  }
0x33: {  	p0 =	seq.s32 s10, $0x1;
	s10 =	sld [smem:$0x3FB6];
	_ =	sdelay $0x3  }
0x34: {  	[smem:$0x3FB6] =	sst s10  }
0x35: {  	s10 =	sld [smem:$0x3FB5];
	_ =	sdelay $0x3  }
0x36: {  	p1 =	seq.s32 s10, $0x1;
	s10 =	sld [smem:$0x3FB6];
	_ =	sdelay $0x3  }
0x37: {  	[smem:$0x3FB6] =	sst s10  }
0x38: {  	s10 =	sld [smem:$0x3FB7]  }
0x39: {  	_ = 	snop;
	(pc) =	sbr.ind lr, $3  }
0x3a: {  	_ = 	snop  }
0x3b: {  	_ = 	snop  }
0x3c: {  	p2 =	seq.s32 s10, $0x1;
	s10 =	sld [smem:$0x3FB6]  }
0x3d: {  	_ =	shalt  }
0x3e: {  	_ =	shalt  }
0x3f: {  	_ =	shalt  }
0x40: {  	_ =	shalt  }
0x41: {  	_ =	shalt  }
0x42: {  	_ =	shalt  }
0x43: {  	_ =	shalt  }
0x44: {  	_ =	shalt  }
0x45: {  	_ =	shalt  }
0x46: {  	_ =	shalt  }
0x47: {  	_ =	shalt  }
0x48: {  	_ =	shalt  }
0x49: {  	_ =	shalt  }
0x4a: {  	_ =	shalt  }
0x4b: {  	_ =	shalt  }
0x4c: {  	_ =	shalt  }
0x4d: {  	_ =	shalt  }
0x4e: {  	_ =	shalt  }
0x4f: {  	_ =	shalt  }
0x50: {  	_ =	shalt  }
0x51: {  	_ =	shalt  }
0x52: {  	_ =	shalt  }
0x53: {  	_ =	shalt  }
0x54: {  	_ =	shalt  }
0x55: {  	_ =	shalt  }
0x56: {  	_ =	shalt  }
0x57: {  	_ =	shalt  }
0x58: {  	_ =	shalt  }
0x59: {  	_ =	shalt  }
0x5a: {  	_ =	shalt  }
0x5b: {  	_ =	shalt  }
0x5c: {  	_ =	shalt  }
0x5d: {  	_ =	shalt  }
0x5e: {  	_ =	shalt  }
0x5f: {  	_ =	shalt  }
0x60: {  	_ =	shalt  }
0x61: {  	_ =	shalt  }
0x62: {  	_ =	shalt  }
0x63: {  	_ =	shalt  }
0x64: {  	_ =	shalt  }
0x65: {  	_ =	shalt  }
0x66: {  	_ =	shalt  }
0x67: {  	_ =	shalt  }
0x68: {  	_ =	shalt  }
0x69: {  	_ =	shalt  }
0x6a: {  	_ =	shalt  }
0x6b: {  	_ =	shalt  }
0x6c: {  	_ =	shalt  }
0x6d: {  	_ =	shalt  }
0x6e: {  	_ =	shalt  }
0x6f: {  	_ =	shalt  }
0x70: {  	_ =	shalt  }
0x71: {  	_ =	shalt  }
0x72: {  	_ =	shalt  }
0x73: {  	_ =	shalt  }
0x74: {  	_ =	shalt  }
0x75: {  	_ =	shalt  }
0x76: {  	_ =	shalt  }
0x77: {  	_ =	shalt  }
0x78: {  	_ =	shalt  }
0x79: {  	_ =	shalt  }
0x7a: {  	_ =	shalt  }
0x7b: {  	_ =	shalt  }
0x7c: {  	_ =	shalt  }
0x7d: {  	_ =	shalt  }
0x7e: {  	_ =	shalt  }
0x7f: {  	_ =	shalt  }
0x80: {  	_ =	shalt  }
0x81: {  	_ =	shalt  }
0x82: {  	_ =	shalt  }
0x83: {  	_ =	shalt  }
0x84: {  	_ =	shalt  }
0x85: {  	_ =	shalt  }
0x86: {  	_ =	shalt  }
0x87: {  	_ =	shalt  }
.Lfunc_end0:
.L_simem_size_0:
called_computation.2_lowered:
.L_overlay_start_0:
0x88: {  	s2 =	sld [smem:$0x3FD9]  }
0x89: {  	s3 =	sld [smem:$0x3FFE];
	_ =	sdelay $0x1  }
0x8a: {  	s1 =	srdreg.scid  }
0x8b: {  	s0 =	sand.u32 $0x1, s1  }
0x8c: {  	s17 =	sshll.u32 s0, $0xA;
	s2 =	sadd.s32 s3, s2  }
0x8d: {  	s2 =	sadd.s32 s2, s17  }
0x8e: {  	[smem:$0x3FC2] =	sst s2  }
0x8f: {  	_ = 	snop  }
0x90: {  	s2 =	sld [smem:$0x3FD0];
	(tm) =	ssettm $0x1  }
0x91: {  	s18 =	sld [smem:$0x3FFB];
	_ =	sdelay $0x3  }
0x92: {  	_ =	strace s18  }
0x93: {  	s3 =	sld [smem:$0x3FFC];
	_ =	sdelay $0x3  }
0x94: {  	_ =	strace s3  }
0x95: {  	s3 =	sld [smem:$0x3FFD];
	_ =	sdelay $0x3  }
0x96: {  	_ =	strace s3  }
0x97: {  	_ =	strace $0x8FFFFFFF  }
0x98: {  	s19 =	sld [smem:$0x3FDB];
	_ =	sdelay $0x1  }
0x99: {  	s4 =	simm.s32 $_scs_section_size  }
0x9a: {  	s5 =	simm.s32 $_size__tile_overlayer_lowered;
	s6 =	simm.s32 $_tile_overlayer_lowered  }
0x9b: {  	s22 =	simm.s32 $0x1BFF;
	s21 =	sshll.u32 s6, $0x1;
	s3 =	sadd.s32 s4, s19  }
0x9c: {  	s7 =	simm.s32 $0x0;
	s20 =	sshll.u32 s5, $0x1;
	s5 =	sadd.s32 s21, s3  }
0x9d: {  	[timem:s7], [sflag:s22] =	dma.local [hbm:s5], s20  }
0x9e: {  	_ =	swait.ge [sflag:s22], s20  }
0x9f: {  	s4 =	ssub.s32 $0x0, s20;
	[sflag:s22] =	ssyncset.done $0x0  }
0xa0: {  	[sflag:s22] =	ssyncadd.s32 s4;
	_ =	sdelay $0x1  }
0xa1: {  	s23 =	simm.s32 $0x1B8B  }
0xa2: {  	_ =	swait.ge [sflag:s23], $0x1  }
0xa3: {  	[sflag:s23] =	ssyncset.done $0x0  }
0xa4: {  	s25 =	simm.s32 $0x1B8E;
	s24 =	sld [smem:$0x3FFE];
	[sflag:s23] =	ssyncadd.s32 $0xFFFFFFFF  }
0xa5: {  	s26 =	simm.s32 $execute0_lowered;
	[smem:$0x3FD2] =	sst s25  }
0xa6: {  	s5 =	sshll.u32 s26, $0x1;
	_ =	strace $0x8000004C;
	[dreg:$0x1] =	wrdreg $0xFFFFFFFF  }
0xa7: {  	s28 =	simm.s32 $_size_execute0_lowered;
	s3 =	sadd.s32 s3, s5;
	[dreg:$0x0] =	wrdreg $0x0  }
0xa8: {  	s5 =	sshll.u32 s28, $0x1;
	[dreg:$0x2] =	wrdreg s3  }
0xa9: {  	[dreg:$0x3] =	wrdreg s5  }
0xaa: {  	[dreg:$0x4] =	wrdreg $0xC0  }
0xab: {  	_ =	task [dreg:s7], $0x5FFFF  }
0xac: {  	[dreg:$0x1] =	wrdreg $0xFFFFFFFF  }
0xad: {  	[dreg:$0x0] =	wrdreg $0x60  }
0xae: {  	[dreg:$0x2] =	wrdreg s2  }
0xaf: {  	[dreg:$0x3] =	wrdreg s24  }
0xb0: {  	[dreg:$0x4] =	wrdreg $0x7B000  }
0xb1: {  	[dreg:$0x5] =	wrdreg $0x9  }
0xb2: {  	_ =	task.clear_ibuf [dreg:s7], $0x6FFFF;
	_ =	strace $0x9000004C  }
0xb3: {  	s29 =	simm.s32 $0x9;
	_ =	strace $0x8000004E  }
0xb4: {  	_ =	swait.ge [sflag:s29], $0x1  }
0xb5: {  	[sflag:s29] =	ssyncadd.s32 $0xFFFFFFFF  }
0xb6: {  	_ =	strace $0x9000004E  }
0xb7: {  	_ =	sfence  }
0xb8: {  	s30 =	sld [smem:$0x0];
	_ =	sdelay $0x2  }
0xb9: {  	s31 =	sshll.u32 s1, $0xD;
	s1 =	sshrl.u32 s1, $0x2  }
0xba: {  	s3 =	sand.u32 $0x4000, s31;
	s1 =	sadd.s32 s1, s30  }
0xbb: {  	s0 =	sor.u32 s3, s0;
	s1 =	sshll.u32 s1, $0x11  }
0xbc: {  	s0 =	sor.u32 s1, s0  }
0xbd: {  	s0 =	sadd.s32 $0x8F2B, s0  }
0xbe: {  	[sflag:s0] =	ssyncadd.remote.s32 $0x1  }
0xbf: {  	_ =	sfence.sel $0xFFFF  }
0xc0: {  	[dreg:$0x0] =	wrdreg $0xFFFFFFFF;
	(pc) =	sbr.abs _section_cstart, $3  }
0xc1: {  	[dreg:$0x1] =	wrdreg $0xFFFFFFFF  }
0xc2: {  	_ =	task.clear_ibuf [dreg:s7], $0x2FFFF;
	_ =	strace $0x9FFFFFFF  }
0xc3: {  	(tm) =	ssettm $0x7FFFFFFF  }
tec
execute0_lowered:
.L_overlay_start_1:
0x0: {  	(tag) =	ssettag $0x1  }
0x1: {  	s1 =	rddreg [dreg:$0x0]  }
0x2: {  	s2 =	srdreg.scid;
	s6 =	rddreg [dreg:$0x1]  }
0x3: {  	s0 =	stileid.u32;
	s3 =	rddreg [dreg:$0x2]  }
0x4: {  	s12 =	simm.s32 $0x2C;
	s25 =	simm.s32 $0x1;
	s28 =	simm.s32 $0x3  }
0x5: {  	s29 =	simm.s32 $0x0;
	s2 =	sand.u32 $0x1, s2;
	s4 =	sshll.u32 s0, $0x1  }
0x6: {  	s13 =	smul.u32 $0xA000, s0;
	s18 =	sadd.s32 $0x11200, s6;
	s5 =	sor.u32 s2, s4  }
0x7: {  	s4 =	simm.s32 $0x0;
	s8 =	ssub.s32 $0x2, s2;
	s21 =	smul.u32 $0xA0000, s2  }
0x8: {  	p0 =	seq.s32 s2, $0x0;
	s5 =	smul.u32 $0x720, s5;
	[smem:$0x7FF] =	sst s4  }
0x9: {  	s9 =	sshrl.u32 s8, $0x1;
	s14 =	sadd.s32 $0x2000, s13;
	s16 =	sadd.s32 $0x4000, s13  }
0xa: {  	s17 =	sadd.s32 $0x6000, s13;
	s20 =	sadd.s32 $0x8000, s13;
	s12 =	simm.s32 @!p0 $0x72  }
0xb: {  	_ =	strace $0x8000004D;
	s19 =	ssub.s32 s8, s9;
	s8 =	sadd.s32 s14, s3  }
0xc: {  	s9 =	sadd.s32 s16, s3;
	s10 =	sadd.s32 s17, s3;
	s11 =	sadd.s32 s20, s3  }
0xd: {  	s26 =	sadd.s32 s13, s21;
	s14 =	sadd.s32 s21, s14;
	s30 =	sadd.s32 s21, s16  }
0xe: {  	s17 =	sadd.s32 s21, s17;
	s20 =	sadd.s32 s21, s20;
	s21 =	simm.s32 $0x80  }
0xf: {  	s7 =	sadd.s32 s5, s6;
	s5 =	sadd.s32 $0x2200, s6;
	s2 =	sshrl.u32 s26, $0x3  }
0x10: {  	s15 =	sshrl.u32 s14, $0x3;
	s31 =	sshrl.u32 s17, $0x3;
	s20 =	sshrl.u32 s20, $0x3  }
0x11: {  	s19 =	smax.u32 s19, $0x1;
	s26 =	simm.s32 $0x2;
	s6 =	sadd.s32 $0x2E00, s7  }
0x12: {  	s7 =	sadd.s32 s13, s3;
	s13 =	sshrl.u32 s12, $0x1;
	s14 =	sadd.s32 s18, s2  }
0x13: {  	s15 =	sadd.s32 s18, s15;
	s2 =	sshrl.u32 s30, $0x3;
	s17 =	sadd.s32 s18, s31  }
0x14: {  	s16 =	sadd.s32 s18, s2;
	s18 =	sadd.s32 s18, s20;
	s20 =	simm.s32 $0x3B00  }
.LBB2_1:
0x15: {  	[tilespmem:s4], [sflag:$0x3] =	stream.linear.gather [hbm4b:s6+s4], $0x3900, $0x38;
	[tilespmem:$0x11B00] =	vst v63  }
0x16: {  	_ =	swait.ge [sflag:s28], $0x3900  }
0x17: {  	[sflag:s28] =	ssyncset.done $0x0  }
0x18: {  	[sflag:s28] =	ssyncadd.s32 $0xFFFFC700  }
0x19: {  	[tilespmem:s20], [sflag:$0x3] =	stream.linear.gather [hbm4b:s5+s4], $0x2000, $0x38;
	[tilespmem:$0x11B00] =	vst v63  }
0x1a: {  	_ =	swait.ge [sflag:s28], $0x2000  }
0x1b: {  	[sflag:s28] =	ssyncset.done $0x0  }
0x1c: {  	[sflag:s28] =	ssyncadd.s32 $0xFFFFE000  }
0x1d: {  	[spmem:s7] =	stream.linear.scatter [tilespmem:s20], [sflag:$0x3], $0x2000, $0x38;
	[tilespmem:$0x11B00] =	vst v63  }
0x1e: {  	_ =	swait.ge [sflag:s28], $0x2000  }
0x1f: {  	[sflag:s28] =	ssyncset.done $0x0  }
0x20: {  	[sflag:s28] =	ssyncadd.s32 $0xFFFFE000  }
0x21: {  	[spmem:s8] =	stream.linear.scatter [tilespmem:s20], [sflag:$0x3], $0x2000, $0x38;
	[tilespmem:$0x11B00] =	vst v63  }
0x22: {  	_ =	swait.ge [sflag:s28], $0x2000  }
0x23: {  	[sflag:s28] =	ssyncset.done $0x0  }
0x24: {  	[sflag:s28] =	ssyncadd.s32 $0xFFFFE000  }
0x25: {  	[spmem:s9] =	stream.linear.scatter [tilespmem:s20], [sflag:$0x3], $0x2000, $0x38;
	[tilespmem:$0x11B00] =	vst v63  }
0x26: {  	_ =	swait.ge [sflag:s28], $0x2000  }
0x27: {  	[sflag:s28] =	ssyncset.done $0x0  }
0x28: {  	[sflag:s28] =	ssyncadd.s32 $0xFFFFE000  }
0x29: {  	[spmem:s10] =	stream.linear.scatter [tilespmem:s20], [sflag:$0x3], $0x2000, $0x38;
	[tilespmem:$0x11B00] =	vst v63  }
0x2a: {  	_ =	swait.ge [sflag:s28], $0x2000  }
0x2b: {  	[sflag:s28] =	ssyncset.done $0x0  }
0x2c: {  	[sflag:s28] =	ssyncadd.s32 $0xFFFFE000  }
0x2d: {  	[spmem:s11] =	stream.linear.scatter [tilespmem:s20], [sflag:$0x3], $0x2000, $0x38;
	[tilespmem:$0x11B00] =	vst v63  }
0x2e: {  	_ =	swait.ge [sflag:s28], $0x2000  }
0x2f: {  	[sflag:s28] =	ssyncset.done $0x0  }
0x30: {  	[sflag:s28] =	ssyncadd.s32 $0xFFFFE000  }
0x31: {  	[bflag:$0x0] =	sbarrier.arrive $0xFFFF  }
0x32: {  	v0 =	vld [tilespmem:$0x0]  }
0x33: {  	v1 =	vld [tilespmem:$0x10]  }
0x34: {  	v2 =	vld [tilespmem:$0x20]  }
0x35: {  	v3 =	vld [tilespmem:$0x30]  }
0x36: {  	v4 =	vld [tilespmem:$0x40]  }
0x37: {  	v5 =	vld [tilespmem:$0x50];
	v0 =	vand.u32 $0x3FFF, v0  }
0x38: {  	[tilespmem:$0x3900] =	vst v0;
	v0 =	vand.u32 $0x3FFF, v1;
	v1 =	vld [tilespmem:$0x60]  }
0x39: {  	[tilespmem:$0x3910] =	vst v0;
	v0 =	vand.u32 $0x3FFF, v2;
	v2 =	vld [tilespmem:$0x70]  }
0x3a: {  	[tilespmem:$0x3920] =	vst v0;
	v0 =	vand.u32 $0x3FFF, v3  }
0x3b: {  	[tilespmem:$0x3930] =	vst v0;
	v0 =	vand.u32 $0x3FFF, v4  }
0x3c: {  	[tilespmem:$0x3940] =	vst v0;
	v0 =	vand.u32 $0x3FFF, v5  }
0x3d: {  	[tilespmem:$0x3950] =	vst v0;
	v0 =	vand.u32 $0x3FFF, v1  }
0x3e: {  	[tilespmem:$0x3960] =	vst v0;
	v0 =	vand.u32 $0x3FFF, v2  }
0x3f: {  	s0 =	simm.s32 $0x3900;
	[tilespmem:$0x3970] =	vst v0  }
0x40: {  	[tilespmem:s20], [sflag:$0x1] =	stream.indirect.gather [hbm4b:s1+s21], $0x40, s0, s21, $0xb8;
	[tilespmem:$0x11B00] =	vst v63  }
0x41: {  	v0 =	vld [tilespmem:$0x80]  }
0x42: {  	v1 =	vld [tilespmem:$0x90]  }
0x43: {  	v2 =	vld [tilespmem:$0xA0]  }
0x44: {  	v3 =	vld [tilespmem:$0xB0]  }
0x45: {  	v56 =	vld [tilespmem:$0xC0]  }
0x46: {  	v57 =	vld [tilespmem:$0xD0];
	v0 =	vand.u32 $0x3FFF, v0  }
0x47: {  	[tilespmem:$0x3980] =	vst v0;
	v0 =	vand.u32 $0x3FFF, v1;
	v1 =	vld [tilespmem:$0xE0]  }
0x48: {  	[tilespmem:$0x3990] =	vst v0;
	v0 =	vand.u32 $0x3FFF, v2;
	v2 =	vld [tilespmem:$0xF0]  }
0x49: {  	[tilespmem:$0x39A0] =	vst v0;
	v0 =	vand.u32 $0x3FFF, v3  }
0x4a: {  	[tilespmem:$0x39B0] =	vst v0;
	v0 =	vand.u32 $0x3FFF, v56  }
0x4b: {  	[tilespmem:$0x39C0] =	vst v0;
	v0 =	vand.u32 $0x3FFF, v57  }
0x4c: {  	[tilespmem:$0x39D0] =	vst v0;
	v0 =	vand.u32 $0x3FFF, v1  }
0x4d: {  	[tilespmem:$0x39E0] =	vst v0;
	v0 =	vand.u32 $0x3FFF, v2  }
0x4e: {  	s24 =	simm.s32 $0x3980;
	s2 =	simm.s32 $0x5B00;
	[tilespmem:$0x39F0] =	vst v0  }
0x4f: {  	[tilespmem:s2], [sflag:$0x2] =	stream.indirect.gather [hbm4b:s1+s21], $0x40, s24, s21, $0xb8;
	[tilespmem:$0x11B00] =	vst v63  }
0x50: {  	v0 =	vld [tilespmem:$0x0]  }
0x51: {  	v1 =	vld [tilespmem:$0x10]  }
0x52: {  	v2 =	vld [tilespmem:$0x20]  }
0x53: {  	v3 =	vld [tilespmem:$0x30]  }
0x54: {  	v58 =	vld [tilespmem:$0x40]  }
0x55: {  	v59 =	vld [tilespmem:$0x50];
	v0 =	vshrl.u32 v0, $0xE  }
0x56: {  	[tilespmem:$0x3A00] =	vst v0;
	v0 =	vshrl.u32 v1, $0xE;
	v1 =	vld [tilespmem:$0x60]  }
0x57: {  	[tilespmem:$0x3A10] =	vst v0;
	v0 =	vshrl.u32 v2, $0xE;
	v2 =	vld [tilespmem:$0x70]  }
0x58: {  	[tilespmem:$0x3A20] =	vst v0;
	v0 =	vshrl.u32 v3, $0xE;
	v3 =	vld [tilespmem:$0x80]  }
0x59: {  	v60 =	vld [tilespmem:$0x90];
	[tilespmem:$0x3A30] =	vst v0;
	v0 =	vshrl.u32 v58, $0xE  }
0x5a: {  	v61 =	vld [tilespmem:$0xA0];
	[tilespmem:$0x3A40] =	vst v0;
	v0 =	vshrl.u32 v59, $0xE  }
0x5b: {  	[tilespmem:$0x3A50] =	vst v0;
	v0 =	vshrl.u32 v1, $0xE;
	v1 =	vld [tilespmem:$0xB0]  }
0x5c: {  	[tilespmem:$0x3A60] =	vst v0;
	v0 =	vshrl.u32 v2, $0xE;
	v2 =	vld [tilespmem:$0xC0]  }
0x5d: {  	[tilespmem:$0x3A70] =	vst v0;
	v0 =	vshrl.u32 v3, $0xE;
	v3 =	vld [tilespmem:$0xD0]  }
0x5e: {  	v62 =	vld [tilespmem:$0xE0];
	[tilespmem:$0x3A80] =	vst v0;
	v0 =	vshrl.u32 v60, $0xE  }
0x5f: {  	v63 =	vld [tilespmem:$0xF0];
	[tilespmem:$0x3A90] =	vst v0;
	v0 =	vshrl.u32 v61, $0xE  }
0x60: {  	[tilespmem:$0x3AA0] =	vst v0;
	v0 =	vshrl.u32 v1, $0xE  }
0x61: {  	[tilespmem:$0x3AB0] =	vst v0;
	v0 =	vshrl.u32 v2, $0xE  }
0x62: {  	[tilespmem:$0x3AC0] =	vst v0;
	v0 =	vshrl.u32 v3, $0xE  }
0x63: {  	[tilespmem:$0x3AD0] =	vst v0;
	v0 =	vshrl.u32 v62, $0xE  }
0x64: {  	[tilespmem:$0x3AE0] =	vst v0;
	v0 =	vshrl.u32 v63, $0xE  }
0x65: {  	[tilespmem:$0x3AF0] =	vst v0  }
0x66: {  	p0 =	sle.u32 s12, $0x2;
	_ =	swait.ge [sflag:s25], $0x2000  }
0x67: {  	s30 =	simm.s32 @p0 $0x3A00;
	s31 =	simm.s32 @p0 $0x3B00;
	[sflag:s25] =	ssyncset.done $0x0  }
0x68: {  	s0 =	simm.s32 @p0 $0x3;
	s2 =	simm.s32 @p0 $0x80;
	[sflag:s25] =	ssyncadd.s32 $0xFFFFE000  }
0x69: {  	[spmem:s3] =	stream.indirect.scatter.add.f32 @p0 [tilespmem:s31], [sflag:$0x3], $0x40, s30, s2, $0xb8;
	[tilespmem:$0x11B00] =	vst v63  }
0x6a: {  	_ =	swait.ge @p0 [sflag:s0], $0x2000  }
0x6b: {  	[sflag:s0] =	ssyncset.done @p0 $0x0  }
0x6c: {  	s30 =	simm.s32 $0x1F0;
	[sflag:s0] =	ssyncadd.s32 @p0 $0xFFFFE000  }
0x6d: {  	v0 =	vld @!p0 [tilespmem:s30+$0xFFFFFF10];
	_ =	sdelay $0x4  }
0x6e: {  	v0 =	vand.u32 @!p0 $0x3FFF, v0  }
0x6f: {  	[tilespmem:$0x3900] =	vst @!p0 v0  }
0x70: {  	v0 =	vld @!p0 [tilespmem:s30+$0xFFFFFF20];
	_ =	sdelay $0x4  }
0x71: {  	v0 =	vand.u32 @!p0 $0x3FFF, v0  }
0x72: {  	[tilespmem:$0x3910] =	vst @!p0 v0  }
0x73: {  	v0 =	vld @!p0 [tilespmem:s30+$0xFFFFFF30];
	_ =	sdelay $0x4  }
0x74: {  	v0 =	vand.u32 @!p0 $0x3FFF, v0  }
0x75: {  	[tilespmem:$0x3920] =	vst @!p0 v0  }
0x76: {  	v0 =	vld @!p0 [tilespmem:s30+$0xFFFFFF40];
	_ =	sdelay $0x4  }
0x77: {  	v0 =	vand.u32 @!p0 $0x3FFF, v0  }
0x78: {  	[tilespmem:$0x3930] =	vst @!p0 v0  }
0x79: {  	v0 =	vld @!p0 [tilespmem:s30+$0xFFFFFF50];
	_ =	sdelay $0x4  }
0x7a: {  	v0 =	vand.u32 @!p0 $0x3FFF, v0  }
0x7b: {  	[tilespmem:$0x3940] =	vst @!p0 v0  }
0x7c: {  	v0 =	vld @!p0 [tilespmem:s30+$0xFFFFFF60];
	_ =	sdelay $0x4  }
0x7d: {  	v0 =	vand.u32 @!p0 $0x3FFF, v0  }
0x7e: {  	[tilespmem:$0x3950] =	vst @!p0 v0  }
0x7f: {  	v0 =	vld @!p0 [tilespmem:s30+$0xFFFFFF70];
	_ =	sdelay $0x4  }
0x80: {  	v0 =	vand.u32 @!p0 $0x3FFF, v0  }
0x81: {  	[tilespmem:$0x3960] =	vst @!p0 v0  }
0x82: {  	v0 =	vld @!p0 [tilespmem:s30+$0xFFFFFF80];
	_ =	sdelay $0x4  }
0x83: {  	v0 =	vand.u32 @!p0 $0x3FFF, v0  }
0x84: {  	s2 =	simm.s32 @!p0 $0x3900;
	s31 =	simm.s32 @!p0 $0x3B00;
	s0 =	simm.s32 @!p0 $0x80;
	[tilespmem:$0x3970] =	vst @!p0 v0  }
0x85: {  	[tilespmem:s31], [sflag:$0x1] =	stream.indirect.gather @!p0 [hbm4b:s1+s0], $0x40, s2, s0, $0xb8;
	[tilespmem:$0x11B00] =	vst v63  }
0x86: {  	s22 =	simm.s32 @!p0 $0x3;
	s2 =	simm.s32 @!p0 $0x3A00  }
0x87: {  	[spmem:s3] =	stream.indirect.scatter.add.f32 @!p0 [tilespmem:s31], [sflag:$0x3], $0x40, s2, s0, $0xb8;
	[tilespmem:$0x11B00] =	vst v63  }
0x88: {  	_ =	swait.ge @!p0 [sflag:s22], $0x2000  }
0x89: {  	[sflag:s22] =	ssyncset.done @!p0 $0x0  }
0x8a: {  	[sflag:s22] =	ssyncadd.s32 @!p0 $0xFFFFE000  }
0x8b: {  	v0 =	vld @!p0 [tilespmem:s30+$0xFFFFFF10];
	_ =	sdelay $0x4  }
0x8c: {  	v0 =	vshrl.u32 @!p0 v0, $0xE  }
0x8d: {  	[tilespmem:$0x3A00] =	vst @!p0 v0  }
0x8e: {  	v0 =	vld @!p0 [tilespmem:s30+$0xFFFFFF20];
	_ =	sdelay $0x4  }
0x8f: {  	v0 =	vshrl.u32 @!p0 v0, $0xE  }
0x90: {  	[tilespmem:$0x3A10] =	vst @!p0 v0  }
0x91: {  	v0 =	vld @!p0 [tilespmem:s30+$0xFFFFFF30];
	_ =	sdelay $0x4  }
0x92: {  	v0 =	vshrl.u32 @!p0 v0, $0xE  }
0x93: {  	[tilespmem:$0x3A20] =	vst @!p0 v0  }
0x94: {  	v0 =	vld @!p0 [tilespmem:s30+$0xFFFFFF40];
	_ =	sdelay $0x4  }
0x95: {  	v0 =	vshrl.u32 @!p0 v0, $0xE  }
0x96: {  	[tilespmem:$0x3A30] =	vst @!p0 v0  }
0x97: {  	v0 =	vld @!p0 [tilespmem:s30+$0xFFFFFF50];
	_ =	sdelay $0x4  }
0x98: {  	v0 =	vshrl.u32 @!p0 v0, $0xE  }
0x99: {  	[tilespmem:$0x3A40] =	vst @!p0 v0  }
0x9a: {  	v0 =	vld @!p0 [tilespmem:s30+$0xFFFFFF60];
	_ =	sdelay $0x4  }
0x9b: {  	v0 =	vshrl.u32 @!p0 v0, $0xE  }
0x9c: {  	[tilespmem:$0x3A50] =	vst @!p0 v0  }
0x9d: {  	v0 =	vld @!p0 [tilespmem:s30+$0xFFFFFF70];
	_ =	sdelay $0x4  }
0x9e: {  	v0 =	vshrl.u32 @!p0 v0, $0xE  }
0x9f: {  	[tilespmem:$0x3A60] =	vst @!p0 v0  }
0xa0: {  	v0 =	vld @!p0 [tilespmem:s30+$0xFFFFFF80];
	_ =	sdelay $0x4  }
0xa1: {  	v0 =	vshrl.u32 @!p0 v0, $0xE  }
0xa2: {  	[tilespmem:$0x3A70] =	vst @!p0 v0  }
0xa3: {  	p1 =	sle.u32 s12, $0x3;
	_ =	swait.ge [sflag:s26], $0x2000  }
0xa4: {  	s0 =	simm.s32 @p1 $0x80;
	s2 =	simm.s32 @p1 $0x5B00;
	[sflag:s26] =	ssyncset.done $0x0  }
0xa5: {  	s31 =	simm.s32 @p1 $0x3;
	s22 =	simm.s32 @p1 $0x3A80;
	[sflag:s26] =	ssyncadd.s32 $0xFFFFE000  }
0xa6: {  	[spmem:s3] =	stream.indirect.scatter.add.f32 @p1 [tilespmem:s2], [sflag:$0x3], $0x40, s22, s0, $0xb8;
	[tilespmem:$0x11B00] =	vst v63  }
0xa7: {  	_ =	swait.ge @p1 [sflag:s31], $0x2000  }
0xa8: {  	[sflag:s31] =	ssyncset.done @p1 $0x0  }
0xa9: {  	[sflag:s31] =	ssyncadd.s32 @p1 $0xFFFFE000  }
0xaa: {  	v0 =	vld @!p1 [tilespmem:s30+$0xFFFFFF90];
	_ =	sdelay $0x4  }
0xab: {  	v0 =	vand.u32 @!p1 $0x3FFF, v0  }
0xac: {  	[tilespmem:$0x3980] =	vst @!p1 v0  }
0xad: {  	v0 =	vld @!p1 [tilespmem:s30+$0xFFFFFFA0];
	_ =	sdelay $0x4  }
0xae: {  	v0 =	vand.u32 @!p1 $0x3FFF, v0  }
0xaf: {  	[tilespmem:$0x3990] =	vst @!p1 v0  }
0xb0: {  	v0 =	vld @!p1 [tilespmem:s30+$0xFFFFFFB0];
	_ =	sdelay $0x4  }
0xb1: {  	v0 =	vand.u32 @!p1 $0x3FFF, v0  }
0xb2: {  	[tilespmem:$0x39A0] =	vst @!p1 v0  }
0xb3: {  	v0 =	vld @!p1 [tilespmem:s30+$0xFFFFFFC0];
	_ =	sdelay $0x4  }
0xb4: {  	v0 =	vand.u32 @!p1 $0x3FFF, v0  }
0xb5: {  	[tilespmem:$0x39B0] =	vst @!p1 v0  }
0xb6: {  	v0 =	vld @!p1 [tilespmem:s30+$0xFFFFFFD0];
	_ =	sdelay $0x4  }
0xb7: {  	v0 =	vand.u32 @!p1 $0x3FFF, v0  }
0xb8: {  	[tilespmem:$0x39C0] =	vst @!p1 v0  }
0xb9: {  	v0 =	vld @!p1 [tilespmem:s30+$0xFFFFFFE0];
	_ =	sdelay $0x4  }
0xba: {  	v0 =	vand.u32 @!p1 $0x3FFF, v0  }
0xbb: {  	[tilespmem:$0x39D0] =	vst @!p1 v0  }
0xbc: {  	v0 =	vld @!p1 [tilespmem:s30+$0xFFFFFFF0];
	_ =	sdelay $0x4  }
0xbd: {  	v0 =	vand.u32 @!p1 $0x3FFF, v0  }
0xbe: {  	[tilespmem:$0x39E0] =	vst @!p1 v0  }
0xbf: {  	v0 =	vld @!p1 [tilespmem:s30+$0x0];
	_ =	sdelay $0x4  }
0xc0: {  	v0 =	vand.u32 @!p1 $0x3FFF, v0  }
0xc1: {  	s0 =	simm.s32 @!p1 $0x80;
	s2 =	simm.s32 @!p1 $0x3980;
	s22 =	simm.s32 @!p1 $0x5B00;
	[tilespmem:$0x39F0] =	vst @!p1 v0  }
0xc2: {  	[tilespmem:s22], [sflag:$0x2] =	stream.indirect.gather @!p1 [hbm4b:s1+s0], $0x40, s2, s0, $0xb8;
	[tilespmem:$0x11B00] =	vst v63  }
0xc3: {  	s31 =	simm.s32 @!p1 $0x3;
	s2 =	simm.s32 @!p1 $0x3A80  }
0xc4: {  	[spmem:s3] =	stream.indirect.scatter.add.f32 @!p1 [tilespmem:s22], [sflag:$0x3], $0x40, s2, s0, $0xb8;
	[tilespmem:$0x11B00] =	vst v63  }
0xc5: {  	_ =	swait.ge @!p1 [sflag:s31], $0x2000  }
0xc6: {  	[sflag:s31] =	ssyncset.done @!p1 $0x0  }
0xc7: {  	[sflag:s31] =	ssyncadd.s32 @!p1 $0xFFFFE000  }
0xc8: {  	v0 =	vld @!p1 [tilespmem:s30+$0xFFFFFF90];
	_ =	sdelay $0x4  }
0xc9: {  	v0 =	vshrl.u32 @!p1 v0, $0xE  }
0xca: {  	[tilespmem:$0x3A80] =	vst @!p1 v0  }
0xcb: {  	v0 =	vld @!p1 [tilespmem:s30+$0xFFFFFFA0];
	_ =	sdelay $0x4  }
0xcc: {  	v0 =	vshrl.u32 @!p1 v0, $0xE  }
0xcd: {  	[tilespmem:$0x3A90] =	vst @!p1 v0  }
0xce: {  	v0 =	vld @!p1 [tilespmem:s30+$0xFFFFFFB0];
	_ =	sdelay $0x4  }
0xcf: {  	v0 =	vshrl.u32 @!p1 v0, $0xE  }
0xd0: {  	[tilespmem:$0x3AA0] =	vst @!p1 v0  }
0xd1: {  	v0 =	vld @!p1 [tilespmem:s30+$0xFFFFFFC0];
	_ =	sdelay $0x4  }
0xd2: {  	v0 =	vshrl.u32 @!p1 v0, $0xE  }
0xd3: {  	[tilespmem:$0x3AB0] =	vst @!p1 v0  }
0xd4: {  	v0 =	vld @!p1 [tilespmem:s30+$0xFFFFFFD0];
	_ =	sdelay $0x4  }
0xd5: {  	v0 =	vshrl.u32 @!p1 v0, $0xE  }
0xd6: {  	[tilespmem:$0x3AC0] =	vst @!p1 v0  }
0xd7: {  	v0 =	vld @!p1 [tilespmem:s30+$0xFFFFFFE0];
	_ =	sdelay $0x4  }
0xd8: {  	v0 =	vshrl.u32 @!p1 v0, $0xE  }
0xd9: {  	[tilespmem:$0x3AD0] =	vst @!p1 v0  }
0xda: {  	v0 =	vld @!p1 [tilespmem:s30+$0xFFFFFFF0]  }
0xdb: {  	s31 =	sadd.s32 $0xFFFFFFFF, s13  }
0xdc: {  	p0 =	sne.s32 s31, $0x0  }
.Ltmp0:
0xdd: {  	_ = 	snop;
	(pc) =	sbr.rel @!p0 .LBB2_3-.Ltmp0, $4  }
0xde: {  	_ = 	snop  }
0xdf: {  	v0 =	vshrl.u32 @!p1 v0, $0xE  }
0xe0: {  	[tilespmem:$0x3AE0] =	vst @!p1 v0  }
0xe1: {  	s2 =	simm.s32 $0x3;
	v0 =	vld @!p1 [tilespmem:s30+$0x0]  }
.LBB2_2:
0xe2: {  	_ =	sdelay $0x3  }
0xe3: {  	s31 =	sadd.s32 $0xFFFFFFFF, s31;
	s2 =	sadd.s32 $0x2, s2;
	s30 =	sadd.s32 $0x100, s30;
	v0 =	vshrl.u32 @!p1 v0, $0xE  }
0xe4: {  	s0 =	sadd.s32 $0xFFFFFFFF, s2;
	p0 =	sne.s32 s31, $0x0;
	[tilespmem:$0x3AF0] =	vst @!p1 v0  }
0xe5: {  	p1 =	sge.u32 s0, s12;
	_ =	swait.ge [sflag:s25], $0x2000  }
0xe6: {  	s0 =	simm.s32 @p1 $0x80;
	s22 =	simm.s32 @p1 $0x3A00;
	[sflag:s25] =	ssyncset.done $0x0  }
0xe7: {  	s23 =	simm.s32 @p1 $0x3B00;
	s24 =	simm.s32 @p1 $0x3;
	[sflag:s25] =	ssyncadd.s32 $0xFFFFE000  }
0xe8: {  	[spmem:s3] =	stream.indirect.scatter.add.f32 @p1 [tilespmem:s23], [sflag:$0x3], $0x40, s22, s0, $0xb8;
	[tilespmem:$0x11B00] =	vst v63  }
0xe9: {  	_ =	swait.ge @p1 [sflag:s24], $0x2000  }
0xea: {  	[sflag:s24] =	ssyncset.done @p1 $0x0  }
0xeb: {  	[sflag:s24] =	ssyncadd.s32 @p1 $0xFFFFE000  }
0xec: {  	v0 =	vld @!p1 [tilespmem:s30+$0xFFFFFF10];
	_ =	sdelay $0x4  }
0xed: {  	v0 =	vand.u32 @!p1 $0x3FFF, v0  }
0xee: {  	[tilespmem:$0x3900] =	vst @!p1 v0  }
0xef: {  	v0 =	vld @!p1 [tilespmem:s30+$0xFFFFFF20];
	_ =	sdelay $0x4  }
0xf0: {  	v0 =	vand.u32 @!p1 $0x3FFF, v0  }
0xf1: {  	[tilespmem:$0x3910] =	vst @!p1 v0  }
0xf2: {  	v0 =	vld @!p1 [tilespmem:s30+$0xFFFFFF30];
	_ =	sdelay $0x4  }
0xf3: {  	v0 =	vand.u32 @!p1 $0x3FFF, v0  }
0xf4: {  	[tilespmem:$0x3920] =	vst @!p1 v0  }
0xf5: {  	v0 =	vld @!p1 [tilespmem:s30+$0xFFFFFF40];
	_ =	sdelay $0x4  }
0xf6: {  	v0 =	vand.u32 @!p1 $0x3FFF, v0  }
0xf7: {  	[tilespmem:$0x3930] =	vst @!p1 v0  }
0xf8: {  	v0 =	vld @!p1 [tilespmem:s30+$0xFFFFFF50];
	_ =	sdelay $0x4  }
0xf9: {  	v0 =	vand.u32 @!p1 $0x3FFF, v0  }
0xfa: {  	[tilespmem:$0x3940] =	vst @!p1 v0  }
0xfb: {  	v0 =	vld @!p1 [tilespmem:s30+$0xFFFFFF60];
	_ =	sdelay $0x4  }
0xfc: {  	v0 =	vand.u32 @!p1 $0x3FFF, v0  }
0xfd: {  	[tilespmem:$0x3950] =	vst @!p1 v0  }
0xfe: {  	v0 =	vld @!p1 [tilespmem:s30+$0xFFFFFF70];
	_ =	sdelay $0x4  }
0xff: {  	v0 =	vand.u32 @!p1 $0x3FFF, v0  }
0x100: {  	[tilespmem:$0x3960] =	vst @!p1 v0  }
0x101: {  	v0 =	vld @!p1 [tilespmem:s30+$0xFFFFFF80];
	_ =	sdelay $0x4  }
0x102: {  	s0 =	simm.s32 @!p1 $0x80;
	s22 =	simm.s32 @!p1 $0x3900;
	s23 =	simm.s32 @!p1 $0x3B00;
	v0 =	vand.u32 @!p1 $0x3FFF, v0  }
0x103: {  	s24 =	simm.s32 @!p1 $0x3A00;
	[tilespmem:$0x3970] =	vst @!p1 v0  }
0x104: {  	[tilespmem:s23], [sflag:$0x1] =	stream.indirect.gather @!p1 [hbm4b:s1+s0], $0x40, s22, s0, $0xb8;
	[tilespmem:$0x11B00] =	vst v63  }
0x105: {  	s22 =	simm.s32 @!p1 $0x3  }
0x106: {  	[spmem:s3] =	stream.indirect.scatter.add.f32 @!p1 [tilespmem:s23], [sflag:$0x3], $0x40, s24, s0, $0xb8;
	[tilespmem:$0x11B00] =	vst v63  }
0x107: {  	_ =	swait.ge @!p1 [sflag:s22], $0x2000  }
0x108: {  	[sflag:s22] =	ssyncset.done @!p1 $0x0  }
0x109: {  	[sflag:s22] =	ssyncadd.s32 @!p1 $0xFFFFE000  }
0x10a: {  	v0 =	vld @!p1 [tilespmem:s30+$0xFFFFFF10];
	_ =	sdelay $0x4  }
0x10b: {  	v0 =	vshrl.u32 @!p1 v0, $0xE  }
0x10c: {  	[tilespmem:$0x3A00] =	vst @!p1 v0  }
0x10d: {  	v0 =	vld @!p1 [tilespmem:s30+$0xFFFFFF20];
	_ =	sdelay $0x4  }
0x10e: {  	v0 =	vshrl.u32 @!p1 v0, $0xE  }
0x10f: {  	[tilespmem:$0x3A10] =	vst @!p1 v0  }
0x110: {  	v0 =	vld @!p1 [tilespmem:s30+$0xFFFFFF30];
	_ =	sdelay $0x4  }
0x111: {  	v0 =	vshrl.u32 @!p1 v0, $0xE  }
0x112: {  	[tilespmem:$0x3A20] =	vst @!p1 v0  }
0x113: {  	v0 =	vld @!p1 [tilespmem:s30+$0xFFFFFF40];
	_ =	sdelay $0x4  }
0x114: {  	v0 =	vshrl.u32 @!p1 v0, $0xE  }
0x115: {  	[tilespmem:$0x3A30] =	vst @!p1 v0  }
0x116: {  	v0 =	vld @!p1 [tilespmem:s30+$0xFFFFFF50];
	_ =	sdelay $0x4  }
0x117: {  	v0 =	vshrl.u32 @!p1 v0, $0xE  }
0x118: {  	[tilespmem:$0x3A40] =	vst @!p1 v0  }
0x119: {  	v0 =	vld @!p1 [tilespmem:s30+$0xFFFFFF60];
	_ =	sdelay $0x4  }
0x11a: {  	v0 =	vshrl.u32 @!p1 v0, $0xE  }
0x11b: {  	[tilespmem:$0x3A50] =	vst @!p1 v0  }
0x11c: {  	v0 =	vld @!p1 [tilespmem:s30+$0xFFFFFF70];
	_ =	sdelay $0x4  }
0x11d: {  	v0 =	vshrl.u32 @!p1 v0, $0xE  }
0x11e: {  	[tilespmem:$0x3A60] =	vst @!p1 v0  }
0x11f: {  	v0 =	vld @!p1 [tilespmem:s30+$0xFFFFFF80];
	_ =	sdelay $0x4  }
0x120: {  	v0 =	vshrl.u32 @!p1 v0, $0xE  }
0x121: {  	[tilespmem:$0x3A70] =	vst @!p1 v0  }
0x122: {  	p1 =	sge.u32 s2, s12;
	_ =	swait.ge [sflag:s26], $0x2000  }
0x123: {  	s0 =	simm.s32 @p1 $0x80;
	s22 =	simm.s32 @p1 $0x5B00;
	[sflag:s26] =	ssyncset.done $0x0  }
0x124: {  	s23 =	simm.s32 @p1 $0x3A80;
	s24 =	simm.s32 @p1 $0x3;
	[sflag:s26] =	ssyncadd.s32 $0xFFFFE000  }
0x125: {  	[spmem:s3] =	stream.indirect.scatter.add.f32 @p1 [tilespmem:s22], [sflag:$0x3], $0x40, s23, s0, $0xb8;
	[tilespmem:$0x11B00] =	vst v63  }
0x126: {  	_ =	swait.ge @p1 [sflag:s24], $0x2000  }
0x127: {  	[sflag:s24] =	ssyncset.done @p1 $0x0  }
0x128: {  	[sflag:s24] =	ssyncadd.s32 @p1 $0xFFFFE000  }
0x129: {  	v0 =	vld @!p1 [tilespmem:s30+$0xFFFFFF90];
	_ =	sdelay $0x4  }
0x12a: {  	v0 =	vand.u32 @!p1 $0x3FFF, v0  }
0x12b: {  	[tilespmem:$0x3980] =	vst @!p1 v0  }
0x12c: {  	v0 =	vld @!p1 [tilespmem:s30+$0xFFFFFFA0];
	_ =	sdelay $0x4  }
0x12d: {  	v0 =	vand.u32 @!p1 $0x3FFF, v0  }
0x12e: {  	[tilespmem:$0x3990] =	vst @!p1 v0  }
0x12f: {  	v0 =	vld @!p1 [tilespmem:s30+$0xFFFFFFB0];
	_ =	sdelay $0x4  }
0x130: {  	v0 =	vand.u32 @!p1 $0x3FFF, v0  }
0x131: {  	[tilespmem:$0x39A0] =	vst @!p1 v0  }
0x132: {  	v0 =	vld @!p1 [tilespmem:s30+$0xFFFFFFC0];
	_ =	sdelay $0x4  }
0x133: {  	v0 =	vand.u32 @!p1 $0x3FFF, v0  }
0x134: {  	[tilespmem:$0x39B0] =	vst @!p1 v0  }
0x135: {  	v0 =	vld @!p1 [tilespmem:s30+$0xFFFFFFD0];
	_ =	sdelay $0x4  }
0x136: {  	v0 =	vand.u32 @!p1 $0x3FFF, v0  }
0x137: {  	[tilespmem:$0x39C0] =	vst @!p1 v0  }
0x138: {  	v0 =	vld @!p1 [tilespmem:s30+$0xFFFFFFE0];
	_ =	sdelay $0x4  }
0x139: {  	v0 =	vand.u32 @!p1 $0x3FFF, v0  }
0x13a: {  	[tilespmem:$0x39D0] =	vst @!p1 v0  }
0x13b: {  	v0 =	vld @!p1 [tilespmem:s30+$0xFFFFFFF0];
	_ =	sdelay $0x4  }
0x13c: {  	v0 =	vand.u32 @!p1 $0x3FFF, v0  }
0x13d: {  	[tilespmem:$0x39E0] =	vst @!p1 v0  }
0x13e: {  	v0 =	vld @!p1 [tilespmem:s30+$0x0];
	_ =	sdelay $0x4  }
0x13f: {  	s0 =	simm.s32 @!p1 $0x80;
	s22 =	simm.s32 @!p1 $0x3980;
	s23 =	simm.s32 @!p1 $0x5B00;
	v0 =	vand.u32 @!p1 $0x3FFF, v0  }
0x140: {  	s24 =	simm.s32 @!p1 $0x3A80;
	[tilespmem:$0x39F0] =	vst @!p1 v0  }
0x141: {  	[tilespmem:s23], [sflag:$0x2] =	stream.indirect.gather @!p1 [hbm4b:s1+s0], $0x40, s22, s0, $0xb8;
	[tilespmem:$0x11B00] =	vst v63  }
0x142: {  	s22 =	simm.s32 @!p1 $0x3  }
0x143: {  	[spmem:s3] =	stream.indirect.scatter.add.f32 @!p1 [tilespmem:s23], [sflag:$0x3], $0x40, s24, s0, $0xb8;
	[tilespmem:$0x11B00] =	vst v63  }
0x144: {  	_ =	swait.ge @!p1 [sflag:s22], $0x2000  }
0x145: {  	[sflag:s22] =	ssyncset.done @!p1 $0x0  }
0x146: {  	[sflag:s22] =	ssyncadd.s32 @!p1 $0xFFFFE000  }
0x147: {  	v0 =	vld @!p1 [tilespmem:s30+$0xFFFFFF90];
	_ =	sdelay $0x4  }
0x148: {  	v0 =	vshrl.u32 @!p1 v0, $0xE  }
0x149: {  	[tilespmem:$0x3A80] =	vst @!p1 v0  }
0x14a: {  	v0 =	vld @!p1 [tilespmem:s30+$0xFFFFFFA0];
	_ =	sdelay $0x4  }
0x14b: {  	v0 =	vshrl.u32 @!p1 v0, $0xE  }
0x14c: {  	[tilespmem:$0x3A90] =	vst @!p1 v0  }
0x14d: {  	v0 =	vld @!p1 [tilespmem:s30+$0xFFFFFFB0];
	_ =	sdelay $0x4  }
0x14e: {  	v0 =	vshrl.u32 @!p1 v0, $0xE  }
0x14f: {  	[tilespmem:$0x3AA0] =	vst @!p1 v0  }
0x150: {  	v0 =	vld @!p1 [tilespmem:s30+$0xFFFFFFC0];
	_ =	sdelay $0x4  }
0x151: {  	v0 =	vshrl.u32 @!p1 v0, $0xE  }
0x152: {  	[tilespmem:$0x3AB0] =	vst @!p1 v0  }
0x153: {  	v0 =	vld @!p1 [tilespmem:s30+$0xFFFFFFD0];
	_ =	sdelay $0x4  }
0x154: {  	v0 =	vshrl.u32 @!p1 v0, $0xE  }
0x155: {  	[tilespmem:$0x3AC0] =	vst @!p1 v0  }
0x156: {  	v0 =	vld @!p1 [tilespmem:s30+$0xFFFFFFE0];
	_ =	sdelay $0x4  }
0x157: {  	v0 =	vshrl.u32 @!p1 v0, $0xE  }
0x158: {  	[tilespmem:$0x3AD0] =	vst @!p1 v0  }
0x159: {  	v0 =	vld @!p1 [tilespmem:s30+$0xFFFFFFF0];
	_ =	sdelay $0x2  }
.Ltmp1:
0x15a: {  	(pc) =	sbr.rel @p0 .LBB2_2-.Ltmp1, $4  }
0x15b: {  	_ = 	snop  }
0x15c: {  	v0 =	vshrl.u32 @!p1 v0, $0xE  }
0x15d: {  	[tilespmem:$0x3AE0] =	vst @!p1 v0  }
0x15e: {  	v0 =	vld @!p1 [tilespmem:s30+$0x0]  }
.LBB2_3:
0x15f: {  	_ =	sdelay $0x3  }
0x160: {  	v0 =	vshrl.u32 @!p1 v0, $0xE  }
0x161: {  	[tilespmem:$0x3AF0] =	vst @!p1 v0  }
0x162: {  	[bflag:$0x0] =	sbarrier.arrive $0xFFFF  }
0x163: {  	[tilespmem:s20], [sflag:$0x3] =	stream.linear.gather [spmem:s7], $0x2000, $0x38;
	[tilespmem:$0x11B00] =	vst v63  }
0x164: {  	_ =	swait.ge [sflag:s28], $0x2000  }
0x165: {  	[sflag:s28] =	ssyncset.done $0x0  }
0x166: {  	[sflag:s28] =	ssyncadd.s32 $0xFFFFE000  }
0x167: {  	[hbm4b:s14+s4] =	stream.linear.scatter [tilespmem:s20], [sflag:$0x3], $0x2000, $0x38;
	[tilespmem:$0x11B00] =	vst v63  }
0x168: {  	_ =	swait.ge [sflag:s28], $0x2000  }
0x169: {  	[sflag:s28] =	ssyncset.done $0x0  }
0x16a: {  	[sflag:s28] =	ssyncadd.s32 $0xFFFFE000  }
0x16b: {  	[tilespmem:s20], [sflag:$0x3] =	stream.linear.gather [spmem:s8], $0x2000, $0x38;
	[tilespmem:$0x11B00] =	vst v63  }
0x16c: {  	_ =	swait.ge [sflag:s28], $0x2000  }
0x16d: {  	[sflag:s28] =	ssyncset.done $0x0  }
0x16e: {  	[sflag:s28] =	ssyncadd.s32 $0xFFFFE000  }
0x16f: {  	[hbm4b:s15+s4] =	stream.linear.scatter [tilespmem:s20], [sflag:$0x3], $0x2000, $0x38;
	[tilespmem:$0x11B00] =	vst v63  }
0x170: {  	_ =	swait.ge [sflag:s28], $0x2000  }
0x171: {  	[sflag:s28] =	ssyncset.done $0x0  }
0x172: {  	[sflag:s28] =	ssyncadd.s32 $0xFFFFE000  }
0x173: {  	[tilespmem:s20], [sflag:$0x3] =	stream.linear.gather [spmem:s9], $0x2000, $0x38;
	[tilespmem:$0x11B00] =	vst v63  }
0x174: {  	_ =	swait.ge [sflag:s28], $0x2000  }
0x175: {  	[sflag:s28] =	ssyncset.done $0x0  }
0x176: {  	[sflag:s28] =	ssyncadd.s32 $0xFFFFE000  }
0x177: {  	[hbm4b:s16+s4] =	stream.linear.scatter [tilespmem:s20], [sflag:$0x3], $0x2000, $0x38;
	[tilespmem:$0x11B00] =	vst v63  }
0x178: {  	_ =	swait.ge [sflag:s28], $0x2000  }
0x179: {  	[sflag:s28] =	ssyncset.done $0x0  }
0x17a: {  	[sflag:s28] =	ssyncadd.s32 $0xFFFFE000  }
0x17b: {  	[tilespmem:s20], [sflag:$0x3] =	stream.linear.gather [spmem:s10], $0x2000, $0x38;
	[tilespmem:$0x11B00] =	vst v63  }
0x17c: {  	_ =	swait.ge [sflag:s28], $0x2000  }
0x17d: {  	[sflag:s28] =	ssyncset.done $0x0  }
0x17e: {  	[sflag:s28] =	ssyncadd.s32 $0xFFFFE000  }
0x17f: {  	[hbm4b:s17+s4] =	stream.linear.scatter [tilespmem:s20], [sflag:$0x3], $0x2000, $0x38;
	[tilespmem:$0x11B00] =	vst v63  }
0x180: {  	_ =	swait.ge [sflag:s28], $0x2000  }
0x181: {  	[sflag:s28] =	ssyncset.done $0x0  }
0x182: {  	[sflag:s28] =	ssyncadd.s32 $0xFFFFE000  }
0x183: {  	[tilespmem:s20], [sflag:$0x3] =	stream.linear.gather [spmem:s11], $0x2000, $0x38;
	[tilespmem:$0x11B00] =	vst v63  }
0x184: {  	s29 =	sadd.s32 $0x1, s29;
	_ =	swait.ge [sflag:s28], $0x2000  }
0x185: {  	p0 =	sne.s32 s29, s19;
	[sflag:s28] =	ssyncset.done $0x0  }
.Ltmp2:
0x186: {  	[sflag:s28] =	ssyncadd.s32 $0xFFFFE000;
	(pc) =	sbr.rel @p0 .LBB2_1-.Ltmp2, $4  }
0x187: {  	[hbm4b:s18+s4] =	stream.linear.scatter [tilespmem:s20], [sflag:$0x3], $0x2000, $0x38;
	[tilespmem:$0x11B00] =	vst v63  }
0x188: {  	_ =	swait.ge [sflag:s28], $0x2000  }
0x189: {  	[sflag:s28] =	ssyncset.done $0x0  }
0x18a: {  	[sflag:s28] =	ssyncadd.s32 $0xFFFFE000  }
0x18b: {  	_ =	sfence.sel $0x180000  }
0x18c: {  	[bflag:$0x0] =	sbarrier.arrive $0xFFFF  }
0x18d: {  	_ =	strace $0x9000004D  }
0x18e: {  	s0 =	stileid.u32;
	[bflag:$0x2] =	sbarrier.arrive $0xFFFF  }
0x18f: {  	p0 =	sne.s32 s0, $0x0;
	s0 =	rddreg [dreg:$0x3]  }
0x190: {  	s0 =	sadd.s32 @!p0 $0x100000, s0  }
0x191: {  	[sflag:s0] =	ssyncadd.tile.s32 @!p0 $0x1;
	_ =	shalt  }
.Lfunc_end2:
_tile_overlayer_lowered:
.L_overlay_start_2:
0x192: {  	(tag) =	ssettag $0x2  }
0x193: {  	s0 =	rddreg [dreg:$0x0];
	s2 =	stileid.u32  }
0x194: {  	s1 =	rddreg [dreg:$0x1];
	p0 =	sne.s32 s2, $0x0  }
0x195: {  	s3 =	rddreg [dreg:$0x2];
	[bflag:$0x3] =	sbarrier.arrive $0xFFFF;
	s2 =	simm.s32 @!p0 $0x1C03  }
0x196: {  	[timem:s3], [sflag:s2] =	dma.local @!p0 [hbm:s0], s1  }
0x197: {  	s0 =	simm.s32 @!p0 $0x3  }
0x198: {  	_ =	swait.ge @!p0 [sflag:s0], s1  }
0x199: {  	s1 =	ssub.s32 @!p0 $0x0, s1;
	[sflag:s0] =	ssyncset.done @!p0 $0x0  }
0x19a: {  	[sflag:s0] =	ssyncadd.s32 @!p0 s1  }
0x19b: {  	[bflag:$0x3] =	sbarrier.arrive $0xFFFF  }
0x19c: {  	_ =	shalt  }

// kernel: kernel.8.cloned.1.call-start
scs
__scs_entry_jumppad:
0x0: {  	(pc) =	sbr.rel $0x88, $3  }
0x1: {  	(tag) =	ssettag $0x0;
	lr =	simm.s32 $0x1  }
0x2: {  	[smem:$0x3F9B] =	sst lr;
	_ =	strace $0xD0000000  }
0x3: {  	_ = 	snop  }
0x4: {  	_ = 	snop  }
0x5: {  	_ = 	snop  }
0x6: {  	_ = 	snop  }
0x7: {  	_ = 	snop  }
__scs_overlays_trampoline_lowered:
0x8: {  	[smem:$0x3FAA] =	sst s0  }
0x9: {  	[smem:$0x3FAB] =	sst s1  }
0xa: {  	[smem:$0x3FAC] =	sst s2  }
0xb: {  	[smem:$0x3FAD] =	sst s3  }
0xc: {  	[smem:$0x3FAE] =	sst s4  }
0xd: {  	[smem:$0x3FAF] =	sst s5  }
0xe: {  	[smem:$0x3FB0] =	sst s6  }
0xf: {  	[smem:$0x3FB1] =	sst s7  }
0x10: {  	[smem:$0x3FB2] =	sst s8  }
0x11: {  	[smem:$0x3FB3] =	sst s9;
	s0 =	simm.s32 @!p0 $0x0  }
0x12: {  	s1 =	sld [smem:$0x3F99];
	s0 =	simm.s32 @p0 $0x1  }
0x13: {  	[smem:$0x3FB4] =	sst s0;
	s0 =	simm.s32 @!p1 $0x0  }
0x14: {  	s2 =	sld [smem:$0x3F98];
	s0 =	simm.s32 @p1 $0x1  }
0x15: {  	[smem:$0x3FB5] =	sst s0;
	s0 =	simm.s32 @!p2 $0x0  }
0x16: {  	s3 =	sld [smem:$0x3FDB];
	s0 =	simm.s32 @p2 $0x1  }
0x17: {  	s4 =	simm.s32 $0x1BF5;
	[smem:$0x3FB7] =	sst s0  }
0x18: {  	s0 =	sld [smem:$0x3F9A];
	_ =	swait.ge [sflag:s4], $0x0  }
0x19: {  	s7 =	sld [smem:$0x3F9B]  }
0x1a: {  	s8 =	sadd.s32 $0xFFFFE003, lr  }
0x1b: {  	s9 =	sadd.s32 $0xFFFFFEF7, lr;
	s5 =	simm.s32 $0xFFFFFFFF;
	p2 =	slt.u32 s8, $0xFFFFF086  }
0x1c: {  	p1 =	slt.u32 s9, $0xF7A;
	s5 =	simm.s32 @!p2 $0x0  }
0x1d: {  	s5 =	simm.s32 @p1 $0x1;
	p0 =	seq.s32 s7, s2  }
0x1e: {  	s7 =	smul.u32 @!p0 $0xF7A, s2;
	p2 =	seq.s32 @!p0 s5, $0x0  }
0x1f: {  	s9 =	smul.u32 $0xF7A, s1;
	s8 =	simm.s32 @!p0 $0x1BF5;
	p2 =	por !p2, p0  }
0x20: {  	[sflag:s8] =	ssyncset.s32 @!p0 $0xFFFFF086;
	s6 =	sadd.s32 @!p0 s3, s7;
	s7 =	simm.s32 @!p0 $0x108  }
0x21: {  	s3 =	sadd.s32 s3, s9;
	s6 =	sadd.s32 @!p0 $0x88, s6;
	s7 =	simm.s32 @p2 $0x1082  }
0x22: {  	[simem:s7], [sflag:s8] =	dma.local @!p0 [hbm:s6], $0xF7A  }
0x23: {  	s9 =	sor.u32 $0xD0000000, s2;
	s6 =	simm.s32 $0x108;
	_ =	swait.ge @!p0 [sflag:s8], $0x0  }
0x24: {  	s3 =	sadd.s32 $0x88, s3;
	s6 =	simm.s32 @!p1 $0x1082;
	[sflag:s4] =	ssyncset.s32 $0xFFFFF086  }
0x25: {  	[simem:s6], [sflag:s4] =	dma.local [hbm:s3], $0xF7A  }
0x26: {  	[smem:$0x3F9B] =	sst s1;
	(tag) =	ssettag s2;
	_ =	strace s9  }
0x27: {  	s1 =	sld [smem:$0x3FAB]  }
0x28: {  	s2 =	sld [smem:$0x3FAC]  }
0x29: {  	s4 =	sld [smem:$0x3FAE]  }
0x2a: {  	p0 =	seq.s32 s5, $0x0;
	s5 =	sld [smem:$0x3FAF]  }
0x2b: {  	s6 =	sld [smem:$0x3FB0]  }
0x2c: {  	s7 =	sld [smem:$0x3FB1]  }
0x2d: {  	s3 =	simm.s32 $0x108;
	s8 =	sld [smem:$0x3FB2]  }
0x2e: {  	s3 =	simm.s32 @!p0 $0x1082;
	s9 =	sld [smem:$0x3FB3]  }
0x2f: {  	lr =	sadd.s32 s0, s3;
	s0 =	sld [smem:$0x3FAA]  }
0x30: {  	s3 =	sld [smem:$0x3FAD]  }
0x31: {  	[smem:$0x3FB6] =	sst s10  }
0x32: {  	s10 =	sld [smem:$0x3FB4];
	_ =	sdelay $0x3  }
0x33: {  	p0 =	seq.s32 s10, $0x1;
	s10 =	sld [smem:$0x3FB6];
	_ =	sdelay $0x3  }
0x34: {  	[smem:$0x3FB6] =	sst s10  }
0x35: {  	s10 =	sld [smem:$0x3FB5];
	_ =	sdelay $0x3  }
0x36: {  	p1 =	seq.s32 s10, $0x1;
	s10 =	sld [smem:$0x3FB6];
	_ =	sdelay $0x3  }
0x37: {  	[smem:$0x3FB6] =	sst s10  }
0x38: {  	s10 =	sld [smem:$0x3FB7]  }
0x39: {  	_ = 	snop;
	(pc) =	sbr.ind lr, $3  }
0x3a: {  	_ = 	snop  }
0x3b: {  	_ = 	snop  }
0x3c: {  	p2 =	seq.s32 s10, $0x1;
	s10 =	sld [smem:$0x3FB6]  }
0x3d: {  	_ =	shalt  }
0x3e: {  	_ =	shalt  }
0x3f: {  	_ =	shalt  }
0x40: {  	_ =	shalt  }
0x41: {  	_ =	shalt  }
0x42: {  	_ =	shalt  }
0x43: {  	_ =	shalt  }
0x44: {  	_ =	shalt  }
0x45: {  	_ =	shalt  }
0x46: {  	_ =	shalt  }
0x47: {  	_ =	shalt  }
0x48: {  	_ =	shalt  }
0x49: {  	_ =	shalt  }
0x4a: {  	_ =	shalt  }
0x4b: {  	_ =	shalt  }
0x4c: {  	_ =	shalt  }
0x4d: {  	_ =	shalt  }
0x4e: {  	_ =	shalt  }
0x4f: {  	_ =	shalt  }
0x50: {  	_ =	shalt  }
0x51: {  	_ =	shalt  }
0x52: {  	_ =	shalt  }
0x53: {  	_ =	shalt  }
0x54: {  	_ =	shalt  }
0x55: {  	_ =	shalt  }
0x56: {  	_ =	shalt  }
0x57: {  	_ =	shalt  }
0x58: {  	_ =	shalt  }
0x59: {  	_ =	shalt  }
0x5a: {  	_ =	shalt  }
0x5b: {  	_ =	shalt  }
0x5c: {  	_ =	shalt  }
0x5d: {  	_ =	shalt  }
0x5e: {  	_ =	shalt  }
0x5f: {  	_ =	shalt  }
0x60: {  	_ =	shalt  }
0x61: {  	_ =	shalt  }
0x62: {  	_ =	shalt  }
0x63: {  	_ =	shalt  }
0x64: {  	_ =	shalt  }
0x65: {  	_ =	shalt  }
0x66: {  	_ =	shalt  }
0x67: {  	_ =	shalt  }
0x68: {  	_ =	shalt  }
0x69: {  	_ =	shalt  }
0x6a: {  	_ =	shalt  }
0x6b: {  	_ =	shalt  }
0x6c: {  	_ =	shalt  }
0x6d: {  	_ =	shalt  }
0x6e: {  	_ =	shalt  }
0x6f: {  	_ =	shalt  }
0x70: {  	_ =	shalt  }
0x71: {  	_ =	shalt  }
0x72: {  	_ =	shalt  }
0x73: {  	_ =	shalt  }
0x74: {  	_ =	shalt  }
0x75: {  	_ =	shalt  }
0x76: {  	_ =	shalt  }
0x77: {  	_ =	shalt  }
0x78: {  	_ =	shalt  }
0x79: {  	_ =	shalt  }
0x7a: {  	_ =	shalt  }
0x7b: {  	_ =	shalt  }
0x7c: {  	_ =	shalt  }
0x7d: {  	_ =	shalt  }
0x7e: {  	_ =	shalt  }
0x7f: {  	_ =	shalt  }
0x80: {  	_ =	shalt  }
0x81: {  	_ =	shalt  }
0x82: {  	_ =	shalt  }
0x83: {  	_ =	shalt  }
0x84: {  	_ =	shalt  }
0x85: {  	_ =	shalt  }
0x86: {  	_ =	shalt  }
0x87: {  	_ =	shalt  }
.Lfunc_end0:
.L_simem_size_0:
called_computation_lowered:
.L_overlay_start_0:
0x88: {  	s2 =	sld [smem:$0x3FD9]  }
0x89: {  	s3 =	sld [smem:$0x3FFE];
	_ =	sdelay $0x1  }
0x8a: {  	s1 =	srdreg.scid  }
0x8b: {  	s0 =	sand.u32 $0x1, s1  }
0x8c: {  	s17 =	sshll.u32 s0, $0xA;
	s2 =	sadd.s32 s3, s2  }
0x8d: {  	s2 =	sadd.s32 s2, s17  }
0x8e: {  	[smem:$0x3FC2] =	sst s2  }
0x8f: {  	_ = 	snop  }
0x90: {  	s2 =	sld [smem:$0x3FD0];
	(tm) =	ssettm $0x1  }
0x91: {  	s18 =	sld [smem:$0x3FFB];
	_ =	sdelay $0x3  }
0x92: {  	_ =	strace s18  }
0x93: {  	s3 =	sld [smem:$0x3FFC];
	_ =	sdelay $0x3  }
0x94: {  	_ =	strace s3  }
0x95: {  	s3 =	sld [smem:$0x3FFD];
	_ =	sdelay $0x3  }
0x96: {  	_ =	strace s3  }
0x97: {  	_ =	strace $0x8FFFFFFF  }
0x98: {  	s19 =	sld [smem:$0x3FDB];
	_ =	sdelay $0x1  }
0x99: {  	s4 =	simm.s32 $_scs_section_size  }
0x9a: {  	s5 =	simm.s32 $_size__tile_overlayer_lowered;
	s6 =	simm.s32 $_tile_overlayer_lowered  }
0x9b: {  	s22 =	simm.s32 $0x1BFF;
	s21 =	sshll.u32 s6, $0x1;
	s3 =	sadd.s32 s4, s19  }
0x9c: {  	s7 =	simm.s32 $0x0;
	s20 =	sshll.u32 s5, $0x1;
	s5 =	sadd.s32 s21, s3  }
0x9d: {  	[timem:s7], [sflag:s22] =	dma.local [hbm:s5], s20  }
0x9e: {  	_ =	swait.ge [sflag:s22], s20  }
0x9f: {  	s4 =	ssub.s32 $0x0, s20;
	[sflag:s22] =	ssyncset.done $0x0  }
0xa0: {  	[sflag:s22] =	ssyncadd.s32 s4;
	_ =	sdelay $0x1  }
0xa1: {  	s23 =	simm.s32 $0x1B8B  }
0xa2: {  	_ =	swait.ge [sflag:s23], $0x1  }
0xa3: {  	[sflag:s23] =	ssyncset.done $0x0  }
0xa4: {  	s25 =	simm.s32 $0x1B8E;
	s24 =	sld [smem:$0x3FFE];
	[sflag:s23] =	ssyncadd.s32 $0xFFFFFFFF  }
0xa5: {  	s26 =	simm.s32 $execute0_lowered;
	[smem:$0x3FD2] =	sst s25  }
0xa6: {  	s5 =	sshll.u32 s26, $0x1;
	_ =	strace $0x80000046;
	[dreg:$0x1] =	wrdreg $0xFFFFFFFF  }
0xa7: {  	s28 =	simm.s32 $_size_execute0_lowered;
	s3 =	sadd.s32 s3, s5;
	[dreg:$0x0] =	wrdreg $0x0  }
0xa8: {  	s5 =	sshll.u32 s28, $0x1;
	[dreg:$0x2] =	wrdreg s3  }
0xa9: {  	[dreg:$0x3] =	wrdreg s5  }
0xaa: {  	[dreg:$0x4] =	wrdreg $0xC0  }
0xab: {  	_ =	task [dreg:s7], $0x5FFFF  }
0xac: {  	[dreg:$0x1] =	wrdreg $0xFFFFFFFF  }
0xad: {  	[dreg:$0x0] =	wrdreg $0x60  }
0xae: {  	[dreg:$0x2] =	wrdreg s2  }
0xaf: {  	[dreg:$0x3] =	wrdreg s24  }
0xb0: {  	[dreg:$0x4] =	wrdreg $0x3F800  }
0xb1: {  	[dreg:$0x5] =	wrdreg $0x9  }
0xb2: {  	_ =	task.clear_ibuf [dreg:s7], $0x6FFFF;
	_ =	strace $0x90000046  }
0xb3: {  	s29 =	simm.s32 $0x9;
	_ =	strace $0x80000048  }
0xb4: {  	_ =	swait.ge [sflag:s29], $0x1  }
0xb5: {  	[sflag:s29] =	ssyncadd.s32 $0xFFFFFFFF  }
0xb6: {  	_ =	strace $0x90000048  }
0xb7: {  	_ =	sfence  }
0xb8: {  	s30 =	sld [smem:$0x0];
	_ =	sdelay $0x2  }
0xb9: {  	s31 =	sshll.u32 s1, $0xD;
	s1 =	sshrl.u32 s1, $0x2  }
0xba: {  	s3 =	sand.u32 $0x4000, s31;
	s1 =	sadd.s32 s1, s30  }
0xbb: {  	s0 =	sor.u32 s3, s0;
	s1 =	sshll.u32 s1, $0x11  }
0xbc: {  	s0 =	sor.u32 s1, s0  }
0xbd: {  	s0 =	sadd.s32 $0x8F2B, s0  }
0xbe: {  	[sflag:s0] =	ssyncadd.remote.s32 $0x1  }
0xbf: {  	_ =	sfence.sel $0xFFFF  }
0xc0: {  	[dreg:$0x0] =	wrdreg $0xFFFFFFFF;
	(pc) =	sbr.abs _section_cstart, $3  }
0xc1: {  	[dreg:$0x1] =	wrdreg $0xFFFFFFFF  }
0xc2: {  	_ =	task.clear_ibuf [dreg:s7], $0x2FFFF;
	_ =	strace $0x9FFFFFFF  }
0xc3: {  	(tm) =	ssettm $0x7FFFFFFF  }
tec
execute0_lowered:
.L_overlay_start_1:
0x0: {  	(tag) =	ssettag $0x1  }
0x1: {  	s6 =	rddreg [dreg:$0x0]  }
0x2: {  	s5 =	rddreg [dreg:$0x1]  }
0x3: {  	s2 =	rddreg [dreg:$0x2]  }
0x4: {  	s0 =	rddreg [dreg:$0x3];
	s4 =	srdreg.scid  }
0x5: {  	s1 =	stileid.u32;
	s3 =	simm.s32 $0x0;
	s13 =	simm.s32 $0x80  }
0x6: {  	s14 =	simm.s32 $0x3C00;
	s15 =	simm.s32 $0x100;
	s16 =	simm.s32 $0x0  }
0x7: {  	s7 =	sand.u32 $0x1, s4;
	s8 =	smul.u32 $0x500, s1;
	[smem:$0x7FF] =	sst s3  }
0x8: {  	s4 =	sadd.s32 $0x2200, s5;
	s10 =	sshll.u32 s1, $0x1;
	s12 =	smul.u32 $0xA00, s1  }
0x9: {  	s9 =	sshll.u32 s7, $0x7;
	_ =	strace $0x80000047;
	s30 =	ssub.s32 $0x2, s7  }
0xa: {  	s10 =	sor.u32 s7, s10;
	p0 =	seq.s32 s7, $0x0;
	s8 =	sor.u32 s9, s8  }
0xb: {  	s11 =	sshrl.u32 s30, $0x1;
	s10 =	smul.u32 $0x780, s10;
	s31 =	sshrl.u32 s12, $0x2  }
0xc: {  	s12 =	simm.s32 $0x3D00;
	s8 =	sshrl.u32 s8, $0x3;
	s9 =	ssub.s32 s30, s11  }
0xd: {  	s7 =	sadd.s32 s31, s2;
	s11 =	simm.s32 $0x3C80;
	s8 =	sadd.s32 s8, s5  }
0xe: {  	s5 =	simm.s32 $0x2C;
	s6 =	sadd.s32 s6, s10;
	s9 =	smax.u32 s9, $0x1  }
0xf: {  	v0 =	vimm.f32 $0.0e+00;
	s10 =	simm.s32 $0x1;
	s5 =	simm.s32 @!p0 $0x72;
	s8 =	sadd.s32 $0x2400, s8  }
.LBB2_1:
0x10: {  	[tilespmem:s3], [sflag:$0x1] =	stream.linear.gather [hbm4b:s6+s3], $0x3900, $0x38;
	[tilespmem:$0x4200] =	vst v63  }
0x11: {  	_ =	swait.ge [sflag:s10], $0x3900  }
0x12: {  	[sflag:s10] =	ssyncset.done $0x0  }
0x13: {  	[sflag:s10] =	ssyncadd.s32 $0xFFFFC700  }
0x14: {  	[tilespmem:s11], [sflag:$0x1] =	stream.linear.gather [hbm4b:s4+s3], $0x80, $0x38;
	[tilespmem:$0x4200] =	vst v63  }
0x15: {  	_ =	swait.ge [sflag:s10], $0x80  }
0x16: {  	[sflag:s10] =	ssyncset.done $0x0  }
0x17: {  	[sflag:s10] =	ssyncadd.s32 $0xFFFFFF80  }
0x18: {  	[tilespmem:$0x3D00] =	vst v0  }
0x19: {  	[tilespmem:$0x3D10] =	vst v0  }
0x1a: {  	[tilespmem:$0x3D20] =	vst v0  }
0x1b: {  	[tilespmem:$0x3D30] =	vst v0  }
0x1c: {  	[tilespmem:$0x3D40] =	vst v0  }
0x1d: {  	[tilespmem:$0x3D50] =	vst v0  }
0x1e: {  	[tilespmem:$0x3D60] =	vst v0  }
0x1f: {  	[tilespmem:$0x3D70] =	vst v0  }
0x20: {  	[tilespmem:$0x3D80] =	vst v0  }
0x21: {  	[tilespmem:$0x3D90] =	vst v0  }
0x22: {  	[tilespmem:$0x3DA0] =	vst v0  }
0x23: {  	[tilespmem:$0x3DB0] =	vst v0  }
0x24: {  	[tilespmem:$0x3DC0] =	vst v0  }
0x25: {  	[tilespmem:$0x3DD0] =	vst v0  }
0x26: {  	[tilespmem:$0x3DE0] =	vst v0  }
0x27: {  	[tilespmem:$0x3DF0] =	vst v0  }
0x28: {  	[tilespmem:$0x3E00] =	vst v0  }
0x29: {  	[tilespmem:$0x3E10] =	vst v0  }
0x2a: {  	[tilespmem:$0x3E20] =	vst v0  }
0x2b: {  	[tilespmem:$0x3E30] =	vst v0  }
0x2c: {  	[tilespmem:$0x3E40] =	vst v0  }
0x2d: {  	[tilespmem:$0x3E50] =	vst v0  }
0x2e: {  	[tilespmem:$0x3E60] =	vst v0  }
0x2f: {  	[tilespmem:$0x3E70] =	vst v0  }
0x30: {  	[tilespmem:$0x3E80] =	vst v0  }
0x31: {  	[tilespmem:$0x3E90] =	vst v0  }
0x32: {  	[tilespmem:$0x3EA0] =	vst v0  }
0x33: {  	[tilespmem:$0x3EB0] =	vst v0  }
0x34: {  	[tilespmem:$0x3EC0] =	vst v0  }
0x35: {  	[tilespmem:$0x3ED0] =	vst v0  }
0x36: {  	[tilespmem:$0x3EE0] =	vst v0  }
0x37: {  	[tilespmem:$0x3EF0] =	vst v0  }
0x38: {  	[tilespmem:$0x3F00] =	vst v0  }
0x39: {  	[tilespmem:$0x3F10] =	vst v0  }
0x3a: {  	[tilespmem:$0x3F20] =	vst v0  }
0x3b: {  	[tilespmem:$0x3F30] =	vst v0  }
0x3c: {  	[tilespmem:$0x3F40] =	vst v0  }
0x3d: {  	[tilespmem:$0x3F50] =	vst v0  }
0x3e: {  	[tilespmem:$0x3F60] =	vst v0  }
0x3f: {  	[tilespmem:$0x3F70] =	vst v0  }
0x40: {  	[spmem:s7] =	stream.linear.scatter [tilespmem:s12], [sflag:$0x1], $0x280, $0x38;
	[tilespmem:$0x4200] =	vst v63  }
0x41: {  	_ =	swait.ge [sflag:s10], $0x280  }
0x42: {  	[sflag:s10] =	ssyncset.done $0x0  }
0x43: {  	[sflag:s10] =	ssyncadd.s32 $0xFFFFFD80  }
0x44: {  	s17 =	simm.s32 $0x40;
	[bflag:$0x0] =	sbarrier.arrive $0xFFFF  }
0x45: {  	v1 =	vld [tilespmem:s17+$0xFFFFFFC0];
	_ =	sdelay $0x4  }
0x46: {  	v1 =	vshrl.u32 v1, $0xE  }
0x47: {  	[tilespmem:$0x3C00] =	vst v1  }
0x48: {  	v1 =	vld [tilespmem:s17+$0xFFFFFFD0];
	_ =	sdelay $0x4  }
0x49: {  	v1 =	vshrl.u32 v1, $0xE  }
0x4a: {  	[tilespmem:$0x3C10] =	vst v1  }
0x4b: {  	v1 =	vld [tilespmem:s17+$0xFFFFFFE0];
	_ =	sdelay $0x4  }
0x4c: {  	v1 =	vshrl.u32 v1, $0xE  }
0x4d: {  	[tilespmem:$0x3C20] =	vst v1  }
0x4e: {  	v1 =	vld [tilespmem:s17+$0xFFFFFFF0];
	_ =	sdelay $0x4  }
0x4f: {  	v1 =	vshrl.u32 v1, $0xE  }
0x50: {  	[tilespmem:$0x3C30] =	vst v1  }
0x51: {  	v1 =	vld [tilespmem:s17+$0x0];
	_ =	sdelay $0x4  }
0x52: {  	v1 =	vshrl.u32 v1, $0xE  }
0x53: {  	[tilespmem:$0x3C40] =	vst v1  }
0x54: {  	v1 =	vld [tilespmem:s17+$0x10];
	_ =	sdelay $0x4  }
0x55: {  	v1 =	vshrl.u32 v1, $0xE  }
0x56: {  	[tilespmem:$0x3C50] =	vst v1  }
0x57: {  	v1 =	vld [tilespmem:s17+$0x20];
	_ =	sdelay $0x4  }
0x58: {  	v1 =	vshrl.u32 v1, $0xE  }
0x59: {  	[tilespmem:$0x3C60] =	vst v1  }
0x5a: {  	v1 =	vld [tilespmem:s17+$0x30];
	_ =	sdelay $0x3  }
0x5b: {  	p0 =	sne.s32 s5, $0x1  }
.Ltmp0:
0x5c: {  	v1 =	vshrl.u32 v1, $0xE;
	(pc) =	sbr.rel @!p0 .LBB2_3-.Ltmp0, $4  }
0x5d: {  	[tilespmem:$0x3C70] =	vst v1  }
0x5e: {  	[spmem:s2] =	stream.indirect.scatter.add.f32 [tilespmem:s11], [sflag:$0x1], $0x1, s14, s13, $0xb8;
	[tilespmem:$0x4200] =	vst v63  }
0x5f: {  	_ =	swait.ge [sflag:s10], $0x80  }
0x60: {  	s18 =	sadd.s32 $0xFFFFFFFF, s5;
	[sflag:s10] =	ssyncset.done $0x0  }
.LBB2_2:
0x61: {  	p0 =	sne.s32 s18, $0x1;
	[sflag:s10] =	ssyncadd.s32 $0xFFFFFF80;
	s17 =	sadd.s32 $0x80, s17  }
0x62: {  	s18 =	sadd.s32 $0xFFFFFFFF, s18;
	v1 =	vld [tilespmem:s17+$0xFFFFFFC0];
	_ =	sdelay $0x4  }
0x63: {  	v1 =	vshrl.u32 v1, $0xE  }
0x64: {  	[tilespmem:$0x3C00] =	vst v1  }
0x65: {  	v1 =	vld [tilespmem:s17+$0xFFFFFFD0];
	_ =	sdelay $0x4  }
0x66: {  	v1 =	vshrl.u32 v1, $0xE  }
0x67: {  	[tilespmem:$0x3C10] =	vst v1  }
0x68: {  	v1 =	vld [tilespmem:s17+$0xFFFFFFE0];
	_ =	sdelay $0x4  }
0x69: {  	v1 =	vshrl.u32 v1, $0xE  }
0x6a: {  	[tilespmem:$0x3C20] =	vst v1  }
0x6b: {  	v1 =	vld [tilespmem:s17+$0xFFFFFFF0];
	_ =	sdelay $0x4  }
0x6c: {  	v1 =	vshrl.u32 v1, $0xE  }
0x6d: {  	[tilespmem:$0x3C30] =	vst v1  }
0x6e: {  	v1 =	vld [tilespmem:s17+$0x0];
	_ =	sdelay $0x4  }
0x6f: {  	v1 =	vshrl.u32 v1, $0xE  }
0x70: {  	[tilespmem:$0x3C40] =	vst v1  }
0x71: {  	v1 =	vld [tilespmem:s17+$0x10];
	_ =	sdelay $0x4  }
0x72: {  	v1 =	vshrl.u32 v1, $0xE  }
0x73: {  	[tilespmem:$0x3C50] =	vst v1  }
0x74: {  	v1 =	vld [tilespmem:s17+$0x20];
	_ =	sdelay $0x4  }
0x75: {  	v1 =	vshrl.u32 v1, $0xE  }
0x76: {  	[tilespmem:$0x3C60] =	vst v1  }
0x77: {  	v1 =	vld [tilespmem:s17+$0x30];
	_ =	sdelay $0x4  }
.Ltmp1:
0x78: {  	v1 =	vshrl.u32 v1, $0xE;
	(pc) =	sbr.rel @p0 .LBB2_2-.Ltmp1, $4  }
0x79: {  	[tilespmem:$0x3C70] =	vst v1  }
0x7a: {  	[spmem:s2] =	stream.indirect.scatter.add.f32 [tilespmem:s11], [sflag:$0x1], $0x1, s14, s13, $0xb8;
	[tilespmem:$0x4200] =	vst v63  }
0x7b: {  	_ =	swait.ge [sflag:s10], $0x80  }
0x7c: {  	[sflag:s10] =	ssyncset.done $0x0  }
.LBB2_3:
0x7d: {  	[sflag:s10] =	ssyncadd.s32 $0xFFFFFF80  }
0x7e: {  	[bflag:$0x0] =	sbarrier.arrive $0xFFFF  }
0x7f: {  	[tilespmem:s12], [sflag:$0x1] =	stream.linear.gather [spmem:s7], $0x280, $0x38;
	[tilespmem:$0x4200] =	vst v63  }
0x80: {  	s16 =	sadd.s32 $0x1, s16;
	_ =	swait.ge [sflag:s10], $0x280  }
0x81: {  	p0 =	sne.s32 s16, s9;
	[sflag:s10] =	ssyncset.done $0x0  }
.Ltmp2:
0x82: {  	[sflag:s10] =	ssyncadd.s32 $0xFFFFFD80;
	(pc) =	sbr.rel @p0 .LBB2_1-.Ltmp2, $4  }
0x83: {  	[hbm4b:s8+s13] =	stream.strided.scatter [tilespmem:s12], [sflag:$0x1], $0x280, s15, s13, $0x38;
	[tilespmem:$0x4200] =	vst v63  }
0x84: {  	_ =	swait.ge [sflag:s10], $0x280  }
0x85: {  	[sflag:s10] =	ssyncset.done $0x0  }
0x86: {  	[sflag:s10] =	ssyncadd.s32 $0xFFFFFD80  }
0x87: {  	_ =	sfence.sel $0x180000  }
0x88: {  	[bflag:$0x0] =	sbarrier.arrive $0xFFFF  }
0x89: {  	p0 =	sne.s32 s1, $0x0;
	_ =	strace $0x90000047  }
0x8a: {  	s0 =	sadd.s32 @!p0 $0x100000, s0;
	[bflag:$0x2] =	sbarrier.arrive $0xFFFF  }
0x8b: {  	[sflag:s0] =	ssyncadd.tile.s32 @!p0 $0x1;
	_ =	shalt  }
.Lfunc_end2:
_tile_overlayer_lowered:
.L_overlay_start_2:
0x8c: {  	(tag) =	ssettag $0x2  }
0x8d: {  	s0 =	rddreg [dreg:$0x0];
	s2 =	stileid.u32  }
0x8e: {  	s1 =	rddreg [dreg:$0x1];
	p0 =	sne.s32 s2, $0x0  }
0x8f: {  	s3 =	rddreg [dreg:$0x2];
	[bflag:$0x3] =	sbarrier.arrive $0xFFFF;
	s2 =	simm.s32 @!p0 $0x1C01  }
0x90: {  	[timem:s3], [sflag:s2] =	dma.local @!p0 [hbm:s0], s1  }
0x91: {  	s0 =	simm.s32 @!p0 $0x1  }
0x92: {  	_ =	swait.ge @!p0 [sflag:s0], s1  }
0x93: {  	s1 =	ssub.s32 @!p0 $0x0, s1;
	[sflag:s0] =	ssyncset.done @!p0 $0x0  }
0x94: {  	[sflag:s0] =	ssyncadd.s32 @!p0 s1  }
0x95: {  	[bflag:$0x3] =	sbarrier.arrive $0xFFFF  }
0x96: {  	_ =	shalt  }

</sc_bundles>
